<compile_context>
chip_gen: v7x
topology: tpu7x:2x2x1
jax: 0.10.2.dev20260603
libtpu: 0.0.44.dev20260713+nightly
codegen_flags: <defaults>
</compile_context>

<pallas_src>
import functools

import jax
import jax.numpy as jnp
from jax import lax
from jax.experimental import pallas as pl
from jax.experimental.pallas import tpu as pltpu
from jax.experimental.pallas import tpu_sc as plsc

N_NODES = 10000
D = 128
B = 320000

NC = 2
NS = 16
L = 16

F_PER = D // NS
P_PER = F_PER // 2
B_PER_CORE = B // NC
E = 3200
N_CHUNK = B_PER_CORE // E
EG = E // L
SLICE = E // NS
RED_FULL = SLICE // L
GRP_UNROLL = 8


def _sc_body(zt_hbm, src_hbm, dst_hbm, out_hbm,
             zslice_v, src_v, dst_v, partial_v, red_v, res_v, stage_sh,
             idx_sem0, idx_sem1, stage_sem, read_sem):
    c = lax.axis_index("c")
    s = lax.axis_index("s")

    pltpu.sync_copy(zt_hbm.at[pl.ds(s * P_PER * N_NODES, P_PER * N_NODES)],
                    zslice_v)

    core_base = c * B_PER_CORE
    idx_sems = (idx_sem0, idx_sem1)

    def issue_idx(k, p, sem):
        kc = jnp.minimum(k, N_CHUNK - 1)
        off = core_base + kc * E
        pltpu.async_copy(src_hbm.at[pl.ds(off, E)],
                         src_v.at[pl.ds(p * E, E)], sem)
        pltpu.async_copy(dst_hbm.at[pl.ds(off, E)],
                         dst_v.at[pl.ds(p * E, E)], sem)

    def wait_idx(k, p, sem):
        off = core_base + k * E
        pltpu.make_async_copy(src_hbm.at[pl.ds(off, E)],
                              src_v.at[pl.ds(p * E, E)], sem).wait()
        pltpu.make_async_copy(dst_hbm.at[pl.ds(off, E)],
                              dst_v.at[pl.ds(p * E, E)], sem).wait()

    def compute(p):
        ibase = p * E

        @plsc.parallel_loop(0, EG, 1, unroll=GRP_UNROLL)
        def grp(g):
            sv = src_v[pl.ds(ibase + g * L, L)]
            dv = dst_v[pl.ds(ibase + g * L, L)]
            acc = jnp.zeros((L,), jnp.float32)
            for j in range(P_PER):
                wa = plsc.load_gather(zslice_v, [sv + (j * N_NODES)])
                wb = plsc.load_gather(zslice_v, [dv + (j * N_NODES)])
                a2 = plsc.bitcast(wa, jnp.bfloat16)
                b2 = plsc.bitcast(wb, jnp.bfloat16)
                p2 = a2 * b2
                pe, po = plsc.unpack(p2, format=plsc.PackFormat.INTERLEAVED)
                acc = acc + pe + po
            partial_v[pl.ds(g * L, L)] = acc

    def issue_stage_writes(s_, p):
        rbase = p * NS * E
        return [
            pltpu.async_copy(
                partial_v.at[pl.ds(t * SLICE, SLICE)],
                stage_sh.at[pl.ds(rbase + t * E + s_ * SLICE, SLICE)],
                stage_sem)
            for t in range(NS)
        ]

    def issue_red_read(s_, p):
        rbase = p * NS * E
        return pltpu.async_copy(
            stage_sh.at[pl.ds(rbase + s_ * E, E)], red_v, read_sem)

    def reduce_emit(k_prev, s_, read_h, out_sem):
        read_h.wait()

        def red_one(base):
            tot = jnp.zeros((L,), jnp.float32)
            for t in range(NS):
                tot = tot + red_v[pl.ds(t * SLICE + base, L)]
            y = 1.0 / (1.0 + jnp.exp(-tot))
            res_v[pl.ds(base, L)] = y

        @plsc.parallel_loop(0, RED_FULL, 1, unroll=2)
        def red(g):
            red_one(g * L)
        if SLICE % L != 0:
            red_one(SLICE - L)
        off_prev = core_base + k_prev * E
        return pltpu.async_copy(
            res_v, out_hbm.at[pl.ds(off_prev + s_ * SLICE, SLICE)], out_sem)

    def do_chunk(k, p, first=False):
        wait_idx(k, p, idx_sems[p])
        issue_idx(k + 1, 1 - p, idx_sems[1 - p])
        read_h = None if first else issue_red_read(s, 1 - p)
        compute(p)
        write_hs = issue_stage_writes(s, p)
        out_h = None
        if read_h is not None:
            out_h = reduce_emit(k - 1, s, read_h, read_sem)
        for h in write_hs:
            h.wait()
        if out_h is not None:
            out_h.wait()
        plsc.subcore_barrier()

    issue_idx(0, 0, idx_sems[0])

    def pair_body(i, carry):
        do_chunk(2 * i + 1, 1)
        do_chunk(2 * i + 2, 0)
        return carry

    do_chunk(0, 0, first=True)
    lax.fori_loop(0, (N_CHUNK - 2) // 2, pair_body, 0)
    do_chunk(N_CHUNK - 1, 1)
    wait_idx(N_CHUNK - 1, 0, idx_sems[0])
    read_h = issue_red_read(s, 1)
    out_h = reduce_emit(N_CHUNK - 1, s, read_h, read_sem)
    out_h.wait()


@jax.jit
def _predict(zt, src, dst):
    mesh = plsc.VectorSubcoreMesh(core_axis_name="c", subcore_axis_name="s")
    return pl.kernel(
        _sc_body,
        out_type=jax.ShapeDtypeStruct((B,), jnp.float32),
        mesh=mesh,
        compiler_params=pltpu.CompilerParams(needs_layout_passes=False),
        scratch_types=[
            pltpu.VMEM((P_PER * N_NODES,), jnp.int32),
            pltpu.VMEM((2 * E,), jnp.int32),
            pltpu.VMEM((2 * E,), jnp.int32),
            pltpu.VMEM((E,), jnp.float32),
            pltpu.VMEM((NS * SLICE,), jnp.float32),
            pltpu.VMEM((SLICE,), jnp.float32),
            pltpu.VMEM_SHARED((2 * NS * E,), jnp.float32),
            pltpu.SemaphoreType.DMA,
            pltpu.SemaphoreType.DMA,
            pltpu.SemaphoreType.DMA,
            pltpu.SemaphoreType.DMA,
        ],
    )(zt, src, dst)


def kernel(z, edge_index):
    zb = z.astype(jnp.bfloat16).T
    zp = zb.reshape(D // 2, 2, N_NODES)
    w = jnp.stack([zp[:, 0, :], zp[:, 1, :]], axis=-1)
    zt = jax.lax.bitcast_convert_type(w, jnp.int32).reshape(-1)
    src = edge_index[0].astype(jnp.int32)
    dst = edge_index[1].astype(jnp.int32)
    return _predict(zt, src, dst)

# --- scband reference (transcript-rebuilt; emitter-appended) ---
"""Pipeline reference for scband-multiply-predictor-61117384622472 (READ-ONLY COPY).

The authoritative reference and input builder live on the scoring server;
editing this copy changes nothing except your own understanding.
"""

import jax, jax.numpy as jnp
import numpy as np


def setup_inputs(seed: int = 0) -> dict:
    key = jax.random.key(seed)
    k1, k2 = jax.random.split(key)
    z = jax.random.normal(k1, (10000, 128), dtype=jnp.float32)
    edge_index = jax.random.randint(k2, (2, 320000), 0, 10000, dtype=jnp.int64)
    return {"z": z, "edge_index": edge_index}


def reference(z, edge_index):
    src = jnp.take(z, edge_index[0], axis=0)
    dst = jnp.take(z, edge_index[1], axis=0)
    pred = jnp.sum(src * dst, axis=1)
    return jax.nn.sigmoid(pred)

if __name__ == "__main__":
    import jax
    _d = setup_inputs()
    print(jax.jit(kernel)(*tuple(_d.values())))

</pallas_src>

<mosaic_0001>
#map = affine_map<(d0, d1) -> (0)>
module attributes {stable_mosaic.version = 14 : i64} {
  func.func @_sc_body(%arg0: i32, %arg1: i32, %arg2: memref<640000xi32, #tpu.memory_space<hbm>>, %arg3: memref<320000xi32, #tpu.memory_space<hbm>>, %arg4: memref<320000xi32, #tpu.memory_space<hbm>>, %arg5: memref<320000xf32, #tpu.memory_space<hbm>>, %arg6: memref<40000xi32, #tpu.memory_space<vmem>>, %arg7: memref<6400xi32, #tpu.memory_space<vmem>>, %arg8: memref<6400xi32, #tpu.memory_space<vmem>>, %arg9: memref<3200xf32, #tpu.memory_space<vmem>>, %arg10: memref<3200xf32, #tpu.memory_space<vmem>>, %arg11: memref<200xf32, #tpu.memory_space<vmem>>, %arg12: memref<102400xf32, #tpu.memory_space<vmem_shared>>, %arg13: memref<!tpu.dma_semaphore, #tpu.memory_space<semaphore_mem>>, %arg14: memref<!tpu.dma_semaphore, #tpu.memory_space<semaphore_mem>>, %arg15: memref<!tpu.dma_semaphore, #tpu.memory_space<semaphore_mem>>, %arg16: memref<!tpu.dma_semaphore, #tpu.memory_space<semaphore_mem>>) attributes {dimension_semantics = [#tpu.dimension_semantics<core_parallel>, #tpu.dimension_semantics<subcore_parallel>], iteration_bounds = array<i64: 2, 16>, scalar_prefetch = 0 : i64, scratch_operands = 11 : i64, tpu.core_type = #tpu.core_type<sc_vector_subcore>, window_params = [{transform_indices = #map}, {transform_indices = #map}, {transform_indices = #map}, {transform_indices = #map}]} {
    %mul3A = arith.constant 4 : i32
    %mul3A_0 = arith.muli %arg1, %mul3A : i32
    %mul3A_1 = arith.constant 10000 : i32
    %mul3A_2 = arith.muli %mul3A_0, %mul3A_1 : i32
    "tpu.region"() ({
      %run_scoped3A = tpu.sem_alloc : memref<!tpu.dma_semaphore, #tpu.memory_space<semaphore_mem>>
      %dma_start3A_778 = tpu.memref_slice %arg2[%mul3A_2] : memref<640000xi32, #tpu.memory_space<hbm>> -> memref<40000xi32, #tpu.memory_space<hbm>>
      %dma_start3A_779 = tpu.memref_slice %arg2[%mul3A_2] : memref<640000xi32, #tpu.memory_space<hbm>> -> memref<40000xi32, #tpu.memory_space<hbm>>
      tpu.enqueue_dma source(%dma_start3A_779 : memref<40000xi32, #tpu.memory_space<hbm>>) target(%arg6 : memref<40000xi32, #tpu.memory_space<vmem>>) target_semaphore(%run_scoped3A : memref<!tpu.dma_semaphore, #tpu.memory_space<semaphore_mem>>)
      %dma_wait3A_780 = tpu.memref_slice %arg2[%mul3A_2] : memref<640000xi32, #tpu.memory_space<hbm>> -> memref<40000xi32, #tpu.memory_space<hbm>>
      %dma_wait3A_781 = tpu.memref_slice %arg2[%mul3A_2] : memref<640000xi32, #tpu.memory_space<hbm>> -> memref<40000xi32, #tpu.memory_space<hbm>>
      tpu.wait_dma2 semaphore(%run_scoped3A : memref<!tpu.dma_semaphore, #tpu.memory_space<semaphore_mem>>) src(%dma_wait3A_781 : memref<40000xi32, #tpu.memory_space<hbm>>) dst(%arg6 : memref<40000xi32, #tpu.memory_space<vmem>>)
      tpu.yield
    }) : () -> ()
    %mul3A_3 = arith.constant 160000 : i32
    %mul3A_4 = arith.muli %arg0, %mul3A_3 : i32
    %min3A = arith.constant 0 : i32
    %min3A_5 = arith.constant 49 : i32
    %min3A_6 = arith.minsi %min3A, %min3A_5 : i32
    %mul3A_7 = arith.constant 3200 : i32
    %mul3A_8 = arith.muli %min3A_6, %mul3A_7 : i32
    %add3A = arith.addi %mul3A_4, %mul3A_8 : i32
    %dma_start3A = arith.constant 0 : i32
    %dma_start3A_9 = tpu.memref_slice %arg7[%dma_start3A] : memref<6400xi32, #tpu.memory_space<vmem>> -> memref<3200xi32, #tpu.memory_space<vmem>>
    %dma_start3A_10 = tpu.memref_slice %arg3[%add3A] : memref<320000xi32, #tpu.memory_space<hbm>> -> memref<3200xi32, #tpu.memory_space<hbm>>
    %dma_start3A_11 = arith.constant 0 : i32
    %dma_start3A_12 = tpu.memref_slice %arg7[%dma_start3A_11] : memref<6400xi32, #tpu.memory_space<vmem>> -> memref<3200xi32, #tpu.memory_space<vmem>>
    %dma_start3A_13 = tpu.memref_slice %arg3[%add3A] : memref<320000xi32, #tpu.memory_space<hbm>> -> memref<3200xi32, #tpu.memory_space<hbm>>
    tpu.enqueue_dma source(%dma_start3A_13 : memref<3200xi32, #tpu.memory_space<hbm>>) target(%dma_start3A_12 : memref<3200xi32, #tpu.memory_space<vmem>>) target_semaphore(%arg13 : memref<!tpu.dma_semaphore, #tpu.memory_space<semaphore_mem>>)
    %dma_start3A_14 = arith.constant 0 : i32
    %dma_start3A_15 = tpu.memref_slice %arg8[%dma_start3A_14] : memref<6400xi32, #tpu.memory_space<vmem>> -> memref<3200xi32, #tpu.memory_space<vmem>>
    %dma_start3A_16 = tpu.memref_slice %arg4[%add3A] : memref<320000xi32, #tpu.memory_space<hbm>> -> memref<3200xi32, #tpu.memory_space<hbm>>
    %dma_start3A_17 = arith.constant 0 : i32
    %dma_start3A_18 = tpu.memref_slice %arg8[%dma_start3A_17] : memref<6400xi32, #tpu.memory_space<vmem>> -> memref<3200xi32, #tpu.memory_space<vmem>>
    %dma_start3A_19 = tpu.memref_slice %arg4[%add3A] : memref<320000xi32, #tpu.memory_space<hbm>> -> memref<3200xi32, #tpu.memory_space<hbm>>
    tpu.enqueue_dma source(%dma_start3A_19 : memref<3200xi32, #tpu.memory_space<hbm>>) target(%dma_start3A_18 : memref<3200xi32, #tpu.memory_space<vmem>>) target_semaphore(%arg13 : memref<!tpu.dma_semaphore, #tpu.memory_space<semaphore_mem>>)
    %add3A_20 = arith.constant 0 : i32
    %add3A_21 = arith.addi %mul3A_4, %add3A_20 : i32
    %dma_wait3A = arith.constant 0 : i32
    %dma_wait3A_22 = tpu.memref_slice %arg7[%dma_wait3A] : memref<6400xi32, #tpu.memory_space<vmem>> -> memref<3200xi32, #tpu.memory_space<vmem>>
    %dma_wait3A_23 = tpu.memref_slice %arg3[%add3A_21] : memref<320000xi32, #tpu.memory_space<hbm>> -> memref<3200xi32, #tpu.memory_space<hbm>>
    %dma_wait3A_24 = arith.constant 0 : i32
    %dma_wait3A_25 = tpu.memref_slice %arg7[%dma_wait3A_24] : memref<6400xi32, #tpu.memory_space<vmem>> -> memref<3200xi32, #tpu.memory_space<vmem>>
    %dma_wait3A_26 = tpu.memref_slice %arg3[%add3A_21] : memref<320000xi32, #tpu.memory_space<hbm>> -> memref<3200xi32, #tpu.memory_space<hbm>>
    tpu.wait_dma2 semaphore(%arg13 : memref<!tpu.dma_semaphore, #tpu.memory_space<semaphore_mem>>) src(%dma_wait3A_26 : memref<3200xi32, #tpu.memory_space<hbm>>) dst(%dma_wait3A_25 : memref<3200xi32, #tpu.memory_space<vmem>>)
    %dma_wait3A_27 = arith.constant 0 : i32
    %dma_wait3A_28 = tpu.memref_slice %arg8[%dma_wait3A_27] : memref<6400xi32, #tpu.memory_space<vmem>> -> memref<3200xi32, #tpu.memory_space<vmem>>
    %dma_wait3A_29 = tpu.memref_slice %arg4[%add3A_21] : memref<320000xi32, #tpu.memory_space<hbm>> -> memref<3200xi32, #tpu.memory_space<hbm>>
    %dma_wait3A_30 = arith.constant 0 : i32
    %dma_wait3A_31 = tpu.memref_slice %arg8[%dma_wait3A_30] : memref<6400xi32, #tpu.memory_space<vmem>> -> memref<3200xi32, #tpu.memory_space<vmem>>
    %dma_wait3A_32 = tpu.memref_slice %arg4[%add3A_21] : memref<320000xi32, #tpu.memory_space<hbm>> -> memref<3200xi32, #tpu.memory_space<hbm>>
    tpu.wait_dma2 semaphore(%arg13 : memref<!tpu.dma_semaphore, #tpu.memory_space<semaphore_mem>>) src(%dma_wait3A_32 : memref<3200xi32, #tpu.memory_space<hbm>>) dst(%dma_wait3A_31 : memref<3200xi32, #tpu.memory_space<vmem>>)
    %min3A_33 = arith.constant 1 : i32
    %min3A_34 = arith.constant 49 : i32
    %min3A_35 = arith.minsi %min3A_33, %min3A_34 : i32
    %mul3A_36 = arith.constant 3200 : i32
    %mul3A_37 = arith.muli %min3A_35, %mul3A_36 : i32
    %add3A_38 = arith.addi %mul3A_4, %mul3A_37 : i32
    %dma_start3A_39 = arith.constant 3200 : i32
    %dma_start3A_40 = tpu.memref_slice %arg7[%dma_start3A_39] : memref<6400xi32, #tpu.memory_space<vmem>> -> memref<3200xi32, #tpu.memory_space<vmem>>
    %dma_start3A_41 = tpu.memref_slice %arg3[%add3A_38] : memref<320000xi32, #tpu.memory_space<hbm>> -> memref<3200xi32, #tpu.memory_space<hbm>>
    %dma_start3A_42 = arith.constant 3200 : i32
    %dma_start3A_43 = tpu.memref_slice %arg7[%dma_start3A_42] : memref<6400xi32, #tpu.memory_space<vmem>> -> memref<3200xi32, #tpu.memory_space<vmem>>
    %dma_start3A_44 = tpu.memref_slice %arg3[%add3A_38] : memref<320000xi32, #tpu.memory_space<hbm>> -> memref<3200xi32, #tpu.memory_space<hbm>>
    tpu.enqueue_dma source(%dma_start3A_44 : memref<3200xi32, #tpu.memory_space<hbm>>) target(%dma_start3A_43 : memref<3200xi32, #tpu.memory_space<vmem>>) target_semaphore(%arg14 : memref<!tpu.dma_semaphore, #tpu.memory_space<semaphore_mem>>)
    %dma_start3A_45 = arith.constant 3200 : i32
    %dma_start3A_46 = tpu.memref_slice %arg8[%dma_start3A_45] : memref<6400xi32, #tpu.memory_space<vmem>> -> memref<3200xi32, #tpu.memory_space<vmem>>
    %dma_start3A_47 = tpu.memref_slice %arg4[%add3A_38] : memref<320000xi32, #tpu.memory_space<hbm>> -> memref<3200xi32, #tpu.memory_space<hbm>>
    %dma_start3A_48 = arith.constant 3200 : i32
    %dma_start3A_49 = tpu.memref_slice %arg8[%dma_start3A_48] : memref<6400xi32, #tpu.memory_space<vmem>> -> memref<3200xi32, #tpu.memory_space<vmem>>
    %dma_start3A_50 = tpu.memref_slice %arg4[%add3A_38] : memref<320000xi32, #tpu.memory_space<hbm>> -> memref<3200xi32, #tpu.memory_space<hbm>>
    tpu.enqueue_dma source(%dma_start3A_50 : memref<3200xi32, #tpu.memory_space<hbm>>) target(%dma_start3A_49 : memref<3200xi32, #tpu.memory_space<vmem>>) target_semaphore(%arg14 : memref<!tpu.dma_semaphore, #tpu.memory_space<semaphore_mem>>)
    %parallel_loop3A = arith.constant 0 : i32
    %parallel_loop3A_51 = arith.constant 200 : i32
    %parallel_loop3A_52 = arith.constant 1 : i32
    scf.for %parallel_loop3A_778 = %parallel_loop3A to %parallel_loop3A_51 step %parallel_loop3A_52  : i32 {
      %parallel_loop3A_779 = arith.constant 16 : i32
      %parallel_loop3A_780 = arith.muli %parallel_loop3A_778, %parallel_loop3A_779 : i32
      %parallel_loop3A_781 = arith.constant 0 : i32
      %parallel_loop3A_782 = arith.addi %parallel_loop3A_781, %parallel_loop3A_780 : i32
      %parallel_loop3A_783 = arith.index_cast %parallel_loop3A_782 : i32 to index
      %parallel_loop3A_784 = tpu.vector_load %arg7[%parallel_loop3A_783] {strides = array<i32>} : memref<6400xi32, #tpu.memory_space<vmem>>, vector<16xi32>,
      %parallel_loop3A_785 = arith.constant 16 : i32
      %parallel_loop3A_786 = arith.muli %parallel_loop3A_778, %parallel_loop3A_785 : i32
      %parallel_loop3A_787 = arith.constant 0 : i32
      %parallel_loop3A_788 = arith.addi %parallel_loop3A_787, %parallel_loop3A_786 : i32
      %parallel_loop3A_789 = arith.index_cast %parallel_loop3A_788 : i32 to index
      %parallel_loop3A_790 = tpu.vector_load %arg8[%parallel_loop3A_789] {strides = array<i32>} : memref<6400xi32, #tpu.memory_space<vmem>>, vector<16xi32>,
      %parallel_loop3A_791 = arith.constant 0.000000e+00 : f32
      %parallel_loop3A_792 = vector.broadcast %parallel_loop3A_791 : f32 to vector<16xf32>
      %parallel_loop3A_793 = arith.constant 0 : i32
      %parallel_loop3A_794 = vector.broadcast %parallel_loop3A_793 : i32 to vector<16xi32>
      %parallel_loop3A_795 = arith.addi %parallel_loop3A_784, %parallel_loop3A_794 : vector<16xi32>
      %parallel_loop3A_796 = tpu.vector_load_idx %arg6[%parallel_loop3A_795] : memref<40000xi32, #tpu.memory_space<vmem>>[vector<16xi32>], vector<16xi32>,
      %parallel_loop3A_797 = arith.constant 0 : i32
      %parallel_loop3A_798 = vector.broadcast %parallel_loop3A_797 : i32 to vector<16xi32>
      %parallel_loop3A_799 = arith.addi %parallel_loop3A_790, %parallel_loop3A_798 : vector<16xi32>
      %parallel_loop3A_800 = tpu.vector_load_idx %arg6[%parallel_loop3A_799] : memref<40000xi32, #tpu.memory_space<vmem>>[vector<16xi32>], vector<16xi32>,
      %parallel_loop3A_801 = vector.bitcast %parallel_loop3A_796 : vector<16xi32> to vector<32xbf16>
      %parallel_loop3A_802 = vector.bitcast %parallel_loop3A_800 : vector<16xi32> to vector<32xbf16>
      %parallel_loop3A_803 = arith.mulf %parallel_loop3A_801, %parallel_loop3A_802 : vector<32xbf16>
      %parallel_loop3A_804 = tpu.unpack_subelements %parallel_loop3A_803, 0 {pack_format = #tpu.pack_format<interleaved>} : vector<32xbf16> -> vector<16xf32>
      %parallel_loop3A_805 = tpu.unpack_subelements %parallel_loop3A_803, 1 {pack_format = #tpu.pack_format<interleaved>} : vector<32xbf16> -> vector<16xf32>
      %parallel_loop3A_806 = arith.addf %parallel_loop3A_792, %parallel_loop3A_804 : vector<16xf32>
      %parallel_loop3A_807 = arith.addf %parallel_loop3A_806, %parallel_loop3A_805 : vector<16xf32>
      %parallel_loop3A_808 = arith.constant 10000 : i32
      %parallel_loop3A_809 = vector.broadcast %parallel_loop3A_808 : i32 to vector<16xi32>
      %parallel_loop3A_810 = arith.addi %parallel_loop3A_784, %parallel_loop3A_809 : vector<16xi32>
      %parallel_loop3A_811 = tpu.vector_load_idx %arg6[%parallel_loop3A_810] : memref<40000xi32, #tpu.memory_space<vmem>>[vector<16xi32>], vector<16xi32>,
      %parallel_loop3A_812 = arith.constant 10000 : i32
      %parallel_loop3A_813 = vector.broadcast %parallel_loop3A_812 : i32 to vector<16xi32>
      %parallel_loop3A_814 = arith.addi %parallel_loop3A_790, %parallel_loop3A_813 : vector<16xi32>
      %parallel_loop3A_815 = tpu.vector_load_idx %arg6[%parallel_loop3A_814] : memref<40000xi32, #tpu.memory_space<vmem>>[vector<16xi32>], vector<16xi32>,
      %parallel_loop3A_816 = vector.bitcast %parallel_loop3A_811 : vector<16xi32> to vector<32xbf16>
      %parallel_loop3A_817 = vector.bitcast %parallel_loop3A_815 : vector<16xi32> to vector<32xbf16>
      %parallel_loop3A_818 = arith.mulf %parallel_loop3A_816, %parallel_loop3A_817 : vector<32xbf16>
      %parallel_loop3A_819 = tpu.unpack_subelements %parallel_loop3A_818, 0 {pack_format = #tpu.pack_format<interleaved>} : vector<32xbf16> -> vector<16xf32>
      %parallel_loop3A_820 = tpu.unpack_subelements %parallel_loop3A_818, 1 {pack_format = #tpu.pack_format<interleaved>} : vector<32xbf16> -> vector<16xf32>
      %parallel_loop3A_821 = arith.addf %parallel_loop3A_807, %parallel_loop3A_819 : vector<16xf32>
      %parallel_loop3A_822 = arith.addf %parallel_loop3A_821, %parallel_loop3A_820 : vector<16xf32>
      %parallel_loop3A_823 = arith.constant 20000 : i32
      %parallel_loop3A_824 = vector.broadcast %parallel_loop3A_823 : i32 to vector<16xi32>
      %parallel_loop3A_825 = arith.addi %parallel_loop3A_784, %parallel_loop3A_824 : vector<16xi32>
      %parallel_loop3A_826 = tpu.vector_load_idx %arg6[%parallel_loop3A_825] : memref<40000xi32, #tpu.memory_space<vmem>>[vector<16xi32>], vector<16xi32>,
      %parallel_loop3A_827 = arith.constant 20000 : i32
      %parallel_loop3A_828 = vector.broadcast %parallel_loop3A_827 : i32 to vector<16xi32>
      %parallel_loop3A_829 = arith.addi %parallel_loop3A_790, %parallel_loop3A_828 : vector<16xi32>
      %parallel_loop3A_830 = tpu.vector_load_idx %arg6[%parallel_loop3A_829] : memref<40000xi32, #tpu.memory_space<vmem>>[vector<16xi32>], vector<16xi32>,
      %parallel_loop3A_831 = vector.bitcast %parallel_loop3A_826 : vector<16xi32> to vector<32xbf16>
      %parallel_loop3A_832 = vector.bitcast %parallel_loop3A_830 : vector<16xi32> to vector<32xbf16>
      %parallel_loop3A_833 = arith.mulf %parallel_loop3A_831, %parallel_loop3A_832 : vector<32xbf16>
      %parallel_loop3A_834 = tpu.unpack_subelements %parallel_loop3A_833, 0 {pack_format = #tpu.pack_format<interleaved>} : vector<32xbf16> -> vector<16xf32>
      %parallel_loop3A_835 = tpu.unpack_subelements %parallel_loop3A_833, 1 {pack_format = #tpu.pack_format<interleaved>} : vector<32xbf16> -> vector<16xf32>
      %parallel_loop3A_836 = arith.addf %parallel_loop3A_822, %parallel_loop3A_834 : vector<16xf32>
      %parallel_loop3A_837 = arith.addf %parallel_loop3A_836, %parallel_loop3A_835 : vector<16xf32>
      %parallel_loop3A_838 = arith.constant 30000 : i32
      %parallel_loop3A_839 = vector.broadcast %parallel_loop3A_838 : i32 to vector<16xi32>
      %parallel_loop3A_840 = arith.addi %parallel_loop3A_784, %parallel_loop3A_839 : vector<16xi32>
      %parallel_loop3A_841 = tpu.vector_load_idx %arg6[%parallel_loop3A_840] : memref<40000xi32, #tpu.memory_space<vmem>>[vector<16xi32>], vector<16xi32>,
      %parallel_loop3A_842 = arith.constant 30000 : i32
      %parallel_loop3A_843 = vector.broadcast %parallel_loop3A_842 : i32 to vector<16xi32>
      %parallel_loop3A_844 = arith.addi %parallel_loop3A_790, %parallel_loop3A_843 : vector<16xi32>
      %parallel_loop3A_845 = tpu.vector_load_idx %arg6[%parallel_loop3A_844] : memref<40000xi32, #tpu.memory_space<vmem>>[vector<16xi32>], vector<16xi32>,
      %parallel_loop3A_846 = vector.bitcast %parallel_loop3A_841 : vector<16xi32> to vector<32xbf16>
      %parallel_loop3A_847 = vector.bitcast %parallel_loop3A_845 : vector<16xi32> to vector<32xbf16>
      %parallel_loop3A_848 = arith.mulf %parallel_loop3A_846, %parallel_loop3A_847 : vector<32xbf16>
      %parallel_loop3A_849 = tpu.unpack_subelements %parallel_loop3A_848, 0 {pack_format = #tpu.pack_format<interleaved>} : vector<32xbf16> -> vector<16xf32>
      %parallel_loop3A_850 = tpu.unpack_subelements %parallel_loop3A_848, 1 {pack_format = #tpu.pack_format<interleaved>} : vector<32xbf16> -> vector<16xf32>
      %parallel_loop3A_851 = arith.addf %parallel_loop3A_837, %parallel_loop3A_849 : vector<16xf32>
      %parallel_loop3A_852 = arith.addf %parallel_loop3A_851, %parallel_loop3A_850 : vector<16xf32>
      %parallel_loop3A_853 = arith.constant 16 : i32
      %parallel_loop3A_854 = arith.muli %parallel_loop3A_778, %parallel_loop3A_853 : i32
      %parallel_loop3A_855 = arith.index_cast %parallel_loop3A_854 : i32 to index
      %parallel_loop3A_856 = tpu.vector_load %arg9[%parallel_loop3A_855] {strides = array<i32>} : memref<3200xf32, #tpu.memory_space<vmem>>, vector<16xf32>,
      tpu.vector_store %arg9[%parallel_loop3A_855], %parallel_loop3A_852 {strides = array<i32>} : memref<3200xf32, #tpu.memory_space<vmem>>, vector<16xf32>,
    } {sc.loop_unroll_factor = 8 : i64, sc.parallel_access}
    %mul3A_53 = arith.constant 200 : i32
    %mul3A_54 = arith.muli %arg1, %mul3A_53 : i32
    %add3A_55 = arith.constant 0 : i32
    %add3A_56 = arith.addi %add3A_55, %mul3A_54 : i32
    %dma_start3A_57 = arith.constant 0 : i32
    %dma_start3A_58 = tpu.memref_slice %arg9[%dma_start3A_57] : memref<3200xf32, #tpu.memory_space<vmem>> -> memref<200xf32, #tpu.memory_space<vmem>>
    %dma_start3A_59 = tpu.memref_slice %arg12[%add3A_56] : memref<102400xf32, #tpu.memory_space<vmem_shared>> -> memref<200xf32, #tpu.memory_space<vmem_shared>>
    %dma_start3A_60 = tpu.memref_slice %arg12[%add3A_56] : memref<102400xf32, #tpu.memory_space<vmem_shared>> -> memref<200xf32, #tpu.memory_space<vmem_shared>>
    %dma_start3A_61 = arith.constant 0 : i32
    %dma_start3A_62 = tpu.memref_slice %arg9[%dma_start3A_61] : memref<3200xf32, #tpu.memory_space<vmem>> -> memref<200xf32, #tpu.memory_space<vmem>>
    tpu.enqueue_dma source(%dma_start3A_62 : memref<200xf32, #tpu.memory_space<vmem>>) target(%dma_start3A_60 : memref<200xf32, #tpu.memory_space<vmem_shared>>) target_semaphore(%arg15 : memref<!tpu.dma_semaphore, #tpu.memory_space<semaphore_mem>>)
    %mul3A_63 = arith.constant 200 : i32
    %mul3A_64 = arith.muli %arg1, %mul3A_63 : i32
    %add3A_65 = arith.constant 3200 : i32
    %add3A_66 = arith.addi %add3A_65, %mul3A_64 : i32
    %dma_start3A_67 = arith.constant 200 : i32
    %dma_start3A_68 = tpu.memref_slice %arg9[%dma_start3A_67] : memref<3200xf32, #tpu.memory_space<vmem>> -> memref<200xf32, #tpu.memory_space<vmem>>
    %dma_start3A_69 = tpu.memref_slice %arg12[%add3A_66] : memref<102400xf32, #tpu.memory_space<vmem_shared>> -> memref<200xf32, #tpu.memory_space<vmem_shared>>
    %dma_start3A_70 = tpu.memref_slice %arg12[%add3A_66] : memref<102400xf32, #tpu.memory_space<vmem_shared>> -> memref<200xf32, #tpu.memory_space<vmem_shared>>
    %dma_start3A_71 = arith.constant 200 : i32
    %dma_start3A_72 = tpu.memref_slice %arg9[%dma_start3A_71] : memref<3200xf32, #tpu.memory_space<vmem>> -> memref<200xf32, #tpu.memory_space<vmem>>
    tpu.enqueue_dma source(%dma_start3A_72 : memref<200xf32, #tpu.memory_space<vmem>>) target(%dma_start3A_70 : memref<200xf32, #tpu.memory_space<vmem_shared>>) target_semaphore(%arg15 : memref<!tpu.dma_semaphore, #tpu.memory_space<semaphore_mem>>)
    %mul3A_73 = arith.constant 200 : i32
    %mul3A_74 = arith.muli %arg1, %mul3A_73 : i32
    %add3A_75 = arith.constant 6400 : i32
    %add3A_76 = arith.addi %add3A_75, %mul3A_74 : i32
    %dma_start3A_77 = arith.constant 400 : i32
    %dma_start3A_78 = tpu.memref_slice %arg9[%dma_start3A_77] : memref<3200xf32, #tpu.memory_space<vmem>> -> memref<200xf32, #tpu.memory_space<vmem>>
    %dma_start3A_79 = tpu.memref_slice %arg12[%add3A_76] : memref<102400xf32, #tpu.memory_space<vmem_shared>> -> memref<200xf32, #tpu.memory_space<vmem_shared>>
    %dma_start3A_80 = tpu.memref_slice %arg12[%add3A_76] : memref<102400xf32, #tpu.memory_space<vmem_shared>> -> memref<200xf32, #tpu.memory_space<vmem_shared>>
    %dma_start3A_81 = arith.constant 400 : i32
    %dma_start3A_82 = tpu.memref_slice %arg9[%dma_start3A_81] : memref<3200xf32, #tpu.memory_space<vmem>> -> memref<200xf32, #tpu.memory_space<vmem>>
    tpu.enqueue_dma source(%dma_start3A_82 : memref<200xf32, #tpu.memory_space<vmem>>) target(%dma_start3A_80 : memref<200xf32, #tpu.memory_space<vmem_shared>>) target_semaphore(%arg15 : memref<!tpu.dma_semaphore, #tpu.memory_space<semaphore_mem>>)
    %mul3A_83 = arith.constant 200 : i32
    %mul3A_84 = arith.muli %arg1, %mul3A_83 : i32
    %add3A_85 = arith.constant 9600 : i32
    %add3A_86 = arith.addi %add3A_85, %mul3A_84 : i32
    %dma_start3A_87 = arith.constant 600 : i32
    %dma_start3A_88 = tpu.memref_slice %arg9[%dma_start3A_87] : memref<3200xf32, #tpu.memory_space<vmem>> -> memref<200xf32, #tpu.memory_space<vmem>>
    %dma_start3A_89 = tpu.memref_slice %arg12[%add3A_86] : memref<102400xf32, #tpu.memory_space<vmem_shared>> -> memref<200xf32, #tpu.memory_space<vmem_shared>>
    %dma_start3A_90 = tpu.memref_slice %arg12[%add3A_86] : memref<102400xf32, #tpu.memory_space<vmem_shared>> -> memref<200xf32, #tpu.memory_space<vmem_shared>>
    %dma_start3A_91 = arith.constant 600 : i32
    %dma_start3A_92 = tpu.memref_slice %arg9[%dma_start3A_91] : memref<3200xf32, #tpu.memory_space<vmem>> -> memref<200xf32, #tpu.memory_space<vmem>>
    tpu.enqueue_dma source(%dma_start3A_92 : memref<200xf32, #tpu.memory_space<vmem>>) target(%dma_start3A_90 : memref<200xf32, #tpu.memory_space<vmem_shared>>) target_semaphore(%arg15 : memref<!tpu.dma_semaphore, #tpu.memory_space<semaphore_mem>>)
    %mul3A_93 = arith.constant 200 : i32
    %mul3A_94 = arith.muli %arg1, %mul3A_93 : i32
    %add3A_95 = arith.constant 12800 : i32
    %add3A_96 = arith.addi %add3A_95, %mul3A_94 : i32
    %dma_start3A_97 = arith.constant 800 : i32
    %dma_start3A_98 = tpu.memref_slice %arg9[%dma_start3A_97] : memref<3200xf32, #tpu.memory_space<vmem>> -> memref<200xf32, #tpu.memory_space<vmem>>
    %dma_start3A_99 = tpu.memref_slice %arg12[%add3A_96] : memref<102400xf32, #tpu.memory_space<vmem_shared>> -> memref<200xf32, #tpu.memory_space<vmem_shared>>
    %dma_start3A_100 = tpu.memref_slice %arg12[%add3A_96] : memref<102400xf32, #tpu.memory_space<vmem_shared>> -> memref<200xf32, #tpu.memory_space<vmem_shared>>
    %dma_start3A_101 = arith.constant 800 : i32
    %dma_start3A_102 = tpu.memref_slice %arg9[%dma_start3A_101] : memref<3200xf32, #tpu.memory_space<vmem>> -> memref<200xf32, #tpu.memory_space<vmem>>
    tpu.enqueue_dma source(%dma_start3A_102 : memref<200xf32, #tpu.memory_space<vmem>>) target(%dma_start3A_100 : memref<200xf32, #tpu.memory_space<vmem_shared>>) target_semaphore(%arg15 : memref<!tpu.dma_semaphore, #tpu.memory_space<semaphore_mem>>)
    %mul3A_103 = arith.constant 200 : i32
    %mul3A_104 = arith.muli %arg1, %mul3A_103 : i32
    %add3A_105 = arith.constant 16000 : i32
    %add3A_106 = arith.addi %add3A_105, %mul3A_104 : i32
    %dma_start3A_107 = arith.constant 1000 : i32
    %dma_start3A_108 = tpu.memref_slice %arg9[%dma_start3A_107] : memref<3200xf32, #tpu.memory_space<vmem>> -> memref<200xf32, #tpu.memory_space<vmem>>
    %dma_start3A_109 = tpu.memref_slice %arg12[%add3A_106] : memref<102400xf32, #tpu.memory_space<vmem_shared>> -> memref<200xf32, #tpu.memory_space<vmem_shared>>
    %dma_start3A_110 = tpu.memref_slice %arg12[%add3A_106] : memref<102400xf32, #tpu.memory_space<vmem_shared>> -> memref<200xf32, #tpu.memory_space<vmem_shared>>
    %dma_start3A_111 = arith.constant 1000 : i32
    %dma_start3A_112 = tpu.memref_slice %arg9[%dma_start3A_111] : memref<3200xf32, #tpu.memory_space<vmem>> -> memref<200xf32, #tpu.memory_space<vmem>>
    tpu.enqueue_dma source(%dma_start3A_112 : memref<200xf32, #tpu.memory_space<vmem>>) target(%dma_start3A_110 : memref<200xf32, #tpu.memory_space<vmem_shared>>) target_semaphore(%arg15 : memref<!tpu.dma_semaphore, #tpu.memory_space<semaphore_mem>>)
    %mul3A_113 = arith.constant 200 : i32
    %mul3A_114 = arith.muli %arg1, %mul3A_113 : i32
    %add3A_115 = arith.constant 19200 : i32
    %add3A_116 = arith.addi %add3A_115, %mul3A_114 : i32
    %dma_start3A_117 = arith.constant 1200 : i32
    %dma_start3A_118 = tpu.memref_slice %arg9[%dma_start3A_117] : memref<3200xf32, #tpu.memory_space<vmem>> -> memref<200xf32, #tpu.memory_space<vmem>>
    %dma_start3A_119 = tpu.memref_slice %arg12[%add3A_116] : memref<102400xf32, #tpu.memory_space<vmem_shared>> -> memref<200xf32, #tpu.memory_space<vmem_shared>>
    %dma_start3A_120 = tpu.memref_slice %arg12[%add3A_116] : memref<102400xf32, #tpu.memory_space<vmem_shared>> -> memref<200xf32, #tpu.memory_space<vmem_shared>>
    %dma_start3A_121 = arith.constant 1200 : i32
    %dma_start3A_122 = tpu.memref_slice %arg9[%dma_start3A_121] : memref<3200xf32, #tpu.memory_space<vmem>> -> memref<200xf32, #tpu.memory_space<vmem>>
    tpu.enqueue_dma source(%dma_start3A_122 : memref<200xf32, #tpu.memory_space<vmem>>) target(%dma_start3A_120 : memref<200xf32, #tpu.memory_space<vmem_shared>>) target_semaphore(%arg15 : memref<!tpu.dma_semaphore, #tpu.memory_space<semaphore_mem>>)
    %mul3A_123 = arith.constant 200 : i32
    %mul3A_124 = arith.muli %arg1, %mul3A_123 : i32
    %add3A_125 = arith.constant 22400 : i32
    %add3A_126 = arith.addi %add3A_125, %mul3A_124 : i32
    %dma_start3A_127 = arith.constant 1400 : i32
    %dma_start3A_128 = tpu.memref_slice %arg9[%dma_start3A_127] : memref<3200xf32, #tpu.memory_space<vmem>> -> memref<200xf32, #tpu.memory_space<vmem>>
    %dma_start3A_129 = tpu.memref_slice %arg12[%add3A_126] : memref<102400xf32, #tpu.memory_space<vmem_shared>> -> memref<200xf32, #tpu.memory_space<vmem_shared>>
    %dma_start3A_130 = tpu.memref_slice %arg12[%add3A_126] : memref<102400xf32, #tpu.memory_space<vmem_shared>> -> memref<200xf32, #tpu.memory_space<vmem_shared>>
    %dma_start3A_131 = arith.constant 1400 : i32
    %dma_start3A_132 = tpu.memref_slice %arg9[%dma_start3A_131] : memref<3200xf32, #tpu.memory_space<vmem>> -> memref<200xf32, #tpu.memory_space<vmem>>
    tpu.enqueue_dma source(%dma_start3A_132 : memref<200xf32, #tpu.memory_space<vmem>>) target(%dma_start3A_130 : memref<200xf32, #tpu.memory_space<vmem_shared>>) target_semaphore(%arg15 : memref<!tpu.dma_semaphore, #tpu.memory_space<semaphore_mem>>)
    %mul3A_133 = arith.constant 200 : i32
    %mul3A_134 = arith.muli %arg1, %mul3A_133 : i32
    %add3A_135 = arith.constant 25600 : i32
    %add3A_136 = arith.addi %add3A_135, %mul3A_134 : i32
    %dma_start3A_137 = arith.constant 1600 : i32
    %dma_start3A_138 = tpu.memref_slice %arg9[%dma_start3A_137] : memref<3200xf32, #tpu.memory_space<vmem>> -> memref<200xf32, #tpu.memory_space<vmem>>
    %dma_start3A_139 = tpu.memref_slice %arg12[%add3A_136] : memref<102400xf32, #tpu.memory_space<vmem_shared>> -> memref<200xf32, #tpu.memory_space<vmem_shared>>
    %dma_start3A_140 = tpu.memref_slice %arg12[%add3A_136] : memref<102400xf32, #tpu.memory_space<vmem_shared>> -> memref<200xf32, #tpu.memory_space<vmem_shared>>
    %dma_start3A_141 = arith.constant 1600 : i32
    %dma_start3A_142 = tpu.memref_slice %arg9[%dma_start3A_141] : memref<3200xf32, #tpu.memory_space<vmem>> -> memref<200xf32, #tpu.memory_space<vmem>>
    tpu.enqueue_dma source(%dma_start3A_142 : memref<200xf32, #tpu.memory_space<vmem>>) target(%dma_start3A_140 : memref<200xf32, #tpu.memory_space<vmem_shared>>) target_semaphore(%arg15 : memref<!tpu.dma_semaphore, #tpu.memory_space<semaphore_mem>>)
    %mul3A_143 = arith.constant 200 : i32
    %mul3A_144 = arith.muli %arg1, %mul3A_143 : i32
    %add3A_145 = arith.constant 28800 : i32
    %add3A_146 = arith.addi %add3A_145, %mul3A_144 : i32
    %dma_start3A_147 = arith.constant 1800 : i32
    %dma_start3A_148 = tpu.memref_slice %arg9[%dma_start3A_147] : memref<3200xf32, #tpu.memory_space<vmem>> -> memref<200xf32, #tpu.memory_space<vmem>>
    %dma_start3A_149 = tpu.memref_slice %arg12[%add3A_146] : memref<102400xf32, #tpu.memory_space<vmem_shared>> -> memref<200xf32, #tpu.memory_space<vmem_shared>>
    %dma_start3A_150 = tpu.memref_slice %arg12[%add3A_146] : memref<102400xf32, #tpu.memory_space<vmem_shared>> -> memref<200xf32, #tpu.memory_space<vmem_shared>>
    %dma_start3A_151 = arith.constant 1800 : i32
    %dma_start3A_152 = tpu.memref_slice %arg9[%dma_start3A_151] : memref<3200xf32, #tpu.memory_space<vmem>> -> memref<200xf32, #tpu.memory_space<vmem>>
    tpu.enqueue_dma source(%dma_start3A_152 : memref<200xf32, #tpu.memory_space<vmem>>) target(%dma_start3A_150 : memref<200xf32, #tpu.memory_space<vmem_shared>>) target_semaphore(%arg15 : memref<!tpu.dma_semaphore, #tpu.memory_space<semaphore_mem>>)
    %mul3A_153 = arith.constant 200 : i32
    %mul3A_154 = arith.muli %arg1, %mul3A_153 : i32
    %add3A_155 = arith.constant 32000 : i32
    %add3A_156 = arith.addi %add3A_155, %mul3A_154 : i32
    %dma_start3A_157 = arith.constant 2000 : i32
    %dma_start3A_158 = tpu.memref_slice %arg9[%dma_start3A_157] : memref<3200xf32, #tpu.memory_space<vmem>> -> memref<200xf32, #tpu.memory_space<vmem>>
    %dma_start3A_159 = tpu.memref_slice %arg12[%add3A_156] : memref<102400xf32, #tpu.memory_space<vmem_shared>> -> memref<200xf32, #tpu.memory_space<vmem_shared>>
    %dma_start3A_160 = tpu.memref_slice %arg12[%add3A_156] : memref<102400xf32, #tpu.memory_space<vmem_shared>> -> memref<200xf32, #tpu.memory_space<vmem_shared>>
    %dma_start3A_161 = arith.constant 2000 : i32
    %dma_start3A_162 = tpu.memref_slice %arg9[%dma_start3A_161] : memref<3200xf32, #tpu.memory_space<vmem>> -> memref<200xf32, #tpu.memory_space<vmem>>
    tpu.enqueue_dma source(%dma_start3A_162 : memref<200xf32, #tpu.memory_space<vmem>>) target(%dma_start3A_160 : memref<200xf32, #tpu.memory_space<vmem_shared>>) target_semaphore(%arg15 : memref<!tpu.dma_semaphore, #tpu.memory_space<semaphore_mem>>)
    %mul3A_163 = arith.constant 200 : i32
    %mul3A_164 = arith.muli %arg1, %mul3A_163 : i32
    %add3A_165 = arith.constant 35200 : i32
    %add3A_166 = arith.addi %add3A_165, %mul3A_164 : i32
    %dma_start3A_167 = arith.constant 2200 : i32
    %dma_start3A_168 = tpu.memref_slice %arg9[%dma_start3A_167] : memref<3200xf32, #tpu.memory_space<vmem>> -> memref<200xf32, #tpu.memory_space<vmem>>
    %dma_start3A_169 = tpu.memref_slice %arg12[%add3A_166] : memref<102400xf32, #tpu.memory_space<vmem_shared>> -> memref<200xf32, #tpu.memory_space<vmem_shared>>
    %dma_start3A_170 = tpu.memref_slice %arg12[%add3A_166] : memref<102400xf32, #tpu.memory_space<vmem_shared>> -> memref<200xf32, #tpu.memory_space<vmem_shared>>
    %dma_start3A_171 = arith.constant 2200 : i32
    %dma_start3A_172 = tpu.memref_slice %arg9[%dma_start3A_171] : memref<3200xf32, #tpu.memory_space<vmem>> -> memref<200xf32, #tpu.memory_space<vmem>>
    tpu.enqueue_dma source(%dma_start3A_172 : memref<200xf32, #tpu.memory_space<vmem>>) target(%dma_start3A_170 : memref<200xf32, #tpu.memory_space<vmem_shared>>) target_semaphore(%arg15 : memref<!tpu.dma_semaphore, #tpu.memory_space<semaphore_mem>>)
    %mul3A_173 = arith.constant 200 : i32
    %mul3A_174 = arith.muli %arg1, %mul3A_173 : i32
    %add3A_175 = arith.constant 38400 : i32
    %add3A_176 = arith.addi %add3A_175, %mul3A_174 : i32
    %dma_start3A_177 = arith.constant 2400 : i32
    %dma_start3A_178 = tpu.memref_slice %arg9[%dma_start3A_177] : memref<3200xf32, #tpu.memory_space<vmem>> -> memref<200xf32, #tpu.memory_space<vmem>>
    %dma_start3A_179 = tpu.memref_slice %arg12[%add3A_176] : memref<102400xf32, #tpu.memory_space<vmem_shared>> -> memref<200xf32, #tpu.memory_space<vmem_shared>>
    %dma_start3A_180 = tpu.memref_slice %arg12[%add3A_176] : memref<102400xf32, #tpu.memory_space<vmem_shared>> -> memref<200xf32, #tpu.memory_space<vmem_shared>>
    %dma_start3A_181 = arith.constant 2400 : i32
    %dma_start3A_182 = tpu.memref_slice %arg9[%dma_start3A_181] : memref<3200xf32, #tpu.memory_space<vmem>> -> memref<200xf32, #tpu.memory_space<vmem>>
    tpu.enqueue_dma source(%dma_start3A_182 : memref<200xf32, #tpu.memory_space<vmem>>) target(%dma_start3A_180 : memref<200xf32, #tpu.memory_space<vmem_shared>>) target_semaphore(%arg15 : memref<!tpu.dma_semaphore, #tpu.memory_space<semaphore_mem>>)
    %mul3A_183 = arith.constant 200 : i32
    %mul3A_184 = arith.muli %arg1, %mul3A_183 : i32
    %add3A_185 = arith.constant 41600 : i32
    %add3A_186 = arith.addi %add3A_185, %mul3A_184 : i32
    %dma_start3A_187 = arith.constant 2600 : i32
    %dma_start3A_188 = tpu.memref_slice %arg9[%dma_start3A_187] : memref<3200xf32, #tpu.memory_space<vmem>> -> memref<200xf32, #tpu.memory_space<vmem>>
    %dma_start3A_189 = tpu.memref_slice %arg12[%add3A_186] : memref<102400xf32, #tpu.memory_space<vmem_shared>> -> memref<200xf32, #tpu.memory_space<vmem_shared>>
    %dma_start3A_190 = tpu.memref_slice %arg12[%add3A_186] : memref<102400xf32, #tpu.memory_space<vmem_shared>> -> memref<200xf32, #tpu.memory_space<vmem_shared>>
    %dma_start3A_191 = arith.constant 2600 : i32
    %dma_start3A_192 = tpu.memref_slice %arg9[%dma_start3A_191] : memref<3200xf32, #tpu.memory_space<vmem>> -> memref<200xf32, #tpu.memory_space<vmem>>
    tpu.enqueue_dma source(%dma_start3A_192 : memref<200xf32, #tpu.memory_space<vmem>>) target(%dma_start3A_190 : memref<200xf32, #tpu.memory_space<vmem_shared>>) target_semaphore(%arg15 : memref<!tpu.dma_semaphore, #tpu.memory_space<semaphore_mem>>)
    %mul3A_193 = arith.constant 200 : i32
    %mul3A_194 = arith.muli %arg1, %mul3A_193 : i32
    %add3A_195 = arith.constant 44800 : i32
    %add3A_196 = arith.addi %add3A_195, %mul3A_194 : i32
    %dma_start3A_197 = arith.constant 2800 : i32
    %dma_start3A_198 = tpu.memref_slice %arg9[%dma_start3A_197] : memref<3200xf32, #tpu.memory_space<vmem>> -> memref<200xf32, #tpu.memory_space<vmem>>
    %dma_start3A_199 = tpu.memref_slice %arg12[%add3A_196] : memref<102400xf32, #tpu.memory_space<vmem_shared>> -> memref<200xf32, #tpu.memory_space<vmem_shared>>
    %dma_start3A_200 = tpu.memref_slice %arg12[%add3A_196] : memref<102400xf32, #tpu.memory_space<vmem_shared>> -> memref<200xf32, #tpu.memory_space<vmem_shared>>
    %dma_start3A_201 = arith.constant 2800 : i32
    %dma_start3A_202 = tpu.memref_slice %arg9[%dma_start3A_201] : memref<3200xf32, #tpu.memory_space<vmem>> -> memref<200xf32, #tpu.memory_space<vmem>>
    tpu.enqueue_dma source(%dma_start3A_202 : memref<200xf32, #tpu.memory_space<vmem>>) target(%dma_start3A_200 : memref<200xf32, #tpu.memory_space<vmem_shared>>) target_semaphore(%arg15 : memref<!tpu.dma_semaphore, #tpu.memory_space<semaphore_mem>>)
    %mul3A_203 = arith.constant 200 : i32
    %mul3A_204 = arith.muli %arg1, %mul3A_203 : i32
    %add3A_205 = arith.constant 48000 : i32
    %add3A_206 = arith.addi %add3A_205, %mul3A_204 : i32
    %dma_start3A_207 = arith.constant 3000 : i32
    %dma_start3A_208 = tpu.memref_slice %arg9[%dma_start3A_207] : memref<3200xf32, #tpu.memory_space<vmem>> -> memref<200xf32, #tpu.memory_space<vmem>>
    %dma_start3A_209 = tpu.memref_slice %arg12[%add3A_206] : memref<102400xf32, #tpu.memory_space<vmem_shared>> -> memref<200xf32, #tpu.memory_space<vmem_shared>>
    %dma_start3A_210 = tpu.memref_slice %arg12[%add3A_206] : memref<102400xf32, #tpu.memory_space<vmem_shared>> -> memref<200xf32, #tpu.memory_space<vmem_shared>>
    %dma_start3A_211 = arith.constant 3000 : i32
    %dma_start3A_212 = tpu.memref_slice %arg9[%dma_start3A_211] : memref<3200xf32, #tpu.memory_space<vmem>> -> memref<200xf32, #tpu.memory_space<vmem>>
    tpu.enqueue_dma source(%dma_start3A_212 : memref<200xf32, #tpu.memory_space<vmem>>) target(%dma_start3A_210 : memref<200xf32, #tpu.memory_space<vmem_shared>>) target_semaphore(%arg15 : memref<!tpu.dma_semaphore, #tpu.memory_space<semaphore_mem>>)
    %dma_wait3A_213 = arith.constant 0 : i32
    %dma_wait3A_214 = tpu.memref_slice %arg9[%dma_wait3A_213] : memref<3200xf32, #tpu.memory_space<vmem>> -> memref<200xf32, #tpu.memory_space<vmem>>
    %dma_wait3A_215 = tpu.memref_slice %arg12[%add3A_56] : memref<102400xf32, #tpu.memory_space<vmem_shared>> -> memref<200xf32, #tpu.memory_space<vmem_shared>>
    %dma_wait3A_216 = tpu.memref_slice %arg12[%add3A_56] : memref<102400xf32, #tpu.memory_space<vmem_shared>> -> memref<200xf32, #tpu.memory_space<vmem_shared>>
    %dma_wait3A_217 = arith.constant 0 : i32
    %dma_wait3A_218 = tpu.memref_slice %arg9[%dma_wait3A_217] : memref<3200xf32, #tpu.memory_space<vmem>> -> memref<200xf32, #tpu.memory_space<vmem>>
    tpu.wait_dma2 semaphore(%arg15 : memref<!tpu.dma_semaphore, #tpu.memory_space<semaphore_mem>>) src(%dma_wait3A_218 : memref<200xf32, #tpu.memory_space<vmem>>) dst(%dma_wait3A_216 : memref<200xf32, #tpu.memory_space<vmem_shared>>)
    %dma_wait3A_219 = arith.constant 200 : i32
    %dma_wait3A_220 = tpu.memref_slice %arg9[%dma_wait3A_219] : memref<3200xf32, #tpu.memory_space<vmem>> -> memref<200xf32, #tpu.memory_space<vmem>>
    %dma_wait3A_221 = tpu.memref_slice %arg12[%add3A_66] : memref<102400xf32, #tpu.memory_space<vmem_shared>> -> memref<200xf32, #tpu.memory_space<vmem_shared>>
    %dma_wait3A_222 = tpu.memref_slice %arg12[%add3A_66] : memref<102400xf32, #tpu.memory_space<vmem_shared>> -> memref<200xf32, #tpu.memory_space<vmem_shared>>
    %dma_wait3A_223 = arith.constant 200 : i32
    %dma_wait3A_224 = tpu.memref_slice %arg9[%dma_wait3A_223] : memref<3200xf32, #tpu.memory_space<vmem>> -> memref<200xf32, #tpu.memory_space<vmem>>
    tpu.wait_dma2 semaphore(%arg15 : memref<!tpu.dma_semaphore, #tpu.memory_space<semaphore_mem>>) src(%dma_wait3A_224 : memref<200xf32, #tpu.memory_space<vmem>>) dst(%dma_wait3A_222 : memref<200xf32, #tpu.memory_space<vmem_shared>>)
    %dma_wait3A_225 = arith.constant 400 : i32
    %dma_wait3A_226 = tpu.memref_slice %arg9[%dma_wait3A_225] : memref<3200xf32, #tpu.memory_space<vmem>> -> memref<200xf32, #tpu.memory_space<vmem>>
    %dma_wait3A_227 = tpu.memref_slice %arg12[%add3A_76] : memref<102400xf32, #tpu.memory_space<vmem_shared>> -> memref<200xf32, #tpu.memory_space<vmem_shared>>
    %dma_wait3A_228 = tpu.memref_slice %arg12[%add3A_76] : memref<102400xf32, #tpu.memory_space<vmem_shared>> -> memref<200xf32, #tpu.memory_space<vmem_shared>>
    %dma_wait3A_229 = arith.constant 400 : i32
    %dma_wait3A_230 = tpu.memref_slice %arg9[%dma_wait3A_229] : memref<3200xf32, #tpu.memory_space<vmem>> -> memref<200xf32, #tpu.memory_space<vmem>>
    tpu.wait_dma2 semaphore(%arg15 : memref<!tpu.dma_semaphore, #tpu.memory_space<semaphore_mem>>) src(%dma_wait3A_230 : memref<200xf32, #tpu.memory_space<vmem>>) dst(%dma_wait3A_228 : memref<200xf32, #tpu.memory_space<vmem_shared>>)
    %dma_wait3A_231 = arith.constant 600 : i32
    %dma_wait3A_232 = tpu.memref_slice %arg9[%dma_wait3A_231] : memref<3200xf32, #tpu.memory_space<vmem>> -> memref<200xf32, #tpu.memory_space<vmem>>
    %dma_wait3A_233 = tpu.memref_slice %arg12[%add3A_86] : memref<102400xf32, #tpu.memory_space<vmem_shared>> -> memref<200xf32, #tpu.memory_space<vmem_shared>>
    %dma_wait3A_234 = tpu.memref_slice %arg12[%add3A_86] : memref<102400xf32, #tpu.memory_space<vmem_shared>> -> memref<200xf32, #tpu.memory_space<vmem_shared>>
    %dma_wait3A_235 = arith.constant 600 : i32
    %dma_wait3A_236 = tpu.memref_slice %arg9[%dma_wait3A_235] : memref<3200xf32, #tpu.memory_space<vmem>> -> memref<200xf32, #tpu.memory_space<vmem>>
    tpu.wait_dma2 semaphore(%arg15 : memref<!tpu.dma_semaphore, #tpu.memory_space<semaphore_mem>>) src(%dma_wait3A_236 : memref<200xf32, #tpu.memory_space<vmem>>) dst(%dma_wait3A_234 : memref<200xf32, #tpu.memory_space<vmem_shared>>)
    %dma_wait3A_237 = arith.constant 800 : i32
    %dma_wait3A_238 = tpu.memref_slice %arg9[%dma_wait3A_237] : memref<3200xf32, #tpu.memory_space<vmem>> -> memref<200xf32, #tpu.memory_space<vmem>>
    %dma_wait3A_239 = tpu.memref_slice %arg12[%add3A_96] : memref<102400xf32, #tpu.memory_space<vmem_shared>> -> memref<200xf32, #tpu.memory_space<vmem_shared>>
    %dma_wait3A_240 = tpu.memref_slice %arg12[%add3A_96] : memref<102400xf32, #tpu.memory_space<vmem_shared>> -> memref<200xf32, #tpu.memory_space<vmem_shared>>
    %dma_wait3A_241 = arith.constant 800 : i32
    %dma_wait3A_242 = tpu.memref_slice %arg9[%dma_wait3A_241] : memref<3200xf32, #tpu.memory_space<vmem>> -> memref<200xf32, #tpu.memory_space<vmem>>
    tpu.wait_dma2 semaphore(%arg15 : memref<!tpu.dma_semaphore, #tpu.memory_space<semaphore_mem>>) src(%dma_wait3A_242 : memref<200xf32, #tpu.memory_space<vmem>>) dst(%dma_wait3A_240 : memref<200xf32, #tpu.memory_space<vmem_shared>>)
    %dma_wait3A_243 = arith.constant 1000 : i32
    %dma_wait3A_244 = tpu.memref_slice %arg9[%dma_wait3A_243] : memref<3200xf32, #tpu.memory_space<vmem>> -> memref<200xf32, #tpu.memory_space<vmem>>
    %dma_wait3A_245 = tpu.memref_slice %arg12[%add3A_106] : memref<102400xf32, #tpu.memory_space<vmem_shared>> -> memref<200xf32, #tpu.memory_space<vmem_shared>>
    %dma_wait3A_246 = tpu.memref_slice %arg12[%add3A_106] : memref<102400xf32, #tpu.memory_space<vmem_shared>> -> memref<200xf32, #tpu.memory_space<vmem_shared>>
    %dma_wait3A_247 = arith.constant 1000 : i32
    %dma_wait3A_248 = tpu.memref_slice %arg9[%dma_wait3A_247] : memref<3200xf32, #tpu.memory_space<vmem>> -> memref<200xf32, #tpu.memory_space<vmem>>
    tpu.wait_dma2 semaphore(%arg15 : memref<!tpu.dma_semaphore, #tpu.memory_space<semaphore_mem>>) src(%dma_wait3A_248 : memref<200xf32, #tpu.memory_space<vmem>>) dst(%dma_wait3A_246 : memref<200xf32, #tpu.memory_space<vmem_shared>>)
    %dma_wait3A_249 = arith.constant 1200 : i32
    %dma_wait3A_250 = tpu.memref_slice %arg9[%dma_wait3A_249] : memref<3200xf32, #tpu.memory_space<vmem>> -> memref<200xf32, #tpu.memory_space<vmem>>
    %dma_wait3A_251 = tpu.memref_slice %arg12[%add3A_116] : memref<102400xf32, #tpu.memory_space<vmem_shared>> -> memref<200xf32, #tpu.memory_space<vmem_shared>>
    %dma_wait3A_252 = tpu.memref_slice %arg12[%add3A_116] : memref<102400xf32, #tpu.memory_space<vmem_shared>> -> memref<200xf32, #tpu.memory_space<vmem_shared>>
    %dma_wait3A_253 = arith.constant 1200 : i32
    %dma_wait3A_254 = tpu.memref_slice %arg9[%dma_wait3A_253] : memref<3200xf32, #tpu.memory_space<vmem>> -> memref<200xf32, #tpu.memory_space<vmem>>
    tpu.wait_dma2 semaphore(%arg15 : memref<!tpu.dma_semaphore, #tpu.memory_space<semaphore_mem>>) src(%dma_wait3A_254 : memref<200xf32, #tpu.memory_space<vmem>>) dst(%dma_wait3A_252 : memref<200xf32, #tpu.memory_space<vmem_shared>>)
    %dma_wait3A_255 = arith.constant 1400 : i32
    %dma_wait3A_256 = tpu.memref_slice %arg9[%dma_wait3A_255] : memref<3200xf32, #tpu.memory_space<vmem>> -> memref<200xf32, #tpu.memory_space<vmem>>
    %dma_wait3A_257 = tpu.memref_slice %arg12[%add3A_126] : memref<102400xf32, #tpu.memory_space<vmem_shared>> -> memref<200xf32, #tpu.memory_space<vmem_shared>>
    %dma_wait3A_258 = tpu.memref_slice %arg12[%add3A_126] : memref<102400xf32, #tpu.memory_space<vmem_shared>> -> memref<200xf32, #tpu.memory_space<vmem_shared>>
    %dma_wait3A_259 = arith.constant 1400 : i32
    %dma_wait3A_260 = tpu.memref_slice %arg9[%dma_wait3A_259] : memref<3200xf32, #tpu.memory_space<vmem>> -> memref<200xf32, #tpu.memory_space<vmem>>
    tpu.wait_dma2 semaphore(%arg15 : memref<!tpu.dma_semaphore, #tpu.memory_space<semaphore_mem>>) src(%dma_wait3A_260 : memref<200xf32, #tpu.memory_space<vmem>>) dst(%dma_wait3A_258 : memref<200xf32, #tpu.memory_space<vmem_shared>>)
    %dma_wait3A_261 = arith.constant 1600 : i32
    %dma_wait3A_262 = tpu.memref_slice %arg9[%dma_wait3A_261] : memref<3200xf32, #tpu.memory_space<vmem>> -> memref<200xf32, #tpu.memory_space<vmem>>
    %dma_wait3A_263 = tpu.memref_slice %arg12[%add3A_136] : memref<102400xf32, #tpu.memory_space<vmem_shared>> -> memref<200xf32, #tpu.memory_space<vmem_shared>>
    %dma_wait3A_264 = tpu.memref_slice %arg12[%add3A_136] : memref<102400xf32, #tpu.memory_space<vmem_shared>> -> memref<200xf32, #tpu.memory_space<vmem_shared>>
    %dma_wait3A_265 = arith.constant 1600 : i32
    %dma_wait3A_266 = tpu.memref_slice %arg9[%dma_wait3A_265] : memref<3200xf32, #tpu.memory_space<vmem>> -> memref<200xf32, #tpu.memory_space<vmem>>
    tpu.wait_dma2 semaphore(%arg15 : memref<!tpu.dma_semaphore, #tpu.memory_space<semaphore_mem>>) src(%dma_wait3A_266 : memref<200xf32, #tpu.memory_space<vmem>>) dst(%dma_wait3A_264 : memref<200xf32, #tpu.memory_space<vmem_shared>>)
    %dma_wait3A_267 = arith.constant 1800 : i32
    %dma_wait3A_268 = tpu.memref_slice %arg9[%dma_wait3A_267] : memref<3200xf32, #tpu.memory_space<vmem>> -> memref<200xf32, #tpu.memory_space<vmem>>
    %dma_wait3A_269 = tpu.memref_slice %arg12[%add3A_146] : memref<102400xf32, #tpu.memory_space<vmem_shared>> -> memref<200xf32, #tpu.memory_space<vmem_shared>>
    %dma_wait3A_270 = tpu.memref_slice %arg12[%add3A_146] : memref<102400xf32, #tpu.memory_space<vmem_shared>> -> memref<200xf32, #tpu.memory_space<vmem_shared>>
    %dma_wait3A_271 = arith.constant 1800 : i32
    %dma_wait3A_272 = tpu.memref_slice %arg9[%dma_wait3A_271] : memref<3200xf32, #tpu.memory_space<vmem>> -> memref<200xf32, #tpu.memory_space<vmem>>
    tpu.wait_dma2 semaphore(%arg15 : memref<!tpu.dma_semaphore, #tpu.memory_space<semaphore_mem>>) src(%dma_wait3A_272 : memref<200xf32, #tpu.memory_space<vmem>>) dst(%dma_wait3A_270 : memref<200xf32, #tpu.memory_space<vmem_shared>>)
    %dma_wait3A_273 = arith.constant 2000 : i32
    %dma_wait3A_274 = tpu.memref_slice %arg9[%dma_wait3A_273] : memref<3200xf32, #tpu.memory_space<vmem>> -> memref<200xf32, #tpu.memory_space<vmem>>
    %dma_wait3A_275 = tpu.memref_slice %arg12[%add3A_156] : memref<102400xf32, #tpu.memory_space<vmem_shared>> -> memref<200xf32, #tpu.memory_space<vmem_shared>>
    %dma_wait3A_276 = tpu.memref_slice %arg12[%add3A_156] : memref<102400xf32, #tpu.memory_space<vmem_shared>> -> memref<200xf32, #tpu.memory_space<vmem_shared>>
    %dma_wait3A_277 = arith.constant 2000 : i32
    %dma_wait3A_278 = tpu.memref_slice %arg9[%dma_wait3A_277] : memref<3200xf32, #tpu.memory_space<vmem>> -> memref<200xf32, #tpu.memory_space<vmem>>
    tpu.wait_dma2 semaphore(%arg15 : memref<!tpu.dma_semaphore, #tpu.memory_space<semaphore_mem>>) src(%dma_wait3A_278 : memref<200xf32, #tpu.memory_space<vmem>>) dst(%dma_wait3A_276 : memref<200xf32, #tpu.memory_space<vmem_shared>>)
    %dma_wait3A_279 = arith.constant 2200 : i32
    %dma_wait3A_280 = tpu.memref_slice %arg9[%dma_wait3A_279] : memref<3200xf32, #tpu.memory_space<vmem>> -> memref<200xf32, #tpu.memory_space<vmem>>
    %dma_wait3A_281 = tpu.memref_slice %arg12[%add3A_166] : memref<102400xf32, #tpu.memory_space<vmem_shared>> -> memref<200xf32, #tpu.memory_space<vmem_shared>>
    %dma_wait3A_282 = tpu.memref_slice %arg12[%add3A_166] : memref<102400xf32, #tpu.memory_space<vmem_shared>> -> memref<200xf32, #tpu.memory_space<vmem_shared>>
    %dma_wait3A_283 = arith.constant 2200 : i32
    %dma_wait3A_284 = tpu.memref_slice %arg9[%dma_wait3A_283] : memref<3200xf32, #tpu.memory_space<vmem>> -> memref<200xf32, #tpu.memory_space<vmem>>
    tpu.wait_dma2 semaphore(%arg15 : memref<!tpu.dma_semaphore, #tpu.memory_space<semaphore_mem>>) src(%dma_wait3A_284 : memref<200xf32, #tpu.memory_space<vmem>>) dst(%dma_wait3A_282 : memref<200xf32, #tpu.memory_space<vmem_shared>>)
    %dma_wait3A_285 = arith.constant 2400 : i32
    %dma_wait3A_286 = tpu.memref_slice %arg9[%dma_wait3A_285] : memref<3200xf32, #tpu.memory_space<vmem>> -> memref<200xf32, #tpu.memory_space<vmem>>
    %dma_wait3A_287 = tpu.memref_slice %arg12[%add3A_176] : memref<102400xf32, #tpu.memory_space<vmem_shared>> -> memref<200xf32, #tpu.memory_space<vmem_shared>>
    %dma_wait3A_288 = tpu.memref_slice %arg12[%add3A_176] : memref<102400xf32, #tpu.memory_space<vmem_shared>> -> memref<200xf32, #tpu.memory_space<vmem_shared>>
    %dma_wait3A_289 = arith.constant 2400 : i32
    %dma_wait3A_290 = tpu.memref_slice %arg9[%dma_wait3A_289] : memref<3200xf32, #tpu.memory_space<vmem>> -> memref<200xf32, #tpu.memory_space<vmem>>
    tpu.wait_dma2 semaphore(%arg15 : memref<!tpu.dma_semaphore, #tpu.memory_space<semaphore_mem>>) src(%dma_wait3A_290 : memref<200xf32, #tpu.memory_space<vmem>>) dst(%dma_wait3A_288 : memref<200xf32, #tpu.memory_space<vmem_shared>>)
    %dma_wait3A_291 = arith.constant 2600 : i32
    %dma_wait3A_292 = tpu.memref_slice %arg9[%dma_wait3A_291] : memref<3200xf32, #tpu.memory_space<vmem>> -> memref<200xf32, #tpu.memory_space<vmem>>
    %dma_wait3A_293 = tpu.memref_slice %arg12[%add3A_186] : memref<102400xf32, #tpu.memory_space<vmem_shared>> -> memref<200xf32, #tpu.memory_space<vmem_shared>>
    %dma_wait3A_294 = tpu.memref_slice %arg12[%add3A_186] : memref<102400xf32, #tpu.memory_space<vmem_shared>> -> memref<200xf32, #tpu.memory_space<vmem_shared>>
    %dma_wait3A_295 = arith.constant 2600 : i32
    %dma_wait3A_296 = tpu.memref_slice %arg9[%dma_wait3A_295] : memref<3200xf32, #tpu.memory_space<vmem>> -> memref<200xf32, #tpu.memory_space<vmem>>
    tpu.wait_dma2 semaphore(%arg15 : memref<!tpu.dma_semaphore, #tpu.memory_space<semaphore_mem>>) src(%dma_wait3A_296 : memref<200xf32, #tpu.memory_space<vmem>>) dst(%dma_wait3A_294 : memref<200xf32, #tpu.memory_space<vmem_shared>>)
    %dma_wait3A_297 = arith.constant 2800 : i32
    %dma_wait3A_298 = tpu.memref_slice %arg9[%dma_wait3A_297] : memref<3200xf32, #tpu.memory_space<vmem>> -> memref<200xf32, #tpu.memory_space<vmem>>
    %dma_wait3A_299 = tpu.memref_slice %arg12[%add3A_196] : memref<102400xf32, #tpu.memory_space<vmem_shared>> -> memref<200xf32, #tpu.memory_space<vmem_shared>>
    %dma_wait3A_300 = tpu.memref_slice %arg12[%add3A_196] : memref<102400xf32, #tpu.memory_space<vmem_shared>> -> memref<200xf32, #tpu.memory_space<vmem_shared>>
    %dma_wait3A_301 = arith.constant 2800 : i32
    %dma_wait3A_302 = tpu.memref_slice %arg9[%dma_wait3A_301] : memref<3200xf32, #tpu.memory_space<vmem>> -> memref<200xf32, #tpu.memory_space<vmem>>
    tpu.wait_dma2 semaphore(%arg15 : memref<!tpu.dma_semaphore, #tpu.memory_space<semaphore_mem>>) src(%dma_wait3A_302 : memref<200xf32, #tpu.memory_space<vmem>>) dst(%dma_wait3A_300 : memref<200xf32, #tpu.memory_space<vmem_shared>>)
    %dma_wait3A_303 = arith.constant 3000 : i32
    %dma_wait3A_304 = tpu.memref_slice %arg9[%dma_wait3A_303] : memref<3200xf32, #tpu.memory_space<vmem>> -> memref<200xf32, #tpu.memory_space<vmem>>
    %dma_wait3A_305 = tpu.memref_slice %arg12[%add3A_206] : memref<102400xf32, #tpu.memory_space<vmem_shared>> -> memref<200xf32, #tpu.memory_space<vmem_shared>>
    %dma_wait3A_306 = tpu.memref_slice %arg12[%add3A_206] : memref<102400xf32, #tpu.memory_space<vmem_shared>> -> memref<200xf32, #tpu.memory_space<vmem_shared>>
    %dma_wait3A_307 = arith.constant 3000 : i32
    %dma_wait3A_308 = tpu.memref_slice %arg9[%dma_wait3A_307] : memref<3200xf32, #tpu.memory_space<vmem>> -> memref<200xf32, #tpu.memory_space<vmem>>
    tpu.wait_dma2 semaphore(%arg15 : memref<!tpu.dma_semaphore, #tpu.memory_space<semaphore_mem>>) src(%dma_wait3A_308 : memref<200xf32, #tpu.memory_space<vmem>>) dst(%dma_wait3A_306 : memref<200xf32, #tpu.memory_space<vmem_shared>>)
    %barrier3A = arith.constant 0 : index
    tpu.barrier barrier_id(%barrier3A)
    %scan3A = arith.constant 0 : i32
    %scan3A_309 = arith.constant 0 : i32
    %scan3A_310 = arith.constant 24 : i32
    %scan3A_311 = arith.addi %scan3A_309, %scan3A_310 : i32
    %scan3A_312 = arith.constant 1 : i32
    scf.for %scan3A_778 = %scan3A_309 to %scan3A_311 step %scan3A_312  : i32 {
      %mul3A_779 = arith.constant 2 : i32
      %mul3A_780 = arith.muli %mul3A_779, %scan3A_778 : i32
      %add3A_781 = arith.constant 1 : i32
      %add3A_782 = arith.addi %mul3A_780, %add3A_781 : i32
      %mul3A_783 = arith.constant 3200 : i32
      %mul3A_784 = arith.muli %add3A_782, %mul3A_783 : i32
      %add3A_785 = arith.addi %mul3A_4, %mul3A_784 : i32
      %dma_wait3A_786 = arith.constant 3200 : i32
      %dma_wait3A_787 = tpu.memref_slice %arg7[%dma_wait3A_786] : memref<6400xi32, #tpu.memory_space<vmem>> -> memref<3200xi32, #tpu.memory_space<vmem>>
      %dma_wait3A_788 = tpu.memref_slice %arg3[%add3A_785] : memref<320000xi32, #tpu.memory_space<hbm>> -> memref<3200xi32, #tpu.memory_space<hbm>>
      %dma_wait3A_789 = arith.constant 3200 : i32
      %dma_wait3A_790 = tpu.memref_slice %arg7[%dma_wait3A_789] : memref<6400xi32, #tpu.memory_space<vmem>> -> memref<3200xi32, #tpu.memory_space<vmem>>
      %dma_wait3A_791 = tpu.memref_slice %arg3[%add3A_785] : memref<320000xi32, #tpu.memory_space<hbm>> -> memref<3200xi32, #tpu.memory_space<hbm>>
      tpu.wait_dma2 semaphore(%arg14 : memref<!tpu.dma_semaphore, #tpu.memory_space<semaphore_mem>>) src(%dma_wait3A_791 : memref<3200xi32, #tpu.memory_space<hbm>>) dst(%dma_wait3A_790 : memref<3200xi32, #tpu.memory_space<vmem>>)
      %dma_wait3A_792 = arith.constant 3200 : i32
      %dma_wait3A_793 = tpu.memref_slice %arg8[%dma_wait3A_792] : memref<6400xi32, #tpu.memory_space<vmem>> -> memref<3200xi32, #tpu.memory_space<vmem>>
      %dma_wait3A_794 = tpu.memref_slice %arg4[%add3A_785] : memref<320000xi32, #tpu.memory_space<hbm>> -> memref<3200xi32, #tpu.memory_space<hbm>>
      %dma_wait3A_795 = arith.constant 3200 : i32
      %dma_wait3A_796 = tpu.memref_slice %arg8[%dma_wait3A_795] : memref<6400xi32, #tpu.memory_space<vmem>> -> memref<3200xi32, #tpu.memory_space<vmem>>
      %dma_wait3A_797 = tpu.memref_slice %arg4[%add3A_785] : memref<320000xi32, #tpu.memory_space<hbm>> -> memref<3200xi32, #tpu.memory_space<hbm>>
      tpu.wait_dma2 semaphore(%arg14 : memref<!tpu.dma_semaphore, #tpu.memory_space<semaphore_mem>>) src(%dma_wait3A_797 : memref<3200xi32, #tpu.memory_space<hbm>>) dst(%dma_wait3A_796 : memref<3200xi32, #tpu.memory_space<vmem>>)
      %add3A_798 = arith.constant 1 : i32
      %add3A_799 = arith.addi %add3A_782, %add3A_798 : i32
      %min3A_800 = arith.constant 49 : i32
      %min3A_801 = arith.minsi %add3A_799, %min3A_800 : i32
      %mul3A_802 = arith.constant 3200 : i32
      %mul3A_803 = arith.muli %min3A_801, %mul3A_802 : i32
      %add3A_804 = arith.addi %mul3A_4, %mul3A_803 : i32
      %dma_start3A_805 = arith.constant 0 : i32
      %dma_start3A_806 = tpu.memref_slice %arg7[%dma_start3A_805] : memref<6400xi32, #tpu.memory_space<vmem>> -> memref<3200xi32, #tpu.memory_space<vmem>>
      %dma_start3A_807 = tpu.memref_slice %arg3[%add3A_804] : memref<320000xi32, #tpu.memory_space<hbm>> -> memref<3200xi32, #tpu.memory_space<hbm>>
      %dma_start3A_808 = arith.constant 0 : i32
      %dma_start3A_809 = tpu.memref_slice %arg7[%dma_start3A_808] : memref<6400xi32, #tpu.memory_space<vmem>> -> memref<3200xi32, #tpu.memory_space<vmem>>
      %dma_start3A_810 = tpu.memref_slice %arg3[%add3A_804] : memref<320000xi32, #tpu.memory_space<hbm>> -> memref<3200xi32, #tpu.memory_space<hbm>>
      tpu.enqueue_dma source(%dma_start3A_810 : memref<3200xi32, #tpu.memory_space<hbm>>) target(%dma_start3A_809 : memref<3200xi32, #tpu.memory_space<vmem>>) target_semaphore(%arg13 : memref<!tpu.dma_semaphore, #tpu.memory_space<semaphore_mem>>)
      %dma_start3A_811 = arith.constant 0 : i32
      %dma_start3A_812 = tpu.memref_slice %arg8[%dma_start3A_811] : memref<6400xi32, #tpu.memory_space<vmem>> -> memref<3200xi32, #tpu.memory_space<vmem>>
      %dma_start3A_813 = tpu.memref_slice %arg4[%add3A_804] : memref<320000xi32, #tpu.memory_space<hbm>> -> memref<3200xi32, #tpu.memory_space<hbm>>
      %dma_start3A_814 = arith.constant 0 : i32
      %dma_start3A_815 = tpu.memref_slice %arg8[%dma_start3A_814] : memref<6400xi32, #tpu.memory_space<vmem>> -> memref<3200xi32, #tpu.memory_space<vmem>>
      %dma_start3A_816 = tpu.memref_slice %arg4[%add3A_804] : memref<320000xi32, #tpu.memory_space<hbm>> -> memref<3200xi32, #tpu.memory_space<hbm>>
      tpu.enqueue_dma source(%dma_start3A_816 : memref<3200xi32, #tpu.memory_space<hbm>>) target(%dma_start3A_815 : memref<3200xi32, #tpu.memory_space<vmem>>) target_semaphore(%arg13 : memref<!tpu.dma_semaphore, #tpu.memory_space<semaphore_mem>>)
      %mul3A_817 = arith.constant 3200 : i32
      %mul3A_818 = arith.muli %arg1, %mul3A_817 : i32
      %add3A_819 = arith.constant 0 : i32
      %add3A_820 = arith.addi %add3A_819, %mul3A_818 : i32
      %dma_start3A_821 = tpu.memref_slice %arg12[%add3A_820] : memref<102400xf32, #tpu.memory_space<vmem_shared>> -> memref<3200xf32, #tpu.memory_space<vmem_shared>>
      %dma_start3A_822 = tpu.memref_slice %arg12[%add3A_820] : memref<102400xf32, #tpu.memory_space<vmem_shared>> -> memref<3200xf32, #tpu.memory_space<vmem_shared>>
      tpu.enqueue_dma source(%dma_start3A_822 : memref<3200xf32, #tpu.memory_space<vmem_shared>>) target(%arg10 : memref<3200xf32, #tpu.memory_space<vmem>>) target_semaphore(%arg16 : memref<!tpu.dma_semaphore, #tpu.memory_space<semaphore_mem>>)
      %parallel_loop3A_823 = arith.constant 0 : i32
      %parallel_loop3A_824 = arith.constant 200 : i32
      %parallel_loop3A_825 = arith.constant 1 : i32
      scf.for %parallel_loop3A_1544 = %parallel_loop3A_823 to %parallel_loop3A_824 step %parallel_loop3A_825  : i32 {
        %parallel_loop3A_1545 = arith.constant 16 : i32
        %parallel_loop3A_1546 = arith.muli %parallel_loop3A_1544, %parallel_loop3A_1545 : i32
        %parallel_loop3A_1547 = arith.constant 3200 : i32
        %parallel_loop3A_1548 = arith.addi %parallel_loop3A_1547, %parallel_loop3A_1546 : i32
        %parallel_loop3A_1549 = arith.index_cast %parallel_loop3A_1548 : i32 to index
        %parallel_loop3A_1550 = tpu.vector_load %arg7[%parallel_loop3A_1549] {strides = array<i32>} : memref<6400xi32, #tpu.memory_space<vmem>>, vector<16xi32>,
        %parallel_loop3A_1551 = arith.constant 16 : i32
        %parallel_loop3A_1552 = arith.muli %parallel_loop3A_1544, %parallel_loop3A_1551 : i32
        %parallel_loop3A_1553 = arith.constant 3200 : i32
        %parallel_loop3A_1554 = arith.addi %parallel_loop3A_1553, %parallel_loop3A_1552 : i32
        %parallel_loop3A_1555 = arith.index_cast %parallel_loop3A_1554 : i32 to index
        %parallel_loop3A_1556 = tpu.vector_load %arg8[%parallel_loop3A_1555] {strides = array<i32>} : memref<6400xi32, #tpu.memory_space<vmem>>, vector<16xi32>,
        %parallel_loop3A_1557 = arith.constant 0.000000e+00 : f32
        %parallel_loop3A_1558 = vector.broadcast %parallel_loop3A_1557 : f32 to vector<16xf32>
        %parallel_loop3A_1559 = arith.constant 0 : i32
        %parallel_loop3A_1560 = vector.broadcast %parallel_loop3A_1559 : i32 to vector<16xi32>
        %parallel_loop3A_1561 = arith.addi %parallel_loop3A_1550, %parallel_loop3A_1560 : vector<16xi32>
        %parallel_loop3A_1562 = tpu.vector_load_idx %arg6[%parallel_loop3A_1561] : memref<40000xi32, #tpu.memory_space<vmem>>[vector<16xi32>], vector<16xi32>,
        %parallel_loop3A_1563 = arith.constant 0 : i32
        %parallel_loop3A_1564 = vector.broadcast %parallel_loop3A_1563 : i32 to vector<16xi32>
        %parallel_loop3A_1565 = arith.addi %parallel_loop3A_1556, %parallel_loop3A_1564 : vector<16xi32>
        %parallel_loop3A_1566 = tpu.vector_load_idx %arg6[%parallel_loop3A_1565] : memref<40000xi32, #tpu.memory_space<vmem>>[vector<16xi32>], vector<16xi32>,
        %parallel_loop3A_1567 = vector.bitcast %parallel_loop3A_1562 : vector<16xi32> to vector<32xbf16>
        %parallel_loop3A_1568 = vector.bitcast %parallel_loop3A_1566 : vector<16xi32> to vector<32xbf16>
        %parallel_loop3A_1569 = arith.mulf %parallel_loop3A_1567, %parallel_loop3A_1568 : vector<32xbf16>
        %parallel_loop3A_1570 = tpu.unpack_subelements %parallel_loop3A_1569, 0 {pack_format = #tpu.pack_format<interleaved>} : vector<32xbf16> -> vector<16xf32>
        %parallel_loop3A_1571 = tpu.unpack_subelements %parallel_loop3A_1569, 1 {pack_format = #tpu.pack_format<interleaved>} : vector<32xbf16> -> vector<16xf32>
        %parallel_loop3A_1572 = arith.addf %parallel_loop3A_1558, %parallel_loop3A_1570 : vector<16xf32>
        %parallel_loop3A_1573 = arith.addf %parallel_loop3A_1572, %parallel_loop3A_1571 : vector<16xf32>
        %parallel_loop3A_1574 = arith.constant 10000 : i32
        %parallel_loop3A_1575 = vector.broadcast %parallel_loop3A_1574 : i32 to vector<16xi32>
        %parallel_loop3A_1576 = arith.addi %parallel_loop3A_1550, %parallel_loop3A_1575 : vector<16xi32>
        %parallel_loop3A_1577 = tpu.vector_load_idx %arg6[%parallel_loop3A_1576] : memref<40000xi32, #tpu.memory_space<vmem>>[vector<16xi32>], vector<16xi32>,
        %parallel_loop3A_1578 = arith.constant 10000 : i32
        %parallel_loop3A_1579 = vector.broadcast %parallel_loop3A_1578 : i32 to vector<16xi32>
        %parallel_loop3A_1580 = arith.addi %parallel_loop3A_1556, %parallel_loop3A_1579 : vector<16xi32>
        %parallel_loop3A_1581 = tpu.vector_load_idx %arg6[%parallel_loop3A_1580] : memref<40000xi32, #tpu.memory_space<vmem>>[vector<16xi32>], vector<16xi32>,
        %parallel_loop3A_1582 = vector.bitcast %parallel_loop3A_1577 : vector<16xi32> to vector<32xbf16>
        %parallel_loop3A_1583 = vector.bitcast %parallel_loop3A_1581 : vector<16xi32> to vector<32xbf16>
        %parallel_loop3A_1584 = arith.mulf %parallel_loop3A_1582, %parallel_loop3A_1583 : vector<32xbf16>
        %parallel_loop3A_1585 = tpu.unpack_subelements %parallel_loop3A_1584, 0 {pack_format = #tpu.pack_format<interleaved>} : vector<32xbf16> -> vector<16xf32>
        %parallel_loop3A_1586 = tpu.unpack_subelements %parallel_loop3A_1584, 1 {pack_format = #tpu.pack_format<interleaved>} : vector<32xbf16> -> vector<16xf32>
        %parallel_loop3A_1587 = arith.addf %parallel_loop3A_1573, %parallel_loop3A_1585 : vector<16xf32>
        %parallel_loop3A_1588 = arith.addf %parallel_loop3A_1587, %parallel_loop3A_1586 : vector<16xf32>
        %parallel_loop3A_1589 = arith.constant 20000 : i32
        %parallel_loop3A_1590 = vector.broadcast %parallel_loop3A_1589 : i32 to vector<16xi32>
        %parallel_loop3A_1591 = arith.addi %parallel_loop3A_1550, %parallel_loop3A_1590 : vector<16xi32>
        %parallel_loop3A_1592 = tpu.vector_load_idx %arg6[%parallel_loop3A_1591] : memref<40000xi32, #tpu.memory_space<vmem>>[vector<16xi32>], vector<16xi32>,
        %parallel_loop3A_1593 = arith.constant 20000 : i32
        %parallel_loop3A_1594 = vector.broadcast %parallel_loop3A_1593 : i32 to vector<16xi32>
        %parallel_loop3A_1595 = arith.addi %parallel_loop3A_1556, %parallel_loop3A_1594 : vector<16xi32>
        %parallel_loop3A_1596 = tpu.vector_load_idx %arg6[%parallel_loop3A_1595] : memref<40000xi32, #tpu.memory_space<vmem>>[vector<16xi32>], vector<16xi32>,
        %parallel_loop3A_1597 = vector.bitcast %parallel_loop3A_1592 : vector<16xi32> to vector<32xbf16>
        %parallel_loop3A_1598 = vector.bitcast %parallel_loop3A_1596 : vector<16xi32> to vector<32xbf16>
        %parallel_loop3A_1599 = arith.mulf %parallel_loop3A_1597, %parallel_loop3A_1598 : vector<32xbf16>
        %parallel_loop3A_1600 = tpu.unpack_subelements %parallel_loop3A_1599, 0 {pack_format = #tpu.pack_format<interleaved>} : vector<32xbf16> -> vector<16xf32>
        %parallel_loop3A_1601 = tpu.unpack_subelements %parallel_loop3A_1599, 1 {pack_format = #tpu.pack_format<interleaved>} : vector<32xbf16> -> vector<16xf32>
        %parallel_loop3A_1602 = arith.addf %parallel_loop3A_1588, %parallel_loop3A_1600 : vector<16xf32>
        %parallel_loop3A_1603 = arith.addf %parallel_loop3A_1602, %parallel_loop3A_1601 : vector<16xf32>
        %parallel_loop3A_1604 = arith.constant 30000 : i32
        %parallel_loop3A_1605 = vector.broadcast %parallel_loop3A_1604 : i32 to vector<16xi32>
        %parallel_loop3A_1606 = arith.addi %parallel_loop3A_1550, %parallel_loop3A_1605 : vector<16xi32>
        %parallel_loop3A_1607 = tpu.vector_load_idx %arg6[%parallel_loop3A_1606] : memref<40000xi32, #tpu.memory_space<vmem>>[vector<16xi32>], vector<16xi32>,
        %parallel_loop3A_1608 = arith.constant 30000 : i32
        %parallel_loop3A_1609 = vector.broadcast %parallel_loop3A_1608 : i32 to vector<16xi32>
        %parallel_loop3A_1610 = arith.addi %parallel_loop3A_1556, %parallel_loop3A_1609 : vector<16xi32>
        %parallel_loop3A_1611 = tpu.vector_load_idx %arg6[%parallel_loop3A_1610] : memref<40000xi32, #tpu.memory_space<vmem>>[vector<16xi32>], vector<16xi32>,
        %parallel_loop3A_1612 = vector.bitcast %parallel_loop3A_1607 : vector<16xi32> to vector<32xbf16>
        %parallel_loop3A_1613 = vector.bitcast %parallel_loop3A_1611 : vector<16xi32> to vector<32xbf16>
        %parallel_loop3A_1614 = arith.mulf %parallel_loop3A_1612, %parallel_loop3A_1613 : vector<32xbf16>
        %parallel_loop3A_1615 = tpu.unpack_subelements %parallel_loop3A_1614, 0 {pack_format = #tpu.pack_format<interleaved>} : vector<32xbf16> -> vector<16xf32>
        %parallel_loop3A_1616 = tpu.unpack_subelements %parallel_loop3A_1614, 1 {pack_format = #tpu.pack_format<interleaved>} : vector<32xbf16> -> vector<16xf32>
        %parallel_loop3A_1617 = arith.addf %parallel_loop3A_1603, %parallel_loop3A_1615 : vector<16xf32>
        %parallel_loop3A_1618 = arith.addf %parallel_loop3A_1617, %parallel_loop3A_1616 : vector<16xf32>
        %parallel_loop3A_1619 = arith.constant 16 : i32
        %parallel_loop3A_1620 = arith.muli %parallel_loop3A_1544, %parallel_loop3A_1619 : i32
        %parallel_loop3A_1621 = arith.index_cast %parallel_loop3A_1620 : i32 to index
        %parallel_loop3A_1622 = tpu.vector_load %arg9[%parallel_loop3A_1621] {strides = array<i32>} : memref<3200xf32, #tpu.memory_space<vmem>>, vector<16xf32>,
        tpu.vector_store %arg9[%parallel_loop3A_1621], %parallel_loop3A_1618 {strides = array<i32>} : memref<3200xf32, #tpu.memory_space<vmem>>, vector<16xf32>,
      } {sc.loop_unroll_factor = 8 : i64, sc.parallel_access}
      %mul3A_826 = arith.constant 200 : i32
      %mul3A_827 = arith.muli %arg1, %mul3A_826 : i32
      %add3A_828 = arith.constant 51200 : i32
      %add3A_829 = arith.addi %add3A_828, %mul3A_827 : i32
      %dma_start3A_830 = arith.constant 0 : i32
      %dma_start3A_831 = tpu.memref_slice %arg9[%dma_start3A_830] : memref<3200xf32, #tpu.memory_space<vmem>> -> memref<200xf32, #tpu.memory_space<vmem>>
      %dma_start3A_832 = tpu.memref_slice %arg12[%add3A_829] : memref<102400xf32, #tpu.memory_space<vmem_shared>> -> memref<200xf32, #tpu.memory_space<vmem_shared>>
      %dma_start3A_833 = tpu.memref_slice %arg12[%add3A_829] : memref<102400xf32, #tpu.memory_space<vmem_shared>> -> memref<200xf32, #tpu.memory_space<vmem_shared>>
      %dma_start3A_834 = arith.constant 0 : i32
      %dma_start3A_835 = tpu.memref_slice %arg9[%dma_start3A_834] : memref<3200xf32, #tpu.memory_space<vmem>> -> memref<200xf32, #tpu.memory_space<vmem>>
      tpu.enqueue_dma source(%dma_start3A_835 : memref<200xf32, #tpu.memory_space<vmem>>) target(%dma_start3A_833 : memref<200xf32, #tpu.memory_space<vmem_shared>>) target_semaphore(%arg15 : memref<!tpu.dma_semaphore, #tpu.memory_space<semaphore_mem>>)
      %mul3A_836 = arith.constant 200 : i32
      %mul3A_837 = arith.muli %arg1, %mul3A_836 : i32
      %add3A_838 = arith.constant 54400 : i32
      %add3A_839 = arith.addi %add3A_838, %mul3A_837 : i32
      %dma_start3A_840 = arith.constant 200 : i32
      %dma_start3A_841 = tpu.memref_slice %arg9[%dma_start3A_840] : memref<3200xf32, #tpu.memory_space<vmem>> -> memref<200xf32, #tpu.memory_space<vmem>>
      %dma_start3A_842 = tpu.memref_slice %arg12[%add3A_839] : memref<102400xf32, #tpu.memory_space<vmem_shared>> -> memref<200xf32, #tpu.memory_space<vmem_shared>>
      %dma_start3A_843 = tpu.memref_slice %arg12[%add3A_839] : memref<102400xf32, #tpu.memory_space<vmem_shared>> -> memref<200xf32, #tpu.memory_space<vmem_shared>>
      %dma_start3A_844 = arith.constant 200 : i32
      %dma_start3A_845 = tpu.memref_slice %arg9[%dma_start3A_844] : memref<3200xf32, #tpu.memory_space<vmem>> -> memref<200xf32, #tpu.memory_space<vmem>>
      tpu.enqueue_dma source(%dma_start3A_845 : memref<200xf32, #tpu.memory_space<vmem>>) target(%dma_start3A_843 : memref<200xf32, #tpu.memory_space<vmem_shared>>) target_semaphore(%arg15 : memref<!tpu.dma_semaphore, #tpu.memory_space<semaphore_mem>>)
      %mul3A_846 = arith.constant 200 : i32
      %mul3A_847 = arith.muli %arg1, %mul3A_846 : i32
      %add3A_848 = arith.constant 57600 : i32
      %add3A_849 = arith.addi %add3A_848, %mul3A_847 : i32
      %dma_start3A_850 = arith.constant 400 : i32
      %dma_start3A_851 = tpu.memref_slice %arg9[%dma_start3A_850] : memref<3200xf32, #tpu.memory_space<vmem>> -> memref<200xf32, #tpu.memory_space<vmem>>
      %dma_start3A_852 = tpu.memref_slice %arg12[%add3A_849] : memref<102400xf32, #tpu.memory_space<vmem_shared>> -> memref<200xf32, #tpu.memory_space<vmem_shared>>
      %dma_start3A_853 = tpu.memref_slice %arg12[%add3A_849] : memref<102400xf32, #tpu.memory_space<vmem_shared>> -> memref<200xf32, #tpu.memory_space<vmem_shared>>
      %dma_start3A_854 = arith.constant 400 : i32
      %dma_start3A_855 = tpu.memref_slice %arg9[%dma_start3A_854] : memref<3200xf32, #tpu.memory_space<vmem>> -> memref<200xf32, #tpu.memory_space<vmem>>
      tpu.enqueue_dma source(%dma_start3A_855 : memref<200xf32, #tpu.memory_space<vmem>>) target(%dma_start3A_853 : memref<200xf32, #tpu.memory_space<vmem_shared>>) target_semaphore(%arg15 : memref<!tpu.dma_semaphore, #tpu.memory_space<semaphore_mem>>)
      %mul3A_856 = arith.constant 200 : i32
      %mul3A_857 = arith.muli %arg1, %mul3A_856 : i32
      %add3A_858 = arith.constant 60800 : i32
      %add3A_859 = arith.addi %add3A_858, %mul3A_857 : i32
      %dma_start3A_860 = arith.constant 600 : i32
      %dma_start3A_861 = tpu.memref_slice %arg9[%dma_start3A_860] : memref<3200xf32, #tpu.memory_space<vmem>> -> memref<200xf32, #tpu.memory_space<vmem>>
      %dma_start3A_862 = tpu.memref_slice %arg12[%add3A_859] : memref<102400xf32, #tpu.memory_space<vmem_shared>> -> memref<200xf32, #tpu.memory_space<vmem_shared>>
      %dma_start3A_863 = tpu.memref_slice %arg12[%add3A_859] : memref<102400xf32, #tpu.memory_space<vmem_shared>> -> memref<200xf32, #tpu.memory_space<vmem_shared>>
      %dma_start3A_864 = arith.constant 600 : i32
      %dma_start3A_865 = tpu.memref_slice %arg9[%dma_start3A_864] : memref<3200xf32, #tpu.memory_space<vmem>> -> memref<200xf32, #tpu.memory_space<vmem>>
      tpu.enqueue_dma source(%dma_start3A_865 : memref<200xf32, #tpu.memory_space<vmem>>) target(%dma_start3A_863 : memref<200xf32, #tpu.memory_space<vmem_shared>>) target_semaphore(%arg15 : memref<!tpu.dma_semaphore, #tpu.memory_space<semaphore_mem>>)
      %mul3A_866 = arith.constant 200 : i32
      %mul3A_867 = arith.muli %arg1, %mul3A_866 : i32
      %add3A_868 = arith.constant 64000 : i32
      %add3A_869 = arith.addi %add3A_868, %mul3A_867 : i32
      %dma_start3A_870 = arith.constant 800 : i32
      %dma_start3A_871 = tpu.memref_slice %arg9[%dma_start3A_870] : memref<3200xf32, #tpu.memory_space<vmem>> -> memref<200xf32, #tpu.memory_space<vmem>>
      %dma_start3A_872 = tpu.memref_slice %arg12[%add3A_869] : memref<102400xf32, #tpu.memory_space<vmem_shared>> -> memref<200xf32, #tpu.memory_space<vmem_shared>>
      %dma_start3A_873 = tpu.memref_slice %arg12[%add3A_869] : memref<102400xf32, #tpu.memory_space<vmem_shared>> -> memref<200xf32, #tpu.memory_space<vmem_shared>>
      %dma_start3A_874 = arith.constant 800 : i32
      %dma_start3A_875 = tpu.memref_slice %arg9[%dma_start3A_874] : memref<3200xf32, #tpu.memory_space<vmem>> -> memref<200xf32, #tpu.memory_space<vmem>>
      tpu.enqueue_dma source(%dma_start3A_875 : memref<200xf32, #tpu.memory_space<vmem>>) target(%dma_start3A_873 : memref<200xf32, #tpu.memory_space<vmem_shared>>) target_semaphore(%arg15 : memref<!tpu.dma_semaphore, #tpu.memory_space<semaphore_mem>>)
      %mul3A_876 = arith.constant 200 : i32
      %mul3A_877 = arith.muli %arg1, %mul3A_876 : i32
      %add3A_878 = arith.constant 67200 : i32
      %add3A_879 = arith.addi %add3A_878, %mul3A_877 : i32
      %dma_start3A_880 = arith.constant 1000 : i32
      %dma_start3A_881 = tpu.memref_slice %arg9[%dma_start3A_880] : memref<3200xf32, #tpu.memory_space<vmem>> -> memref<200xf32, #tpu.memory_space<vmem>>
      %dma_start3A_882 = tpu.memref_slice %arg12[%add3A_879] : memref<102400xf32, #tpu.memory_space<vmem_shared>> -> memref<200xf32, #tpu.memory_space<vmem_shared>>
      %dma_start3A_883 = tpu.memref_slice %arg12[%add3A_879] : memref<102400xf32, #tpu.memory_space<vmem_shared>> -> memref<200xf32, #tpu.memory_space<vmem_shared>>
      %dma_start3A_884 = arith.constant 1000 : i32
      %dma_start3A_885 = tpu.memref_slice %arg9[%dma_start3A_884] : memref<3200xf32, #tpu.memory_space<vmem>> -> memref<200xf32, #tpu.memory_space<vmem>>
      tpu.enqueue_dma source(%dma_start3A_885 : memref<200xf32, #tpu.memory_space<vmem>>) target(%dma_start3A_883 : memref<200xf32, #tpu.memory_space<vmem_shared>>) target_semaphore(%arg15 : memref<!tpu.dma_semaphore, #tpu.memory_space<semaphore_mem>>)
      %mul3A_886 = arith.constant 200 : i32
      %mul3A_887 = arith.muli %arg1, %mul3A_886 : i32
      %add3A_888 = arith.constant 70400 : i32
      %add3A_889 = arith.addi %add3A_888, %mul3A_887 : i32
      %dma_start3A_890 = arith.constant 1200 : i32
      %dma_start3A_891 = tpu.memref_slice %arg9[%dma_start3A_890] : memref<3200xf32, #tpu.memory_space<vmem>> -> memref<200xf32, #tpu.memory_space<vmem>>
      %dma_start3A_892 = tpu.memref_slice %arg12[%add3A_889] : memref<102400xf32, #tpu.memory_space<vmem_shared>> -> memref<200xf32, #tpu.memory_space<vmem_shared>>
      %dma_start3A_893 = tpu.memref_slice %arg12[%add3A_889] : memref<102400xf32, #tpu.memory_space<vmem_shared>> -> memref<200xf32, #tpu.memory_space<vmem_shared>>
      %dma_start3A_894 = arith.constant 1200 : i32
      %dma_start3A_895 = tpu.memref_slice %arg9[%dma_start3A_894] : memref<3200xf32, #tpu.memory_space<vmem>> -> memref<200xf32, #tpu.memory_space<vmem>>
      tpu.enqueue_dma source(%dma_start3A_895 : memref<200xf32, #tpu.memory_space<vmem>>) target(%dma_start3A_893 : memref<200xf32, #tpu.memory_space<vmem_shared>>) target_semaphore(%arg15 : memref<!tpu.dma_semaphore, #tpu.memory_space<semaphore_mem>>)
      %mul3A_896 = arith.constant 200 : i32
      %mul3A_897 = arith.muli %arg1, %mul3A_896 : i32
      %add3A_898 = arith.constant 73600 : i32
      %add3A_899 = arith.addi %add3A_898, %mul3A_897 : i32
      %dma_start3A_900 = arith.constant 1400 : i32
      %dma_start3A_901 = tpu.memref_slice %arg9[%dma_start3A_900] : memref<3200xf32, #tpu.memory_space<vmem>> -> memref<200xf32, #tpu.memory_space<vmem>>
      %dma_start3A_902 = tpu.memref_slice %arg12[%add3A_899] : memref<102400xf32, #tpu.memory_space<vmem_shared>> -> memref<200xf32, #tpu.memory_space<vmem_shared>>
      %dma_start3A_903 = tpu.memref_slice %arg12[%add3A_899] : memref<102400xf32, #tpu.memory_space<vmem_shared>> -> memref<200xf32, #tpu.memory_space<vmem_shared>>
      %dma_start3A_904 = arith.constant 1400 : i32
      %dma_start3A_905 = tpu.memref_slice %arg9[%dma_start3A_904] : memref<3200xf32, #tpu.memory_space<vmem>> -> memref<200xf32, #tpu.memory_space<vmem>>
      tpu.enqueue_dma source(%dma_start3A_905 : memref<200xf32, #tpu.memory_space<vmem>>) target(%dma_start3A_903 : memref<200xf32, #tpu.memory_space<vmem_shared>>) target_semaphore(%arg15 : memref<!tpu.dma_semaphore, #tpu.memory_space<semaphore_mem>>)
      %mul3A_906 = arith.constant 200 : i32
      %mul3A_907 = arith.muli %arg1, %mul3A_906 : i32
      %add3A_908 = arith.constant 76800 : i32
      %add3A_909 = arith.addi %add3A_908, %mul3A_907 : i32
      %dma_start3A_910 = arith.constant 1600 : i32
      %dma_start3A_911 = tpu.memref_slice %arg9[%dma_start3A_910] : memref<3200xf32, #tpu.memory_space<vmem>> -> memref<200xf32, #tpu.memory_space<vmem>>
      %dma_start3A_912 = tpu.memref_slice %arg12[%add3A_909] : memref<102400xf32, #tpu.memory_space<vmem_shared>> -> memref<200xf32, #tpu.memory_space<vmem_shared>>
      %dma_start3A_913 = tpu.memref_slice %arg12[%add3A_909] : memref<102400xf32, #tpu.memory_space<vmem_shared>> -> memref<200xf32, #tpu.memory_space<vmem_shared>>
      %dma_start3A_914 = arith.constant 1600 : i32
      %dma_start3A_915 = tpu.memref_slice %arg9[%dma_start3A_914] : memref<3200xf32, #tpu.memory_space<vmem>> -> memref<200xf32, #tpu.memory_space<vmem>>
      tpu.enqueue_dma source(%dma_start3A_915 : memref<200xf32, #tpu.memory_space<vmem>>) target(%dma_start3A_913 : memref<200xf32, #tpu.memory_space<vmem_shared>>) target_semaphore(%arg15 : memref<!tpu.dma_semaphore, #tpu.memory_space<semaphore_mem>>)
      %mul3A_916 = arith.constant 200 : i32
      %mul3A_917 = arith.muli %arg1, %mul3A_916 : i32
      %add3A_918 = arith.constant 80000 : i32
      %add3A_919 = arith.addi %add3A_918, %mul3A_917 : i32
      %dma_start3A_920 = arith.constant 1800 : i32
      %dma_start3A_921 = tpu.memref_slice %arg9[%dma_start3A_920] : memref<3200xf32, #tpu.memory_space<vmem>> -> memref<200xf32, #tpu.memory_space<vmem>>
      %dma_start3A_922 = tpu.memref_slice %arg12[%add3A_919] : memref<102400xf32, #tpu.memory_space<vmem_shared>> -> memref<200xf32, #tpu.memory_space<vmem_shared>>
      %dma_start3A_923 = tpu.memref_slice %arg12[%add3A_919] : memref<102400xf32, #tpu.memory_space<vmem_shared>> -> memref<200xf32, #tpu.memory_space<vmem_shared>>
      %dma_start3A_924 = arith.constant 1800 : i32
      %dma_start3A_925 = tpu.memref_slice %arg9[%dma_start3A_924] : memref<3200xf32, #tpu.memory_space<vmem>> -> memref<200xf32, #tpu.memory_space<vmem>>
      tpu.enqueue_dma source(%dma_start3A_925 : memref<200xf32, #tpu.memory_space<vmem>>) target(%dma_start3A_923 : memref<200xf32, #tpu.memory_space<vmem_shared>>) target_semaphore(%arg15 : memref<!tpu.dma_semaphore, #tpu.memory_space<semaphore_mem>>)
      %mul3A_926 = arith.constant 200 : i32
      %mul3A_927 = arith.muli %arg1, %mul3A_926 : i32
      %add3A_928 = arith.constant 83200 : i32
      %add3A_929 = arith.addi %add3A_928, %mul3A_927 : i32
      %dma_start3A_930 = arith.constant 2000 : i32
      %dma_start3A_931 = tpu.memref_slice %arg9[%dma_start3A_930] : memref<3200xf32, #tpu.memory_space<vmem>> -> memref<200xf32, #tpu.memory_space<vmem>>
      %dma_start3A_932 = tpu.memref_slice %arg12[%add3A_929] : memref<102400xf32, #tpu.memory_space<vmem_shared>> -> memref<200xf32, #tpu.memory_space<vmem_shared>>
      %dma_start3A_933 = tpu.memref_slice %arg12[%add3A_929] : memref<102400xf32, #tpu.memory_space<vmem_shared>> -> memref<200xf32, #tpu.memory_space<vmem_shared>>
      %dma_start3A_934 = arith.constant 2000 : i32
      %dma_start3A_935 = tpu.memref_slice %arg9[%dma_start3A_934] : memref<3200xf32, #tpu.memory_space<vmem>> -> memref<200xf32, #tpu.memory_space<vmem>>
      tpu.enqueue_dma source(%dma_start3A_935 : memref<200xf32, #tpu.memory_space<vmem>>) target(%dma_start3A_933 : memref<200xf32, #tpu.memory_space<vmem_shared>>) target_semaphore(%arg15 : memref<!tpu.dma_semaphore, #tpu.memory_space<semaphore_mem>>)
      %mul3A_936 = arith.constant 200 : i32
      %mul3A_937 = arith.muli %arg1, %mul3A_936 : i32
      %add3A_938 = arith.constant 86400 : i32
      %add3A_939 = arith.addi %add3A_938, %mul3A_937 : i32
      %dma_start3A_940 = arith.constant 2200 : i32
      %dma_start3A_941 = tpu.memref_slice %arg9[%dma_start3A_940] : memref<3200xf32, #tpu.memory_space<vmem>> -> memref<200xf32, #tpu.memory_space<vmem>>
      %dma_start3A_942 = tpu.memref_slice %arg12[%add3A_939] : memref<102400xf32, #tpu.memory_space<vmem_shared>> -> memref<200xf32, #tpu.memory_space<vmem_shared>>
      %dma_start3A_943 = tpu.memref_slice %arg12[%add3A_939] : memref<102400xf32, #tpu.memory_space<vmem_shared>> -> memref<200xf32, #tpu.memory_space<vmem_shared>>
      %dma_start3A_944 = arith.constant 2200 : i32
      %dma_start3A_945 = tpu.memref_slice %arg9[%dma_start3A_944] : memref<3200xf32, #tpu.memory_space<vmem>> -> memref<200xf32, #tpu.memory_space<vmem>>
      tpu.enqueue_dma source(%dma_start3A_945 : memref<200xf32, #tpu.memory_space<vmem>>) target(%dma_start3A_943 : memref<200xf32, #tpu.memory_space<vmem_shared>>) target_semaphore(%arg15 : memref<!tpu.dma_semaphore, #tpu.memory_space<semaphore_mem>>)
      %mul3A_946 = arith.constant 200 : i32
      %mul3A_947 = arith.muli %arg1, %mul3A_946 : i32
      %add3A_948 = arith.constant 89600 : i32
      %add3A_949 = arith.addi %add3A_948, %mul3A_947 : i32
      %dma_start3A_950 = arith.constant 2400 : i32
      %dma_start3A_951 = tpu.memref_slice %arg9[%dma_start3A_950] : memref<3200xf32, #tpu.memory_space<vmem>> -> memref<200xf32, #tpu.memory_space<vmem>>
      %dma_start3A_952 = tpu.memref_slice %arg12[%add3A_949] : memref<102400xf32, #tpu.memory_space<vmem_shared>> -> memref<200xf32, #tpu.memory_space<vmem_shared>>
      %dma_start3A_953 = tpu.memref_slice %arg12[%add3A_949] : memref<102400xf32, #tpu.memory_space<vmem_shared>> -> memref<200xf32, #tpu.memory_space<vmem_shared>>
      %dma_start3A_954 = arith.constant 2400 : i32
      %dma_start3A_955 = tpu.memref_slice %arg9[%dma_start3A_954] : memref<3200xf32, #tpu.memory_space<vmem>> -> memref<200xf32, #tpu.memory_space<vmem>>
      tpu.enqueue_dma source(%dma_start3A_955 : memref<200xf32, #tpu.memory_space<vmem>>) target(%dma_start3A_953 : memref<200xf32, #tpu.memory_space<vmem_shared>>) target_semaphore(%arg15 : memref<!tpu.dma_semaphore, #tpu.memory_space<semaphore_mem>>)
      %mul3A_956 = arith.constant 200 : i32
      %mul3A_957 = arith.muli %arg1, %mul3A_956 : i32
      %add3A_958 = arith.constant 92800 : i32
      %add3A_959 = arith.addi %add3A_958, %mul3A_957 : i32
      %dma_start3A_960 = arith.constant 2600 : i32
      %dma_start3A_961 = tpu.memref_slice %arg9[%dma_start3A_960] : memref<3200xf32, #tpu.memory_space<vmem>> -> memref<200xf32, #tpu.memory_space<vmem>>
      %dma_start3A_962 = tpu.memref_slice %arg12[%add3A_959] : memref<102400xf32, #tpu.memory_space<vmem_shared>> -> memref<200xf32, #tpu.memory_space<vmem_shared>>
      %dma_start3A_963 = tpu.memref_slice %arg12[%add3A_959] : memref<102400xf32, #tpu.memory_space<vmem_shared>> -> memref<200xf32, #tpu.memory_space<vmem_shared>>
      %dma_start3A_964 = arith.constant 2600 : i32
      %dma_start3A_965 = tpu.memref_slice %arg9[%dma_start3A_964] : memref<3200xf32, #tpu.memory_space<vmem>> -> memref<200xf32, #tpu.memory_space<vmem>>
      tpu.enqueue_dma source(%dma_start3A_965 : memref<200xf32, #tpu.memory_space<vmem>>) target(%dma_start3A_963 : memref<200xf32, #tpu.memory_space<vmem_shared>>) target_semaphore(%arg15 : memref<!tpu.dma_semaphore, #tpu.memory_space<semaphore_mem>>)
      %mul3A_966 = arith.constant 200 : i32
      %mul3A_967 = arith.muli %arg1, %mul3A_966 : i32
      %add3A_968 = arith.constant 96000 : i32
      %add3A_969 = arith.addi %add3A_968, %mul3A_967 : i32
      %dma_start3A_970 = arith.constant 2800 : i32
      %dma_start3A_971 = tpu.memref_slice %arg9[%dma_start3A_970] : memref<3200xf32, #tpu.memory_space<vmem>> -> memref<200xf32, #tpu.memory_space<vmem>>
      %dma_start3A_972 = tpu.memref_slice %arg12[%add3A_969] : memref<102400xf32, #tpu.memory_space<vmem_shared>> -> memref<200xf32, #tpu.memory_space<vmem_shared>>
      %dma_start3A_973 = tpu.memref_slice %arg12[%add3A_969] : memref<102400xf32, #tpu.memory_space<vmem_shared>> -> memref<200xf32, #tpu.memory_space<vmem_shared>>
      %dma_start3A_974 = arith.constant 2800 : i32
      %dma_start3A_975 = tpu.memref_slice %arg9[%dma_start3A_974] : memref<3200xf32, #tpu.memory_space<vmem>> -> memref<200xf32, #tpu.memory_space<vmem>>
      tpu.enqueue_dma source(%dma_start3A_975 : memref<200xf32, #tpu.memory_space<vmem>>) target(%dma_start3A_973 : memref<200xf32, #tpu.memory_space<vmem_shared>>) target_semaphore(%arg15 : memref<!tpu.dma_semaphore, #tpu.memory_space<semaphore_mem>>)
      %mul3A_976 = arith.constant 200 : i32
      %mul3A_977 = arith.muli %arg1, %mul3A_976 : i32
      %add3A_978 = arith.constant 99200 : i32
      %add3A_979 = arith.addi %add3A_978, %mul3A_977 : i32
      %dma_start3A_980 = arith.constant 3000 : i32
      %dma_start3A_981 = tpu.memref_slice %arg9[%dma_start3A_980] : memref<3200xf32, #tpu.memory_space<vmem>> -> memref<200xf32, #tpu.memory_space<vmem>>
      %dma_start3A_982 = tpu.memref_slice %arg12[%add3A_979] : memref<102400xf32, #tpu.memory_space<vmem_shared>> -> memref<200xf32, #tpu.memory_space<vmem_shared>>
      %dma_start3A_983 = tpu.memref_slice %arg12[%add3A_979] : memref<102400xf32, #tpu.memory_space<vmem_shared>> -> memref<200xf32, #tpu.memory_space<vmem_shared>>
      %dma_start3A_984 = arith.constant 3000 : i32
      %dma_start3A_985 = tpu.memref_slice %arg9[%dma_start3A_984] : memref<3200xf32, #tpu.memory_space<vmem>> -> memref<200xf32, #tpu.memory_space<vmem>>
      tpu.enqueue_dma source(%dma_start3A_985 : memref<200xf32, #tpu.memory_space<vmem>>) target(%dma_start3A_983 : memref<200xf32, #tpu.memory_space<vmem_shared>>) target_semaphore(%arg15 : memref<!tpu.dma_semaphore, #tpu.memory_space<semaphore_mem>>)
      %sub3A = arith.constant 1 : i32
      %sub3A_986 = arith.subi %add3A_782, %sub3A : i32
      %dma_wait3A_987 = tpu.memref_slice %arg12[%add3A_820] : memref<102400xf32, #tpu.memory_space<vmem_shared>> -> memref<3200xf32, #tpu.memory_space<vmem_shared>>
      %dma_wait3A_988 = tpu.memref_slice %arg12[%add3A_820] : memref<102400xf32, #tpu.memory_space<vmem_shared>> -> memref<3200xf32, #tpu.memory_space<vmem_shared>>
      tpu.wait_dma2 semaphore(%arg16 : memref<!tpu.dma_semaphore, #tpu.memory_space<semaphore_mem>>) src(%dma_wait3A_988 : memref<3200xf32, #tpu.memory_space<vmem_shared>>) dst(%arg10 : memref<3200xf32, #tpu.memory_space<vmem>>)
      %parallel_loop3A_989 = arith.constant 0 : i32
      %parallel_loop3A_990 = arith.constant 12 : i32
      %parallel_loop3A_991 = arith.constant 1 : i32
      scf.for %parallel_loop3A_1544 = %parallel_loop3A_989 to %parallel_loop3A_990 step %parallel_loop3A_991  : i32 {
        %parallel_loop3A_1545 = arith.constant 16 : i32
        %parallel_loop3A_1546 = arith.muli %parallel_loop3A_1544, %parallel_loop3A_1545 : i32
        %parallel_loop3A_1547 = arith.constant 0.000000e+00 : f32
        %parallel_loop3A_1548 = vector.broadcast %parallel_loop3A_1547 : f32 to vector<16xf32>
        %parallel_loop3A_1549 = arith.constant 0 : i32
        %parallel_loop3A_1550 = arith.addi %parallel_loop3A_1549, %parallel_loop3A_1546 : i32
        %parallel_loop3A_1551 = arith.index_cast %parallel_loop3A_1550 : i32 to index
        %parallel_loop3A_1552 = tpu.vector_load %arg10[%parallel_loop3A_1551] {strides = array<i32>} : memref<3200xf32, #tpu.memory_space<vmem>>, vector<16xf32>,
        %parallel_loop3A_1553 = arith.addf %parallel_loop3A_1548, %parallel_loop3A_1552 : vector<16xf32>
        %parallel_loop3A_1554 = arith.constant 200 : i32
        %parallel_loop3A_1555 = arith.addi %parallel_loop3A_1554, %parallel_loop3A_1546 : i32
        %parallel_loop3A_1556 = arith.index_cast %parallel_loop3A_1555 : i32 to index
        %parallel_loop3A_1557 = tpu.vector_load %arg10[%parallel_loop3A_1556] {strides = array<i32>} : memref<3200xf32, #tpu.memory_space<vmem>>, vector<16xf32>,
        %parallel_loop3A_1558 = arith.addf %parallel_loop3A_1553, %parallel_loop3A_1557 : vector<16xf32>
        %parallel_loop3A_1559 = arith.constant 400 : i32
        %parallel_loop3A_1560 = arith.addi %parallel_loop3A_1559, %parallel_loop3A_1546 : i32
        %parallel_loop3A_1561 = arith.index_cast %parallel_loop3A_1560 : i32 to index
        %parallel_loop3A_1562 = tpu.vector_load %arg10[%parallel_loop3A_1561] {strides = array<i32>} : memref<3200xf32, #tpu.memory_space<vmem>>, vector<16xf32>,
        %parallel_loop3A_1563 = arith.addf %parallel_loop3A_1558, %parallel_loop3A_1562 : vector<16xf32>
        %parallel_loop3A_1564 = arith.constant 600 : i32
        %parallel_loop3A_1565 = arith.addi %parallel_loop3A_1564, %parallel_loop3A_1546 : i32
        %parallel_loop3A_1566 = arith.index_cast %parallel_loop3A_1565 : i32 to index
        %parallel_loop3A_1567 = tpu.vector_load %arg10[%parallel_loop3A_1566] {strides = array<i32>} : memref<3200xf32, #tpu.memory_space<vmem>>, vector<16xf32>,
        %parallel_loop3A_1568 = arith.addf %parallel_loop3A_1563, %parallel_loop3A_1567 : vector<16xf32>
        %parallel_loop3A_1569 = arith.constant 800 : i32
        %parallel_loop3A_1570 = arith.addi %parallel_loop3A_1569, %parallel_loop3A_1546 : i32
        %parallel_loop3A_1571 = arith.index_cast %parallel_loop3A_1570 : i32 to index
        %parallel_loop3A_1572 = tpu.vector_load %arg10[%parallel_loop3A_1571] {strides = array<i32>} : memref<3200xf32, #tpu.memory_space<vmem>>, vector<16xf32>,
        %parallel_loop3A_1573 = arith.addf %parallel_loop3A_1568, %parallel_loop3A_1572 : vector<16xf32>
        %parallel_loop3A_1574 = arith.constant 1000 : i32
        %parallel_loop3A_1575 = arith.addi %parallel_loop3A_1574, %parallel_loop3A_1546 : i32
        %parallel_loop3A_1576 = arith.index_cast %parallel_loop3A_1575 : i32 to index
        %parallel_loop3A_1577 = tpu.vector_load %arg10[%parallel_loop3A_1576] {strides = array<i32>} : memref<3200xf32, #tpu.memory_space<vmem>>, vector<16xf32>,
        %parallel_loop3A_1578 = arith.addf %parallel_loop3A_1573, %parallel_loop3A_1577 : vector<16xf32>
        %parallel_loop3A_1579 = arith.constant 1200 : i32
        %parallel_loop3A_1580 = arith.addi %parallel_loop3A_1579, %parallel_loop3A_1546 : i32
        %parallel_loop3A_1581 = arith.index_cast %parallel_loop3A_1580 : i32 to index
        %parallel_loop3A_1582 = tpu.vector_load %arg10[%parallel_loop3A_1581] {strides = array<i32>} : memref<3200xf32, #tpu.memory_space<vmem>>, vector<16xf32>,
        %parallel_loop3A_1583 = arith.addf %parallel_loop3A_1578, %parallel_loop3A_1582 : vector<16xf32>
        %parallel_loop3A_1584 = arith.constant 1400 : i32
        %parallel_loop3A_1585 = arith.addi %parallel_loop3A_1584, %parallel_loop3A_1546 : i32
        %parallel_loop3A_1586 = arith.index_cast %parallel_loop3A_1585 : i32 to index
        %parallel_loop3A_1587 = tpu.vector_load %arg10[%parallel_loop3A_1586] {strides = array<i32>} : memref<3200xf32, #tpu.memory_space<vmem>>, vector<16xf32>,
        %parallel_loop3A_1588 = arith.addf %parallel_loop3A_1583, %parallel_loop3A_1587 : vector<16xf32>
        %parallel_loop3A_1589 = arith.constant 1600 : i32
        %parallel_loop3A_1590 = arith.addi %parallel_loop3A_1589, %parallel_loop3A_1546 : i32
        %parallel_loop3A_1591 = arith.index_cast %parallel_loop3A_1590 : i32 to index
        %parallel_loop3A_1592 = tpu.vector_load %arg10[%parallel_loop3A_1591] {strides = array<i32>} : memref<3200xf32, #tpu.memory_space<vmem>>, vector<16xf32>,
        %parallel_loop3A_1593 = arith.addf %parallel_loop3A_1588, %parallel_loop3A_1592 : vector<16xf32>
        %parallel_loop3A_1594 = arith.constant 1800 : i32
        %parallel_loop3A_1595 = arith.addi %parallel_loop3A_1594, %parallel_loop3A_1546 : i32
        %parallel_loop3A_1596 = arith.index_cast %parallel_loop3A_1595 : i32 to index
        %parallel_loop3A_1597 = tpu.vector_load %arg10[%parallel_loop3A_1596] {strides = array<i32>} : memref<3200xf32, #tpu.memory_space<vmem>>, vector<16xf32>,
        %parallel_loop3A_1598 = arith.addf %parallel_loop3A_1593, %parallel_loop3A_1597 : vector<16xf32>
        %parallel_loop3A_1599 = arith.constant 2000 : i32
        %parallel_loop3A_1600 = arith.addi %parallel_loop3A_1599, %parallel_loop3A_1546 : i32
        %parallel_loop3A_1601 = arith.index_cast %parallel_loop3A_1600 : i32 to index
        %parallel_loop3A_1602 = tpu.vector_load %arg10[%parallel_loop3A_1601] {strides = array<i32>} : memref<3200xf32, #tpu.memory_space<vmem>>, vector<16xf32>,
        %parallel_loop3A_1603 = arith.addf %parallel_loop3A_1598, %parallel_loop3A_1602 : vector<16xf32>
        %parallel_loop3A_1604 = arith.constant 2200 : i32
        %parallel_loop3A_1605 = arith.addi %parallel_loop3A_1604, %parallel_loop3A_1546 : i32
        %parallel_loop3A_1606 = arith.index_cast %parallel_loop3A_1605 : i32 to index
        %parallel_loop3A_1607 = tpu.vector_load %arg10[%parallel_loop3A_1606] {strides = array<i32>} : memref<3200xf32, #tpu.memory_space<vmem>>, vector<16xf32>,
        %parallel_loop3A_1608 = arith.addf %parallel_loop3A_1603, %parallel_loop3A_1607 : vector<16xf32>
        %parallel_loop3A_1609 = arith.constant 2400 : i32
        %parallel_loop3A_1610 = arith.addi %parallel_loop3A_1609, %parallel_loop3A_1546 : i32
        %parallel_loop3A_1611 = arith.index_cast %parallel_loop3A_1610 : i32 to index
        %parallel_loop3A_1612 = tpu.vector_load %arg10[%parallel_loop3A_1611] {strides = array<i32>} : memref<3200xf32, #tpu.memory_space<vmem>>, vector<16xf32>,
        %parallel_loop3A_1613 = arith.addf %parallel_loop3A_1608, %parallel_loop3A_1612 : vector<16xf32>
        %parallel_loop3A_1614 = arith.constant 2600 : i32
        %parallel_loop3A_1615 = arith.addi %parallel_loop3A_1614, %parallel_loop3A_1546 : i32
        %parallel_loop3A_1616 = arith.index_cast %parallel_loop3A_1615 : i32 to index
        %parallel_loop3A_1617 = tpu.vector_load %arg10[%parallel_loop3A_1616] {strides = array<i32>} : memref<3200xf32, #tpu.memory_space<vmem>>, vector<16xf32>,
        %parallel_loop3A_1618 = arith.addf %parallel_loop3A_1613, %parallel_loop3A_1617 : vector<16xf32>
        %parallel_loop3A_1619 = arith.constant 2800 : i32
        %parallel_loop3A_1620 = arith.addi %parallel_loop3A_1619, %parallel_loop3A_1546 : i32
        %parallel_loop3A_1621 = arith.index_cast %parallel_loop3A_1620 : i32 to index
        %parallel_loop3A_1622 = tpu.vector_load %arg10[%parallel_loop3A_1621] {strides = array<i32>} : memref<3200xf32, #tpu.memory_space<vmem>>, vector<16xf32>,
        %parallel_loop3A_1623 = arith.addf %parallel_loop3A_1618, %parallel_loop3A_1622 : vector<16xf32>
        %parallel_loop3A_1624 = arith.constant 3000 : i32
        %parallel_loop3A_1625 = arith.addi %parallel_loop3A_1624, %parallel_loop3A_1546 : i32
        %parallel_loop3A_1626 = arith.index_cast %parallel_loop3A_1625 : i32 to index
        %parallel_loop3A_1627 = tpu.vector_load %arg10[%parallel_loop3A_1626] {strides = array<i32>} : memref<3200xf32, #tpu.memory_space<vmem>>, vector<16xf32>,
        %parallel_loop3A_1628 = arith.addf %parallel_loop3A_1623, %parallel_loop3A_1627 : vector<16xf32>
        %parallel_loop3A_1629 = arith.constant 0.000000e+00 : f32
        %parallel_loop3A_1630 = vector.broadcast %parallel_loop3A_1629 : f32 to vector<16xf32>
        %parallel_loop3A_1631 = arith.subf %parallel_loop3A_1630, %parallel_loop3A_1628 : vector<16xf32>
        %parallel_loop3A_1632 = math.exp %parallel_loop3A_1631 : vector<16xf32>
        %parallel_loop3A_1633 = arith.constant 1.000000e+00 : f32
        %parallel_loop3A_1634 = vector.broadcast %parallel_loop3A_1633 : f32 to vector<16xf32>
        %parallel_loop3A_1635 = arith.addf %parallel_loop3A_1634, %parallel_loop3A_1632 : vector<16xf32>
        %parallel_loop3A_1636 = arith.constant 1.000000e+00 : f32
        %parallel_loop3A_1637 = vector.broadcast %parallel_loop3A_1636 : f32 to vector<16xf32>
        %parallel_loop3A_1638 = arith.divf %parallel_loop3A_1637, %parallel_loop3A_1635 : vector<16xf32>
        %parallel_loop3A_1639 = arith.index_cast %parallel_loop3A_1546 : i32 to index
        %parallel_loop3A_1640 = tpu.vector_load %arg11[%parallel_loop3A_1639] {strides = array<i32>} : memref<200xf32, #tpu.memory_space<vmem>>, vector<16xf32>,
        tpu.vector_store %arg11[%parallel_loop3A_1639], %parallel_loop3A_1638 {strides = array<i32>} : memref<200xf32, #tpu.memory_space<vmem>>, vector<16xf32>,
      } {sc.loop_unroll_factor = 2 : i64, sc.parallel_access}
      %broadcast_in_dim3A_992 = arith.constant 0.000000e+00 : f32
      %broadcast_in_dim3A_993 = vector.broadcast %broadcast_in_dim3A_992 : f32 to vector<16xf32>
      %get3A_994 = arith.constant 184 : index
      %get3A_995 = tpu.vector_load %arg10[%get3A_994] {strides = array<i32>} : memref<3200xf32, #tpu.memory_space<vmem>>, vector<16xf32>,
      %add3A_996 = arith.addf %broadcast_in_dim3A_993, %get3A_995 : vector<16xf32>
      %get3A_997 = arith.constant 384 : index
      %get3A_998 = tpu.vector_load %arg10[%get3A_997] {strides = array<i32>} : memref<3200xf32, #tpu.memory_space<vmem>>, vector<16xf32>,
      %add3A_999 = arith.addf %add3A_996, %get3A_998 : vector<16xf32>
      %get3A_1000 = arith.constant 584 : index
      %get3A_1001 = tpu.vector_load %arg10[%get3A_1000] {strides = array<i32>} : memref<3200xf32, #tpu.memory_space<vmem>>, vector<16xf32>,
      %add3A_1002 = arith.addf %add3A_999, %get3A_1001 : vector<16xf32>
      %get3A_1003 = arith.constant 784 : index
      %get3A_1004 = tpu.vector_load %arg10[%get3A_1003] {strides = array<i32>} : memref<3200xf32, #tpu.memory_space<vmem>>, vector<16xf32>,
      %add3A_1005 = arith.addf %add3A_1002, %get3A_1004 : vector<16xf32>
      %get3A_1006 = arith.constant 984 : index
      %get3A_1007 = tpu.vector_load %arg10[%get3A_1006] {strides = array<i32>} : memref<3200xf32, #tpu.memory_space<vmem>>, vector<16xf32>,
      %add3A_1008 = arith.addf %add3A_1005, %get3A_1007 : vector<16xf32>
      %get3A_1009 = arith.constant 1184 : index
      %get3A_1010 = tpu.vector_load %arg10[%get3A_1009] {strides = array<i32>} : memref<3200xf32, #tpu.memory_space<vmem>>, vector<16xf32>,
      %add3A_1011 = arith.addf %add3A_1008, %get3A_1010 : vector<16xf32>
      %get3A_1012 = arith.constant 1384 : index
      %get3A_1013 = tpu.vector_load %arg10[%get3A_1012] {strides = array<i32>} : memref<3200xf32, #tpu.memory_space<vmem>>, vector<16xf32>,
      %add3A_1014 = arith.addf %add3A_1011, %get3A_1013 : vector<16xf32>
      %get3A_1015 = arith.constant 1584 : index
      %get3A_1016 = tpu.vector_load %arg10[%get3A_1015] {strides = array<i32>} : memref<3200xf32, #tpu.memory_space<vmem>>, vector<16xf32>,
      %add3A_1017 = arith.addf %add3A_1014, %get3A_1016 : vector<16xf32>
      %get3A_1018 = arith.constant 1784 : index
      %get3A_1019 = tpu.vector_load %arg10[%get3A_1018] {strides = array<i32>} : memref<3200xf32, #tpu.memory_space<vmem>>, vector<16xf32>,
      %add3A_1020 = arith.addf %add3A_1017, %get3A_1019 : vector<16xf32>
      %get3A_1021 = arith.constant 1984 : index
      %get3A_1022 = tpu.vector_load %arg10[%get3A_1021] {strides = array<i32>} : memref<3200xf32, #tpu.memory_space<vmem>>, vector<16xf32>,
      %add3A_1023 = arith.addf %add3A_1020, %get3A_1022 : vector<16xf32>
      %get3A_1024 = arith.constant 2184 : index
      %get3A_1025 = tpu.vector_load %arg10[%get3A_1024] {strides = array<i32>} : memref<3200xf32, #tpu.memory_space<vmem>>, vector<16xf32>,
      %add3A_1026 = arith.addf %add3A_1023, %get3A_1025 : vector<16xf32>
      %get3A_1027 = arith.constant 2384 : index
      %get3A_1028 = tpu.vector_load %arg10[%get3A_1027] {strides = array<i32>} : memref<3200xf32, #tpu.memory_space<vmem>>, vector<16xf32>,
      %add3A_1029 = arith.addf %add3A_1026, %get3A_1028 : vector<16xf32>
      %get3A_1030 = arith.constant 2584 : index
      %get3A_1031 = tpu.vector_load %arg10[%get3A_1030] {strides = array<i32>} : memref<3200xf32, #tpu.memory_space<vmem>>, vector<16xf32>,
      %add3A_1032 = arith.addf %add3A_1029, %get3A_1031 : vector<16xf32>
      %get3A_1033 = arith.constant 2784 : index
      %get3A_1034 = tpu.vector_load %arg10[%get3A_1033] {strides = array<i32>} : memref<3200xf32, #tpu.memory_space<vmem>>, vector<16xf32>,
      %add3A_1035 = arith.addf %add3A_1032, %get3A_1034 : vector<16xf32>
      %get3A_1036 = arith.constant 2984 : index
      %get3A_1037 = tpu.vector_load %arg10[%get3A_1036] {strides = array<i32>} : memref<3200xf32, #tpu.memory_space<vmem>>, vector<16xf32>,
      %add3A_1038 = arith.addf %add3A_1035, %get3A_1037 : vector<16xf32>
      %get3A_1039 = arith.constant 3184 : index
      %get3A_1040 = tpu.vector_load %arg10[%get3A_1039] {strides = array<i32>} : memref<3200xf32, #tpu.memory_space<vmem>>, vector<16xf32>,
      %add3A_1041 = arith.addf %add3A_1038, %get3A_1040 : vector<16xf32>
      %neg3A_1042 = arith.constant 0.000000e+00 : f32
      %neg3A_1043 = vector.broadcast %neg3A_1042 : f32 to vector<16xf32>
      %neg3A_1044 = arith.subf %neg3A_1043, %add3A_1041 : vector<16xf32>
      %exp3A_1045 = math.exp %neg3A_1044 : vector<16xf32>
      %add3A_1046 = arith.constant 1.000000e+00 : f32
      %add3A_1047 = vector.broadcast %add3A_1046 : f32 to vector<16xf32>
      %add3A_1048 = arith.addf %add3A_1047, %exp3A_1045 : vector<16xf32>
      %div3A_1049 = arith.constant 1.000000e+00 : f32
      %div3A_1050 = vector.broadcast %div3A_1049 : f32 to vector<16xf32>
      %div3A_1051 = arith.divf %div3A_1050, %add3A_1048 : vector<16xf32>
      %swap3A_1052 = arith.constant 184 : index
      %swap3A_1053 = tpu.vector_load %arg11[%swap3A_1052] {strides = array<i32>} : memref<200xf32, #tpu.memory_space<vmem>>, vector<16xf32>,
      tpu.vector_store %arg11[%swap3A_1052], %div3A_1051 {strides = array<i32>} : memref<200xf32, #tpu.memory_space<vmem>>, vector<16xf32>,
      %mul3A_1054 = arith.constant 3200 : i32
      %mul3A_1055 = arith.muli %sub3A_986, %mul3A_1054 : i32
      %add3A_1056 = arith.addi %mul3A_4, %mul3A_1055 : i32
      %mul3A_1057 = arith.constant 200 : i32
      %mul3A_1058 = arith.muli %arg1, %mul3A_1057 : i32
      %add3A_1059 = arith.addi %add3A_1056, %mul3A_1058 : i32
      %dma_start3A_1060 = tpu.memref_slice %arg5[%add3A_1059] : memref<320000xf32, #tpu.memory_space<hbm>> -> memref<200xf32, #tpu.memory_space<hbm>>
      %dma_start3A_1061 = tpu.memref_slice %arg5[%add3A_1059] : memref<320000xf32, #tpu.memory_space<hbm>> -> memref<200xf32, #tpu.memory_space<hbm>>
      tpu.enqueue_dma source(%arg11 : memref<200xf32, #tpu.memory_space<vmem>>) target(%dma_start3A_1061 : memref<200xf32, #tpu.memory_space<hbm>>) target_semaphore(%arg16 : memref<!tpu.dma_semaphore, #tpu.memory_space<semaphore_mem>>)
      %dma_wait3A_1062 = arith.constant 0 : i32
      %dma_wait3A_1063 = tpu.memref_slice %arg9[%dma_wait3A_1062] : memref<3200xf32, #tpu.memory_space<vmem>> -> memref<200xf32, #tpu.memory_space<vmem>>
      %dma_wait3A_1064 = tpu.memref_slice %arg12[%add3A_829] : memref<102400xf32, #tpu.memory_space<vmem_shared>> -> memref<200xf32, #tpu.memory_space<vmem_shared>>
      %dma_wait3A_1065 = tpu.memref_slice %arg12[%add3A_829] : memref<102400xf32, #tpu.memory_space<vmem_shared>> -> memref<200xf32, #tpu.memory_space<vmem_shared>>
      %dma_wait3A_1066 = arith.constant 0 : i32
      %dma_wait3A_1067 = tpu.memref_slice %arg9[%dma_wait3A_1066] : memref<3200xf32, #tpu.memory_space<vmem>> -> memref<200xf32, #tpu.memory_space<vmem>>
      tpu.wait_dma2 semaphore(%arg15 : memref<!tpu.dma_semaphore, #tpu.memory_space<semaphore_mem>>) src(%dma_wait3A_1067 : memref<200xf32, #tpu.memory_space<vmem>>) dst(%dma_wait3A_1065 : memref<200xf32, #tpu.memory_space<vmem_shared>>)
      %dma_wait3A_1068 = arith.constant 200 : i32
      %dma_wait3A_1069 = tpu.memref_slice %arg9[%dma_wait3A_1068] : memref<3200xf32, #tpu.memory_space<vmem>> -> memref<200xf32, #tpu.memory_space<vmem>>
      %dma_wait3A_1070 = tpu.memref_slice %arg12[%add3A_839] : memref<102400xf32, #tpu.memory_space<vmem_shared>> -> memref<200xf32, #tpu.memory_space<vmem_shared>>
      %dma_wait3A_1071 = tpu.memref_slice %arg12[%add3A_839] : memref<102400xf32, #tpu.memory_space<vmem_shared>> -> memref<200xf32, #tpu.memory_space<vmem_shared>>
      %dma_wait3A_1072 = arith.constant 200 : i32
      %dma_wait3A_1073 = tpu.memref_slice %arg9[%dma_wait3A_1072] : memref<3200xf32, #tpu.memory_space<vmem>> -> memref<200xf32, #tpu.memory_space<vmem>>
      tpu.wait_dma2 semaphore(%arg15 : memref<!tpu.dma_semaphore, #tpu.memory_space<semaphore_mem>>) src(%dma_wait3A_1073 : memref<200xf32, #tpu.memory_space<vmem>>) dst(%dma_wait3A_1071 : memref<200xf32, #tpu.memory_space<vmem_shared>>)
      %dma_wait3A_1074 = arith.constant 400 : i32
      %dma_wait3A_1075 = tpu.memref_slice %arg9[%dma_wait3A_1074] : memref<3200xf32, #tpu.memory_space<vmem>> -> memref<200xf32, #tpu.memory_space<vmem>>
      %dma_wait3A_1076 = tpu.memref_slice %arg12[%add3A_849] : memref<102400xf32, #tpu.memory_space<vmem_shared>> -> memref<200xf32, #tpu.memory_space<vmem_shared>>
      %dma_wait3A_1077 = tpu.memref_slice %arg12[%add3A_849] : memref<102400xf32, #tpu.memory_space<vmem_shared>> -> memref<200xf32, #tpu.memory_space<vmem_shared>>
      %dma_wait3A_1078 = arith.constant 400 : i32
      %dma_wait3A_1079 = tpu.memref_slice %arg9[%dma_wait3A_1078] : memref<3200xf32, #tpu.memory_space<vmem>> -> memref<200xf32, #tpu.memory_space<vmem>>
      tpu.wait_dma2 semaphore(%arg15 : memref<!tpu.dma_semaphore, #tpu.memory_space<semaphore_mem>>) src(%dma_wait3A_1079 : memref<200xf32, #tpu.memory_space<vmem>>) dst(%dma_wait3A_1077 : memref<200xf32, #tpu.memory_space<vmem_shared>>)
      %dma_wait3A_1080 = arith.constant 600 : i32
      %dma_wait3A_1081 = tpu.memref_slice %arg9[%dma_wait3A_1080] : memref<3200xf32, #tpu.memory_space<vmem>> -> memref<200xf32, #tpu.memory_space<vmem>>
      %dma_wait3A_1082 = tpu.memref_slice %arg12[%add3A_859] : memref<102400xf32, #tpu.memory_space<vmem_shared>> -> memref<200xf32, #tpu.memory_space<vmem_shared>>
      %dma_wait3A_1083 = tpu.memref_slice %arg12[%add3A_859] : memref<102400xf32, #tpu.memory_space<vmem_shared>> -> memref<200xf32, #tpu.memory_space<vmem_shared>>
      %dma_wait3A_1084 = arith.constant 600 : i32
      %dma_wait3A_1085 = tpu.memref_slice %arg9[%dma_wait3A_1084] : memref<3200xf32, #tpu.memory_space<vmem>> -> memref<200xf32, #tpu.memory_space<vmem>>
      tpu.wait_dma2 semaphore(%arg15 : memref<!tpu.dma_semaphore, #tpu.memory_space<semaphore_mem>>) src(%dma_wait3A_1085 : memref<200xf32, #tpu.memory_space<vmem>>) dst(%dma_wait3A_1083 : memref<200xf32, #tpu.memory_space<vmem_shared>>)
      %dma_wait3A_1086 = arith.constant 800 : i32
      %dma_wait3A_1087 = tpu.memref_slice %arg9[%dma_wait3A_1086] : memref<3200xf32, #tpu.memory_space<vmem>> -> memref<200xf32, #tpu.memory_space<vmem>>
      %dma_wait3A_1088 = tpu.memref_slice %arg12[%add3A_869] : memref<102400xf32, #tpu.memory_space<vmem_shared>> -> memref<200xf32, #tpu.memory_space<vmem_shared>>
      %dma_wait3A_1089 = tpu.memref_slice %arg12[%add3A_869] : memref<102400xf32, #tpu.memory_space<vmem_shared>> -> memref<200xf32, #tpu.memory_space<vmem_shared>>
      %dma_wait3A_1090 = arith.constant 800 : i32
      %dma_wait3A_1091 = tpu.memref_slice %arg9[%dma_wait3A_1090] : memref<3200xf32, #tpu.memory_space<vmem>> -> memref<200xf32, #tpu.memory_space<vmem>>
      tpu.wait_dma2 semaphore(%arg15 : memref<!tpu.dma_semaphore, #tpu.memory_space<semaphore_mem>>) src(%dma_wait3A_1091 : memref<200xf32, #tpu.memory_space<vmem>>) dst(%dma_wait3A_1089 : memref<200xf32, #tpu.memory_space<vmem_shared>>)
      %dma_wait3A_1092 = arith.constant 1000 : i32
      %dma_wait3A_1093 = tpu.memref_slice %arg9[%dma_wait3A_1092] : memref<3200xf32, #tpu.memory_space<vmem>> -> memref<200xf32, #tpu.memory_space<vmem>>
      %dma_wait3A_1094 = tpu.memref_slice %arg12[%add3A_879] : memref<102400xf32, #tpu.memory_space<vmem_shared>> -> memref<200xf32, #tpu.memory_space<vmem_shared>>
      %dma_wait3A_1095 = tpu.memref_slice %arg12[%add3A_879] : memref<102400xf32, #tpu.memory_space<vmem_shared>> -> memref<200xf32, #tpu.memory_space<vmem_shared>>
      %dma_wait3A_1096 = arith.constant 1000 : i32
      %dma_wait3A_1097 = tpu.memref_slice %arg9[%dma_wait3A_1096] : memref<3200xf32, #tpu.memory_space<vmem>> -> memref<200xf32, #tpu.memory_space<vmem>>
      tpu.wait_dma2 semaphore(%arg15 : memref<!tpu.dma_semaphore, #tpu.memory_space<semaphore_mem>>) src(%dma_wait3A_1097 : memref<200xf32, #tpu.memory_space<vmem>>) dst(%dma_wait3A_1095 : memref<200xf32, #tpu.memory_space<vmem_shared>>)
      %dma_wait3A_1098 = arith.constant 1200 : i32
      %dma_wait3A_1099 = tpu.memref_slice %arg9[%dma_wait3A_1098] : memref<3200xf32, #tpu.memory_space<vmem>> -> memref<200xf32, #tpu.memory_space<vmem>>
      %dma_wait3A_1100 = tpu.memref_slice %arg12[%add3A_889] : memref<102400xf32, #tpu.memory_space<vmem_shared>> -> memref<200xf32, #tpu.memory_space<vmem_shared>>
      %dma_wait3A_1101 = tpu.memref_slice %arg12[%add3A_889] : memref<102400xf32, #tpu.memory_space<vmem_shared>> -> memref<200xf32, #tpu.memory_space<vmem_shared>>
      %dma_wait3A_1102 = arith.constant 1200 : i32
      %dma_wait3A_1103 = tpu.memref_slice %arg9[%dma_wait3A_1102] : memref<3200xf32, #tpu.memory_space<vmem>> -> memref<200xf32, #tpu.memory_space<vmem>>
      tpu.wait_dma2 semaphore(%arg15 : memref<!tpu.dma_semaphore, #tpu.memory_space<semaphore_mem>>) src(%dma_wait3A_1103 : memref<200xf32, #tpu.memory_space<vmem>>) dst(%dma_wait3A_1101 : memref<200xf32, #tpu.memory_space<vmem_shared>>)
      %dma_wait3A_1104 = arith.constant 1400 : i32
      %dma_wait3A_1105 = tpu.memref_slice %arg9[%dma_wait3A_1104] : memref<3200xf32, #tpu.memory_space<vmem>> -> memref<200xf32, #tpu.memory_space<vmem>>
      %dma_wait3A_1106 = tpu.memref_slice %arg12[%add3A_899] : memref<102400xf32, #tpu.memory_space<vmem_shared>> -> memref<200xf32, #tpu.memory_space<vmem_shared>>
      %dma_wait3A_1107 = tpu.memref_slice %arg12[%add3A_899] : memref<102400xf32, #tpu.memory_space<vmem_shared>> -> memref<200xf32, #tpu.memory_space<vmem_shared>>
      %dma_wait3A_1108 = arith.constant 1400 : i32
      %dma_wait3A_1109 = tpu.memref_slice %arg9[%dma_wait3A_1108] : memref<3200xf32, #tpu.memory_space<vmem>> -> memref<200xf32, #tpu.memory_space<vmem>>
      tpu.wait_dma2 semaphore(%arg15 : memref<!tpu.dma_semaphore, #tpu.memory_space<semaphore_mem>>) src(%dma_wait3A_1109 : memref<200xf32, #tpu.memory_space<vmem>>) dst(%dma_wait3A_1107 : memref<200xf32, #tpu.memory_space<vmem_shared>>)
      %dma_wait3A_1110 = arith.constant 1600 : i32
      %dma_wait3A_1111 = tpu.memref_slice %arg9[%dma_wait3A_1110] : memref<3200xf32, #tpu.memory_space<vmem>> -> memref<200xf32, #tpu.memory_space<vmem>>
      %dma_wait3A_1112 = tpu.memref_slice %arg12[%add3A_909] : memref<102400xf32, #tpu.memory_space<vmem_shared>> -> memref<200xf32, #tpu.memory_space<vmem_shared>>
      %dma_wait3A_1113 = tpu.memref_slice %arg12[%add3A_909] : memref<102400xf32, #tpu.memory_space<vmem_shared>> -> memref<200xf32, #tpu.memory_space<vmem_shared>>
      %dma_wait3A_1114 = arith.constant 1600 : i32
      %dma_wait3A_1115 = tpu.memref_slice %arg9[%dma_wait3A_1114] : memref<3200xf32, #tpu.memory_space<vmem>> -> memref<200xf32, #tpu.memory_space<vmem>>
      tpu.wait_dma2 semaphore(%arg15 : memref<!tpu.dma_semaphore, #tpu.memory_space<semaphore_mem>>) src(%dma_wait3A_1115 : memref<200xf32, #tpu.memory_space<vmem>>) dst(%dma_wait3A_1113 : memref<200xf32, #tpu.memory_space<vmem_shared>>)
      %dma_wait3A_1116 = arith.constant 1800 : i32
      %dma_wait3A_1117 = tpu.memref_slice %arg9[%dma_wait3A_1116] : memref<3200xf32, #tpu.memory_space<vmem>> -> memref<200xf32, #tpu.memory_space<vmem>>
      %dma_wait3A_1118 = tpu.memref_slice %arg12[%add3A_919] : memref<102400xf32, #tpu.memory_space<vmem_shared>> -> memref<200xf32, #tpu.memory_space<vmem_shared>>
      %dma_wait3A_1119 = tpu.memref_slice %arg12[%add3A_919] : memref<102400xf32, #tpu.memory_space<vmem_shared>> -> memref<200xf32, #tpu.memory_space<vmem_shared>>
      %dma_wait3A_1120 = arith.constant 1800 : i32
      %dma_wait3A_1121 = tpu.memref_slice %arg9[%dma_wait3A_1120] : memref<3200xf32, #tpu.memory_space<vmem>> -> memref<200xf32, #tpu.memory_space<vmem>>
      tpu.wait_dma2 semaphore(%arg15 : memref<!tpu.dma_semaphore, #tpu.memory_space<semaphore_mem>>) src(%dma_wait3A_1121 : memref<200xf32, #tpu.memory_space<vmem>>) dst(%dma_wait3A_1119 : memref<200xf32, #tpu.memory_space<vmem_shared>>)
      %dma_wait3A_1122 = arith.constant 2000 : i32
      %dma_wait3A_1123 = tpu.memref_slice %arg9[%dma_wait3A_1122] : memref<3200xf32, #tpu.memory_space<vmem>> -> memref<200xf32, #tpu.memory_space<vmem>>
      %dma_wait3A_1124 = tpu.memref_slice %arg12[%add3A_929] : memref<102400xf32, #tpu.memory_space<vmem_shared>> -> memref<200xf32, #tpu.memory_space<vmem_shared>>
      %dma_wait3A_1125 = tpu.memref_slice %arg12[%add3A_929] : memref<102400xf32, #tpu.memory_space<vmem_shared>> -> memref<200xf32, #tpu.memory_space<vmem_shared>>
      %dma_wait3A_1126 = arith.constant 2000 : i32
      %dma_wait3A_1127 = tpu.memref_slice %arg9[%dma_wait3A_1126] : memref<3200xf32, #tpu.memory_space<vmem>> -> memref<200xf32, #tpu.memory_space<vmem>>
      tpu.wait_dma2 semaphore(%arg15 : memref<!tpu.dma_semaphore, #tpu.memory_space<semaphore_mem>>) src(%dma_wait3A_1127 : memref<200xf32, #tpu.memory_space<vmem>>) dst(%dma_wait3A_1125 : memref<200xf32, #tpu.memory_space<vmem_shared>>)
      %dma_wait3A_1128 = arith.constant 2200 : i32
      %dma_wait3A_1129 = tpu.memref_slice %arg9[%dma_wait3A_1128] : memref<3200xf32, #tpu.memory_space<vmem>> -> memref<200xf32, #tpu.memory_space<vmem>>
      %dma_wait3A_1130 = tpu.memref_slice %arg12[%add3A_939] : memref<102400xf32, #tpu.memory_space<vmem_shared>> -> memref<200xf32, #tpu.memory_space<vmem_shared>>
      %dma_wait3A_1131 = tpu.memref_slice %arg12[%add3A_939] : memref<102400xf32, #tpu.memory_space<vmem_shared>> -> memref<200xf32, #tpu.memory_space<vmem_shared>>
      %dma_wait3A_1132 = arith.constant 2200 : i32
      %dma_wait3A_1133 = tpu.memref_slice %arg9[%dma_wait3A_1132] : memref<3200xf32, #tpu.memory_space<vmem>> -> memref<200xf32, #tpu.memory_space<vmem>>
      tpu.wait_dma2 semaphore(%arg15 : memref<!tpu.dma_semaphore, #tpu.memory_space<semaphore_mem>>) src(%dma_wait3A_1133 : memref<200xf32, #tpu.memory_space<vmem>>) dst(%dma_wait3A_1131 : memref<200xf32, #tpu.memory_space<vmem_shared>>)
      %dma_wait3A_1134 = arith.constant 2400 : i32
      %dma_wait3A_1135 = tpu.memref_slice %arg9[%dma_wait3A_1134] : memref<3200xf32, #tpu.memory_space<vmem>> -> memref<200xf32, #tpu.memory_space<vmem>>
      %dma_wait3A_1136 = tpu.memref_slice %arg12[%add3A_949] : memref<102400xf32, #tpu.memory_space<vmem_shared>> -> memref<200xf32, #tpu.memory_space<vmem_shared>>
      %dma_wait3A_1137 = tpu.memref_slice %arg12[%add3A_949] : memref<102400xf32, #tpu.memory_space<vmem_shared>> -> memref<200xf32, #tpu.memory_space<vmem_shared>>
      %dma_wait3A_1138 = arith.constant 2400 : i32
      %dma_wait3A_1139 = tpu.memref_slice %arg9[%dma_wait3A_1138] : memref<3200xf32, #tpu.memory_space<vmem>> -> memref<200xf32, #tpu.memory_space<vmem>>
      tpu.wait_dma2 semaphore(%arg15 : memref<!tpu.dma_semaphore, #tpu.memory_space<semaphore_mem>>) src(%dma_wait3A_1139 : memref<200xf32, #tpu.memory_space<vmem>>) dst(%dma_wait3A_1137 : memref<200xf32, #tpu.memory_space<vmem_shared>>)
      %dma_wait3A_1140 = arith.constant 2600 : i32
      %dma_wait3A_1141 = tpu.memref_slice %arg9[%dma_wait3A_1140] : memref<3200xf32, #tpu.memory_space<vmem>> -> memref<200xf32, #tpu.memory_space<vmem>>
      %dma_wait3A_1142 = tpu.memref_slice %arg12[%add3A_959] : memref<102400xf32, #tpu.memory_space<vmem_shared>> -> memref<200xf32, #tpu.memory_space<vmem_shared>>
      %dma_wait3A_1143 = tpu.memref_slice %arg12[%add3A_959] : memref<102400xf32, #tpu.memory_space<vmem_shared>> -> memref<200xf32, #tpu.memory_space<vmem_shared>>
      %dma_wait3A_1144 = arith.constant 2600 : i32
      %dma_wait3A_1145 = tpu.memref_slice %arg9[%dma_wait3A_1144] : memref<3200xf32, #tpu.memory_space<vmem>> -> memref<200xf32, #tpu.memory_space<vmem>>
      tpu.wait_dma2 semaphore(%arg15 : memref<!tpu.dma_semaphore, #tpu.memory_space<semaphore_mem>>) src(%dma_wait3A_1145 : memref<200xf32, #tpu.memory_space<vmem>>) dst(%dma_wait3A_1143 : memref<200xf32, #tpu.memory_space<vmem_shared>>)
      %dma_wait3A_1146 = arith.constant 2800 : i32
      %dma_wait3A_1147 = tpu.memref_slice %arg9[%dma_wait3A_1146] : memref<3200xf32, #tpu.memory_space<vmem>> -> memref<200xf32, #tpu.memory_space<vmem>>
      %dma_wait3A_1148 = tpu.memref_slice %arg12[%add3A_969] : memref<102400xf32, #tpu.memory_space<vmem_shared>> -> memref<200xf32, #tpu.memory_space<vmem_shared>>
      %dma_wait3A_1149 = tpu.memref_slice %arg12[%add3A_969] : memref<102400xf32, #tpu.memory_space<vmem_shared>> -> memref<200xf32, #tpu.memory_space<vmem_shared>>
      %dma_wait3A_1150 = arith.constant 2800 : i32
      %dma_wait3A_1151 = tpu.memref_slice %arg9[%dma_wait3A_1150] : memref<3200xf32, #tpu.memory_space<vmem>> -> memref<200xf32, #tpu.memory_space<vmem>>
      tpu.wait_dma2 semaphore(%arg15 : memref<!tpu.dma_semaphore, #tpu.memory_space<semaphore_mem>>) src(%dma_wait3A_1151 : memref<200xf32, #tpu.memory_space<vmem>>) dst(%dma_wait3A_1149 : memref<200xf32, #tpu.memory_space<vmem_shared>>)
      %dma_wait3A_1152 = arith.constant 3000 : i32
      %dma_wait3A_1153 = tpu.memref_slice %arg9[%dma_wait3A_1152] : memref<3200xf32, #tpu.memory_space<vmem>> -> memref<200xf32, #tpu.memory_space<vmem>>
      %dma_wait3A_1154 = tpu.memref_slice %arg12[%add3A_979] : memref<102400xf32, #tpu.memory_space<vmem_shared>> -> memref<200xf32, #tpu.memory_space<vmem_shared>>
      %dma_wait3A_1155 = tpu.memref_slice %arg12[%add3A_979] : memref<102400xf32, #tpu.memory_space<vmem_shared>> -> memref<200xf32, #tpu.memory_space<vmem_shared>>
      %dma_wait3A_1156 = arith.constant 3000 : i32
      %dma_wait3A_1157 = tpu.memref_slice %arg9[%dma_wait3A_1156] : memref<3200xf32, #tpu.memory_space<vmem>> -> memref<200xf32, #tpu.memory_space<vmem>>
      tpu.wait_dma2 semaphore(%arg15 : memref<!tpu.dma_semaphore, #tpu.memory_space<semaphore_mem>>) src(%dma_wait3A_1157 : memref<200xf32, #tpu.memory_space<vmem>>) dst(%dma_wait3A_1155 : memref<200xf32, #tpu.memory_space<vmem_shared>>)
      %dma_wait3A_1158 = tpu.memref_slice %arg5[%add3A_1059] : memref<320000xf32, #tpu.memory_space<hbm>> -> memref<200xf32, #tpu.memory_space<hbm>>
      %dma_wait3A_1159 = tpu.memref_slice %arg5[%add3A_1059] : memref<320000xf32, #tpu.memory_space<hbm>> -> memref<200xf32, #tpu.memory_space<hbm>>
      tpu.wait_dma2 semaphore(%arg16 : memref<!tpu.dma_semaphore, #tpu.memory_space<semaphore_mem>>) src(%arg11 : memref<200xf32, #tpu.memory_space<vmem>>) dst(%dma_wait3A_1159 : memref<200xf32, #tpu.memory_space<hbm>>)
      %barrier3A_1160 = arith.constant 0 : index
      tpu.barrier barrier_id(%barrier3A_1160)
      %mul3A_1161 = arith.constant 2 : i32
      %mul3A_1162 = arith.muli %mul3A_1161, %scan3A_778 : i32
      %add3A_1163 = arith.constant 2 : i32
      %add3A_1164 = arith.addi %mul3A_1162, %add3A_1163 : i32
      %mul3A_1165 = arith.constant 3200 : i32
      %mul3A_1166 = arith.muli %add3A_1164, %mul3A_1165 : i32
      %add3A_1167 = arith.addi %mul3A_4, %mul3A_1166 : i32
      %dma_wait3A_1168 = arith.constant 0 : i32
      %dma_wait3A_1169 = tpu.memref_slice %arg7[%dma_wait3A_1168] : memref<6400xi32, #tpu.memory_space<vmem>> -> memref<3200xi32, #tpu.memory_space<vmem>>
      %dma_wait3A_1170 = tpu.memref_slice %arg3[%add3A_1167] : memref<320000xi32, #tpu.memory_space<hbm>> -> memref<3200xi32, #tpu.memory_space<hbm>>
      %dma_wait3A_1171 = arith.constant 0 : i32
      %dma_wait3A_1172 = tpu.memref_slice %arg7[%dma_wait3A_1171] : memref<6400xi32, #tpu.memory_space<vmem>> -> memref<3200xi32, #tpu.memory_space<vmem>>
      %dma_wait3A_1173 = tpu.memref_slice %arg3[%add3A_1167] : memref<320000xi32, #tpu.memory_space<hbm>> -> memref<3200xi32, #tpu.memory_space<hbm>>
      tpu.wait_dma2 semaphore(%arg13 : memref<!tpu.dma_semaphore, #tpu.memory_space<semaphore_mem>>) src(%dma_wait3A_1173 : memref<3200xi32, #tpu.memory_space<hbm>>) dst(%dma_wait3A_1172 : memref<3200xi32, #tpu.memory_space<vmem>>)
      %dma_wait3A_1174 = arith.constant 0 : i32
      %dma_wait3A_1175 = tpu.memref_slice %arg8[%dma_wait3A_1174] : memref<6400xi32, #tpu.memory_space<vmem>> -> memref<3200xi32, #tpu.memory_space<vmem>>
      %dma_wait3A_1176 = tpu.memref_slice %arg4[%add3A_1167] : memref<320000xi32, #tpu.memory_space<hbm>> -> memref<3200xi32, #tpu.memory_space<hbm>>
      %dma_wait3A_1177 = arith.constant 0 : i32
      %dma_wait3A_1178 = tpu.memref_slice %arg8[%dma_wait3A_1177] : memref<6400xi32, #tpu.memory_space<vmem>> -> memref<3200xi32, #tpu.memory_space<vmem>>
      %dma_wait3A_1179 = tpu.memref_slice %arg4[%add3A_1167] : memref<320000xi32, #tpu.memory_space<hbm>> -> memref<3200xi32, #tpu.memory_space<hbm>>
      tpu.wait_dma2 semaphore(%arg13 : memref<!tpu.dma_semaphore, #tpu.memory_space<semaphore_mem>>) src(%dma_wait3A_1179 : memref<3200xi32, #tpu.memory_space<hbm>>) dst(%dma_wait3A_1178 : memref<3200xi32, #tpu.memory_space<vmem>>)
      %add3A_1180 = arith.constant 1 : i32
      %add3A_1181 = arith.addi %add3A_1164, %add3A_1180 : i32
      %min3A_1182 = arith.constant 49 : i32
      %min3A_1183 = arith.minsi %add3A_1181, %min3A_1182 : i32
      %mul3A_1184 = arith.constant 3200 : i32
      %mul3A_1185 = arith.muli %min3A_1183, %mul3A_1184 : i32
      %add3A_1186 = arith.addi %mul3A_4, %mul3A_1185 : i32
      %dma_start3A_1187 = arith.constant 3200 : i32
      %dma_start3A_1188 = tpu.memref_slice %arg7[%dma_start3A_1187] : memref<6400xi32, #tpu.memory_space<vmem>> -> memref<3200xi32, #tpu.memory_space<vmem>>
      %dma_start3A_1189 = tpu.memref_slice %arg3[%add3A_1186] : memref<320000xi32, #tpu.memory_space<hbm>> -> memref<3200xi32, #tpu.memory_space<hbm>>
      %dma_start3A_1190 = arith.constant 3200 : i32
      %dma_start3A_1191 = tpu.memref_slice %arg7[%dma_start3A_1190] : memref<6400xi32, #tpu.memory_space<vmem>> -> memref<3200xi32, #tpu.memory_space<vmem>>
      %dma_start3A_1192 = tpu.memref_slice %arg3[%add3A_1186] : memref<320000xi32, #tpu.memory_space<hbm>> -> memref<3200xi32, #tpu.memory_space<hbm>>
      tpu.enqueue_dma source(%dma_start3A_1192 : memref<3200xi32, #tpu.memory_space<hbm>>) target(%dma_start3A_1191 : memref<3200xi32, #tpu.memory_space<vmem>>) target_semaphore(%arg14 : memref<!tpu.dma_semaphore, #tpu.memory_space<semaphore_mem>>)
      %dma_start3A_1193 = arith.constant 3200 : i32
      %dma_start3A_1194 = tpu.memref_slice %arg8[%dma_start3A_1193] : memref<6400xi32, #tpu.memory_space<vmem>> -> memref<3200xi32, #tpu.memory_space<vmem>>
      %dma_start3A_1195 = tpu.memref_slice %arg4[%add3A_1186] : memref<320000xi32, #tpu.memory_space<hbm>> -> memref<3200xi32, #tpu.memory_space<hbm>>
      %dma_start3A_1196 = arith.constant 3200 : i32
      %dma_start3A_1197 = tpu.memref_slice %arg8[%dma_start3A_1196] : memref<6400xi32, #tpu.memory_space<vmem>> -> memref<3200xi32, #tpu.memory_space<vmem>>
      %dma_start3A_1198 = tpu.memref_slice %arg4[%add3A_1186] : memref<320000xi32, #tpu.memory_space<hbm>> -> memref<3200xi32, #tpu.memory_space<hbm>>
      tpu.enqueue_dma source(%dma_start3A_1198 : memref<3200xi32, #tpu.memory_space<hbm>>) target(%dma_start3A_1197 : memref<3200xi32, #tpu.memory_space<vmem>>) target_semaphore(%arg14 : memref<!tpu.dma_semaphore, #tpu.memory_space<semaphore_mem>>)
      %mul3A_1199 = arith.constant 3200 : i32
      %mul3A_1200 = arith.muli %arg1, %mul3A_1199 : i32
      %add3A_1201 = arith.constant 51200 : i32
      %add3A_1202 = arith.addi %add3A_1201, %mul3A_1200 : i32
      %dma_start3A_1203 = tpu.memref_slice %arg12[%add3A_1202] : memref<102400xf32, #tpu.memory_space<vmem_shared>> -> memref<3200xf32, #tpu.memory_space<vmem_shared>>
      %dma_start3A_1204 = tpu.memref_slice %arg12[%add3A_1202] : memref<102400xf32, #tpu.memory_space<vmem_shared>> -> memref<3200xf32, #tpu.memory_space<vmem_shared>>
      tpu.enqueue_dma source(%dma_start3A_1204 : memref<3200xf32, #tpu.memory_space<vmem_shared>>) target(%arg10 : memref<3200xf32, #tpu.memory_space<vmem>>) target_semaphore(%arg16 : memref<!tpu.dma_semaphore, #tpu.memory_space<semaphore_mem>>)
      %parallel_loop3A_1205 = arith.constant 0 : i32
      %parallel_loop3A_1206 = arith.constant 200 : i32
      %parallel_loop3A_1207 = arith.constant 1 : i32
      scf.for %parallel_loop3A_1544 = %parallel_loop3A_1205 to %parallel_loop3A_1206 step %parallel_loop3A_1207  : i32 {
        %parallel_loop3A_1545 = arith.constant 16 : i32
        %parallel_loop3A_1546 = arith.muli %parallel_loop3A_1544, %parallel_loop3A_1545 : i32
        %parallel_loop3A_1547 = arith.constant 0 : i32
        %parallel_loop3A_1548 = arith.addi %parallel_loop3A_1547, %parallel_loop3A_1546 : i32
        %parallel_loop3A_1549 = arith.index_cast %parallel_loop3A_1548 : i32 to index
        %parallel_loop3A_1550 = tpu.vector_load %arg7[%parallel_loop3A_1549] {strides = array<i32>} : memref<6400xi32, #tpu.memory_space<vmem>>, vector<16xi32>,
        %parallel_loop3A_1551 = arith.constant 16 : i32
        %parallel_loop3A_1552 = arith.muli %parallel_loop3A_1544, %parallel_loop3A_1551 : i32
        %parallel_loop3A_1553 = arith.constant 0 : i32
        %parallel_loop3A_1554 = arith.addi %parallel_loop3A_1553, %parallel_loop3A_1552 : i32
        %parallel_loop3A_1555 = arith.index_cast %parallel_loop3A_1554 : i32 to index
        %parallel_loop3A_1556 = tpu.vector_load %arg8[%parallel_loop3A_1555] {strides = array<i32>} : memref<6400xi32, #tpu.memory_space<vmem>>, vector<16xi32>,
        %parallel_loop3A_1557 = arith.constant 0.000000e+00 : f32
        %parallel_loop3A_1558 = vector.broadcast %parallel_loop3A_1557 : f32 to vector<16xf32>
        %parallel_loop3A_1559 = arith.constant 0 : i32
        %parallel_loop3A_1560 = vector.broadcast %parallel_loop3A_1559 : i32 to vector<16xi32>
        %parallel_loop3A_1561 = arith.addi %parallel_loop3A_1550, %parallel_loop3A_1560 : vector<16xi32>
        %parallel_loop3A_1562 = tpu.vector_load_idx %arg6[%parallel_loop3A_1561] : memref<40000xi32, #tpu.memory_space<vmem>>[vector<16xi32>], vector<16xi32>,
        %parallel_loop3A_1563 = arith.constant 0 : i32
        %parallel_loop3A_1564 = vector.broadcast %parallel_loop3A_1563 : i32 to vector<16xi32>
        %parallel_loop3A_1565 = arith.addi %parallel_loop3A_1556, %parallel_loop3A_1564 : vector<16xi32>
        %parallel_loop3A_1566 = tpu.vector_load_idx %arg6[%parallel_loop3A_1565] : memref<40000xi32, #tpu.memory_space<vmem>>[vector<16xi32>], vector<16xi32>,
        %parallel_loop3A_1567 = vector.bitcast %parallel_loop3A_1562 : vector<16xi32> to vector<32xbf16>
        %parallel_loop3A_1568 = vector.bitcast %parallel_loop3A_1566 : vector<16xi32> to vector<32xbf16>
        %parallel_loop3A_1569 = arith.mulf %parallel_loop3A_1567, %parallel_loop3A_1568 : vector<32xbf16>
        %parallel_loop3A_1570 = tpu.unpack_subelements %parallel_loop3A_1569, 0 {pack_format = #tpu.pack_format<interleaved>} : vector<32xbf16> -> vector<16xf32>
        %parallel_loop3A_1571 = tpu.unpack_subelements %parallel_loop3A_1569, 1 {pack_format = #tpu.pack_format<interleaved>} : vector<32xbf16> -> vector<16xf32>
        %parallel_loop3A_1572 = arith.addf %parallel_loop3A_1558, %parallel_loop3A_1570 : vector<16xf32>
        %parallel_loop3A_1573 = arith.addf %parallel_loop3A_1572, %parallel_loop3A_1571 : vector<16xf32>
        %parallel_loop3A_1574 = arith.constant 10000 : i32
        %parallel_loop3A_1575 = vector.broadcast %parallel_loop3A_1574 : i32 to vector<16xi32>
        %parallel_loop3A_1576 = arith.addi %parallel_loop3A_1550, %parallel_loop3A_1575 : vector<16xi32>
        %parallel_loop3A_1577 = tpu.vector_load_idx %arg6[%parallel_loop3A_1576] : memref<40000xi32, #tpu.memory_space<vmem>>[vector<16xi32>], vector<16xi32>,
        %parallel_loop3A_1578 = arith.constant 10000 : i32
        %parallel_loop3A_1579 = vector.broadcast %parallel_loop3A_1578 : i32 to vector<16xi32>
        %parallel_loop3A_1580 = arith.addi %parallel_loop3A_1556, %parallel_loop3A_1579 : vector<16xi32>
        %parallel_loop3A_1581 = tpu.vector_load_idx %arg6[%parallel_loop3A_1580] : memref<40000xi32, #tpu.memory_space<vmem>>[vector<16xi32>], vector<16xi32>,
        %parallel_loop3A_1582 = vector.bitcast %parallel_loop3A_1577 : vector<16xi32> to vector<32xbf16>
        %parallel_loop3A_1583 = vector.bitcast %parallel_loop3A_1581 : vector<16xi32> to vector<32xbf16>
        %parallel_loop3A_1584 = arith.mulf %parallel_loop3A_1582, %parallel_loop3A_1583 : vector<32xbf16>
        %parallel_loop3A_1585 = tpu.unpack_subelements %parallel_loop3A_1584, 0 {pack_format = #tpu.pack_format<interleaved>} : vector<32xbf16> -> vector<16xf32>
        %parallel_loop3A_1586 = tpu.unpack_subelements %parallel_loop3A_1584, 1 {pack_format = #tpu.pack_format<interleaved>} : vector<32xbf16> -> vector<16xf32>
        %parallel_loop3A_1587 = arith.addf %parallel_loop3A_1573, %parallel_loop3A_1585 : vector<16xf32>
        %parallel_loop3A_1588 = arith.addf %parallel_loop3A_1587, %parallel_loop3A_1586 : vector<16xf32>
        %parallel_loop3A_1589 = arith.constant 20000 : i32
        %parallel_loop3A_1590 = vector.broadcast %parallel_loop3A_1589 : i32 to vector<16xi32>
        %parallel_loop3A_1591 = arith.addi %parallel_loop3A_1550, %parallel_loop3A_1590 : vector<16xi32>
        %parallel_loop3A_1592 = tpu.vector_load_idx %arg6[%parallel_loop3A_1591] : memref<40000xi32, #tpu.memory_space<vmem>>[vector<16xi32>], vector<16xi32>,
        %parallel_loop3A_1593 = arith.constant 20000 : i32
        %parallel_loop3A_1594 = vector.broadcast %parallel_loop3A_1593 : i32 to vector<16xi32>
        %parallel_loop3A_1595 = arith.addi %parallel_loop3A_1556, %parallel_loop3A_1594 : vector<16xi32>
        %parallel_loop3A_1596 = tpu.vector_load_idx %arg6[%parallel_loop3A_1595] : memref<40000xi32, #tpu.memory_space<vmem>>[vector<16xi32>], vector<16xi32>,
        %parallel_loop3A_1597 = vector.bitcast %parallel_loop3A_1592 : vector<16xi32> to vector<32xbf16>
        %parallel_loop3A_1598 = vector.bitcast %parallel_loop3A_1596 : vector<16xi32> to vector<32xbf16>
        %parallel_loop3A_1599 = arith.mulf %parallel_loop3A_1597, %parallel_loop3A_1598 : vector<32xbf16>
        %parallel_loop3A_1600 = tpu.unpack_subelements %parallel_loop3A_1599, 0 {pack_format = #tpu.pack_format<interleaved>} : vector<32xbf16> -> vector<16xf32>
        %parallel_loop3A_1601 = tpu.unpack_subelements %parallel_loop3A_1599, 1 {pack_format = #tpu.pack_format<interleaved>} : vector<32xbf16> -> vector<16xf32>
        %parallel_loop3A_1602 = arith.addf %parallel_loop3A_1588, %parallel_loop3A_1600 : vector<16xf32>
        %parallel_loop3A_1603 = arith.addf %parallel_loop3A_1602, %parallel_loop3A_1601 : vector<16xf32>
        %parallel_loop3A_1604 = arith.constant 30000 : i32
        %parallel_loop3A_1605 = vector.broadcast %parallel_loop3A_1604 : i32 to vector<16xi32>
        %parallel_loop3A_1606 = arith.addi %parallel_loop3A_1550, %parallel_loop3A_1605 : vector<16xi32>
        %parallel_loop3A_1607 = tpu.vector_load_idx %arg6[%parallel_loop3A_1606] : memref<40000xi32, #tpu.memory_space<vmem>>[vector<16xi32>], vector<16xi32>,
        %parallel_loop3A_1608 = arith.constant 30000 : i32
        %parallel_loop3A_1609 = vector.broadcast %parallel_loop3A_1608 : i32 to vector<16xi32>
        %parallel_loop3A_1610 = arith.addi %parallel_loop3A_1556, %parallel_loop3A_1609 : vector<16xi32>
        %parallel_loop3A_1611 = tpu.vector_load_idx %arg6[%parallel_loop3A_1610] : memref<40000xi32, #tpu.memory_space<vmem>>[vector<16xi32>], vector<16xi32>,
        %parallel_loop3A_1612 = vector.bitcast %parallel_loop3A_1607 : vector<16xi32> to vector<32xbf16>
        %parallel_loop3A_1613 = vector.bitcast %parallel_loop3A_1611 : vector<16xi32> to vector<32xbf16>
        %parallel_loop3A_1614 = arith.mulf %parallel_loop3A_1612, %parallel_loop3A_1613 : vector<32xbf16>
        %parallel_loop3A_1615 = tpu.unpack_subelements %parallel_loop3A_1614, 0 {pack_format = #tpu.pack_format<interleaved>} : vector<32xbf16> -> vector<16xf32>
        %parallel_loop3A_1616 = tpu.unpack_subelements %parallel_loop3A_1614, 1 {pack_format = #tpu.pack_format<interleaved>} : vector<32xbf16> -> vector<16xf32>
        %parallel_loop3A_1617 = arith.addf %parallel_loop3A_1603, %parallel_loop3A_1615 : vector<16xf32>
        %parallel_loop3A_1618 = arith.addf %parallel_loop3A_1617, %parallel_loop3A_1616 : vector<16xf32>
        %parallel_loop3A_1619 = arith.constant 16 : i32
        %parallel_loop3A_1620 = arith.muli %parallel_loop3A_1544, %parallel_loop3A_1619 : i32
        %parallel_loop3A_1621 = arith.index_cast %parallel_loop3A_1620 : i32 to index
        %parallel_loop3A_1622 = tpu.vector_load %arg9[%parallel_loop3A_1621] {strides = array<i32>} : memref<3200xf32, #tpu.memory_space<vmem>>, vector<16xf32>,
        tpu.vector_store %arg9[%parallel_loop3A_1621], %parallel_loop3A_1618 {strides = array<i32>} : memref<3200xf32, #tpu.memory_space<vmem>>, vector<16xf32>,
      } {sc.loop_unroll_factor = 8 : i64, sc.parallel_access}
      %mul3A_1208 = arith.constant 200 : i32
      %mul3A_1209 = arith.muli %arg1, %mul3A_1208 : i32
      %add3A_1210 = arith.constant 0 : i32
      %add3A_1211 = arith.addi %add3A_1210, %mul3A_1209 : i32
      %dma_start3A_1212 = arith.constant 0 : i32
      %dma_start3A_1213 = tpu.memref_slice %arg9[%dma_start3A_1212] : memref<3200xf32, #tpu.memory_space<vmem>> -> memref<200xf32, #tpu.memory_space<vmem>>
      %dma_start3A_1214 = tpu.memref_slice %arg12[%add3A_1211] : memref<102400xf32, #tpu.memory_space<vmem_shared>> -> memref<200xf32, #tpu.memory_space<vmem_shared>>
      %dma_start3A_1215 = tpu.memref_slice %arg12[%add3A_1211] : memref<102400xf32, #tpu.memory_space<vmem_shared>> -> memref<200xf32, #tpu.memory_space<vmem_shared>>
      %dma_start3A_1216 = arith.constant 0 : i32
      %dma_start3A_1217 = tpu.memref_slice %arg9[%dma_start3A_1216] : memref<3200xf32, #tpu.memory_space<vmem>> -> memref<200xf32, #tpu.memory_space<vmem>>
      tpu.enqueue_dma source(%dma_start3A_1217 : memref<200xf32, #tpu.memory_space<vmem>>) target(%dma_start3A_1215 : memref<200xf32, #tpu.memory_space<vmem_shared>>) target_semaphore(%arg15 : memref<!tpu.dma_semaphore, #tpu.memory_space<semaphore_mem>>)
      %mul3A_1218 = arith.constant 200 : i32
      %mul3A_1219 = arith.muli %arg1, %mul3A_1218 : i32
      %add3A_1220 = arith.constant 3200 : i32
      %add3A_1221 = arith.addi %add3A_1220, %mul3A_1219 : i32
      %dma_start3A_1222 = arith.constant 200 : i32
      %dma_start3A_1223 = tpu.memref_slice %arg9[%dma_start3A_1222] : memref<3200xf32, #tpu.memory_space<vmem>> -> memref<200xf32, #tpu.memory_space<vmem>>
      %dma_start3A_1224 = tpu.memref_slice %arg12[%add3A_1221] : memref<102400xf32, #tpu.memory_space<vmem_shared>> -> memref<200xf32, #tpu.memory_space<vmem_shared>>
      %dma_start3A_1225 = tpu.memref_slice %arg12[%add3A_1221] : memref<102400xf32, #tpu.memory_space<vmem_shared>> -> memref<200xf32, #tpu.memory_space<vmem_shared>>
      %dma_start3A_1226 = arith.constant 200 : i32
      %dma_start3A_1227 = tpu.memref_slice %arg9[%dma_start3A_1226] : memref<3200xf32, #tpu.memory_space<vmem>> -> memref<200xf32, #tpu.memory_space<vmem>>
      tpu.enqueue_dma source(%dma_start3A_1227 : memref<200xf32, #tpu.memory_space<vmem>>) target(%dma_start3A_1225 : memref<200xf32, #tpu.memory_space<vmem_shared>>) target_semaphore(%arg15 : memref<!tpu.dma_semaphore, #tpu.memory_space<semaphore_mem>>)
      %mul3A_1228 = arith.constant 200 : i32
      %mul3A_1229 = arith.muli %arg1, %mul3A_1228 : i32
      %add3A_1230 = arith.constant 6400 : i32
      %add3A_1231 = arith.addi %add3A_1230, %mul3A_1229 : i32
      %dma_start3A_1232 = arith.constant 400 : i32
      %dma_start3A_1233 = tpu.memref_slice %arg9[%dma_start3A_1232] : memref<3200xf32, #tpu.memory_space<vmem>> -> memref<200xf32, #tpu.memory_space<vmem>>
      %dma_start3A_1234 = tpu.memref_slice %arg12[%add3A_1231] : memref<102400xf32, #tpu.memory_space<vmem_shared>> -> memref<200xf32, #tpu.memory_space<vmem_shared>>
      %dma_start3A_1235 = tpu.memref_slice %arg12[%add3A_1231] : memref<102400xf32, #tpu.memory_space<vmem_shared>> -> memref<200xf32, #tpu.memory_space<vmem_shared>>
      %dma_start3A_1236 = arith.constant 400 : i32
      %dma_start3A_1237 = tpu.memref_slice %arg9[%dma_start3A_1236] : memref<3200xf32, #tpu.memory_space<vmem>> -> memref<200xf32, #tpu.memory_space<vmem>>
      tpu.enqueue_dma source(%dma_start3A_1237 : memref<200xf32, #tpu.memory_space<vmem>>) target(%dma_start3A_1235 : memref<200xf32, #tpu.memory_space<vmem_shared>>) target_semaphore(%arg15 : memref<!tpu.dma_semaphore, #tpu.memory_space<semaphore_mem>>)
      %mul3A_1238 = arith.constant 200 : i32
      %mul3A_1239 = arith.muli %arg1, %mul3A_1238 : i32
      %add3A_1240 = arith.constant 9600 : i32
      %add3A_1241 = arith.addi %add3A_1240, %mul3A_1239 : i32
      %dma_start3A_1242 = arith.constant 600 : i32
      %dma_start3A_1243 = tpu.memref_slice %arg9[%dma_start3A_1242] : memref<3200xf32, #tpu.memory_space<vmem>> -> memref<200xf32, #tpu.memory_space<vmem>>
      %dma_start3A_1244 = tpu.memref_slice %arg12[%add3A_1241] : memref<102400xf32, #tpu.memory_space<vmem_shared>> -> memref<200xf32, #tpu.memory_space<vmem_shared>>
      %dma_start3A_1245 = tpu.memref_slice %arg12[%add3A_1241] : memref<102400xf32, #tpu.memory_space<vmem_shared>> -> memref<200xf32, #tpu.memory_space<vmem_shared>>
      %dma_start3A_1246 = arith.constant 600 : i32
      %dma_start3A_1247 = tpu.memref_slice %arg9[%dma_start3A_1246] : memref<3200xf32, #tpu.memory_space<vmem>> -> memref<200xf32, #tpu.memory_space<vmem>>
      tpu.enqueue_dma source(%dma_start3A_1247 : memref<200xf32, #tpu.memory_space<vmem>>) target(%dma_start3A_1245 : memref<200xf32, #tpu.memory_space<vmem_shared>>) target_semaphore(%arg15 : memref<!tpu.dma_semaphore, #tpu.memory_space<semaphore_mem>>)
      %mul3A_1248 = arith.constant 200 : i32
      %mul3A_1249 = arith.muli %arg1, %mul3A_1248 : i32
      %add3A_1250 = arith.constant 12800 : i32
      %add3A_1251 = arith.addi %add3A_1250, %mul3A_1249 : i32
      %dma_start3A_1252 = arith.constant 800 : i32
      %dma_start3A_1253 = tpu.memref_slice %arg9[%dma_start3A_1252] : memref<3200xf32, #tpu.memory_space<vmem>> -> memref<200xf32, #tpu.memory_space<vmem>>
      %dma_start3A_1254 = tpu.memref_slice %arg12[%add3A_1251] : memref<102400xf32, #tpu.memory_space<vmem_shared>> -> memref<200xf32, #tpu.memory_space<vmem_shared>>
      %dma_start3A_1255 = tpu.memref_slice %arg12[%add3A_1251] : memref<102400xf32, #tpu.memory_space<vmem_shared>> -> memref<200xf32, #tpu.memory_space<vmem_shared>>
      %dma_start3A_1256 = arith.constant 800 : i32
      %dma_start3A_1257 = tpu.memref_slice %arg9[%dma_start3A_1256] : memref<3200xf32, #tpu.memory_space<vmem>> -> memref<200xf32, #tpu.memory_space<vmem>>
      tpu.enqueue_dma source(%dma_start3A_1257 : memref<200xf32, #tpu.memory_space<vmem>>) target(%dma_start3A_1255 : memref<200xf32, #tpu.memory_space<vmem_shared>>) target_semaphore(%arg15 : memref<!tpu.dma_semaphore, #tpu.memory_space<semaphore_mem>>)
      %mul3A_1258 = arith.constant 200 : i32
      %mul3A_1259 = arith.muli %arg1, %mul3A_1258 : i32
      %add3A_1260 = arith.constant 16000 : i32
      %add3A_1261 = arith.addi %add3A_1260, %mul3A_1259 : i32
      %dma_start3A_1262 = arith.constant 1000 : i32
      %dma_start3A_1263 = tpu.memref_slice %arg9[%dma_start3A_1262] : memref<3200xf32, #tpu.memory_space<vmem>> -> memref<200xf32, #tpu.memory_space<vmem>>
      %dma_start3A_1264 = tpu.memref_slice %arg12[%add3A_1261] : memref<102400xf32, #tpu.memory_space<vmem_shared>> -> memref<200xf32, #tpu.memory_space<vmem_shared>>
      %dma_start3A_1265 = tpu.memref_slice %arg12[%add3A_1261] : memref<102400xf32, #tpu.memory_space<vmem_shared>> -> memref<200xf32, #tpu.memory_space<vmem_shared>>
      %dma_start3A_1266 = arith.constant 1000 : i32
      %dma_start3A_1267 = tpu.memref_slice %arg9[%dma_start3A_1266] : memref<3200xf32, #tpu.memory_space<vmem>> -> memref<200xf32, #tpu.memory_space<vmem>>
      tpu.enqueue_dma source(%dma_start3A_1267 : memref<200xf32, #tpu.memory_space<vmem>>) target(%dma_start3A_1265 : memref<200xf32, #tpu.memory_space<vmem_shared>>) target_semaphore(%arg15 : memref<!tpu.dma_semaphore, #tpu.memory_space<semaphore_mem>>)
      %mul3A_1268 = arith.constant 200 : i32
      %mul3A_1269 = arith.muli %arg1, %mul3A_1268 : i32
      %add3A_1270 = arith.constant 19200 : i32
      %add3A_1271 = arith.addi %add3A_1270, %mul3A_1269 : i32
      %dma_start3A_1272 = arith.constant 1200 : i32
      %dma_start3A_1273 = tpu.memref_slice %arg9[%dma_start3A_1272] : memref<3200xf32, #tpu.memory_space<vmem>> -> memref<200xf32, #tpu.memory_space<vmem>>
      %dma_start3A_1274 = tpu.memref_slice %arg12[%add3A_1271] : memref<102400xf32, #tpu.memory_space<vmem_shared>> -> memref<200xf32, #tpu.memory_space<vmem_shared>>
      %dma_start3A_1275 = tpu.memref_slice %arg12[%add3A_1271] : memref<102400xf32, #tpu.memory_space<vmem_shared>> -> memref<200xf32, #tpu.memory_space<vmem_shared>>
      %dma_start3A_1276 = arith.constant 1200 : i32
      %dma_start3A_1277 = tpu.memref_slice %arg9[%dma_start3A_1276] : memref<3200xf32, #tpu.memory_space<vmem>> -> memref<200xf32, #tpu.memory_space<vmem>>
      tpu.enqueue_dma source(%dma_start3A_1277 : memref<200xf32, #tpu.memory_space<vmem>>) target(%dma_start3A_1275 : memref<200xf32, #tpu.memory_space<vmem_shared>>) target_semaphore(%arg15 : memref<!tpu.dma_semaphore, #tpu.memory_space<semaphore_mem>>)
      %mul3A_1278 = arith.constant 200 : i32
      %mul3A_1279 = arith.muli %arg1, %mul3A_1278 : i32
      %add3A_1280 = arith.constant 22400 : i32
      %add3A_1281 = arith.addi %add3A_1280, %mul3A_1279 : i32
      %dma_start3A_1282 = arith.constant 1400 : i32
      %dma_start3A_1283 = tpu.memref_slice %arg9[%dma_start3A_1282] : memref<3200xf32, #tpu.memory_space<vmem>> -> memref<200xf32, #tpu.memory_space<vmem>>
      %dma_start3A_1284 = tpu.memref_slice %arg12[%add3A_1281] : memref<102400xf32, #tpu.memory_space<vmem_shared>> -> memref<200xf32, #tpu.memory_space<vmem_shared>>
      %dma_start3A_1285 = tpu.memref_slice %arg12[%add3A_1281] : memref<102400xf32, #tpu.memory_space<vmem_shared>> -> memref<200xf32, #tpu.memory_space<vmem_shared>>
      %dma_start3A_1286 = arith.constant 1400 : i32
      %dma_start3A_1287 = tpu.memref_slice %arg9[%dma_start3A_1286] : memref<3200xf32, #tpu.memory_space<vmem>> -> memref<200xf32, #tpu.memory_space<vmem>>
      tpu.enqueue_dma source(%dma_start3A_1287 : memref<200xf32, #tpu.memory_space<vmem>>) target(%dma_start3A_1285 : memref<200xf32, #tpu.memory_space<vmem_shared>>) target_semaphore(%arg15 : memref<!tpu.dma_semaphore, #tpu.memory_space<semaphore_mem>>)
      %mul3A_1288 = arith.constant 200 : i32
      %mul3A_1289 = arith.muli %arg1, %mul3A_1288 : i32
      %add3A_1290 = arith.constant 25600 : i32
      %add3A_1291 = arith.addi %add3A_1290, %mul3A_1289 : i32
      %dma_start3A_1292 = arith.constant 1600 : i32
      %dma_start3A_1293 = tpu.memref_slice %arg9[%dma_start3A_1292] : memref<3200xf32, #tpu.memory_space<vmem>> -> memref<200xf32, #tpu.memory_space<vmem>>
      %dma_start3A_1294 = tpu.memref_slice %arg12[%add3A_1291] : memref<102400xf32, #tpu.memory_space<vmem_shared>> -> memref<200xf32, #tpu.memory_space<vmem_shared>>
      %dma_start3A_1295 = tpu.memref_slice %arg12[%add3A_1291] : memref<102400xf32, #tpu.memory_space<vmem_shared>> -> memref<200xf32, #tpu.memory_space<vmem_shared>>
      %dma_start3A_1296 = arith.constant 1600 : i32
      %dma_start3A_1297 = tpu.memref_slice %arg9[%dma_start3A_1296] : memref<3200xf32, #tpu.memory_space<vmem>> -> memref<200xf32, #tpu.memory_space<vmem>>
      tpu.enqueue_dma source(%dma_start3A_1297 : memref<200xf32, #tpu.memory_space<vmem>>) target(%dma_start3A_1295 : memref<200xf32, #tpu.memory_space<vmem_shared>>) target_semaphore(%arg15 : memref<!tpu.dma_semaphore, #tpu.memory_space<semaphore_mem>>)
      %mul3A_1298 = arith.constant 200 : i32
      %mul3A_1299 = arith.muli %arg1, %mul3A_1298 : i32
      %add3A_1300 = arith.constant 28800 : i32
      %add3A_1301 = arith.addi %add3A_1300, %mul3A_1299 : i32
      %dma_start3A_1302 = arith.constant 1800 : i32
      %dma_start3A_1303 = tpu.memref_slice %arg9[%dma_start3A_1302] : memref<3200xf32, #tpu.memory_space<vmem>> -> memref<200xf32, #tpu.memory_space<vmem>>
      %dma_start3A_1304 = tpu.memref_slice %arg12[%add3A_1301] : memref<102400xf32, #tpu.memory_space<vmem_shared>> -> memref<200xf32, #tpu.memory_space<vmem_shared>>
      %dma_start3A_1305 = tpu.memref_slice %arg12[%add3A_1301] : memref<102400xf32, #tpu.memory_space<vmem_shared>> -> memref<200xf32, #tpu.memory_space<vmem_shared>>
      %dma_start3A_1306 = arith.constant 1800 : i32
      %dma_start3A_1307 = tpu.memref_slice %arg9[%dma_start3A_1306] : memref<3200xf32, #tpu.memory_space<vmem>> -> memref<200xf32, #tpu.memory_space<vmem>>
      tpu.enqueue_dma source(%dma_start3A_1307 : memref<200xf32, #tpu.memory_space<vmem>>) target(%dma_start3A_1305 : memref<200xf32, #tpu.memory_space<vmem_shared>>) target_semaphore(%arg15 : memref<!tpu.dma_semaphore, #tpu.memory_space<semaphore_mem>>)
      %mul3A_1308 = arith.constant 200 : i32
      %mul3A_1309 = arith.muli %arg1, %mul3A_1308 : i32
      %add3A_1310 = arith.constant 32000 : i32
      %add3A_1311 = arith.addi %add3A_1310, %mul3A_1309 : i32
      %dma_start3A_1312 = arith.constant 2000 : i32
      %dma_start3A_1313 = tpu.memref_slice %arg9[%dma_start3A_1312] : memref<3200xf32, #tpu.memory_space<vmem>> -> memref<200xf32, #tpu.memory_space<vmem>>
      %dma_start3A_1314 = tpu.memref_slice %arg12[%add3A_1311] : memref<102400xf32, #tpu.memory_space<vmem_shared>> -> memref<200xf32, #tpu.memory_space<vmem_shared>>
      %dma_start3A_1315 = tpu.memref_slice %arg12[%add3A_1311] : memref<102400xf32, #tpu.memory_space<vmem_shared>> -> memref<200xf32, #tpu.memory_space<vmem_shared>>
      %dma_start3A_1316 = arith.constant 2000 : i32
      %dma_start3A_1317 = tpu.memref_slice %arg9[%dma_start3A_1316] : memref<3200xf32, #tpu.memory_space<vmem>> -> memref<200xf32, #tpu.memory_space<vmem>>
      tpu.enqueue_dma source(%dma_start3A_1317 : memref<200xf32, #tpu.memory_space<vmem>>) target(%dma_start3A_1315 : memref<200xf32, #tpu.memory_space<vmem_shared>>) target_semaphore(%arg15 : memref<!tpu.dma_semaphore, #tpu.memory_space<semaphore_mem>>)
      %mul3A_1318 = arith.constant 200 : i32
      %mul3A_1319 = arith.muli %arg1, %mul3A_1318 : i32
      %add3A_1320 = arith.constant 35200 : i32
      %add3A_1321 = arith.addi %add3A_1320, %mul3A_1319 : i32
      %dma_start3A_1322 = arith.constant 2200 : i32
      %dma_start3A_1323 = tpu.memref_slice %arg9[%dma_start3A_1322] : memref<3200xf32, #tpu.memory_space<vmem>> -> memref<200xf32, #tpu.memory_space<vmem>>
      %dma_start3A_1324 = tpu.memref_slice %arg12[%add3A_1321] : memref<102400xf32, #tpu.memory_space<vmem_shared>> -> memref<200xf32, #tpu.memory_space<vmem_shared>>
      %dma_start3A_1325 = tpu.memref_slice %arg12[%add3A_1321] : memref<102400xf32, #tpu.memory_space<vmem_shared>> -> memref<200xf32, #tpu.memory_space<vmem_shared>>
      %dma_start3A_1326 = arith.constant 2200 : i32
      %dma_start3A_1327 = tpu.memref_slice %arg9[%dma_start3A_1326] : memref<3200xf32, #tpu.memory_space<vmem>> -> memref<200xf32, #tpu.memory_space<vmem>>
      tpu.enqueue_dma source(%dma_start3A_1327 : memref<200xf32, #tpu.memory_space<vmem>>) target(%dma_start3A_1325 : memref<200xf32, #tpu.memory_space<vmem_shared>>) target_semaphore(%arg15 : memref<!tpu.dma_semaphore, #tpu.memory_space<semaphore_mem>>)
      %mul3A_1328 = arith.constant 200 : i32
      %mul3A_1329 = arith.muli %arg1, %mul3A_1328 : i32
      %add3A_1330 = arith.constant 38400 : i32
      %add3A_1331 = arith.addi %add3A_1330, %mul3A_1329 : i32
      %dma_start3A_1332 = arith.constant 2400 : i32
      %dma_start3A_1333 = tpu.memref_slice %arg9[%dma_start3A_1332] : memref<3200xf32, #tpu.memory_space<vmem>> -> memref<200xf32, #tpu.memory_space<vmem>>
      %dma_start3A_1334 = tpu.memref_slice %arg12[%add3A_1331] : memref<102400xf32, #tpu.memory_space<vmem_shared>> -> memref<200xf32, #tpu.memory_space<vmem_shared>>
      %dma_start3A_1335 = tpu.memref_slice %arg12[%add3A_1331] : memref<102400xf32, #tpu.memory_space<vmem_shared>> -> memref<200xf32, #tpu.memory_space<vmem_shared>>
      %dma_start3A_1336 = arith.constant 2400 : i32
      %dma_start3A_1337 = tpu.memref_slice %arg9[%dma_start3A_1336] : memref<3200xf32, #tpu.memory_space<vmem>> -> memref<200xf32, #tpu.memory_space<vmem>>
      tpu.enqueue_dma source(%dma_start3A_1337 : memref<200xf32, #tpu.memory_space<vmem>>) target(%dma_start3A_1335 : memref<200xf32, #tpu.memory_space<vmem_shared>>) target_semaphore(%arg15 : memref<!tpu.dma_semaphore, #tpu.memory_space<semaphore_mem>>)
      %mul3A_1338 = arith.constant 200 : i32
      %mul3A_1339 = arith.muli %arg1, %mul3A_1338 : i32
      %add3A_1340 = arith.constant 41600 : i32
      %add3A_1341 = arith.addi %add3A_1340, %mul3A_1339 : i32
      %dma_start3A_1342 = arith.constant 2600 : i32
      %dma_start3A_1343 = tpu.memref_slice %arg9[%dma_start3A_1342] : memref<3200xf32, #tpu.memory_space<vmem>> -> memref<200xf32, #tpu.memory_space<vmem>>
      %dma_start3A_1344 = tpu.memref_slice %arg12[%add3A_1341] : memref<102400xf32, #tpu.memory_space<vmem_shared>> -> memref<200xf32, #tpu.memory_space<vmem_shared>>
      %dma_start3A_1345 = tpu.memref_slice %arg12[%add3A_1341] : memref<102400xf32, #tpu.memory_space<vmem_shared>> -> memref<200xf32, #tpu.memory_space<vmem_shared>>
      %dma_start3A_1346 = arith.constant 2600 : i32
      %dma_start3A_1347 = tpu.memref_slice %arg9[%dma_start3A_1346] : memref<3200xf32, #tpu.memory_space<vmem>> -> memref<200xf32, #tpu.memory_space<vmem>>
      tpu.enqueue_dma source(%dma_start3A_1347 : memref<200xf32, #tpu.memory_space<vmem>>) target(%dma_start3A_1345 : memref<200xf32, #tpu.memory_space<vmem_shared>>) target_semaphore(%arg15 : memref<!tpu.dma_semaphore, #tpu.memory_space<semaphore_mem>>)
      %mul3A_1348 = arith.constant 200 : i32
      %mul3A_1349 = arith.muli %arg1, %mul3A_1348 : i32
      %add3A_1350 = arith.constant 44800 : i32
      %add3A_1351 = arith.addi %add3A_1350, %mul3A_1349 : i32
      %dma_start3A_1352 = arith.constant 2800 : i32
      %dma_start3A_1353 = tpu.memref_slice %arg9[%dma_start3A_1352] : memref<3200xf32, #tpu.memory_space<vmem>> -> memref<200xf32, #tpu.memory_space<vmem>>
      %dma_start3A_1354 = tpu.memref_slice %arg12[%add3A_1351] : memref<102400xf32, #tpu.memory_space<vmem_shared>> -> memref<200xf32, #tpu.memory_space<vmem_shared>>
      %dma_start3A_1355 = tpu.memref_slice %arg12[%add3A_1351] : memref<102400xf32, #tpu.memory_space<vmem_shared>> -> memref<200xf32, #tpu.memory_space<vmem_shared>>
      %dma_start3A_1356 = arith.constant 2800 : i32
      %dma_start3A_1357 = tpu.memref_slice %arg9[%dma_start3A_1356] : memref<3200xf32, #tpu.memory_space<vmem>> -> memref<200xf32, #tpu.memory_space<vmem>>
      tpu.enqueue_dma source(%dma_start3A_1357 : memref<200xf32, #tpu.memory_space<vmem>>) target(%dma_start3A_1355 : memref<200xf32, #tpu.memory_space<vmem_shared>>) target_semaphore(%arg15 : memref<!tpu.dma_semaphore, #tpu.memory_space<semaphore_mem>>)
      %mul3A_1358 = arith.constant 200 : i32
      %mul3A_1359 = arith.muli %arg1, %mul3A_1358 : i32
      %add3A_1360 = arith.constant 48000 : i32
      %add3A_1361 = arith.addi %add3A_1360, %mul3A_1359 : i32
      %dma_start3A_1362 = arith.constant 3000 : i32
      %dma_start3A_1363 = tpu.memref_slice %arg9[%dma_start3A_1362] : memref<3200xf32, #tpu.memory_space<vmem>> -> memref<200xf32, #tpu.memory_space<vmem>>
      %dma_start3A_1364 = tpu.memref_slice %arg12[%add3A_1361] : memref<102400xf32, #tpu.memory_space<vmem_shared>> -> memref<200xf32, #tpu.memory_space<vmem_shared>>
      %dma_start3A_1365 = tpu.memref_slice %arg12[%add3A_1361] : memref<102400xf32, #tpu.memory_space<vmem_shared>> -> memref<200xf32, #tpu.memory_space<vmem_shared>>
      %dma_start3A_1366 = arith.constant 3000 : i32
      %dma_start3A_1367 = tpu.memref_slice %arg9[%dma_start3A_1366] : memref<3200xf32, #tpu.memory_space<vmem>> -> memref<200xf32, #tpu.memory_space<vmem>>
      tpu.enqueue_dma source(%dma_start3A_1367 : memref<200xf32, #tpu.memory_space<vmem>>) target(%dma_start3A_1365 : memref<200xf32, #tpu.memory_space<vmem_shared>>) target_semaphore(%arg15 : memref<!tpu.dma_semaphore, #tpu.memory_space<semaphore_mem>>)
      %sub3A_1368 = arith.constant 1 : i32
      %sub3A_1369 = arith.subi %add3A_1164, %sub3A_1368 : i32
      %dma_wait3A_1370 = tpu.memref_slice %arg12[%add3A_1202] : memref<102400xf32, #tpu.memory_space<vmem_shared>> -> memref<3200xf32, #tpu.memory_space<vmem_shared>>
      %dma_wait3A_1371 = tpu.memref_slice %arg12[%add3A_1202] : memref<102400xf32, #tpu.memory_space<vmem_shared>> -> memref<3200xf32, #tpu.memory_space<vmem_shared>>
      tpu.wait_dma2 semaphore(%arg16 : memref<!tpu.dma_semaphore, #tpu.memory_space<semaphore_mem>>) src(%dma_wait3A_1371 : memref<3200xf32, #tpu.memory_space<vmem_shared>>) dst(%arg10 : memref<3200xf32, #tpu.memory_space<vmem>>)
      %parallel_loop3A_1372 = arith.constant 0 : i32
      %parallel_loop3A_1373 = arith.constant 12 : i32
      %parallel_loop3A_1374 = arith.constant 1 : i32
      scf.for %parallel_loop3A_1544 = %parallel_loop3A_1372 to %parallel_loop3A_1373 step %parallel_loop3A_1374  : i32 {
        %parallel_loop3A_1545 = arith.constant 16 : i32
        %parallel_loop3A_1546 = arith.muli %parallel_loop3A_1544, %parallel_loop3A_1545 : i32
        %parallel_loop3A_1547 = arith.constant 0.000000e+00 : f32
        %parallel_loop3A_1548 = vector.broadcast %parallel_loop3A_1547 : f32 to vector<16xf32>
        %parallel_loop3A_1549 = arith.constant 0 : i32
        %parallel_loop3A_1550 = arith.addi %parallel_loop3A_1549, %parallel_loop3A_1546 : i32
        %parallel_loop3A_1551 = arith.index_cast %parallel_loop3A_1550 : i32 to index
        %parallel_loop3A_1552 = tpu.vector_load %arg10[%parallel_loop3A_1551] {strides = array<i32>} : memref<3200xf32, #tpu.memory_space<vmem>>, vector<16xf32>,
        %parallel_loop3A_1553 = arith.addf %parallel_loop3A_1548, %parallel_loop3A_1552 : vector<16xf32>
        %parallel_loop3A_1554 = arith.constant 200 : i32
        %parallel_loop3A_1555 = arith.addi %parallel_loop3A_1554, %parallel_loop3A_1546 : i32
        %parallel_loop3A_1556 = arith.index_cast %parallel_loop3A_1555 : i32 to index
        %parallel_loop3A_1557 = tpu.vector_load %arg10[%parallel_loop3A_1556] {strides = array<i32>} : memref<3200xf32, #tpu.memory_space<vmem>>, vector<16xf32>,
        %parallel_loop3A_1558 = arith.addf %parallel_loop3A_1553, %parallel_loop3A_1557 : vector<16xf32>
        %parallel_loop3A_1559 = arith.constant 400 : i32
        %parallel_loop3A_1560 = arith.addi %parallel_loop3A_1559, %parallel_loop3A_1546 : i32
        %parallel_loop3A_1561 = arith.index_cast %parallel_loop3A_1560 : i32 to index
        %parallel_loop3A_1562 = tpu.vector_load %arg10[%parallel_loop3A_1561] {strides = array<i32>} : memref<3200xf32, #tpu.memory_space<vmem>>, vector<16xf32>,
        %parallel_loop3A_1563 = arith.addf %parallel_loop3A_1558, %parallel_loop3A_1562 : vector<16xf32>
        %parallel_loop3A_1564 = arith.constant 600 : i32
        %parallel_loop3A_1565 = arith.addi %parallel_loop3A_1564, %parallel_loop3A_1546 : i32
        %parallel_loop3A_1566 = arith.index_cast %parallel_loop3A_1565 : i32 to index
        %parallel_loop3A_1567 = tpu.vector_load %arg10[%parallel_loop3A_1566] {strides = array<i32>} : memref<3200xf32, #tpu.memory_space<vmem>>, vector<16xf32>,
        %parallel_loop3A_1568 = arith.addf %parallel_loop3A_1563, %parallel_loop3A_1567 : vector<16xf32>
        %parallel_loop3A_1569 = arith.constant 800 : i32
        %parallel_loop3A_1570 = arith.addi %parallel_loop3A_1569, %parallel_loop3A_1546 : i32
        %parallel_loop3A_1571 = arith.index_cast %parallel_loop3A_1570 : i32 to index
        %parallel_loop3A_1572 = tpu.vector_load %arg10[%parallel_loop3A_1571] {strides = array<i32>} : memref<3200xf32, #tpu.memory_space<vmem>>, vector<16xf32>,
        %parallel_loop3A_1573 = arith.addf %parallel_loop3A_1568, %parallel_loop3A_1572 : vector<16xf32>
        %parallel_loop3A_1574 = arith.constant 1000 : i32
        %parallel_loop3A_1575 = arith.addi %parallel_loop3A_1574, %parallel_loop3A_1546 : i32
        %parallel_loop3A_1576 = arith.index_cast %parallel_loop3A_1575 : i32 to index
        %parallel_loop3A_1577 = tpu.vector_load %arg10[%parallel_loop3A_1576] {strides = array<i32>} : memref<3200xf32, #tpu.memory_space<vmem>>, vector<16xf32>,
        %parallel_loop3A_1578 = arith.addf %parallel_loop3A_1573, %parallel_loop3A_1577 : vector<16xf32>
        %parallel_loop3A_1579 = arith.constant 1200 : i32
        %parallel_loop3A_1580 = arith.addi %parallel_loop3A_1579, %parallel_loop3A_1546 : i32
        %parallel_loop3A_1581 = arith.index_cast %parallel_loop3A_1580 : i32 to index
        %parallel_loop3A_1582 = tpu.vector_load %arg10[%parallel_loop3A_1581] {strides = array<i32>} : memref<3200xf32, #tpu.memory_space<vmem>>, vector<16xf32>,
        %parallel_loop3A_1583 = arith.addf %parallel_loop3A_1578, %parallel_loop3A_1582 : vector<16xf32>
        %parallel_loop3A_1584 = arith.constant 1400 : i32
        %parallel_loop3A_1585 = arith.addi %parallel_loop3A_1584, %parallel_loop3A_1546 : i32
        %parallel_loop3A_1586 = arith.index_cast %parallel_loop3A_1585 : i32 to index
        %parallel_loop3A_1587 = tpu.vector_load %arg10[%parallel_loop3A_1586] {strides = array<i32>} : memref<3200xf32, #tpu.memory_space<vmem>>, vector<16xf32>,
        %parallel_loop3A_1588 = arith.addf %parallel_loop3A_1583, %parallel_loop3A_1587 : vector<16xf32>
        %parallel_loop3A_1589 = arith.constant 1600 : i32
        %parallel_loop3A_1590 = arith.addi %parallel_loop3A_1589, %parallel_loop3A_1546 : i32
        %parallel_loop3A_1591 = arith.index_cast %parallel_loop3A_1590 : i32 to index
        %parallel_loop3A_1592 = tpu.vector_load %arg10[%parallel_loop3A_1591] {strides = array<i32>} : memref<3200xf32, #tpu.memory_space<vmem>>, vector<16xf32>,
        %parallel_loop3A_1593 = arith.addf %parallel_loop3A_1588, %parallel_loop3A_1592 : vector<16xf32>
        %parallel_loop3A_1594 = arith.constant 1800 : i32
        %parallel_loop3A_1595 = arith.addi %parallel_loop3A_1594, %parallel_loop3A_1546 : i32
        %parallel_loop3A_1596 = arith.index_cast %parallel_loop3A_1595 : i32 to index
        %parallel_loop3A_1597 = tpu.vector_load %arg10[%parallel_loop3A_1596] {strides = array<i32>} : memref<3200xf32, #tpu.memory_space<vmem>>, vector<16xf32>,
        %parallel_loop3A_1598 = arith.addf %parallel_loop3A_1593, %parallel_loop3A_1597 : vector<16xf32>
        %parallel_loop3A_1599 = arith.constant 2000 : i32
        %parallel_loop3A_1600 = arith.addi %parallel_loop3A_1599, %parallel_loop3A_1546 : i32
        %parallel_loop3A_1601 = arith.index_cast %parallel_loop3A_1600 : i32 to index
        %parallel_loop3A_1602 = tpu.vector_load %arg10[%parallel_loop3A_1601] {strides = array<i32>} : memref<3200xf32, #tpu.memory_space<vmem>>, vector<16xf32>,
        %parallel_loop3A_1603 = arith.addf %parallel_loop3A_1598, %parallel_loop3A_1602 : vector<16xf32>
        %parallel_loop3A_1604 = arith.constant 2200 : i32
        %parallel_loop3A_1605 = arith.addi %parallel_loop3A_1604, %parallel_loop3A_1546 : i32
        %parallel_loop3A_1606 = arith.index_cast %parallel_loop3A_1605 : i32 to index
        %parallel_loop3A_1607 = tpu.vector_load %arg10[%parallel_loop3A_1606] {strides = array<i32>} : memref<3200xf32, #tpu.memory_space<vmem>>, vector<16xf32>,
        %parallel_loop3A_1608 = arith.addf %parallel_loop3A_1603, %parallel_loop3A_1607 : vector<16xf32>
        %parallel_loop3A_1609 = arith.constant 2400 : i32
        %parallel_loop3A_1610 = arith.addi %parallel_loop3A_1609, %parallel_loop3A_1546 : i32
        %parallel_loop3A_1611 = arith.index_cast %parallel_loop3A_1610 : i32 to index
        %parallel_loop3A_1612 = tpu.vector_load %arg10[%parallel_loop3A_1611] {strides = array<i32>} : memref<3200xf32, #tpu.memory_space<vmem>>, vector<16xf32>,
        %parallel_loop3A_1613 = arith.addf %parallel_loop3A_1608, %parallel_loop3A_1612 : vector<16xf32>
        %parallel_loop3A_1614 = arith.constant 2600 : i32
        %parallel_loop3A_1615 = arith.addi %parallel_loop3A_1614, %parallel_loop3A_1546 : i32
        %parallel_loop3A_1616 = arith.index_cast %parallel_loop3A_1615 : i32 to index
        %parallel_loop3A_1617 = tpu.vector_load %arg10[%parallel_loop3A_1616] {strides = array<i32>} : memref<3200xf32, #tpu.memory_space<vmem>>, vector<16xf32>,
        %parallel_loop3A_1618 = arith.addf %parallel_loop3A_1613, %parallel_loop3A_1617 : vector<16xf32>
        %parallel_loop3A_1619 = arith.constant 2800 : i32
        %parallel_loop3A_1620 = arith.addi %parallel_loop3A_1619, %parallel_loop3A_1546 : i32
        %parallel_loop3A_1621 = arith.index_cast %parallel_loop3A_1620 : i32 to index
        %parallel_loop3A_1622 = tpu.vector_load %arg10[%parallel_loop3A_1621] {strides = array<i32>} : memref<3200xf32, #tpu.memory_space<vmem>>, vector<16xf32>,
        %parallel_loop3A_1623 = arith.addf %parallel_loop3A_1618, %parallel_loop3A_1622 : vector<16xf32>
        %parallel_loop3A_1624 = arith.constant 3000 : i32
        %parallel_loop3A_1625 = arith.addi %parallel_loop3A_1624, %parallel_loop3A_1546 : i32
        %parallel_loop3A_1626 = arith.index_cast %parallel_loop3A_1625 : i32 to index
        %parallel_loop3A_1627 = tpu.vector_load %arg10[%parallel_loop3A_1626] {strides = array<i32>} : memref<3200xf32, #tpu.memory_space<vmem>>, vector<16xf32>,
        %parallel_loop3A_1628 = arith.addf %parallel_loop3A_1623, %parallel_loop3A_1627 : vector<16xf32>
        %parallel_loop3A_1629 = arith.constant 0.000000e+00 : f32
        %parallel_loop3A_1630 = vector.broadcast %parallel_loop3A_1629 : f32 to vector<16xf32>
        %parallel_loop3A_1631 = arith.subf %parallel_loop3A_1630, %parallel_loop3A_1628 : vector<16xf32>
        %parallel_loop3A_1632 = math.exp %parallel_loop3A_1631 : vector<16xf32>
        %parallel_loop3A_1633 = arith.constant 1.000000e+00 : f32
        %parallel_loop3A_1634 = vector.broadcast %parallel_loop3A_1633 : f32 to vector<16xf32>
        %parallel_loop3A_1635 = arith.addf %parallel_loop3A_1634, %parallel_loop3A_1632 : vector<16xf32>
        %parallel_loop3A_1636 = arith.constant 1.000000e+00 : f32
        %parallel_loop3A_1637 = vector.broadcast %parallel_loop3A_1636 : f32 to vector<16xf32>
        %parallel_loop3A_1638 = arith.divf %parallel_loop3A_1637, %parallel_loop3A_1635 : vector<16xf32>
        %parallel_loop3A_1639 = arith.index_cast %parallel_loop3A_1546 : i32 to index
        %parallel_loop3A_1640 = tpu.vector_load %arg11[%parallel_loop3A_1639] {strides = array<i32>} : memref<200xf32, #tpu.memory_space<vmem>>, vector<16xf32>,
        tpu.vector_store %arg11[%parallel_loop3A_1639], %parallel_loop3A_1638 {strides = array<i32>} : memref<200xf32, #tpu.memory_space<vmem>>, vector<16xf32>,
      } {sc.loop_unroll_factor = 2 : i64, sc.parallel_access}
      %broadcast_in_dim3A_1375 = arith.constant 0.000000e+00 : f32
      %broadcast_in_dim3A_1376 = vector.broadcast %broadcast_in_dim3A_1375 : f32 to vector<16xf32>
      %get3A_1377 = arith.constant 184 : index
      %get3A_1378 = tpu.vector_load %arg10[%get3A_1377] {strides = array<i32>} : memref<3200xf32, #tpu.memory_space<vmem>>, vector<16xf32>,
      %add3A_1379 = arith.addf %broadcast_in_dim3A_1376, %get3A_1378 : vector<16xf32>
      %get3A_1380 = arith.constant 384 : index
      %get3A_1381 = tpu.vector_load %arg10[%get3A_1380] {strides = array<i32>} : memref<3200xf32, #tpu.memory_space<vmem>>, vector<16xf32>,
      %add3A_1382 = arith.addf %add3A_1379, %get3A_1381 : vector<16xf32>
      %get3A_1383 = arith.constant 584 : index
      %get3A_1384 = tpu.vector_load %arg10[%get3A_1383] {strides = array<i32>} : memref<3200xf32, #tpu.memory_space<vmem>>, vector<16xf32>,
      %add3A_1385 = arith.addf %add3A_1382, %get3A_1384 : vector<16xf32>
      %get3A_1386 = arith.constant 784 : index
      %get3A_1387 = tpu.vector_load %arg10[%get3A_1386] {strides = array<i32>} : memref<3200xf32, #tpu.memory_space<vmem>>, vector<16xf32>,
      %add3A_1388 = arith.addf %add3A_1385, %get3A_1387 : vector<16xf32>
      %get3A_1389 = arith.constant 984 : index
      %get3A_1390 = tpu.vector_load %arg10[%get3A_1389] {strides = array<i32>} : memref<3200xf32, #tpu.memory_space<vmem>>, vector<16xf32>,
      %add3A_1391 = arith.addf %add3A_1388, %get3A_1390 : vector<16xf32>
      %get3A_1392 = arith.constant 1184 : index
      %get3A_1393 = tpu.vector_load %arg10[%get3A_1392] {strides = array<i32>} : memref<3200xf32, #tpu.memory_space<vmem>>, vector<16xf32>,
      %add3A_1394 = arith.addf %add3A_1391, %get3A_1393 : vector<16xf32>
      %get3A_1395 = arith.constant 1384 : index
      %get3A_1396 = tpu.vector_load %arg10[%get3A_1395] {strides = array<i32>} : memref<3200xf32, #tpu.memory_space<vmem>>, vector<16xf32>,
      %add3A_1397 = arith.addf %add3A_1394, %get3A_1396 : vector<16xf32>
      %get3A_1398 = arith.constant 1584 : index
      %get3A_1399 = tpu.vector_load %arg10[%get3A_1398] {strides = array<i32>} : memref<3200xf32, #tpu.memory_space<vmem>>, vector<16xf32>,
      %add3A_1400 = arith.addf %add3A_1397, %get3A_1399 : vector<16xf32>
      %get3A_1401 = arith.constant 1784 : index
      %get3A_1402 = tpu.vector_load %arg10[%get3A_1401] {strides = array<i32>} : memref<3200xf32, #tpu.memory_space<vmem>>, vector<16xf32>,
      %add3A_1403 = arith.addf %add3A_1400, %get3A_1402 : vector<16xf32>
      %get3A_1404 = arith.constant 1984 : index
      %get3A_1405 = tpu.vector_load %arg10[%get3A_1404] {strides = array<i32>} : memref<3200xf32, #tpu.memory_space<vmem>>, vector<16xf32>,
      %add3A_1406 = arith.addf %add3A_1403, %get3A_1405 : vector<16xf32>
      %get3A_1407 = arith.constant 2184 : index
      %get3A_1408 = tpu.vector_load %arg10[%get3A_1407] {strides = array<i32>} : memref<3200xf32, #tpu.memory_space<vmem>>, vector<16xf32>,
      %add3A_1409 = arith.addf %add3A_1406, %get3A_1408 : vector<16xf32>
      %get3A_1410 = arith.constant 2384 : index
      %get3A_1411 = tpu.vector_load %arg10[%get3A_1410] {strides = array<i32>} : memref<3200xf32, #tpu.memory_space<vmem>>, vector<16xf32>,
      %add3A_1412 = arith.addf %add3A_1409, %get3A_1411 : vector<16xf32>
      %get3A_1413 = arith.constant 2584 : index
      %get3A_1414 = tpu.vector_load %arg10[%get3A_1413] {strides = array<i32>} : memref<3200xf32, #tpu.memory_space<vmem>>, vector<16xf32>,
      %add3A_1415 = arith.addf %add3A_1412, %get3A_1414 : vector<16xf32>
      %get3A_1416 = arith.constant 2784 : index
      %get3A_1417 = tpu.vector_load %arg10[%get3A_1416] {strides = array<i32>} : memref<3200xf32, #tpu.memory_space<vmem>>, vector<16xf32>,
      %add3A_1418 = arith.addf %add3A_1415, %get3A_1417 : vector<16xf32>
      %get3A_1419 = arith.constant 2984 : index
      %get3A_1420 = tpu.vector_load %arg10[%get3A_1419] {strides = array<i32>} : memref<3200xf32, #tpu.memory_space<vmem>>, vector<16xf32>,
      %add3A_1421 = arith.addf %add3A_1418, %get3A_1420 : vector<16xf32>
      %get3A_1422 = arith.constant 3184 : index
      %get3A_1423 = tpu.vector_load %arg10[%get3A_1422] {strides = array<i32>} : memref<3200xf32, #tpu.memory_space<vmem>>, vector<16xf32>,
      %add3A_1424 = arith.addf %add3A_1421, %get3A_1423 : vector<16xf32>
      %neg3A_1425 = arith.constant 0.000000e+00 : f32
      %neg3A_1426 = vector.broadcast %neg3A_1425 : f32 to vector<16xf32>
      %neg3A_1427 = arith.subf %neg3A_1426, %add3A_1424 : vector<16xf32>
      %exp3A_1428 = math.exp %neg3A_1427 : vector<16xf32>
      %add3A_1429 = arith.constant 1.000000e+00 : f32
      %add3A_1430 = vector.broadcast %add3A_1429 : f32 to vector<16xf32>
      %add3A_1431 = arith.addf %add3A_1430, %exp3A_1428 : vector<16xf32>
      %div3A_1432 = arith.constant 1.000000e+00 : f32
      %div3A_1433 = vector.broadcast %div3A_1432 : f32 to vector<16xf32>
      %div3A_1434 = arith.divf %div3A_1433, %add3A_1431 : vector<16xf32>
      %swap3A_1435 = arith.constant 184 : index
      %swap3A_1436 = tpu.vector_load %arg11[%swap3A_1435] {strides = array<i32>} : memref<200xf32, #tpu.memory_space<vmem>>, vector<16xf32>,
      tpu.vector_store %arg11[%swap3A_1435], %div3A_1434 {strides = array<i32>} : memref<200xf32, #tpu.memory_space<vmem>>, vector<16xf32>,
      %mul3A_1437 = arith.constant 3200 : i32
      %mul3A_1438 = arith.muli %sub3A_1369, %mul3A_1437 : i32
      %add3A_1439 = arith.addi %mul3A_4, %mul3A_1438 : i32
      %mul3A_1440 = arith.constant 200 : i32
      %mul3A_1441 = arith.muli %arg1, %mul3A_1440 : i32
      %add3A_1442 = arith.addi %add3A_1439, %mul3A_1441 : i32
      %dma_start3A_1443 = tpu.memref_slice %arg5[%add3A_1442] : memref<320000xf32, #tpu.memory_space<hbm>> -> memref<200xf32, #tpu.memory_space<hbm>>
      %dma_start3A_1444 = tpu.memref_slice %arg5[%add3A_1442] : memref<320000xf32, #tpu.memory_space<hbm>> -> memref<200xf32, #tpu.memory_space<hbm>>
      tpu.enqueue_dma source(%arg11 : memref<200xf32, #tpu.memory_space<vmem>>) target(%dma_start3A_1444 : memref<200xf32, #tpu.memory_space<hbm>>) target_semaphore(%arg16 : memref<!tpu.dma_semaphore, #tpu.memory_space<semaphore_mem>>)
      %dma_wait3A_1445 = arith.constant 0 : i32
      %dma_wait3A_1446 = tpu.memref_slice %arg9[%dma_wait3A_1445] : memref<3200xf32, #tpu.memory_space<vmem>> -> memref<200xf32, #tpu.memory_space<vmem>>
      %dma_wait3A_1447 = tpu.memref_slice %arg12[%add3A_1211] : memref<102400xf32, #tpu.memory_space<vmem_shared>> -> memref<200xf32, #tpu.memory_space<vmem_shared>>
      %dma_wait3A_1448 = tpu.memref_slice %arg12[%add3A_1211] : memref<102400xf32, #tpu.memory_space<vmem_shared>> -> memref<200xf32, #tpu.memory_space<vmem_shared>>
      %dma_wait3A_1449 = arith.constant 0 : i32
      %dma_wait3A_1450 = tpu.memref_slice %arg9[%dma_wait3A_1449] : memref<3200xf32, #tpu.memory_space<vmem>> -> memref<200xf32, #tpu.memory_space<vmem>>
      tpu.wait_dma2 semaphore(%arg15 : memref<!tpu.dma_semaphore, #tpu.memory_space<semaphore_mem>>) src(%dma_wait3A_1450 : memref<200xf32, #tpu.memory_space<vmem>>) dst(%dma_wait3A_1448 : memref<200xf32, #tpu.memory_space<vmem_shared>>)
      %dma_wait3A_1451 = arith.constant 200 : i32
      %dma_wait3A_1452 = tpu.memref_slice %arg9[%dma_wait3A_1451] : memref<3200xf32, #tpu.memory_space<vmem>> -> memref<200xf32, #tpu.memory_space<vmem>>
      %dma_wait3A_1453 = tpu.memref_slice %arg12[%add3A_1221] : memref<102400xf32, #tpu.memory_space<vmem_shared>> -> memref<200xf32, #tpu.memory_space<vmem_shared>>
      %dma_wait3A_1454 = tpu.memref_slice %arg12[%add3A_1221] : memref<102400xf32, #tpu.memory_space<vmem_shared>> -> memref<200xf32, #tpu.memory_space<vmem_shared>>
      %dma_wait3A_1455 = arith.constant 200 : i32
      %dma_wait3A_1456 = tpu.memref_slice %arg9[%dma_wait3A_1455] : memref<3200xf32, #tpu.memory_space<vmem>> -> memref<200xf32, #tpu.memory_space<vmem>>
      tpu.wait_dma2 semaphore(%arg15 : memref<!tpu.dma_semaphore, #tpu.memory_space<semaphore_mem>>) src(%dma_wait3A_1456 : memref<200xf32, #tpu.memory_space<vmem>>) dst(%dma_wait3A_1454 : memref<200xf32, #tpu.memory_space<vmem_shared>>)
      %dma_wait3A_1457 = arith.constant 400 : i32
      %dma_wait3A_1458 = tpu.memref_slice %arg9[%dma_wait3A_1457] : memref<3200xf32, #tpu.memory_space<vmem>> -> memref<200xf32, #tpu.memory_space<vmem>>
      %dma_wait3A_1459 = tpu.memref_slice %arg12[%add3A_1231] : memref<102400xf32, #tpu.memory_space<vmem_shared>> -> memref<200xf32, #tpu.memory_space<vmem_shared>>
      %dma_wait3A_1460 = tpu.memref_slice %arg12[%add3A_1231] : memref<102400xf32, #tpu.memory_space<vmem_shared>> -> memref<200xf32, #tpu.memory_space<vmem_shared>>
      %dma_wait3A_1461 = arith.constant 400 : i32
      %dma_wait3A_1462 = tpu.memref_slice %arg9[%dma_wait3A_1461] : memref<3200xf32, #tpu.memory_space<vmem>> -> memref<200xf32, #tpu.memory_space<vmem>>
      tpu.wait_dma2 semaphore(%arg15 : memref<!tpu.dma_semaphore, #tpu.memory_space<semaphore_mem>>) src(%dma_wait3A_1462 : memref<200xf32, #tpu.memory_space<vmem>>) dst(%dma_wait3A_1460 : memref<200xf32, #tpu.memory_space<vmem_shared>>)
      %dma_wait3A_1463 = arith.constant 600 : i32
      %dma_wait3A_1464 = tpu.memref_slice %arg9[%dma_wait3A_1463] : memref<3200xf32, #tpu.memory_space<vmem>> -> memref<200xf32, #tpu.memory_space<vmem>>
      %dma_wait3A_1465 = tpu.memref_slice %arg12[%add3A_1241] : memref<102400xf32, #tpu.memory_space<vmem_shared>> -> memref<200xf32, #tpu.memory_space<vmem_shared>>
      %dma_wait3A_1466 = tpu.memref_slice %arg12[%add3A_1241] : memref<102400xf32, #tpu.memory_space<vmem_shared>> -> memref<200xf32, #tpu.memory_space<vmem_shared>>
      %dma_wait3A_1467 = arith.constant 600 : i32
      %dma_wait3A_1468 = tpu.memref_slice %arg9[%dma_wait3A_1467] : memref<3200xf32, #tpu.memory_space<vmem>> -> memref<200xf32, #tpu.memory_space<vmem>>
      tpu.wait_dma2 semaphore(%arg15 : memref<!tpu.dma_semaphore, #tpu.memory_space<semaphore_mem>>) src(%dma_wait3A_1468 : memref<200xf32, #tpu.memory_space<vmem>>) dst(%dma_wait3A_1466 : memref<200xf32, #tpu.memory_space<vmem_shared>>)
      %dma_wait3A_1469 = arith.constant 800 : i32
      %dma_wait3A_1470 = tpu.memref_slice %arg9[%dma_wait3A_1469] : memref<3200xf32, #tpu.memory_space<vmem>> -> memref<200xf32, #tpu.memory_space<vmem>>
      %dma_wait3A_1471 = tpu.memref_slice %arg12[%add3A_1251] : memref<102400xf32, #tpu.memory_space<vmem_shared>> -> memref<200xf32, #tpu.memory_space<vmem_shared>>
      %dma_wait3A_1472 = tpu.memref_slice %arg12[%add3A_1251] : memref<102400xf32, #tpu.memory_space<vmem_shared>> -> memref<200xf32, #tpu.memory_space<vmem_shared>>
      %dma_wait3A_1473 = arith.constant 800 : i32
      %dma_wait3A_1474 = tpu.memref_slice %arg9[%dma_wait3A_1473] : memref<3200xf32, #tpu.memory_space<vmem>> -> memref<200xf32, #tpu.memory_space<vmem>>
      tpu.wait_dma2 semaphore(%arg15 : memref<!tpu.dma_semaphore, #tpu.memory_space<semaphore_mem>>) src(%dma_wait3A_1474 : memref<200xf32, #tpu.memory_space<vmem>>) dst(%dma_wait3A_1472 : memref<200xf32, #tpu.memory_space<vmem_shared>>)
      %dma_wait3A_1475 = arith.constant 1000 : i32
      %dma_wait3A_1476 = tpu.memref_slice %arg9[%dma_wait3A_1475] : memref<3200xf32, #tpu.memory_space<vmem>> -> memref<200xf32, #tpu.memory_space<vmem>>
      %dma_wait3A_1477 = tpu.memref_slice %arg12[%add3A_1261] : memref<102400xf32, #tpu.memory_space<vmem_shared>> -> memref<200xf32, #tpu.memory_space<vmem_shared>>
      %dma_wait3A_1478 = tpu.memref_slice %arg12[%add3A_1261] : memref<102400xf32, #tpu.memory_space<vmem_shared>> -> memref<200xf32, #tpu.memory_space<vmem_shared>>
      %dma_wait3A_1479 = arith.constant 1000 : i32
      %dma_wait3A_1480 = tpu.memref_slice %arg9[%dma_wait3A_1479] : memref<3200xf32, #tpu.memory_space<vmem>> -> memref<200xf32, #tpu.memory_space<vmem>>
      tpu.wait_dma2 semaphore(%arg15 : memref<!tpu.dma_semaphore, #tpu.memory_space<semaphore_mem>>) src(%dma_wait3A_1480 : memref<200xf32, #tpu.memory_space<vmem>>) dst(%dma_wait3A_1478 : memref<200xf32, #tpu.memory_space<vmem_shared>>)
      %dma_wait3A_1481 = arith.constant 1200 : i32
      %dma_wait3A_1482 = tpu.memref_slice %arg9[%dma_wait3A_1481] : memref<3200xf32, #tpu.memory_space<vmem>> -> memref<200xf32, #tpu.memory_space<vmem>>
      %dma_wait3A_1483 = tpu.memref_slice %arg12[%add3A_1271] : memref<102400xf32, #tpu.memory_space<vmem_shared>> -> memref<200xf32, #tpu.memory_space<vmem_shared>>
      %dma_wait3A_1484 = tpu.memref_slice %arg12[%add3A_1271] : memref<102400xf32, #tpu.memory_space<vmem_shared>> -> memref<200xf32, #tpu.memory_space<vmem_shared>>
      %dma_wait3A_1485 = arith.constant 1200 : i32
      %dma_wait3A_1486 = tpu.memref_slice %arg9[%dma_wait3A_1485] : memref<3200xf32, #tpu.memory_space<vmem>> -> memref<200xf32, #tpu.memory_space<vmem>>
      tpu.wait_dma2 semaphore(%arg15 : memref<!tpu.dma_semaphore, #tpu.memory_space<semaphore_mem>>) src(%dma_wait3A_1486 : memref<200xf32, #tpu.memory_space<vmem>>) dst(%dma_wait3A_1484 : memref<200xf32, #tpu.memory_space<vmem_shared>>)
      %dma_wait3A_1487 = arith.constant 1400 : i32
      %dma_wait3A_1488 = tpu.memref_slice %arg9[%dma_wait3A_1487] : memref<3200xf32, #tpu.memory_space<vmem>> -> memref<200xf32, #tpu.memory_space<vmem>>
      %dma_wait3A_1489 = tpu.memref_slice %arg12[%add3A_1281] : memref<102400xf32, #tpu.memory_space<vmem_shared>> -> memref<200xf32, #tpu.memory_space<vmem_shared>>
      %dma_wait3A_1490 = tpu.memref_slice %arg12[%add3A_1281] : memref<102400xf32, #tpu.memory_space<vmem_shared>> -> memref<200xf32, #tpu.memory_space<vmem_shared>>
      %dma_wait3A_1491 = arith.constant 1400 : i32
      %dma_wait3A_1492 = tpu.memref_slice %arg9[%dma_wait3A_1491] : memref<3200xf32, #tpu.memory_space<vmem>> -> memref<200xf32, #tpu.memory_space<vmem>>
      tpu.wait_dma2 semaphore(%arg15 : memref<!tpu.dma_semaphore, #tpu.memory_space<semaphore_mem>>) src(%dma_wait3A_1492 : memref<200xf32, #tpu.memory_space<vmem>>) dst(%dma_wait3A_1490 : memref<200xf32, #tpu.memory_space<vmem_shared>>)
      %dma_wait3A_1493 = arith.constant 1600 : i32
      %dma_wait3A_1494 = tpu.memref_slice %arg9[%dma_wait3A_1493] : memref<3200xf32, #tpu.memory_space<vmem>> -> memref<200xf32, #tpu.memory_space<vmem>>
      %dma_wait3A_1495 = tpu.memref_slice %arg12[%add3A_1291] : memref<102400xf32, #tpu.memory_space<vmem_shared>> -> memref<200xf32, #tpu.memory_space<vmem_shared>>
      %dma_wait3A_1496 = tpu.memref_slice %arg12[%add3A_1291] : memref<102400xf32, #tpu.memory_space<vmem_shared>> -> memref<200xf32, #tpu.memory_space<vmem_shared>>
      %dma_wait3A_1497 = arith.constant 1600 : i32
      %dma_wait3A_1498 = tpu.memref_slice %arg9[%dma_wait3A_1497] : memref<3200xf32, #tpu.memory_space<vmem>> -> memref<200xf32, #tpu.memory_space<vmem>>
      tpu.wait_dma2 semaphore(%arg15 : memref<!tpu.dma_semaphore, #tpu.memory_space<semaphore_mem>>) src(%dma_wait3A_1498 : memref<200xf32, #tpu.memory_space<vmem>>) dst(%dma_wait3A_1496 : memref<200xf32, #tpu.memory_space<vmem_shared>>)
      %dma_wait3A_1499 = arith.constant 1800 : i32
      %dma_wait3A_1500 = tpu.memref_slice %arg9[%dma_wait3A_1499] : memref<3200xf32, #tpu.memory_space<vmem>> -> memref<200xf32, #tpu.memory_space<vmem>>
      %dma_wait3A_1501 = tpu.memref_slice %arg12[%add3A_1301] : memref<102400xf32, #tpu.memory_space<vmem_shared>> -> memref<200xf32, #tpu.memory_space<vmem_shared>>
      %dma_wait3A_1502 = tpu.memref_slice %arg12[%add3A_1301] : memref<102400xf32, #tpu.memory_space<vmem_shared>> -> memref<200xf32, #tpu.memory_space<vmem_shared>>
      %dma_wait3A_1503 = arith.constant 1800 : i32
      %dma_wait3A_1504 = tpu.memref_slice %arg9[%dma_wait3A_1503] : memref<3200xf32, #tpu.memory_space<vmem>> -> memref<200xf32, #tpu.memory_space<vmem>>
      tpu.wait_dma2 semaphore(%arg15 : memref<!tpu.dma_semaphore, #tpu.memory_space<semaphore_mem>>) src(%dma_wait3A_1504 : memref<200xf32, #tpu.memory_space<vmem>>) dst(%dma_wait3A_1502 : memref<200xf32, #tpu.memory_space<vmem_shared>>)
      %dma_wait3A_1505 = arith.constant 2000 : i32
      %dma_wait3A_1506 = tpu.memref_slice %arg9[%dma_wait3A_1505] : memref<3200xf32, #tpu.memory_space<vmem>> -> memref<200xf32, #tpu.memory_space<vmem>>
      %dma_wait3A_1507 = tpu.memref_slice %arg12[%add3A_1311] : memref<102400xf32, #tpu.memory_space<vmem_shared>> -> memref<200xf32, #tpu.memory_space<vmem_shared>>
      %dma_wait3A_1508 = tpu.memref_slice %arg12[%add3A_1311] : memref<102400xf32, #tpu.memory_space<vmem_shared>> -> memref<200xf32, #tpu.memory_space<vmem_shared>>
      %dma_wait3A_1509 = arith.constant 2000 : i32
      %dma_wait3A_1510 = tpu.memref_slice %arg9[%dma_wait3A_1509] : memref<3200xf32, #tpu.memory_space<vmem>> -> memref<200xf32, #tpu.memory_space<vmem>>
      tpu.wait_dma2 semaphore(%arg15 : memref<!tpu.dma_semaphore, #tpu.memory_space<semaphore_mem>>) src(%dma_wait3A_1510 : memref<200xf32, #tpu.memory_space<vmem>>) dst(%dma_wait3A_1508 : memref<200xf32, #tpu.memory_space<vmem_shared>>)
      %dma_wait3A_1511 = arith.constant 2200 : i32
      %dma_wait3A_1512 = tpu.memref_slice %arg9[%dma_wait3A_1511] : memref<3200xf32, #tpu.memory_space<vmem>> -> memref<200xf32, #tpu.memory_space<vmem>>
      %dma_wait3A_1513 = tpu.memref_slice %arg12[%add3A_1321] : memref<102400xf32, #tpu.memory_space<vmem_shared>> -> memref<200xf32, #tpu.memory_space<vmem_shared>>
      %dma_wait3A_1514 = tpu.memref_slice %arg12[%add3A_1321] : memref<102400xf32, #tpu.memory_space<vmem_shared>> -> memref<200xf32, #tpu.memory_space<vmem_shared>>
      %dma_wait3A_1515 = arith.constant 2200 : i32
      %dma_wait3A_1516 = tpu.memref_slice %arg9[%dma_wait3A_1515] : memref<3200xf32, #tpu.memory_space<vmem>> -> memref<200xf32, #tpu.memory_space<vmem>>
      tpu.wait_dma2 semaphore(%arg15 : memref<!tpu.dma_semaphore, #tpu.memory_space<semaphore_mem>>) src(%dma_wait3A_1516 : memref<200xf32, #tpu.memory_space<vmem>>) dst(%dma_wait3A_1514 : memref<200xf32, #tpu.memory_space<vmem_shared>>)
      %dma_wait3A_1517 = arith.constant 2400 : i32
      %dma_wait3A_1518 = tpu.memref_slice %arg9[%dma_wait3A_1517] : memref<3200xf32, #tpu.memory_space<vmem>> -> memref<200xf32, #tpu.memory_space<vmem>>
      %dma_wait3A_1519 = tpu.memref_slice %arg12[%add3A_1331] : memref<102400xf32, #tpu.memory_space<vmem_shared>> -> memref<200xf32, #tpu.memory_space<vmem_shared>>
      %dma_wait3A_1520 = tpu.memref_slice %arg12[%add3A_1331] : memref<102400xf32, #tpu.memory_space<vmem_shared>> -> memref<200xf32, #tpu.memory_space<vmem_shared>>
      %dma_wait3A_1521 = arith.constant 2400 : i32
      %dma_wait3A_1522 = tpu.memref_slice %arg9[%dma_wait3A_1521] : memref<3200xf32, #tpu.memory_space<vmem>> -> memref<200xf32, #tpu.memory_space<vmem>>
      tpu.wait_dma2 semaphore(%arg15 : memref<!tpu.dma_semaphore, #tpu.memory_space<semaphore_mem>>) src(%dma_wait3A_1522 : memref<200xf32, #tpu.memory_space<vmem>>) dst(%dma_wait3A_1520 : memref<200xf32, #tpu.memory_space<vmem_shared>>)
      %dma_wait3A_1523 = arith.constant 2600 : i32
      %dma_wait3A_1524 = tpu.memref_slice %arg9[%dma_wait3A_1523] : memref<3200xf32, #tpu.memory_space<vmem>> -> memref<200xf32, #tpu.memory_space<vmem>>
      %dma_wait3A_1525 = tpu.memref_slice %arg12[%add3A_1341] : memref<102400xf32, #tpu.memory_space<vmem_shared>> -> memref<200xf32, #tpu.memory_space<vmem_shared>>
      %dma_wait3A_1526 = tpu.memref_slice %arg12[%add3A_1341] : memref<102400xf32, #tpu.memory_space<vmem_shared>> -> memref<200xf32, #tpu.memory_space<vmem_shared>>
      %dma_wait3A_1527 = arith.constant 2600 : i32
      %dma_wait3A_1528 = tpu.memref_slice %arg9[%dma_wait3A_1527] : memref<3200xf32, #tpu.memory_space<vmem>> -> memref<200xf32, #tpu.memory_space<vmem>>
      tpu.wait_dma2 semaphore(%arg15 : memref<!tpu.dma_semaphore, #tpu.memory_space<semaphore_mem>>) src(%dma_wait3A_1528 : memref<200xf32, #tpu.memory_space<vmem>>) dst(%dma_wait3A_1526 : memref<200xf32, #tpu.memory_space<vmem_shared>>)
      %dma_wait3A_1529 = arith.constant 2800 : i32
      %dma_wait3A_1530 = tpu.memref_slice %arg9[%dma_wait3A_1529] : memref<3200xf32, #tpu.memory_space<vmem>> -> memref<200xf32, #tpu.memory_space<vmem>>
      %dma_wait3A_1531 = tpu.memref_slice %arg12[%add3A_1351] : memref<102400xf32, #tpu.memory_space<vmem_shared>> -> memref<200xf32, #tpu.memory_space<vmem_shared>>
      %dma_wait3A_1532 = tpu.memref_slice %arg12[%add3A_1351] : memref<102400xf32, #tpu.memory_space<vmem_shared>> -> memref<200xf32, #tpu.memory_space<vmem_shared>>
      %dma_wait3A_1533 = arith.constant 2800 : i32
      %dma_wait3A_1534 = tpu.memref_slice %arg9[%dma_wait3A_1533] : memref<3200xf32, #tpu.memory_space<vmem>> -> memref<200xf32, #tpu.memory_space<vmem>>
      tpu.wait_dma2 semaphore(%arg15 : memref<!tpu.dma_semaphore, #tpu.memory_space<semaphore_mem>>) src(%dma_wait3A_1534 : memref<200xf32, #tpu.memory_space<vmem>>) dst(%dma_wait3A_1532 : memref<200xf32, #tpu.memory_space<vmem_shared>>)
      %dma_wait3A_1535 = arith.constant 3000 : i32
      %dma_wait3A_1536 = tpu.memref_slice %arg9[%dma_wait3A_1535] : memref<3200xf32, #tpu.memory_space<vmem>> -> memref<200xf32, #tpu.memory_space<vmem>>
      %dma_wait3A_1537 = tpu.memref_slice %arg12[%add3A_1361] : memref<102400xf32, #tpu.memory_space<vmem_shared>> -> memref<200xf32, #tpu.memory_space<vmem_shared>>
      %dma_wait3A_1538 = tpu.memref_slice %arg12[%add3A_1361] : memref<102400xf32, #tpu.memory_space<vmem_shared>> -> memref<200xf32, #tpu.memory_space<vmem_shared>>
      %dma_wait3A_1539 = arith.constant 3000 : i32
      %dma_wait3A_1540 = tpu.memref_slice %arg9[%dma_wait3A_1539] : memref<3200xf32, #tpu.memory_space<vmem>> -> memref<200xf32, #tpu.memory_space<vmem>>
      tpu.wait_dma2 semaphore(%arg15 : memref<!tpu.dma_semaphore, #tpu.memory_space<semaphore_mem>>) src(%dma_wait3A_1540 : memref<200xf32, #tpu.memory_space<vmem>>) dst(%dma_wait3A_1538 : memref<200xf32, #tpu.memory_space<vmem_shared>>)
      %dma_wait3A_1541 = tpu.memref_slice %arg5[%add3A_1442] : memref<320000xf32, #tpu.memory_space<hbm>> -> memref<200xf32, #tpu.memory_space<hbm>>
      %dma_wait3A_1542 = tpu.memref_slice %arg5[%add3A_1442] : memref<320000xf32, #tpu.memory_space<hbm>> -> memref<200xf32, #tpu.memory_space<hbm>>
      tpu.wait_dma2 semaphore(%arg16 : memref<!tpu.dma_semaphore, #tpu.memory_space<semaphore_mem>>) src(%arg11 : memref<200xf32, #tpu.memory_space<vmem>>) dst(%dma_wait3A_1542 : memref<200xf32, #tpu.memory_space<hbm>>)
      %barrier3A_1543 = arith.constant 0 : index
      tpu.barrier barrier_id(%barrier3A_1543)
    }
    %scan3A_313 = arith.constant 24 : i32
    %add3A_314 = arith.constant 156800 : i32
    %add3A_315 = arith.addi %mul3A_4, %add3A_314 : i32
    %dma_wait3A_316 = arith.constant 3200 : i32
    %dma_wait3A_317 = tpu.memref_slice %arg7[%dma_wait3A_316] : memref<6400xi32, #tpu.memory_space<vmem>> -> memref<3200xi32, #tpu.memory_space<vmem>>
    %dma_wait3A_318 = tpu.memref_slice %arg3[%add3A_315] : memref<320000xi32, #tpu.memory_space<hbm>> -> memref<3200xi32, #tpu.memory_space<hbm>>
    %dma_wait3A_319 = arith.constant 3200 : i32
    %dma_wait3A_320 = tpu.memref_slice %arg7[%dma_wait3A_319] : memref<6400xi32, #tpu.memory_space<vmem>> -> memref<3200xi32, #tpu.memory_space<vmem>>
    %dma_wait3A_321 = tpu.memref_slice %arg3[%add3A_315] : memref<320000xi32, #tpu.memory_space<hbm>> -> memref<3200xi32, #tpu.memory_space<hbm>>
    tpu.wait_dma2 semaphore(%arg14 : memref<!tpu.dma_semaphore, #tpu.memory_space<semaphore_mem>>) src(%dma_wait3A_321 : memref<3200xi32, #tpu.memory_space<hbm>>) dst(%dma_wait3A_320 : memref<3200xi32, #tpu.memory_space<vmem>>)
    %dma_wait3A_322 = arith.constant 3200 : i32
    %dma_wait3A_323 = tpu.memref_slice %arg8[%dma_wait3A_322] : memref<6400xi32, #tpu.memory_space<vmem>> -> memref<3200xi32, #tpu.memory_space<vmem>>
    %dma_wait3A_324 = tpu.memref_slice %arg4[%add3A_315] : memref<320000xi32, #tpu.memory_space<hbm>> -> memref<3200xi32, #tpu.memory_space<hbm>>
    %dma_wait3A_325 = arith.constant 3200 : i32
    %dma_wait3A_326 = tpu.memref_slice %arg8[%dma_wait3A_325] : memref<6400xi32, #tpu.memory_space<vmem>> -> memref<3200xi32, #tpu.memory_space<vmem>>
    %dma_wait3A_327 = tpu.memref_slice %arg4[%add3A_315] : memref<320000xi32, #tpu.memory_space<hbm>> -> memref<3200xi32, #tpu.memory_space<hbm>>
    tpu.wait_dma2 semaphore(%arg14 : memref<!tpu.dma_semaphore, #tpu.memory_space<semaphore_mem>>) src(%dma_wait3A_327 : memref<3200xi32, #tpu.memory_space<hbm>>) dst(%dma_wait3A_326 : memref<3200xi32, #tpu.memory_space<vmem>>)
    %min3A_328 = arith.constant 50 : i32
    %min3A_329 = arith.constant 49 : i32
    %min3A_330 = arith.minsi %min3A_328, %min3A_329 : i32
    %mul3A_331 = arith.constant 3200 : i32
    %mul3A_332 = arith.muli %min3A_330, %mul3A_331 : i32
    %add3A_333 = arith.addi %mul3A_4, %mul3A_332 : i32
    %dma_start3A_334 = arith.constant 0 : i32
    %dma_start3A_335 = tpu.memref_slice %arg7[%dma_start3A_334] : memref<6400xi32, #tpu.memory_space<vmem>> -> memref<3200xi32, #tpu.memory_space<vmem>>
    %dma_start3A_336 = tpu.memref_slice %arg3[%add3A_333] : memref<320000xi32, #tpu.memory_space<hbm>> -> memref<3200xi32, #tpu.memory_space<hbm>>
    %dma_start3A_337 = arith.constant 0 : i32
    %dma_start3A_338 = tpu.memref_slice %arg7[%dma_start3A_337] : memref<6400xi32, #tpu.memory_space<vmem>> -> memref<3200xi32, #tpu.memory_space<vmem>>
    %dma_start3A_339 = tpu.memref_slice %arg3[%add3A_333] : memref<320000xi32, #tpu.memory_space<hbm>> -> memref<3200xi32, #tpu.memory_space<hbm>>
    tpu.enqueue_dma source(%dma_start3A_339 : memref<3200xi32, #tpu.memory_space<hbm>>) target(%dma_start3A_338 : memref<3200xi32, #tpu.memory_space<vmem>>) target_semaphore(%arg13 : memref<!tpu.dma_semaphore, #tpu.memory_space<semaphore_mem>>)
    %dma_start3A_340 = arith.constant 0 : i32
    %dma_start3A_341 = tpu.memref_slice %arg8[%dma_start3A_340] : memref<6400xi32, #tpu.memory_space<vmem>> -> memref<3200xi32, #tpu.memory_space<vmem>>
    %dma_start3A_342 = tpu.memref_slice %arg4[%add3A_333] : memref<320000xi32, #tpu.memory_space<hbm>> -> memref<3200xi32, #tpu.memory_space<hbm>>
    %dma_start3A_343 = arith.constant 0 : i32
    %dma_start3A_344 = tpu.memref_slice %arg8[%dma_start3A_343] : memref<6400xi32, #tpu.memory_space<vmem>> -> memref<3200xi32, #tpu.memory_space<vmem>>
    %dma_start3A_345 = tpu.memref_slice %arg4[%add3A_333] : memref<320000xi32, #tpu.memory_space<hbm>> -> memref<3200xi32, #tpu.memory_space<hbm>>
    tpu.enqueue_dma source(%dma_start3A_345 : memref<3200xi32, #tpu.memory_space<hbm>>) target(%dma_start3A_344 : memref<3200xi32, #tpu.memory_space<vmem>>) target_semaphore(%arg13 : memref<!tpu.dma_semaphore, #tpu.memory_space<semaphore_mem>>)
    %mul3A_346 = arith.constant 3200 : i32
    %mul3A_347 = arith.muli %arg1, %mul3A_346 : i32
    %add3A_348 = arith.constant 0 : i32
    %add3A_349 = arith.addi %add3A_348, %mul3A_347 : i32
    %dma_start3A_350 = tpu.memref_slice %arg12[%add3A_349] : memref<102400xf32, #tpu.memory_space<vmem_shared>> -> memref<3200xf32, #tpu.memory_space<vmem_shared>>
    %dma_start3A_351 = tpu.memref_slice %arg12[%add3A_349] : memref<102400xf32, #tpu.memory_space<vmem_shared>> -> memref<3200xf32, #tpu.memory_space<vmem_shared>>
    tpu.enqueue_dma source(%dma_start3A_351 : memref<3200xf32, #tpu.memory_space<vmem_shared>>) target(%arg10 : memref<3200xf32, #tpu.memory_space<vmem>>) target_semaphore(%arg16 : memref<!tpu.dma_semaphore, #tpu.memory_space<semaphore_mem>>)
    %parallel_loop3A_352 = arith.constant 0 : i32
    %parallel_loop3A_353 = arith.constant 200 : i32
    %parallel_loop3A_354 = arith.constant 1 : i32
    scf.for %parallel_loop3A_778 = %parallel_loop3A_352 to %parallel_loop3A_353 step %parallel_loop3A_354  : i32 {
      %parallel_loop3A_779 = arith.constant 16 : i32
      %parallel_loop3A_780 = arith.muli %parallel_loop3A_778, %parallel_loop3A_779 : i32
      %parallel_loop3A_781 = arith.constant 3200 : i32
      %parallel_loop3A_782 = arith.addi %parallel_loop3A_781, %parallel_loop3A_780 : i32
      %parallel_loop3A_783 = arith.index_cast %parallel_loop3A_782 : i32 to index
      %parallel_loop3A_784 = tpu.vector_load %arg7[%parallel_loop3A_783] {strides = array<i32>} : memref<6400xi32, #tpu.memory_space<vmem>>, vector<16xi32>,
      %parallel_loop3A_785 = arith.constant 16 : i32
      %parallel_loop3A_786 = arith.muli %parallel_loop3A_778, %parallel_loop3A_785 : i32
      %parallel_loop3A_787 = arith.constant 3200 : i32
      %parallel_loop3A_788 = arith.addi %parallel_loop3A_787, %parallel_loop3A_786 : i32
      %parallel_loop3A_789 = arith.index_cast %parallel_loop3A_788 : i32 to index
      %parallel_loop3A_790 = tpu.vector_load %arg8[%parallel_loop3A_789] {strides = array<i32>} : memref<6400xi32, #tpu.memory_space<vmem>>, vector<16xi32>,
      %parallel_loop3A_791 = arith.constant 0.000000e+00 : f32
      %parallel_loop3A_792 = vector.broadcast %parallel_loop3A_791 : f32 to vector<16xf32>
      %parallel_loop3A_793 = arith.constant 0 : i32
      %parallel_loop3A_794 = vector.broadcast %parallel_loop3A_793 : i32 to vector<16xi32>
      %parallel_loop3A_795 = arith.addi %parallel_loop3A_784, %parallel_loop3A_794 : vector<16xi32>
      %parallel_loop3A_796 = tpu.vector_load_idx %arg6[%parallel_loop3A_795] : memref<40000xi32, #tpu.memory_space<vmem>>[vector<16xi32>], vector<16xi32>,
      %parallel_loop3A_797 = arith.constant 0 : i32
      %parallel_loop3A_798 = vector.broadcast %parallel_loop3A_797 : i32 to vector<16xi32>
      %parallel_loop3A_799 = arith.addi %parallel_loop3A_790, %parallel_loop3A_798 : vector<16xi32>
      %parallel_loop3A_800 = tpu.vector_load_idx %arg6[%parallel_loop3A_799] : memref<40000xi32, #tpu.memory_space<vmem>>[vector<16xi32>], vector<16xi32>,
      %parallel_loop3A_801 = vector.bitcast %parallel_loop3A_796 : vector<16xi32> to vector<32xbf16>
      %parallel_loop3A_802 = vector.bitcast %parallel_loop3A_800 : vector<16xi32> to vector<32xbf16>
      %parallel_loop3A_803 = arith.mulf %parallel_loop3A_801, %parallel_loop3A_802 : vector<32xbf16>
      %parallel_loop3A_804 = tpu.unpack_subelements %parallel_loop3A_803, 0 {pack_format = #tpu.pack_format<interleaved>} : vector<32xbf16> -> vector<16xf32>
      %parallel_loop3A_805 = tpu.unpack_subelements %parallel_loop3A_803, 1 {pack_format = #tpu.pack_format<interleaved>} : vector<32xbf16> -> vector<16xf32>
      %parallel_loop3A_806 = arith.addf %parallel_loop3A_792, %parallel_loop3A_804 : vector<16xf32>
      %parallel_loop3A_807 = arith.addf %parallel_loop3A_806, %parallel_loop3A_805 : vector<16xf32>
      %parallel_loop3A_808 = arith.constant 10000 : i32
      %parallel_loop3A_809 = vector.broadcast %parallel_loop3A_808 : i32 to vector<16xi32>
      %parallel_loop3A_810 = arith.addi %parallel_loop3A_784, %parallel_loop3A_809 : vector<16xi32>
      %parallel_loop3A_811 = tpu.vector_load_idx %arg6[%parallel_loop3A_810] : memref<40000xi32, #tpu.memory_space<vmem>>[vector<16xi32>], vector<16xi32>,
      %parallel_loop3A_812 = arith.constant 10000 : i32
      %parallel_loop3A_813 = vector.broadcast %parallel_loop3A_812 : i32 to vector<16xi32>
      %parallel_loop3A_814 = arith.addi %parallel_loop3A_790, %parallel_loop3A_813 : vector<16xi32>
      %parallel_loop3A_815 = tpu.vector_load_idx %arg6[%parallel_loop3A_814] : memref<40000xi32, #tpu.memory_space<vmem>>[vector<16xi32>], vector<16xi32>,
      %parallel_loop3A_816 = vector.bitcast %parallel_loop3A_811 : vector<16xi32> to vector<32xbf16>
      %parallel_loop3A_817 = vector.bitcast %parallel_loop3A_815 : vector<16xi32> to vector<32xbf16>
      %parallel_loop3A_818 = arith.mulf %parallel_loop3A_816, %parallel_loop3A_817 : vector<32xbf16>
      %parallel_loop3A_819 = tpu.unpack_subelements %parallel_loop3A_818, 0 {pack_format = #tpu.pack_format<interleaved>} : vector<32xbf16> -> vector<16xf32>
      %parallel_loop3A_820 = tpu.unpack_subelements %parallel_loop3A_818, 1 {pack_format = #tpu.pack_format<interleaved>} : vector<32xbf16> -> vector<16xf32>
      %parallel_loop3A_821 = arith.addf %parallel_loop3A_807, %parallel_loop3A_819 : vector<16xf32>
      %parallel_loop3A_822 = arith.addf %parallel_loop3A_821, %parallel_loop3A_820 : vector<16xf32>
      %parallel_loop3A_823 = arith.constant 20000 : i32
      %parallel_loop3A_824 = vector.broadcast %parallel_loop3A_823 : i32 to vector<16xi32>
      %parallel_loop3A_825 = arith.addi %parallel_loop3A_784, %parallel_loop3A_824 : vector<16xi32>
      %parallel_loop3A_826 = tpu.vector_load_idx %arg6[%parallel_loop3A_825] : memref<40000xi32, #tpu.memory_space<vmem>>[vector<16xi32>], vector<16xi32>,
      %parallel_loop3A_827 = arith.constant 20000 : i32
      %parallel_loop3A_828 = vector.broadcast %parallel_loop3A_827 : i32 to vector<16xi32>
      %parallel_loop3A_829 = arith.addi %parallel_loop3A_790, %parallel_loop3A_828 : vector<16xi32>
      %parallel_loop3A_830 = tpu.vector_load_idx %arg6[%parallel_loop3A_829] : memref<40000xi32, #tpu.memory_space<vmem>>[vector<16xi32>], vector<16xi32>,
      %parallel_loop3A_831 = vector.bitcast %parallel_loop3A_826 : vector<16xi32> to vector<32xbf16>
      %parallel_loop3A_832 = vector.bitcast %parallel_loop3A_830 : vector<16xi32> to vector<32xbf16>
      %parallel_loop3A_833 = arith.mulf %parallel_loop3A_831, %parallel_loop3A_832 : vector<32xbf16>
      %parallel_loop3A_834 = tpu.unpack_subelements %parallel_loop3A_833, 0 {pack_format = #tpu.pack_format<interleaved>} : vector<32xbf16> -> vector<16xf32>
      %parallel_loop3A_835 = tpu.unpack_subelements %parallel_loop3A_833, 1 {pack_format = #tpu.pack_format<interleaved>} : vector<32xbf16> -> vector<16xf32>
      %parallel_loop3A_836 = arith.addf %parallel_loop3A_822, %parallel_loop3A_834 : vector<16xf32>
      %parallel_loop3A_837 = arith.addf %parallel_loop3A_836, %parallel_loop3A_835 : vector<16xf32>
      %parallel_loop3A_838 = arith.constant 30000 : i32
      %parallel_loop3A_839 = vector.broadcast %parallel_loop3A_838 : i32 to vector<16xi32>
      %parallel_loop3A_840 = arith.addi %parallel_loop3A_784, %parallel_loop3A_839 : vector<16xi32>
      %parallel_loop3A_841 = tpu.vector_load_idx %arg6[%parallel_loop3A_840] : memref<40000xi32, #tpu.memory_space<vmem>>[vector<16xi32>], vector<16xi32>,
      %parallel_loop3A_842 = arith.constant 30000 : i32
      %parallel_loop3A_843 = vector.broadcast %parallel_loop3A_842 : i32 to vector<16xi32>
      %parallel_loop3A_844 = arith.addi %parallel_loop3A_790, %parallel_loop3A_843 : vector<16xi32>
      %parallel_loop3A_845 = tpu.vector_load_idx %arg6[%parallel_loop3A_844] : memref<40000xi32, #tpu.memory_space<vmem>>[vector<16xi32>], vector<16xi32>,
      %parallel_loop3A_846 = vector.bitcast %parallel_loop3A_841 : vector<16xi32> to vector<32xbf16>
      %parallel_loop3A_847 = vector.bitcast %parallel_loop3A_845 : vector<16xi32> to vector<32xbf16>
      %parallel_loop3A_848 = arith.mulf %parallel_loop3A_846, %parallel_loop3A_847 : vector<32xbf16>
      %parallel_loop3A_849 = tpu.unpack_subelements %parallel_loop3A_848, 0 {pack_format = #tpu.pack_format<interleaved>} : vector<32xbf16> -> vector<16xf32>
      %parallel_loop3A_850 = tpu.unpack_subelements %parallel_loop3A_848, 1 {pack_format = #tpu.pack_format<interleaved>} : vector<32xbf16> -> vector<16xf32>
      %parallel_loop3A_851 = arith.addf %parallel_loop3A_837, %parallel_loop3A_849 : vector<16xf32>
      %parallel_loop3A_852 = arith.addf %parallel_loop3A_851, %parallel_loop3A_850 : vector<16xf32>
      %parallel_loop3A_853 = arith.constant 16 : i32
      %parallel_loop3A_854 = arith.muli %parallel_loop3A_778, %parallel_loop3A_853 : i32
      %parallel_loop3A_855 = arith.index_cast %parallel_loop3A_854 : i32 to index
      %parallel_loop3A_856 = tpu.vector_load %arg9[%parallel_loop3A_855] {strides = array<i32>} : memref<3200xf32, #tpu.memory_space<vmem>>, vector<16xf32>,
      tpu.vector_store %arg9[%parallel_loop3A_855], %parallel_loop3A_852 {strides = array<i32>} : memref<3200xf32, #tpu.memory_space<vmem>>, vector<16xf32>,
    } {sc.loop_unroll_factor = 8 : i64, sc.parallel_access}
    %mul3A_355 = arith.constant 200 : i32
    %mul3A_356 = arith.muli %arg1, %mul3A_355 : i32
    %add3A_357 = arith.constant 51200 : i32
    %add3A_358 = arith.addi %add3A_357, %mul3A_356 : i32
    %dma_start3A_359 = arith.constant 0 : i32
    %dma_start3A_360 = tpu.memref_slice %arg9[%dma_start3A_359] : memref<3200xf32, #tpu.memory_space<vmem>> -> memref<200xf32, #tpu.memory_space<vmem>>
    %dma_start3A_361 = tpu.memref_slice %arg12[%add3A_358] : memref<102400xf32, #tpu.memory_space<vmem_shared>> -> memref<200xf32, #tpu.memory_space<vmem_shared>>
    %dma_start3A_362 = tpu.memref_slice %arg12[%add3A_358] : memref<102400xf32, #tpu.memory_space<vmem_shared>> -> memref<200xf32, #tpu.memory_space<vmem_shared>>
    %dma_start3A_363 = arith.constant 0 : i32
    %dma_start3A_364 = tpu.memref_slice %arg9[%dma_start3A_363] : memref<3200xf32, #tpu.memory_space<vmem>> -> memref<200xf32, #tpu.memory_space<vmem>>
    tpu.enqueue_dma source(%dma_start3A_364 : memref<200xf32, #tpu.memory_space<vmem>>) target(%dma_start3A_362 : memref<200xf32, #tpu.memory_space<vmem_shared>>) target_semaphore(%arg15 : memref<!tpu.dma_semaphore, #tpu.memory_space<semaphore_mem>>)
    %mul3A_365 = arith.constant 200 : i32
    %mul3A_366 = arith.muli %arg1, %mul3A_365 : i32
    %add3A_367 = arith.constant 54400 : i32
    %add3A_368 = arith.addi %add3A_367, %mul3A_366 : i32
    %dma_start3A_369 = arith.constant 200 : i32
    %dma_start3A_370 = tpu.memref_slice %arg9[%dma_start3A_369] : memref<3200xf32, #tpu.memory_space<vmem>> -> memref<200xf32, #tpu.memory_space<vmem>>
    %dma_start3A_371 = tpu.memref_slice %arg12[%add3A_368] : memref<102400xf32, #tpu.memory_space<vmem_shared>> -> memref<200xf32, #tpu.memory_space<vmem_shared>>
    %dma_start3A_372 = tpu.memref_slice %arg12[%add3A_368] : memref<102400xf32, #tpu.memory_space<vmem_shared>> -> memref<200xf32, #tpu.memory_space<vmem_shared>>
    %dma_start3A_373 = arith.constant 200 : i32
    %dma_start3A_374 = tpu.memref_slice %arg9[%dma_start3A_373] : memref<3200xf32, #tpu.memory_space<vmem>> -> memref<200xf32, #tpu.memory_space<vmem>>
    tpu.enqueue_dma source(%dma_start3A_374 : memref<200xf32, #tpu.memory_space<vmem>>) target(%dma_start3A_372 : memref<200xf32, #tpu.memory_space<vmem_shared>>) target_semaphore(%arg15 : memref<!tpu.dma_semaphore, #tpu.memory_space<semaphore_mem>>)
    %mul3A_375 = arith.constant 200 : i32
    %mul3A_376 = arith.muli %arg1, %mul3A_375 : i32
    %add3A_377 = arith.constant 57600 : i32
    %add3A_378 = arith.addi %add3A_377, %mul3A_376 : i32
    %dma_start3A_379 = arith.constant 400 : i32
    %dma_start3A_380 = tpu.memref_slice %arg9[%dma_start3A_379] : memref<3200xf32, #tpu.memory_space<vmem>> -> memref<200xf32, #tpu.memory_space<vmem>>
    %dma_start3A_381 = tpu.memref_slice %arg12[%add3A_378] : memref<102400xf32, #tpu.memory_space<vmem_shared>> -> memref<200xf32, #tpu.memory_space<vmem_shared>>
    %dma_start3A_382 = tpu.memref_slice %arg12[%add3A_378] : memref<102400xf32, #tpu.memory_space<vmem_shared>> -> memref<200xf32, #tpu.memory_space<vmem_shared>>
    %dma_start3A_383 = arith.constant 400 : i32
    %dma_start3A_384 = tpu.memref_slice %arg9[%dma_start3A_383] : memref<3200xf32, #tpu.memory_space<vmem>> -> memref<200xf32, #tpu.memory_space<vmem>>
    tpu.enqueue_dma source(%dma_start3A_384 : memref<200xf32, #tpu.memory_space<vmem>>) target(%dma_start3A_382 : memref<200xf32, #tpu.memory_space<vmem_shared>>) target_semaphore(%arg15 : memref<!tpu.dma_semaphore, #tpu.memory_space<semaphore_mem>>)
    %mul3A_385 = arith.constant 200 : i32
    %mul3A_386 = arith.muli %arg1, %mul3A_385 : i32
    %add3A_387 = arith.constant 60800 : i32
    %add3A_388 = arith.addi %add3A_387, %mul3A_386 : i32
    %dma_start3A_389 = arith.constant 600 : i32
    %dma_start3A_390 = tpu.memref_slice %arg9[%dma_start3A_389] : memref<3200xf32, #tpu.memory_space<vmem>> -> memref<200xf32, #tpu.memory_space<vmem>>
    %dma_start3A_391 = tpu.memref_slice %arg12[%add3A_388] : memref<102400xf32, #tpu.memory_space<vmem_shared>> -> memref<200xf32, #tpu.memory_space<vmem_shared>>
    %dma_start3A_392 = tpu.memref_slice %arg12[%add3A_388] : memref<102400xf32, #tpu.memory_space<vmem_shared>> -> memref<200xf32, #tpu.memory_space<vmem_shared>>
    %dma_start3A_393 = arith.constant 600 : i32
    %dma_start3A_394 = tpu.memref_slice %arg9[%dma_start3A_393] : memref<3200xf32, #tpu.memory_space<vmem>> -> memref<200xf32, #tpu.memory_space<vmem>>
    tpu.enqueue_dma source(%dma_start3A_394 : memref<200xf32, #tpu.memory_space<vmem>>) target(%dma_start3A_392 : memref<200xf32, #tpu.memory_space<vmem_shared>>) target_semaphore(%arg15 : memref<!tpu.dma_semaphore, #tpu.memory_space<semaphore_mem>>)
    %mul3A_395 = arith.constant 200 : i32
    %mul3A_396 = arith.muli %arg1, %mul3A_395 : i32
    %add3A_397 = arith.constant 64000 : i32
    %add3A_398 = arith.addi %add3A_397, %mul3A_396 : i32
    %dma_start3A_399 = arith.constant 800 : i32
    %dma_start3A_400 = tpu.memref_slice %arg9[%dma_start3A_399] : memref<3200xf32, #tpu.memory_space<vmem>> -> memref<200xf32, #tpu.memory_space<vmem>>
    %dma_start3A_401 = tpu.memref_slice %arg12[%add3A_398] : memref<102400xf32, #tpu.memory_space<vmem_shared>> -> memref<200xf32, #tpu.memory_space<vmem_shared>>
    %dma_start3A_402 = tpu.memref_slice %arg12[%add3A_398] : memref<102400xf32, #tpu.memory_space<vmem_shared>> -> memref<200xf32, #tpu.memory_space<vmem_shared>>
    %dma_start3A_403 = arith.constant 800 : i32
    %dma_start3A_404 = tpu.memref_slice %arg9[%dma_start3A_403] : memref<3200xf32, #tpu.memory_space<vmem>> -> memref<200xf32, #tpu.memory_space<vmem>>
    tpu.enqueue_dma source(%dma_start3A_404 : memref<200xf32, #tpu.memory_space<vmem>>) target(%dma_start3A_402 : memref<200xf32, #tpu.memory_space<vmem_shared>>) target_semaphore(%arg15 : memref<!tpu.dma_semaphore, #tpu.memory_space<semaphore_mem>>)
    %mul3A_405 = arith.constant 200 : i32
    %mul3A_406 = arith.muli %arg1, %mul3A_405 : i32
    %add3A_407 = arith.constant 67200 : i32
    %add3A_408 = arith.addi %add3A_407, %mul3A_406 : i32
    %dma_start3A_409 = arith.constant 1000 : i32
    %dma_start3A_410 = tpu.memref_slice %arg9[%dma_start3A_409] : memref<3200xf32, #tpu.memory_space<vmem>> -> memref<200xf32, #tpu.memory_space<vmem>>
    %dma_start3A_411 = tpu.memref_slice %arg12[%add3A_408] : memref<102400xf32, #tpu.memory_space<vmem_shared>> -> memref<200xf32, #tpu.memory_space<vmem_shared>>
    %dma_start3A_412 = tpu.memref_slice %arg12[%add3A_408] : memref<102400xf32, #tpu.memory_space<vmem_shared>> -> memref<200xf32, #tpu.memory_space<vmem_shared>>
    %dma_start3A_413 = arith.constant 1000 : i32
    %dma_start3A_414 = tpu.memref_slice %arg9[%dma_start3A_413] : memref<3200xf32, #tpu.memory_space<vmem>> -> memref<200xf32, #tpu.memory_space<vmem>>
    tpu.enqueue_dma source(%dma_start3A_414 : memref<200xf32, #tpu.memory_space<vmem>>) target(%dma_start3A_412 : memref<200xf32, #tpu.memory_space<vmem_shared>>) target_semaphore(%arg15 : memref<!tpu.dma_semaphore, #tpu.memory_space<semaphore_mem>>)
    %mul3A_415 = arith.constant 200 : i32
    %mul3A_416 = arith.muli %arg1, %mul3A_415 : i32
    %add3A_417 = arith.constant 70400 : i32
    %add3A_418 = arith.addi %add3A_417, %mul3A_416 : i32
    %dma_start3A_419 = arith.constant 1200 : i32
    %dma_start3A_420 = tpu.memref_slice %arg9[%dma_start3A_419] : memref<3200xf32, #tpu.memory_space<vmem>> -> memref<200xf32, #tpu.memory_space<vmem>>
    %dma_start3A_421 = tpu.memref_slice %arg12[%add3A_418] : memref<102400xf32, #tpu.memory_space<vmem_shared>> -> memref<200xf32, #tpu.memory_space<vmem_shared>>
    %dma_start3A_422 = tpu.memref_slice %arg12[%add3A_418] : memref<102400xf32, #tpu.memory_space<vmem_shared>> -> memref<200xf32, #tpu.memory_space<vmem_shared>>
    %dma_start3A_423 = arith.constant 1200 : i32
    %dma_start3A_424 = tpu.memref_slice %arg9[%dma_start3A_423] : memref<3200xf32, #tpu.memory_space<vmem>> -> memref<200xf32, #tpu.memory_space<vmem>>
    tpu.enqueue_dma source(%dma_start3A_424 : memref<200xf32, #tpu.memory_space<vmem>>) target(%dma_start3A_422 : memref<200xf32, #tpu.memory_space<vmem_shared>>) target_semaphore(%arg15 : memref<!tpu.dma_semaphore, #tpu.memory_space<semaphore_mem>>)
    %mul3A_425 = arith.constant 200 : i32
    %mul3A_426 = arith.muli %arg1, %mul3A_425 : i32
    %add3A_427 = arith.constant 73600 : i32
    %add3A_428 = arith.addi %add3A_427, %mul3A_426 : i32
    %dma_start3A_429 = arith.constant 1400 : i32
    %dma_start3A_430 = tpu.memref_slice %arg9[%dma_start3A_429] : memref<3200xf32, #tpu.memory_space<vmem>> -> memref<200xf32, #tpu.memory_space<vmem>>
    %dma_start3A_431 = tpu.memref_slice %arg12[%add3A_428] : memref<102400xf32, #tpu.memory_space<vmem_shared>> -> memref<200xf32, #tpu.memory_space<vmem_shared>>
    %dma_start3A_432 = tpu.memref_slice %arg12[%add3A_428] : memref<102400xf32, #tpu.memory_space<vmem_shared>> -> memref<200xf32, #tpu.memory_space<vmem_shared>>
    %dma_start3A_433 = arith.constant 1400 : i32
    %dma_start3A_434 = tpu.memref_slice %arg9[%dma_start3A_433] : memref<3200xf32, #tpu.memory_space<vmem>> -> memref<200xf32, #tpu.memory_space<vmem>>
    tpu.enqueue_dma source(%dma_start3A_434 : memref<200xf32, #tpu.memory_space<vmem>>) target(%dma_start3A_432 : memref<200xf32, #tpu.memory_space<vmem_shared>>) target_semaphore(%arg15 : memref<!tpu.dma_semaphore, #tpu.memory_space<semaphore_mem>>)
    %mul3A_435 = arith.constant 200 : i32
    %mul3A_436 = arith.muli %arg1, %mul3A_435 : i32
    %add3A_437 = arith.constant 76800 : i32
    %add3A_438 = arith.addi %add3A_437, %mul3A_436 : i32
    %dma_start3A_439 = arith.constant 1600 : i32
    %dma_start3A_440 = tpu.memref_slice %arg9[%dma_start3A_439] : memref<3200xf32, #tpu.memory_space<vmem>> -> memref<200xf32, #tpu.memory_space<vmem>>
    %dma_start3A_441 = tpu.memref_slice %arg12[%add3A_438] : memref<102400xf32, #tpu.memory_space<vmem_shared>> -> memref<200xf32, #tpu.memory_space<vmem_shared>>
    %dma_start3A_442 = tpu.memref_slice %arg12[%add3A_438] : memref<102400xf32, #tpu.memory_space<vmem_shared>> -> memref<200xf32, #tpu.memory_space<vmem_shared>>
    %dma_start3A_443 = arith.constant 1600 : i32
    %dma_start3A_444 = tpu.memref_slice %arg9[%dma_start3A_443] : memref<3200xf32, #tpu.memory_space<vmem>> -> memref<200xf32, #tpu.memory_space<vmem>>
    tpu.enqueue_dma source(%dma_start3A_444 : memref<200xf32, #tpu.memory_space<vmem>>) target(%dma_start3A_442 : memref<200xf32, #tpu.memory_space<vmem_shared>>) target_semaphore(%arg15 : memref<!tpu.dma_semaphore, #tpu.memory_space<semaphore_mem>>)
    %mul3A_445 = arith.constant 200 : i32
    %mul3A_446 = arith.muli %arg1, %mul3A_445 : i32
    %add3A_447 = arith.constant 80000 : i32
    %add3A_448 = arith.addi %add3A_447, %mul3A_446 : i32
    %dma_start3A_449 = arith.constant 1800 : i32
    %dma_start3A_450 = tpu.memref_slice %arg9[%dma_start3A_449] : memref<3200xf32, #tpu.memory_space<vmem>> -> memref<200xf32, #tpu.memory_space<vmem>>
    %dma_start3A_451 = tpu.memref_slice %arg12[%add3A_448] : memref<102400xf32, #tpu.memory_space<vmem_shared>> -> memref<200xf32, #tpu.memory_space<vmem_shared>>
    %dma_start3A_452 = tpu.memref_slice %arg12[%add3A_448] : memref<102400xf32, #tpu.memory_space<vmem_shared>> -> memref<200xf32, #tpu.memory_space<vmem_shared>>
    %dma_start3A_453 = arith.constant 1800 : i32
    %dma_start3A_454 = tpu.memref_slice %arg9[%dma_start3A_453] : memref<3200xf32, #tpu.memory_space<vmem>> -> memref<200xf32, #tpu.memory_space<vmem>>
    tpu.enqueue_dma source(%dma_start3A_454 : memref<200xf32, #tpu.memory_space<vmem>>) target(%dma_start3A_452 : memref<200xf32, #tpu.memory_space<vmem_shared>>) target_semaphore(%arg15 : memref<!tpu.dma_semaphore, #tpu.memory_space<semaphore_mem>>)
    %mul3A_455 = arith.constant 200 : i32
    %mul3A_456 = arith.muli %arg1, %mul3A_455 : i32
    %add3A_457 = arith.constant 83200 : i32
    %add3A_458 = arith.addi %add3A_457, %mul3A_456 : i32
    %dma_start3A_459 = arith.constant 2000 : i32
    %dma_start3A_460 = tpu.memref_slice %arg9[%dma_start3A_459] : memref<3200xf32, #tpu.memory_space<vmem>> -> memref<200xf32, #tpu.memory_space<vmem>>
    %dma_start3A_461 = tpu.memref_slice %arg12[%add3A_458] : memref<102400xf32, #tpu.memory_space<vmem_shared>> -> memref<200xf32, #tpu.memory_space<vmem_shared>>
    %dma_start3A_462 = tpu.memref_slice %arg12[%add3A_458] : memref<102400xf32, #tpu.memory_space<vmem_shared>> -> memref<200xf32, #tpu.memory_space<vmem_shared>>
    %dma_start3A_463 = arith.constant 2000 : i32
    %dma_start3A_464 = tpu.memref_slice %arg9[%dma_start3A_463] : memref<3200xf32, #tpu.memory_space<vmem>> -> memref<200xf32, #tpu.memory_space<vmem>>
    tpu.enqueue_dma source(%dma_start3A_464 : memref<200xf32, #tpu.memory_space<vmem>>) target(%dma_start3A_462 : memref<200xf32, #tpu.memory_space<vmem_shared>>) target_semaphore(%arg15 : memref<!tpu.dma_semaphore, #tpu.memory_space<semaphore_mem>>)
    %mul3A_465 = arith.constant 200 : i32
    %mul3A_466 = arith.muli %arg1, %mul3A_465 : i32
    %add3A_467 = arith.constant 86400 : i32
    %add3A_468 = arith.addi %add3A_467, %mul3A_466 : i32
    %dma_start3A_469 = arith.constant 2200 : i32
    %dma_start3A_470 = tpu.memref_slice %arg9[%dma_start3A_469] : memref<3200xf32, #tpu.memory_space<vmem>> -> memref<200xf32, #tpu.memory_space<vmem>>
    %dma_start3A_471 = tpu.memref_slice %arg12[%add3A_468] : memref<102400xf32, #tpu.memory_space<vmem_shared>> -> memref<200xf32, #tpu.memory_space<vmem_shared>>
    %dma_start3A_472 = tpu.memref_slice %arg12[%add3A_468] : memref<102400xf32, #tpu.memory_space<vmem_shared>> -> memref<200xf32, #tpu.memory_space<vmem_shared>>
    %dma_start3A_473 = arith.constant 2200 : i32
    %dma_start3A_474 = tpu.memref_slice %arg9[%dma_start3A_473] : memref<3200xf32, #tpu.memory_space<vmem>> -> memref<200xf32, #tpu.memory_space<vmem>>
    tpu.enqueue_dma source(%dma_start3A_474 : memref<200xf32, #tpu.memory_space<vmem>>) target(%dma_start3A_472 : memref<200xf32, #tpu.memory_space<vmem_shared>>) target_semaphore(%arg15 : memref<!tpu.dma_semaphore, #tpu.memory_space<semaphore_mem>>)
    %mul3A_475 = arith.constant 200 : i32
    %mul3A_476 = arith.muli %arg1, %mul3A_475 : i32
    %add3A_477 = arith.constant 89600 : i32
    %add3A_478 = arith.addi %add3A_477, %mul3A_476 : i32
    %dma_start3A_479 = arith.constant 2400 : i32
    %dma_start3A_480 = tpu.memref_slice %arg9[%dma_start3A_479] : memref<3200xf32, #tpu.memory_space<vmem>> -> memref<200xf32, #tpu.memory_space<vmem>>
    %dma_start3A_481 = tpu.memref_slice %arg12[%add3A_478] : memref<102400xf32, #tpu.memory_space<vmem_shared>> -> memref<200xf32, #tpu.memory_space<vmem_shared>>
    %dma_start3A_482 = tpu.memref_slice %arg12[%add3A_478] : memref<102400xf32, #tpu.memory_space<vmem_shared>> -> memref<200xf32, #tpu.memory_space<vmem_shared>>
    %dma_start3A_483 = arith.constant 2400 : i32
    %dma_start3A_484 = tpu.memref_slice %arg9[%dma_start3A_483] : memref<3200xf32, #tpu.memory_space<vmem>> -> memref<200xf32, #tpu.memory_space<vmem>>
    tpu.enqueue_dma source(%dma_start3A_484 : memref<200xf32, #tpu.memory_space<vmem>>) target(%dma_start3A_482 : memref<200xf32, #tpu.memory_space<vmem_shared>>) target_semaphore(%arg15 : memref<!tpu.dma_semaphore, #tpu.memory_space<semaphore_mem>>)
    %mul3A_485 = arith.constant 200 : i32
    %mul3A_486 = arith.muli %arg1, %mul3A_485 : i32
    %add3A_487 = arith.constant 92800 : i32
    %add3A_488 = arith.addi %add3A_487, %mul3A_486 : i32
    %dma_start3A_489 = arith.constant 2600 : i32
    %dma_start3A_490 = tpu.memref_slice %arg9[%dma_start3A_489] : memref<3200xf32, #tpu.memory_space<vmem>> -> memref<200xf32, #tpu.memory_space<vmem>>
    %dma_start3A_491 = tpu.memref_slice %arg12[%add3A_488] : memref<102400xf32, #tpu.memory_space<vmem_shared>> -> memref<200xf32, #tpu.memory_space<vmem_shared>>
    %dma_start3A_492 = tpu.memref_slice %arg12[%add3A_488] : memref<102400xf32, #tpu.memory_space<vmem_shared>> -> memref<200xf32, #tpu.memory_space<vmem_shared>>
    %dma_start3A_493 = arith.constant 2600 : i32
    %dma_start3A_494 = tpu.memref_slice %arg9[%dma_start3A_493] : memref<3200xf32, #tpu.memory_space<vmem>> -> memref<200xf32, #tpu.memory_space<vmem>>
    tpu.enqueue_dma source(%dma_start3A_494 : memref<200xf32, #tpu.memory_space<vmem>>) target(%dma_start3A_492 : memref<200xf32, #tpu.memory_space<vmem_shared>>) target_semaphore(%arg15 : memref<!tpu.dma_semaphore, #tpu.memory_space<semaphore_mem>>)
    %mul3A_495 = arith.constant 200 : i32
    %mul3A_496 = arith.muli %arg1, %mul3A_495 : i32
    %add3A_497 = arith.constant 96000 : i32
    %add3A_498 = arith.addi %add3A_497, %mul3A_496 : i32
    %dma_start3A_499 = arith.constant 2800 : i32
    %dma_start3A_500 = tpu.memref_slice %arg9[%dma_start3A_499] : memref<3200xf32, #tpu.memory_space<vmem>> -> memref<200xf32, #tpu.memory_space<vmem>>
    %dma_start3A_501 = tpu.memref_slice %arg12[%add3A_498] : memref<102400xf32, #tpu.memory_space<vmem_shared>> -> memref<200xf32, #tpu.memory_space<vmem_shared>>
    %dma_start3A_502 = tpu.memref_slice %arg12[%add3A_498] : memref<102400xf32, #tpu.memory_space<vmem_shared>> -> memref<200xf32, #tpu.memory_space<vmem_shared>>
    %dma_start3A_503 = arith.constant 2800 : i32
    %dma_start3A_504 = tpu.memref_slice %arg9[%dma_start3A_503] : memref<3200xf32, #tpu.memory_space<vmem>> -> memref<200xf32, #tpu.memory_space<vmem>>
    tpu.enqueue_dma source(%dma_start3A_504 : memref<200xf32, #tpu.memory_space<vmem>>) target(%dma_start3A_502 : memref<200xf32, #tpu.memory_space<vmem_shared>>) target_semaphore(%arg15 : memref<!tpu.dma_semaphore, #tpu.memory_space<semaphore_mem>>)
    %mul3A_505 = arith.constant 200 : i32
    %mul3A_506 = arith.muli %arg1, %mul3A_505 : i32
    %add3A_507 = arith.constant 99200 : i32
    %add3A_508 = arith.addi %add3A_507, %mul3A_506 : i32
    %dma_start3A_509 = arith.constant 3000 : i32
    %dma_start3A_510 = tpu.memref_slice %arg9[%dma_start3A_509] : memref<3200xf32, #tpu.memory_space<vmem>> -> memref<200xf32, #tpu.memory_space<vmem>>
    %dma_start3A_511 = tpu.memref_slice %arg12[%add3A_508] : memref<102400xf32, #tpu.memory_space<vmem_shared>> -> memref<200xf32, #tpu.memory_space<vmem_shared>>
    %dma_start3A_512 = tpu.memref_slice %arg12[%add3A_508] : memref<102400xf32, #tpu.memory_space<vmem_shared>> -> memref<200xf32, #tpu.memory_space<vmem_shared>>
    %dma_start3A_513 = arith.constant 3000 : i32
    %dma_start3A_514 = tpu.memref_slice %arg9[%dma_start3A_513] : memref<3200xf32, #tpu.memory_space<vmem>> -> memref<200xf32, #tpu.memory_space<vmem>>
    tpu.enqueue_dma source(%dma_start3A_514 : memref<200xf32, #tpu.memory_space<vmem>>) target(%dma_start3A_512 : memref<200xf32, #tpu.memory_space<vmem_shared>>) target_semaphore(%arg15 : memref<!tpu.dma_semaphore, #tpu.memory_space<semaphore_mem>>)
    %dma_wait3A_515 = tpu.memref_slice %arg12[%add3A_349] : memref<102400xf32, #tpu.memory_space<vmem_shared>> -> memref<3200xf32, #tpu.memory_space<vmem_shared>>
    %dma_wait3A_516 = tpu.memref_slice %arg12[%add3A_349] : memref<102400xf32, #tpu.memory_space<vmem_shared>> -> memref<3200xf32, #tpu.memory_space<vmem_shared>>
    tpu.wait_dma2 semaphore(%arg16 : memref<!tpu.dma_semaphore, #tpu.memory_space<semaphore_mem>>) src(%dma_wait3A_516 : memref<3200xf32, #tpu.memory_space<vmem_shared>>) dst(%arg10 : memref<3200xf32, #tpu.memory_space<vmem>>)
    %parallel_loop3A_517 = arith.constant 0 : i32
    %parallel_loop3A_518 = arith.constant 12 : i32
    %parallel_loop3A_519 = arith.constant 1 : i32
    scf.for %parallel_loop3A_778 = %parallel_loop3A_517 to %parallel_loop3A_518 step %parallel_loop3A_519  : i32 {
      %parallel_loop3A_779 = arith.constant 16 : i32
      %parallel_loop3A_780 = arith.muli %parallel_loop3A_778, %parallel_loop3A_779 : i32
      %parallel_loop3A_781 = arith.constant 0.000000e+00 : f32
      %parallel_loop3A_782 = vector.broadcast %parallel_loop3A_781 : f32 to vector<16xf32>
      %parallel_loop3A_783 = arith.constant 0 : i32
      %parallel_loop3A_784 = arith.addi %parallel_loop3A_783, %parallel_loop3A_780 : i32
      %parallel_loop3A_785 = arith.index_cast %parallel_loop3A_784 : i32 to index
      %parallel_loop3A_786 = tpu.vector_load %arg10[%parallel_loop3A_785] {strides = array<i32>} : memref<3200xf32, #tpu.memory_space<vmem>>, vector<16xf32>,
      %parallel_loop3A_787 = arith.addf %parallel_loop3A_782, %parallel_loop3A_786 : vector<16xf32>
      %parallel_loop3A_788 = arith.constant 200 : i32
      %parallel_loop3A_789 = arith.addi %parallel_loop3A_788, %parallel_loop3A_780 : i32
      %parallel_loop3A_790 = arith.index_cast %parallel_loop3A_789 : i32 to index
      %parallel_loop3A_791 = tpu.vector_load %arg10[%parallel_loop3A_790] {strides = array<i32>} : memref<3200xf32, #tpu.memory_space<vmem>>, vector<16xf32>,
      %parallel_loop3A_792 = arith.addf %parallel_loop3A_787, %parallel_loop3A_791 : vector<16xf32>
      %parallel_loop3A_793 = arith.constant 400 : i32
      %parallel_loop3A_794 = arith.addi %parallel_loop3A_793, %parallel_loop3A_780 : i32
      %parallel_loop3A_795 = arith.index_cast %parallel_loop3A_794 : i32 to index
      %parallel_loop3A_796 = tpu.vector_load %arg10[%parallel_loop3A_795] {strides = array<i32>} : memref<3200xf32, #tpu.memory_space<vmem>>, vector<16xf32>,
      %parallel_loop3A_797 = arith.addf %parallel_loop3A_792, %parallel_loop3A_796 : vector<16xf32>
      %parallel_loop3A_798 = arith.constant 600 : i32
      %parallel_loop3A_799 = arith.addi %parallel_loop3A_798, %parallel_loop3A_780 : i32
      %parallel_loop3A_800 = arith.index_cast %parallel_loop3A_799 : i32 to index
      %parallel_loop3A_801 = tpu.vector_load %arg10[%parallel_loop3A_800] {strides = array<i32>} : memref<3200xf32, #tpu.memory_space<vmem>>, vector<16xf32>,
      %parallel_loop3A_802 = arith.addf %parallel_loop3A_797, %parallel_loop3A_801 : vector<16xf32>
      %parallel_loop3A_803 = arith.constant 800 : i32
      %parallel_loop3A_804 = arith.addi %parallel_loop3A_803, %parallel_loop3A_780 : i32
      %parallel_loop3A_805 = arith.index_cast %parallel_loop3A_804 : i32 to index
      %parallel_loop3A_806 = tpu.vector_load %arg10[%parallel_loop3A_805] {strides = array<i32>} : memref<3200xf32, #tpu.memory_space<vmem>>, vector<16xf32>,
      %parallel_loop3A_807 = arith.addf %parallel_loop3A_802, %parallel_loop3A_806 : vector<16xf32>
      %parallel_loop3A_808 = arith.constant 1000 : i32
      %parallel_loop3A_809 = arith.addi %parallel_loop3A_808, %parallel_loop3A_780 : i32
      %parallel_loop3A_810 = arith.index_cast %parallel_loop3A_809 : i32 to index
      %parallel_loop3A_811 = tpu.vector_load %arg10[%parallel_loop3A_810] {strides = array<i32>} : memref<3200xf32, #tpu.memory_space<vmem>>, vector<16xf32>,
      %parallel_loop3A_812 = arith.addf %parallel_loop3A_807, %parallel_loop3A_811 : vector<16xf32>
      %parallel_loop3A_813 = arith.constant 1200 : i32
      %parallel_loop3A_814 = arith.addi %parallel_loop3A_813, %parallel_loop3A_780 : i32
      %parallel_loop3A_815 = arith.index_cast %parallel_loop3A_814 : i32 to index
      %parallel_loop3A_816 = tpu.vector_load %arg10[%parallel_loop3A_815] {strides = array<i32>} : memref<3200xf32, #tpu.memory_space<vmem>>, vector<16xf32>,
      %parallel_loop3A_817 = arith.addf %parallel_loop3A_812, %parallel_loop3A_816 : vector<16xf32>
      %parallel_loop3A_818 = arith.constant 1400 : i32
      %parallel_loop3A_819 = arith.addi %parallel_loop3A_818, %parallel_loop3A_780 : i32
      %parallel_loop3A_820 = arith.index_cast %parallel_loop3A_819 : i32 to index
      %parallel_loop3A_821 = tpu.vector_load %arg10[%parallel_loop3A_820] {strides = array<i32>} : memref<3200xf32, #tpu.memory_space<vmem>>, vector<16xf32>,
      %parallel_loop3A_822 = arith.addf %parallel_loop3A_817, %parallel_loop3A_821 : vector<16xf32>
      %parallel_loop3A_823 = arith.constant 1600 : i32
      %parallel_loop3A_824 = arith.addi %parallel_loop3A_823, %parallel_loop3A_780 : i32
      %parallel_loop3A_825 = arith.index_cast %parallel_loop3A_824 : i32 to index
      %parallel_loop3A_826 = tpu.vector_load %arg10[%parallel_loop3A_825] {strides = array<i32>} : memref<3200xf32, #tpu.memory_space<vmem>>, vector<16xf32>,
      %parallel_loop3A_827 = arith.addf %parallel_loop3A_822, %parallel_loop3A_826 : vector<16xf32>
      %parallel_loop3A_828 = arith.constant 1800 : i32
      %parallel_loop3A_829 = arith.addi %parallel_loop3A_828, %parallel_loop3A_780 : i32
      %parallel_loop3A_830 = arith.index_cast %parallel_loop3A_829 : i32 to index
      %parallel_loop3A_831 = tpu.vector_load %arg10[%parallel_loop3A_830] {strides = array<i32>} : memref<3200xf32, #tpu.memory_space<vmem>>, vector<16xf32>,
      %parallel_loop3A_832 = arith.addf %parallel_loop3A_827, %parallel_loop3A_831 : vector<16xf32>
      %parallel_loop3A_833 = arith.constant 2000 : i32
      %parallel_loop3A_834 = arith.addi %parallel_loop3A_833, %parallel_loop3A_780 : i32
      %parallel_loop3A_835 = arith.index_cast %parallel_loop3A_834 : i32 to index
      %parallel_loop3A_836 = tpu.vector_load %arg10[%parallel_loop3A_835] {strides = array<i32>} : memref<3200xf32, #tpu.memory_space<vmem>>, vector<16xf32>,
      %parallel_loop3A_837 = arith.addf %parallel_loop3A_832, %parallel_loop3A_836 : vector<16xf32>
      %parallel_loop3A_838 = arith.constant 2200 : i32
      %parallel_loop3A_839 = arith.addi %parallel_loop3A_838, %parallel_loop3A_780 : i32
      %parallel_loop3A_840 = arith.index_cast %parallel_loop3A_839 : i32 to index
      %parallel_loop3A_841 = tpu.vector_load %arg10[%parallel_loop3A_840] {strides = array<i32>} : memref<3200xf32, #tpu.memory_space<vmem>>, vector<16xf32>,
      %parallel_loop3A_842 = arith.addf %parallel_loop3A_837, %parallel_loop3A_841 : vector<16xf32>
      %parallel_loop3A_843 = arith.constant 2400 : i32
      %parallel_loop3A_844 = arith.addi %parallel_loop3A_843, %parallel_loop3A_780 : i32
      %parallel_loop3A_845 = arith.index_cast %parallel_loop3A_844 : i32 to index
      %parallel_loop3A_846 = tpu.vector_load %arg10[%parallel_loop3A_845] {strides = array<i32>} : memref<3200xf32, #tpu.memory_space<vmem>>, vector<16xf32>,
      %parallel_loop3A_847 = arith.addf %parallel_loop3A_842, %parallel_loop3A_846 : vector<16xf32>
      %parallel_loop3A_848 = arith.constant 2600 : i32
      %parallel_loop3A_849 = arith.addi %parallel_loop3A_848, %parallel_loop3A_780 : i32
      %parallel_loop3A_850 = arith.index_cast %parallel_loop3A_849 : i32 to index
      %parallel_loop3A_851 = tpu.vector_load %arg10[%parallel_loop3A_850] {strides = array<i32>} : memref<3200xf32, #tpu.memory_space<vmem>>, vector<16xf32>,
      %parallel_loop3A_852 = arith.addf %parallel_loop3A_847, %parallel_loop3A_851 : vector<16xf32>
      %parallel_loop3A_853 = arith.constant 2800 : i32
      %parallel_loop3A_854 = arith.addi %parallel_loop3A_853, %parallel_loop3A_780 : i32
      %parallel_loop3A_855 = arith.index_cast %parallel_loop3A_854 : i32 to index
      %parallel_loop3A_856 = tpu.vector_load %arg10[%parallel_loop3A_855] {strides = array<i32>} : memref<3200xf32, #tpu.memory_space<vmem>>, vector<16xf32>,
      %parallel_loop3A_857 = arith.addf %parallel_loop3A_852, %parallel_loop3A_856 : vector<16xf32>
      %parallel_loop3A_858 = arith.constant 3000 : i32
      %parallel_loop3A_859 = arith.addi %parallel_loop3A_858, %parallel_loop3A_780 : i32
      %parallel_loop3A_860 = arith.index_cast %parallel_loop3A_859 : i32 to index
      %parallel_loop3A_861 = tpu.vector_load %arg10[%parallel_loop3A_860] {strides = array<i32>} : memref<3200xf32, #tpu.memory_space<vmem>>, vector<16xf32>,
      %parallel_loop3A_862 = arith.addf %parallel_loop3A_857, %parallel_loop3A_861 : vector<16xf32>
      %parallel_loop3A_863 = arith.constant 0.000000e+00 : f32
      %parallel_loop3A_864 = vector.broadcast %parallel_loop3A_863 : f32 to vector<16xf32>
      %parallel_loop3A_865 = arith.subf %parallel_loop3A_864, %parallel_loop3A_862 : vector<16xf32>
      %parallel_loop3A_866 = math.exp %parallel_loop3A_865 : vector<16xf32>
      %parallel_loop3A_867 = arith.constant 1.000000e+00 : f32
      %parallel_loop3A_868 = vector.broadcast %parallel_loop3A_867 : f32 to vector<16xf32>
      %parallel_loop3A_869 = arith.addf %parallel_loop3A_868, %parallel_loop3A_866 : vector<16xf32>
      %parallel_loop3A_870 = arith.constant 1.000000e+00 : f32
      %parallel_loop3A_871 = vector.broadcast %parallel_loop3A_870 : f32 to vector<16xf32>
      %parallel_loop3A_872 = arith.divf %parallel_loop3A_871, %parallel_loop3A_869 : vector<16xf32>
      %parallel_loop3A_873 = arith.index_cast %parallel_loop3A_780 : i32 to index
      %parallel_loop3A_874 = tpu.vector_load %arg11[%parallel_loop3A_873] {strides = array<i32>} : memref<200xf32, #tpu.memory_space<vmem>>, vector<16xf32>,
      tpu.vector_store %arg11[%parallel_loop3A_873], %parallel_loop3A_872 {strides = array<i32>} : memref<200xf32, #tpu.memory_space<vmem>>, vector<16xf32>,
    } {sc.loop_unroll_factor = 2 : i64, sc.parallel_access}
    %broadcast_in_dim3A = arith.constant 0.000000e+00 : f32
    %broadcast_in_dim3A_520 = vector.broadcast %broadcast_in_dim3A : f32 to vector<16xf32>
    %get3A = arith.constant 184 : index
    %get3A_521 = tpu.vector_load %arg10[%get3A] {strides = array<i32>} : memref<3200xf32, #tpu.memory_space<vmem>>, vector<16xf32>,
    %add3A_522 = arith.addf %broadcast_in_dim3A_520, %get3A_521 : vector<16xf32>
    %get3A_523 = arith.constant 384 : index
    %get3A_524 = tpu.vector_load %arg10[%get3A_523] {strides = array<i32>} : memref<3200xf32, #tpu.memory_space<vmem>>, vector<16xf32>,
    %add3A_525 = arith.addf %add3A_522, %get3A_524 : vector<16xf32>
    %get3A_526 = arith.constant 584 : index
    %get3A_527 = tpu.vector_load %arg10[%get3A_526] {strides = array<i32>} : memref<3200xf32, #tpu.memory_space<vmem>>, vector<16xf32>,
    %add3A_528 = arith.addf %add3A_525, %get3A_527 : vector<16xf32>
    %get3A_529 = arith.constant 784 : index
    %get3A_530 = tpu.vector_load %arg10[%get3A_529] {strides = array<i32>} : memref<3200xf32, #tpu.memory_space<vmem>>, vector<16xf32>,
    %add3A_531 = arith.addf %add3A_528, %get3A_530 : vector<16xf32>
    %get3A_532 = arith.constant 984 : index
    %get3A_533 = tpu.vector_load %arg10[%get3A_532] {strides = array<i32>} : memref<3200xf32, #tpu.memory_space<vmem>>, vector<16xf32>,
    %add3A_534 = arith.addf %add3A_531, %get3A_533 : vector<16xf32>
    %get3A_535 = arith.constant 1184 : index
    %get3A_536 = tpu.vector_load %arg10[%get3A_535] {strides = array<i32>} : memref<3200xf32, #tpu.memory_space<vmem>>, vector<16xf32>,
    %add3A_537 = arith.addf %add3A_534, %get3A_536 : vector<16xf32>
    %get3A_538 = arith.constant 1384 : index
    %get3A_539 = tpu.vector_load %arg10[%get3A_538] {strides = array<i32>} : memref<3200xf32, #tpu.memory_space<vmem>>, vector<16xf32>,
    %add3A_540 = arith.addf %add3A_537, %get3A_539 : vector<16xf32>
    %get3A_541 = arith.constant 1584 : index
    %get3A_542 = tpu.vector_load %arg10[%get3A_541] {strides = array<i32>} : memref<3200xf32, #tpu.memory_space<vmem>>, vector<16xf32>,
    %add3A_543 = arith.addf %add3A_540, %get3A_542 : vector<16xf32>
    %get3A_544 = arith.constant 1784 : index
    %get3A_545 = tpu.vector_load %arg10[%get3A_544] {strides = array<i32>} : memref<3200xf32, #tpu.memory_space<vmem>>, vector<16xf32>,
    %add3A_546 = arith.addf %add3A_543, %get3A_545 : vector<16xf32>
    %get3A_547 = arith.constant 1984 : index
    %get3A_548 = tpu.vector_load %arg10[%get3A_547] {strides = array<i32>} : memref<3200xf32, #tpu.memory_space<vmem>>, vector<16xf32>,
    %add3A_549 = arith.addf %add3A_546, %get3A_548 : vector<16xf32>
    %get3A_550 = arith.constant 2184 : index
    %get3A_551 = tpu.vector_load %arg10[%get3A_550] {strides = array<i32>} : memref<3200xf32, #tpu.memory_space<vmem>>, vector<16xf32>,
    %add3A_552 = arith.addf %add3A_549, %get3A_551 : vector<16xf32>
    %get3A_553 = arith.constant 2384 : index
    %get3A_554 = tpu.vector_load %arg10[%get3A_553] {strides = array<i32>} : memref<3200xf32, #tpu.memory_space<vmem>>, vector<16xf32>,
    %add3A_555 = arith.addf %add3A_552, %get3A_554 : vector<16xf32>
    %get3A_556 = arith.constant 2584 : index
    %get3A_557 = tpu.vector_load %arg10[%get3A_556] {strides = array<i32>} : memref<3200xf32, #tpu.memory_space<vmem>>, vector<16xf32>,
    %add3A_558 = arith.addf %add3A_555, %get3A_557 : vector<16xf32>
    %get3A_559 = arith.constant 2784 : index
    %get3A_560 = tpu.vector_load %arg10[%get3A_559] {strides = array<i32>} : memref<3200xf32, #tpu.memory_space<vmem>>, vector<16xf32>,
    %add3A_561 = arith.addf %add3A_558, %get3A_560 : vector<16xf32>
    %get3A_562 = arith.constant 2984 : index
    %get3A_563 = tpu.vector_load %arg10[%get3A_562] {strides = array<i32>} : memref<3200xf32, #tpu.memory_space<vmem>>, vector<16xf32>,
    %add3A_564 = arith.addf %add3A_561, %get3A_563 : vector<16xf32>
    %get3A_565 = arith.constant 3184 : index
    %get3A_566 = tpu.vector_load %arg10[%get3A_565] {strides = array<i32>} : memref<3200xf32, #tpu.memory_space<vmem>>, vector<16xf32>,
    %add3A_567 = arith.addf %add3A_564, %get3A_566 : vector<16xf32>
    %neg3A = arith.constant 0.000000e+00 : f32
    %neg3A_568 = vector.broadcast %neg3A : f32 to vector<16xf32>
    %neg3A_569 = arith.subf %neg3A_568, %add3A_567 : vector<16xf32>
    %exp3A = math.exp %neg3A_569 : vector<16xf32>
    %add3A_570 = arith.constant 1.000000e+00 : f32
    %add3A_571 = vector.broadcast %add3A_570 : f32 to vector<16xf32>
    %add3A_572 = arith.addf %add3A_571, %exp3A : vector<16xf32>
    %div3A = arith.constant 1.000000e+00 : f32
    %div3A_573 = vector.broadcast %div3A : f32 to vector<16xf32>
    %div3A_574 = arith.divf %div3A_573, %add3A_572 : vector<16xf32>
    %swap3A = arith.constant 184 : index
    %swap3A_575 = tpu.vector_load %arg11[%swap3A] {strides = array<i32>} : memref<200xf32, #tpu.memory_space<vmem>>, vector<16xf32>,
    tpu.vector_store %arg11[%swap3A], %div3A_574 {strides = array<i32>} : memref<200xf32, #tpu.memory_space<vmem>>, vector<16xf32>,
    %add3A_576 = arith.constant 153600 : i32
    %add3A_577 = arith.addi %mul3A_4, %add3A_576 : i32
    %mul3A_578 = arith.constant 200 : i32
    %mul3A_579 = arith.muli %arg1, %mul3A_578 : i32
    %add3A_580 = arith.addi %add3A_577, %mul3A_579 : i32
    %dma_start3A_581 = tpu.memref_slice %arg5[%add3A_580] : memref<320000xf32, #tpu.memory_space<hbm>> -> memref<200xf32, #tpu.memory_space<hbm>>
    %dma_start3A_582 = tpu.memref_slice %arg5[%add3A_580] : memref<320000xf32, #tpu.memory_space<hbm>> -> memref<200xf32, #tpu.memory_space<hbm>>
    tpu.enqueue_dma source(%arg11 : memref<200xf32, #tpu.memory_space<vmem>>) target(%dma_start3A_582 : memref<200xf32, #tpu.memory_space<hbm>>) target_semaphore(%arg16 : memref<!tpu.dma_semaphore, #tpu.memory_space<semaphore_mem>>)
    %dma_wait3A_583 = arith.constant 0 : i32
    %dma_wait3A_584 = tpu.memref_slice %arg9[%dma_wait3A_583] : memref<3200xf32, #tpu.memory_space<vmem>> -> memref<200xf32, #tpu.memory_space<vmem>>
    %dma_wait3A_585 = tpu.memref_slice %arg12[%add3A_358] : memref<102400xf32, #tpu.memory_space<vmem_shared>> -> memref<200xf32, #tpu.memory_space<vmem_shared>>
    %dma_wait3A_586 = tpu.memref_slice %arg12[%add3A_358] : memref<102400xf32, #tpu.memory_space<vmem_shared>> -> memref<200xf32, #tpu.memory_space<vmem_shared>>
    %dma_wait3A_587 = arith.constant 0 : i32
    %dma_wait3A_588 = tpu.memref_slice %arg9[%dma_wait3A_587] : memref<3200xf32, #tpu.memory_space<vmem>> -> memref<200xf32, #tpu.memory_space<vmem>>
    tpu.wait_dma2 semaphore(%arg15 : memref<!tpu.dma_semaphore, #tpu.memory_space<semaphore_mem>>) src(%dma_wait3A_588 : memref<200xf32, #tpu.memory_space<vmem>>) dst(%dma_wait3A_586 : memref<200xf32, #tpu.memory_space<vmem_shared>>)
    %dma_wait3A_589 = arith.constant 200 : i32
    %dma_wait3A_590 = tpu.memref_slice %arg9[%dma_wait3A_589] : memref<3200xf32, #tpu.memory_space<vmem>> -> memref<200xf32, #tpu.memory_space<vmem>>
    %dma_wait3A_591 = tpu.memref_slice %arg12[%add3A_368] : memref<102400xf32, #tpu.memory_space<vmem_shared>> -> memref<200xf32, #tpu.memory_space<vmem_shared>>
    %dma_wait3A_592 = tpu.memref_slice %arg12[%add3A_368] : memref<102400xf32, #tpu.memory_space<vmem_shared>> -> memref<200xf32, #tpu.memory_space<vmem_shared>>
    %dma_wait3A_593 = arith.constant 200 : i32
    %dma_wait3A_594 = tpu.memref_slice %arg9[%dma_wait3A_593] : memref<3200xf32, #tpu.memory_space<vmem>> -> memref<200xf32, #tpu.memory_space<vmem>>
    tpu.wait_dma2 semaphore(%arg15 : memref<!tpu.dma_semaphore, #tpu.memory_space<semaphore_mem>>) src(%dma_wait3A_594 : memref<200xf32, #tpu.memory_space<vmem>>) dst(%dma_wait3A_592 : memref<200xf32, #tpu.memory_space<vmem_shared>>)
    %dma_wait3A_595 = arith.constant 400 : i32
    %dma_wait3A_596 = tpu.memref_slice %arg9[%dma_wait3A_595] : memref<3200xf32, #tpu.memory_space<vmem>> -> memref<200xf32, #tpu.memory_space<vmem>>
    %dma_wait3A_597 = tpu.memref_slice %arg12[%add3A_378] : memref<102400xf32, #tpu.memory_space<vmem_shared>> -> memref<200xf32, #tpu.memory_space<vmem_shared>>
    %dma_wait3A_598 = tpu.memref_slice %arg12[%add3A_378] : memref<102400xf32, #tpu.memory_space<vmem_shared>> -> memref<200xf32, #tpu.memory_space<vmem_shared>>
    %dma_wait3A_599 = arith.constant 400 : i32
    %dma_wait3A_600 = tpu.memref_slice %arg9[%dma_wait3A_599] : memref<3200xf32, #tpu.memory_space<vmem>> -> memref<200xf32, #tpu.memory_space<vmem>>
    tpu.wait_dma2 semaphore(%arg15 : memref<!tpu.dma_semaphore, #tpu.memory_space<semaphore_mem>>) src(%dma_wait3A_600 : memref<200xf32, #tpu.memory_space<vmem>>) dst(%dma_wait3A_598 : memref<200xf32, #tpu.memory_space<vmem_shared>>)
    %dma_wait3A_601 = arith.constant 600 : i32
    %dma_wait3A_602 = tpu.memref_slice %arg9[%dma_wait3A_601] : memref<3200xf32, #tpu.memory_space<vmem>> -> memref<200xf32, #tpu.memory_space<vmem>>
    %dma_wait3A_603 = tpu.memref_slice %arg12[%add3A_388] : memref<102400xf32, #tpu.memory_space<vmem_shared>> -> memref<200xf32, #tpu.memory_space<vmem_shared>>
    %dma_wait3A_604 = tpu.memref_slice %arg12[%add3A_388] : memref<102400xf32, #tpu.memory_space<vmem_shared>> -> memref<200xf32, #tpu.memory_space<vmem_shared>>
    %dma_wait3A_605 = arith.constant 600 : i32
    %dma_wait3A_606 = tpu.memref_slice %arg9[%dma_wait3A_605] : memref<3200xf32, #tpu.memory_space<vmem>> -> memref<200xf32, #tpu.memory_space<vmem>>
    tpu.wait_dma2 semaphore(%arg15 : memref<!tpu.dma_semaphore, #tpu.memory_space<semaphore_mem>>) src(%dma_wait3A_606 : memref<200xf32, #tpu.memory_space<vmem>>) dst(%dma_wait3A_604 : memref<200xf32, #tpu.memory_space<vmem_shared>>)
    %dma_wait3A_607 = arith.constant 800 : i32
    %dma_wait3A_608 = tpu.memref_slice %arg9[%dma_wait3A_607] : memref<3200xf32, #tpu.memory_space<vmem>> -> memref<200xf32, #tpu.memory_space<vmem>>
    %dma_wait3A_609 = tpu.memref_slice %arg12[%add3A_398] : memref<102400xf32, #tpu.memory_space<vmem_shared>> -> memref<200xf32, #tpu.memory_space<vmem_shared>>
    %dma_wait3A_610 = tpu.memref_slice %arg12[%add3A_398] : memref<102400xf32, #tpu.memory_space<vmem_shared>> -> memref<200xf32, #tpu.memory_space<vmem_shared>>
    %dma_wait3A_611 = arith.constant 800 : i32
    %dma_wait3A_612 = tpu.memref_slice %arg9[%dma_wait3A_611] : memref<3200xf32, #tpu.memory_space<vmem>> -> memref<200xf32, #tpu.memory_space<vmem>>
    tpu.wait_dma2 semaphore(%arg15 : memref<!tpu.dma_semaphore, #tpu.memory_space<semaphore_mem>>) src(%dma_wait3A_612 : memref<200xf32, #tpu.memory_space<vmem>>) dst(%dma_wait3A_610 : memref<200xf32, #tpu.memory_space<vmem_shared>>)
    %dma_wait3A_613 = arith.constant 1000 : i32
    %dma_wait3A_614 = tpu.memref_slice %arg9[%dma_wait3A_613] : memref<3200xf32, #tpu.memory_space<vmem>> -> memref<200xf32, #tpu.memory_space<vmem>>
    %dma_wait3A_615 = tpu.memref_slice %arg12[%add3A_408] : memref<102400xf32, #tpu.memory_space<vmem_shared>> -> memref<200xf32, #tpu.memory_space<vmem_shared>>
    %dma_wait3A_616 = tpu.memref_slice %arg12[%add3A_408] : memref<102400xf32, #tpu.memory_space<vmem_shared>> -> memref<200xf32, #tpu.memory_space<vmem_shared>>
    %dma_wait3A_617 = arith.constant 1000 : i32
    %dma_wait3A_618 = tpu.memref_slice %arg9[%dma_wait3A_617] : memref<3200xf32, #tpu.memory_space<vmem>> -> memref<200xf32, #tpu.memory_space<vmem>>
    tpu.wait_dma2 semaphore(%arg15 : memref<!tpu.dma_semaphore, #tpu.memory_space<semaphore_mem>>) src(%dma_wait3A_618 : memref<200xf32, #tpu.memory_space<vmem>>) dst(%dma_wait3A_616 : memref<200xf32, #tpu.memory_space<vmem_shared>>)
    %dma_wait3A_619 = arith.constant 1200 : i32
    %dma_wait3A_620 = tpu.memref_slice %arg9[%dma_wait3A_619] : memref<3200xf32, #tpu.memory_space<vmem>> -> memref<200xf32, #tpu.memory_space<vmem>>
    %dma_wait3A_621 = tpu.memref_slice %arg12[%add3A_418] : memref<102400xf32, #tpu.memory_space<vmem_shared>> -> memref<200xf32, #tpu.memory_space<vmem_shared>>
    %dma_wait3A_622 = tpu.memref_slice %arg12[%add3A_418] : memref<102400xf32, #tpu.memory_space<vmem_shared>> -> memref<200xf32, #tpu.memory_space<vmem_shared>>
    %dma_wait3A_623 = arith.constant 1200 : i32
    %dma_wait3A_624 = tpu.memref_slice %arg9[%dma_wait3A_623] : memref<3200xf32, #tpu.memory_space<vmem>> -> memref<200xf32, #tpu.memory_space<vmem>>
    tpu.wait_dma2 semaphore(%arg15 : memref<!tpu.dma_semaphore, #tpu.memory_space<semaphore_mem>>) src(%dma_wait3A_624 : memref<200xf32, #tpu.memory_space<vmem>>) dst(%dma_wait3A_622 : memref<200xf32, #tpu.memory_space<vmem_shared>>)
    %dma_wait3A_625 = arith.constant 1400 : i32
    %dma_wait3A_626 = tpu.memref_slice %arg9[%dma_wait3A_625] : memref<3200xf32, #tpu.memory_space<vmem>> -> memref<200xf32, #tpu.memory_space<vmem>>
    %dma_wait3A_627 = tpu.memref_slice %arg12[%add3A_428] : memref<102400xf32, #tpu.memory_space<vmem_shared>> -> memref<200xf32, #tpu.memory_space<vmem_shared>>
    %dma_wait3A_628 = tpu.memref_slice %arg12[%add3A_428] : memref<102400xf32, #tpu.memory_space<vmem_shared>> -> memref<200xf32, #tpu.memory_space<vmem_shared>>
    %dma_wait3A_629 = arith.constant 1400 : i32
    %dma_wait3A_630 = tpu.memref_slice %arg9[%dma_wait3A_629] : memref<3200xf32, #tpu.memory_space<vmem>> -> memref<200xf32, #tpu.memory_space<vmem>>
    tpu.wait_dma2 semaphore(%arg15 : memref<!tpu.dma_semaphore, #tpu.memory_space<semaphore_mem>>) src(%dma_wait3A_630 : memref<200xf32, #tpu.memory_space<vmem>>) dst(%dma_wait3A_628 : memref<200xf32, #tpu.memory_space<vmem_shared>>)
    %dma_wait3A_631 = arith.constant 1600 : i32
    %dma_wait3A_632 = tpu.memref_slice %arg9[%dma_wait3A_631] : memref<3200xf32, #tpu.memory_space<vmem>> -> memref<200xf32, #tpu.memory_space<vmem>>
    %dma_wait3A_633 = tpu.memref_slice %arg12[%add3A_438] : memref<102400xf32, #tpu.memory_space<vmem_shared>> -> memref<200xf32, #tpu.memory_space<vmem_shared>>
    %dma_wait3A_634 = tpu.memref_slice %arg12[%add3A_438] : memref<102400xf32, #tpu.memory_space<vmem_shared>> -> memref<200xf32, #tpu.memory_space<vmem_shared>>
    %dma_wait3A_635 = arith.constant 1600 : i32
    %dma_wait3A_636 = tpu.memref_slice %arg9[%dma_wait3A_635] : memref<3200xf32, #tpu.memory_space<vmem>> -> memref<200xf32, #tpu.memory_space<vmem>>
    tpu.wait_dma2 semaphore(%arg15 : memref<!tpu.dma_semaphore, #tpu.memory_space<semaphore_mem>>) src(%dma_wait3A_636 : memref<200xf32, #tpu.memory_space<vmem>>) dst(%dma_wait3A_634 : memref<200xf32, #tpu.memory_space<vmem_shared>>)
    %dma_wait3A_637 = arith.constant 1800 : i32
    %dma_wait3A_638 = tpu.memref_slice %arg9[%dma_wait3A_637] : memref<3200xf32, #tpu.memory_space<vmem>> -> memref<200xf32, #tpu.memory_space<vmem>>
    %dma_wait3A_639 = tpu.memref_slice %arg12[%add3A_448] : memref<102400xf32, #tpu.memory_space<vmem_shared>> -> memref<200xf32, #tpu.memory_space<vmem_shared>>
    %dma_wait3A_640 = tpu.memref_slice %arg12[%add3A_448] : memref<102400xf32, #tpu.memory_space<vmem_shared>> -> memref<200xf32, #tpu.memory_space<vmem_shared>>
    %dma_wait3A_641 = arith.constant 1800 : i32
    %dma_wait3A_642 = tpu.memref_slice %arg9[%dma_wait3A_641] : memref<3200xf32, #tpu.memory_space<vmem>> -> memref<200xf32, #tpu.memory_space<vmem>>
    tpu.wait_dma2 semaphore(%arg15 : memref<!tpu.dma_semaphore, #tpu.memory_space<semaphore_mem>>) src(%dma_wait3A_642 : memref<200xf32, #tpu.memory_space<vmem>>) dst(%dma_wait3A_640 : memref<200xf32, #tpu.memory_space<vmem_shared>>)
    %dma_wait3A_643 = arith.constant 2000 : i32
    %dma_wait3A_644 = tpu.memref_slice %arg9[%dma_wait3A_643] : memref<3200xf32, #tpu.memory_space<vmem>> -> memref<200xf32, #tpu.memory_space<vmem>>
    %dma_wait3A_645 = tpu.memref_slice %arg12[%add3A_458] : memref<102400xf32, #tpu.memory_space<vmem_shared>> -> memref<200xf32, #tpu.memory_space<vmem_shared>>
    %dma_wait3A_646 = tpu.memref_slice %arg12[%add3A_458] : memref<102400xf32, #tpu.memory_space<vmem_shared>> -> memref<200xf32, #tpu.memory_space<vmem_shared>>
    %dma_wait3A_647 = arith.constant 2000 : i32
    %dma_wait3A_648 = tpu.memref_slice %arg9[%dma_wait3A_647] : memref<3200xf32, #tpu.memory_space<vmem>> -> memref<200xf32, #tpu.memory_space<vmem>>
    tpu.wait_dma2 semaphore(%arg15 : memref<!tpu.dma_semaphore, #tpu.memory_space<semaphore_mem>>) src(%dma_wait3A_648 : memref<200xf32, #tpu.memory_space<vmem>>) dst(%dma_wait3A_646 : memref<200xf32, #tpu.memory_space<vmem_shared>>)
    %dma_wait3A_649 = arith.constant 2200 : i32
    %dma_wait3A_650 = tpu.memref_slice %arg9[%dma_wait3A_649] : memref<3200xf32, #tpu.memory_space<vmem>> -> memref<200xf32, #tpu.memory_space<vmem>>
    %dma_wait3A_651 = tpu.memref_slice %arg12[%add3A_468] : memref<102400xf32, #tpu.memory_space<vmem_shared>> -> memref<200xf32, #tpu.memory_space<vmem_shared>>
    %dma_wait3A_652 = tpu.memref_slice %arg12[%add3A_468] : memref<102400xf32, #tpu.memory_space<vmem_shared>> -> memref<200xf32, #tpu.memory_space<vmem_shared>>
    %dma_wait3A_653 = arith.constant 2200 : i32
    %dma_wait3A_654 = tpu.memref_slice %arg9[%dma_wait3A_653] : memref<3200xf32, #tpu.memory_space<vmem>> -> memref<200xf32, #tpu.memory_space<vmem>>
    tpu.wait_dma2 semaphore(%arg15 : memref<!tpu.dma_semaphore, #tpu.memory_space<semaphore_mem>>) src(%dma_wait3A_654 : memref<200xf32, #tpu.memory_space<vmem>>) dst(%dma_wait3A_652 : memref<200xf32, #tpu.memory_space<vmem_shared>>)
    %dma_wait3A_655 = arith.constant 2400 : i32
    %dma_wait3A_656 = tpu.memref_slice %arg9[%dma_wait3A_655] : memref<3200xf32, #tpu.memory_space<vmem>> -> memref<200xf32, #tpu.memory_space<vmem>>
    %dma_wait3A_657 = tpu.memref_slice %arg12[%add3A_478] : memref<102400xf32, #tpu.memory_space<vmem_shared>> -> memref<200xf32, #tpu.memory_space<vmem_shared>>
    %dma_wait3A_658 = tpu.memref_slice %arg12[%add3A_478] : memref<102400xf32, #tpu.memory_space<vmem_shared>> -> memref<200xf32, #tpu.memory_space<vmem_shared>>
    %dma_wait3A_659 = arith.constant 2400 : i32
    %dma_wait3A_660 = tpu.memref_slice %arg9[%dma_wait3A_659] : memref<3200xf32, #tpu.memory_space<vmem>> -> memref<200xf32, #tpu.memory_space<vmem>>
    tpu.wait_dma2 semaphore(%arg15 : memref<!tpu.dma_semaphore, #tpu.memory_space<semaphore_mem>>) src(%dma_wait3A_660 : memref<200xf32, #tpu.memory_space<vmem>>) dst(%dma_wait3A_658 : memref<200xf32, #tpu.memory_space<vmem_shared>>)
    %dma_wait3A_661 = arith.constant 2600 : i32
    %dma_wait3A_662 = tpu.memref_slice %arg9[%dma_wait3A_661] : memref<3200xf32, #tpu.memory_space<vmem>> -> memref<200xf32, #tpu.memory_space<vmem>>
    %dma_wait3A_663 = tpu.memref_slice %arg12[%add3A_488] : memref<102400xf32, #tpu.memory_space<vmem_shared>> -> memref<200xf32, #tpu.memory_space<vmem_shared>>
    %dma_wait3A_664 = tpu.memref_slice %arg12[%add3A_488] : memref<102400xf32, #tpu.memory_space<vmem_shared>> -> memref<200xf32, #tpu.memory_space<vmem_shared>>
    %dma_wait3A_665 = arith.constant 2600 : i32
    %dma_wait3A_666 = tpu.memref_slice %arg9[%dma_wait3A_665] : memref<3200xf32, #tpu.memory_space<vmem>> -> memref<200xf32, #tpu.memory_space<vmem>>
    tpu.wait_dma2 semaphore(%arg15 : memref<!tpu.dma_semaphore, #tpu.memory_space<semaphore_mem>>) src(%dma_wait3A_666 : memref<200xf32, #tpu.memory_space<vmem>>) dst(%dma_wait3A_664 : memref<200xf32, #tpu.memory_space<vmem_shared>>)
    %dma_wait3A_667 = arith.constant 2800 : i32
    %dma_wait3A_668 = tpu.memref_slice %arg9[%dma_wait3A_667] : memref<3200xf32, #tpu.memory_space<vmem>> -> memref<200xf32, #tpu.memory_space<vmem>>
    %dma_wait3A_669 = tpu.memref_slice %arg12[%add3A_498] : memref<102400xf32, #tpu.memory_space<vmem_shared>> -> memref<200xf32, #tpu.memory_space<vmem_shared>>
    %dma_wait3A_670 = tpu.memref_slice %arg12[%add3A_498] : memref<102400xf32, #tpu.memory_space<vmem_shared>> -> memref<200xf32, #tpu.memory_space<vmem_shared>>
    %dma_wait3A_671 = arith.constant 2800 : i32
    %dma_wait3A_672 = tpu.memref_slice %arg9[%dma_wait3A_671] : memref<3200xf32, #tpu.memory_space<vmem>> -> memref<200xf32, #tpu.memory_space<vmem>>
    tpu.wait_dma2 semaphore(%arg15 : memref<!tpu.dma_semaphore, #tpu.memory_space<semaphore_mem>>) src(%dma_wait3A_672 : memref<200xf32, #tpu.memory_space<vmem>>) dst(%dma_wait3A_670 : memref<200xf32, #tpu.memory_space<vmem_shared>>)
    %dma_wait3A_673 = arith.constant 3000 : i32
    %dma_wait3A_674 = tpu.memref_slice %arg9[%dma_wait3A_673] : memref<3200xf32, #tpu.memory_space<vmem>> -> memref<200xf32, #tpu.memory_space<vmem>>
    %dma_wait3A_675 = tpu.memref_slice %arg12[%add3A_508] : memref<102400xf32, #tpu.memory_space<vmem_shared>> -> memref<200xf32, #tpu.memory_space<vmem_shared>>
    %dma_wait3A_676 = tpu.memref_slice %arg12[%add3A_508] : memref<102400xf32, #tpu.memory_space<vmem_shared>> -> memref<200xf32, #tpu.memory_space<vmem_shared>>
    %dma_wait3A_677 = arith.constant 3000 : i32
    %dma_wait3A_678 = tpu.memref_slice %arg9[%dma_wait3A_677] : memref<3200xf32, #tpu.memory_space<vmem>> -> memref<200xf32, #tpu.memory_space<vmem>>
    tpu.wait_dma2 semaphore(%arg15 : memref<!tpu.dma_semaphore, #tpu.memory_space<semaphore_mem>>) src(%dma_wait3A_678 : memref<200xf32, #tpu.memory_space<vmem>>) dst(%dma_wait3A_676 : memref<200xf32, #tpu.memory_space<vmem_shared>>)
    %dma_wait3A_679 = tpu.memref_slice %arg5[%add3A_580] : memref<320000xf32, #tpu.memory_space<hbm>> -> memref<200xf32, #tpu.memory_space<hbm>>
    %dma_wait3A_680 = tpu.memref_slice %arg5[%add3A_580] : memref<320000xf32, #tpu.memory_space<hbm>> -> memref<200xf32, #tpu.memory_space<hbm>>
    tpu.wait_dma2 semaphore(%arg16 : memref<!tpu.dma_semaphore, #tpu.memory_space<semaphore_mem>>) src(%arg11 : memref<200xf32, #tpu.memory_space<vmem>>) dst(%dma_wait3A_680 : memref<200xf32, #tpu.memory_space<hbm>>)
    %barrier3A_681 = arith.constant 0 : index
    tpu.barrier barrier_id(%barrier3A_681)
    %add3A_682 = arith.constant 156800 : i32
    %add3A_683 = arith.addi %mul3A_4, %add3A_682 : i32
    %dma_wait3A_684 = arith.constant 0 : i32
    %dma_wait3A_685 = tpu.memref_slice %arg7[%dma_wait3A_684] : memref<6400xi32, #tpu.memory_space<vmem>> -> memref<3200xi32, #tpu.memory_space<vmem>>
    %dma_wait3A_686 = tpu.memref_slice %arg3[%add3A_683] : memref<320000xi32, #tpu.memory_space<hbm>> -> memref<3200xi32, #tpu.memory_space<hbm>>
    %dma_wait3A_687 = arith.constant 0 : i32
    %dma_wait3A_688 = tpu.memref_slice %arg7[%dma_wait3A_687] : memref<6400xi32, #tpu.memory_space<vmem>> -> memref<3200xi32, #tpu.memory_space<vmem>>
    %dma_wait3A_689 = tpu.memref_slice %arg3[%add3A_683] : memref<320000xi32, #tpu.memory_space<hbm>> -> memref<3200xi32, #tpu.memory_space<hbm>>
    tpu.wait_dma2 semaphore(%arg13 : memref<!tpu.dma_semaphore, #tpu.memory_space<semaphore_mem>>) src(%dma_wait3A_689 : memref<3200xi32, #tpu.memory_space<hbm>>) dst(%dma_wait3A_688 : memref<3200xi32, #tpu.memory_space<vmem>>)
    %dma_wait3A_690 = arith.constant 0 : i32
    %dma_wait3A_691 = tpu.memref_slice %arg8[%dma_wait3A_690] : memref<6400xi32, #tpu.memory_space<vmem>> -> memref<3200xi32, #tpu.memory_space<vmem>>
    %dma_wait3A_692 = tpu.memref_slice %arg4[%add3A_683] : memref<320000xi32, #tpu.memory_space<hbm>> -> memref<3200xi32, #tpu.memory_space<hbm>>
    %dma_wait3A_693 = arith.constant 0 : i32
    %dma_wait3A_694 = tpu.memref_slice %arg8[%dma_wait3A_693] : memref<6400xi32, #tpu.memory_space<vmem>> -> memref<3200xi32, #tpu.memory_space<vmem>>
    %dma_wait3A_695 = tpu.memref_slice %arg4[%add3A_683] : memref<320000xi32, #tpu.memory_space<hbm>> -> memref<3200xi32, #tpu.memory_space<hbm>>
    tpu.wait_dma2 semaphore(%arg13 : memref<!tpu.dma_semaphore, #tpu.memory_space<semaphore_mem>>) src(%dma_wait3A_695 : memref<3200xi32, #tpu.memory_space<hbm>>) dst(%dma_wait3A_694 : memref<3200xi32, #tpu.memory_space<vmem>>)
    %mul3A_696 = arith.constant 3200 : i32
    %mul3A_697 = arith.muli %arg1, %mul3A_696 : i32
    %add3A_698 = arith.constant 51200 : i32
    %add3A_699 = arith.addi %add3A_698, %mul3A_697 : i32
    %dma_start3A_700 = tpu.memref_slice %arg12[%add3A_699] : memref<102400xf32, #tpu.memory_space<vmem_shared>> -> memref<3200xf32, #tpu.memory_space<vmem_shared>>
    %dma_start3A_701 = tpu.memref_slice %arg12[%add3A_699] : memref<102400xf32, #tpu.memory_space<vmem_shared>> -> memref<3200xf32, #tpu.memory_space<vmem_shared>>
    tpu.enqueue_dma source(%dma_start3A_701 : memref<3200xf32, #tpu.memory_space<vmem_shared>>) target(%arg10 : memref<3200xf32, #tpu.memory_space<vmem>>) target_semaphore(%arg16 : memref<!tpu.dma_semaphore, #tpu.memory_space<semaphore_mem>>)
    %dma_wait3A_702 = tpu.memref_slice %arg12[%add3A_699] : memref<102400xf32, #tpu.memory_space<vmem_shared>> -> memref<3200xf32, #tpu.memory_space<vmem_shared>>
    %dma_wait3A_703 = tpu.memref_slice %arg12[%add3A_699] : memref<102400xf32, #tpu.memory_space<vmem_shared>> -> memref<3200xf32, #tpu.memory_space<vmem_shared>>
    tpu.wait_dma2 semaphore(%arg16 : memref<!tpu.dma_semaphore, #tpu.memory_space<semaphore_mem>>) src(%dma_wait3A_703 : memref<3200xf32, #tpu.memory_space<vmem_shared>>) dst(%arg10 : memref<3200xf32, #tpu.memory_space<vmem>>)
    %parallel_loop3A_704 = arith.constant 0 : i32
    %parallel_loop3A_705 = arith.constant 12 : i32
    %parallel_loop3A_706 = arith.constant 1 : i32
    scf.for %parallel_loop3A_778 = %parallel_loop3A_704 to %parallel_loop3A_705 step %parallel_loop3A_706  : i32 {
      %parallel_loop3A_779 = arith.constant 16 : i32
      %parallel_loop3A_780 = arith.muli %parallel_loop3A_778, %parallel_loop3A_779 : i32
      %parallel_loop3A_781 = arith.constant 0.000000e+00 : f32
      %parallel_loop3A_782 = vector.broadcast %parallel_loop3A_781 : f32 to vector<16xf32>
      %parallel_loop3A_783 = arith.constant 0 : i32
      %parallel_loop3A_784 = arith.addi %parallel_loop3A_783, %parallel_loop3A_780 : i32
      %parallel_loop3A_785 = arith.index_cast %parallel_loop3A_784 : i32 to index
      %parallel_loop3A_786 = tpu.vector_load %arg10[%parallel_loop3A_785] {strides = array<i32>} : memref<3200xf32, #tpu.memory_space<vmem>>, vector<16xf32>,
      %parallel_loop3A_787 = arith.addf %parallel_loop3A_782, %parallel_loop3A_786 : vector<16xf32>
      %parallel_loop3A_788 = arith.constant 200 : i32
      %parallel_loop3A_789 = arith.addi %parallel_loop3A_788, %parallel_loop3A_780 : i32
      %parallel_loop3A_790 = arith.index_cast %parallel_loop3A_789 : i32 to index
      %parallel_loop3A_791 = tpu.vector_load %arg10[%parallel_loop3A_790] {strides = array<i32>} : memref<3200xf32, #tpu.memory_space<vmem>>, vector<16xf32>,
      %parallel_loop3A_792 = arith.addf %parallel_loop3A_787, %parallel_loop3A_791 : vector<16xf32>
      %parallel_loop3A_793 = arith.constant 400 : i32
      %parallel_loop3A_794 = arith.addi %parallel_loop3A_793, %parallel_loop3A_780 : i32
      %parallel_loop3A_795 = arith.index_cast %parallel_loop3A_794 : i32 to index
      %parallel_loop3A_796 = tpu.vector_load %arg10[%parallel_loop3A_795] {strides = array<i32>} : memref<3200xf32, #tpu.memory_space<vmem>>, vector<16xf32>,
      %parallel_loop3A_797 = arith.addf %parallel_loop3A_792, %parallel_loop3A_796 : vector<16xf32>
      %parallel_loop3A_798 = arith.constant 600 : i32
      %parallel_loop3A_799 = arith.addi %parallel_loop3A_798, %parallel_loop3A_780 : i32
      %parallel_loop3A_800 = arith.index_cast %parallel_loop3A_799 : i32 to index
      %parallel_loop3A_801 = tpu.vector_load %arg10[%parallel_loop3A_800] {strides = array<i32>} : memref<3200xf32, #tpu.memory_space<vmem>>, vector<16xf32>,
      %parallel_loop3A_802 = arith.addf %parallel_loop3A_797, %parallel_loop3A_801 : vector<16xf32>
      %parallel_loop3A_803 = arith.constant 800 : i32
      %parallel_loop3A_804 = arith.addi %parallel_loop3A_803, %parallel_loop3A_780 : i32
      %parallel_loop3A_805 = arith.index_cast %parallel_loop3A_804 : i32 to index
      %parallel_loop3A_806 = tpu.vector_load %arg10[%parallel_loop3A_805] {strides = array<i32>} : memref<3200xf32, #tpu.memory_space<vmem>>, vector<16xf32>,
      %parallel_loop3A_807 = arith.addf %parallel_loop3A_802, %parallel_loop3A_806 : vector<16xf32>
      %parallel_loop3A_808 = arith.constant 1000 : i32
      %parallel_loop3A_809 = arith.addi %parallel_loop3A_808, %parallel_loop3A_780 : i32
      %parallel_loop3A_810 = arith.index_cast %parallel_loop3A_809 : i32 to index
      %parallel_loop3A_811 = tpu.vector_load %arg10[%parallel_loop3A_810] {strides = array<i32>} : memref<3200xf32, #tpu.memory_space<vmem>>, vector<16xf32>,
      %parallel_loop3A_812 = arith.addf %parallel_loop3A_807, %parallel_loop3A_811 : vector<16xf32>
      %parallel_loop3A_813 = arith.constant 1200 : i32
      %parallel_loop3A_814 = arith.addi %parallel_loop3A_813, %parallel_loop3A_780 : i32
      %parallel_loop3A_815 = arith.index_cast %parallel_loop3A_814 : i32 to index
      %parallel_loop3A_816 = tpu.vector_load %arg10[%parallel_loop3A_815] {strides = array<i32>} : memref<3200xf32, #tpu.memory_space<vmem>>, vector<16xf32>,
      %parallel_loop3A_817 = arith.addf %parallel_loop3A_812, %parallel_loop3A_816 : vector<16xf32>
      %parallel_loop3A_818 = arith.constant 1400 : i32
      %parallel_loop3A_819 = arith.addi %parallel_loop3A_818, %parallel_loop3A_780 : i32
      %parallel_loop3A_820 = arith.index_cast %parallel_loop3A_819 : i32 to index
      %parallel_loop3A_821 = tpu.vector_load %arg10[%parallel_loop3A_820] {strides = array<i32>} : memref<3200xf32, #tpu.memory_space<vmem>>, vector<16xf32>,
      %parallel_loop3A_822 = arith.addf %parallel_loop3A_817, %parallel_loop3A_821 : vector<16xf32>
      %parallel_loop3A_823 = arith.constant 1600 : i32
      %parallel_loop3A_824 = arith.addi %parallel_loop3A_823, %parallel_loop3A_780 : i32
      %parallel_loop3A_825 = arith.index_cast %parallel_loop3A_824 : i32 to index
      %parallel_loop3A_826 = tpu.vector_load %arg10[%parallel_loop3A_825] {strides = array<i32>} : memref<3200xf32, #tpu.memory_space<vmem>>, vector<16xf32>,
      %parallel_loop3A_827 = arith.addf %parallel_loop3A_822, %parallel_loop3A_826 : vector<16xf32>
      %parallel_loop3A_828 = arith.constant 1800 : i32
      %parallel_loop3A_829 = arith.addi %parallel_loop3A_828, %parallel_loop3A_780 : i32
      %parallel_loop3A_830 = arith.index_cast %parallel_loop3A_829 : i32 to index
      %parallel_loop3A_831 = tpu.vector_load %arg10[%parallel_loop3A_830] {strides = array<i32>} : memref<3200xf32, #tpu.memory_space<vmem>>, vector<16xf32>,
      %parallel_loop3A_832 = arith.addf %parallel_loop3A_827, %parallel_loop3A_831 : vector<16xf32>
      %parallel_loop3A_833 = arith.constant 2000 : i32
      %parallel_loop3A_834 = arith.addi %parallel_loop3A_833, %parallel_loop3A_780 : i32
      %parallel_loop3A_835 = arith.index_cast %parallel_loop3A_834 : i32 to index
      %parallel_loop3A_836 = tpu.vector_load %arg10[%parallel_loop3A_835] {strides = array<i32>} : memref<3200xf32, #tpu.memory_space<vmem>>, vector<16xf32>,
      %parallel_loop3A_837 = arith.addf %parallel_loop3A_832, %parallel_loop3A_836 : vector<16xf32>
      %parallel_loop3A_838 = arith.constant 2200 : i32
      %parallel_loop3A_839 = arith.addi %parallel_loop3A_838, %parallel_loop3A_780 : i32
      %parallel_loop3A_840 = arith.index_cast %parallel_loop3A_839 : i32 to index
      %parallel_loop3A_841 = tpu.vector_load %arg10[%parallel_loop3A_840] {strides = array<i32>} : memref<3200xf32, #tpu.memory_space<vmem>>, vector<16xf32>,
      %parallel_loop3A_842 = arith.addf %parallel_loop3A_837, %parallel_loop3A_841 : vector<16xf32>
      %parallel_loop3A_843 = arith.constant 2400 : i32
      %parallel_loop3A_844 = arith.addi %parallel_loop3A_843, %parallel_loop3A_780 : i32
      %parallel_loop3A_845 = arith.index_cast %parallel_loop3A_844 : i32 to index
      %parallel_loop3A_846 = tpu.vector_load %arg10[%parallel_loop3A_845] {strides = array<i32>} : memref<3200xf32, #tpu.memory_space<vmem>>, vector<16xf32>,
      %parallel_loop3A_847 = arith.addf %parallel_loop3A_842, %parallel_loop3A_846 : vector<16xf32>
      %parallel_loop3A_848 = arith.constant 2600 : i32
      %parallel_loop3A_849 = arith.addi %parallel_loop3A_848, %parallel_loop3A_780 : i32
      %parallel_loop3A_850 = arith.index_cast %parallel_loop3A_849 : i32 to index
      %parallel_loop3A_851 = tpu.vector_load %arg10[%parallel_loop3A_850] {strides = array<i32>} : memref<3200xf32, #tpu.memory_space<vmem>>, vector<16xf32>,
      %parallel_loop3A_852 = arith.addf %parallel_loop3A_847, %parallel_loop3A_851 : vector<16xf32>
      %parallel_loop3A_853 = arith.constant 2800 : i32
      %parallel_loop3A_854 = arith.addi %parallel_loop3A_853, %parallel_loop3A_780 : i32
      %parallel_loop3A_855 = arith.index_cast %parallel_loop3A_854 : i32 to index
      %parallel_loop3A_856 = tpu.vector_load %arg10[%parallel_loop3A_855] {strides = array<i32>} : memref<3200xf32, #tpu.memory_space<vmem>>, vector<16xf32>,
      %parallel_loop3A_857 = arith.addf %parallel_loop3A_852, %parallel_loop3A_856 : vector<16xf32>
      %parallel_loop3A_858 = arith.constant 3000 : i32
      %parallel_loop3A_859 = arith.addi %parallel_loop3A_858, %parallel_loop3A_780 : i32
      %parallel_loop3A_860 = arith.index_cast %parallel_loop3A_859 : i32 to index
      %parallel_loop3A_861 = tpu.vector_load %arg10[%parallel_loop3A_860] {strides = array<i32>} : memref<3200xf32, #tpu.memory_space<vmem>>, vector<16xf32>,
      %parallel_loop3A_862 = arith.addf %parallel_loop3A_857, %parallel_loop3A_861 : vector<16xf32>
      %parallel_loop3A_863 = arith.constant 0.000000e+00 : f32
      %parallel_loop3A_864 = vector.broadcast %parallel_loop3A_863 : f32 to vector<16xf32>
      %parallel_loop3A_865 = arith.subf %parallel_loop3A_864, %parallel_loop3A_862 : vector<16xf32>
      %parallel_loop3A_866 = math.exp %parallel_loop3A_865 : vector<16xf32>
      %parallel_loop3A_867 = arith.constant 1.000000e+00 : f32
      %parallel_loop3A_868 = vector.broadcast %parallel_loop3A_867 : f32 to vector<16xf32>
      %parallel_loop3A_869 = arith.addf %parallel_loop3A_868, %parallel_loop3A_866 : vector<16xf32>
      %parallel_loop3A_870 = arith.constant 1.000000e+00 : f32
      %parallel_loop3A_871 = vector.broadcast %parallel_loop3A_870 : f32 to vector<16xf32>
      %parallel_loop3A_872 = arith.divf %parallel_loop3A_871, %parallel_loop3A_869 : vector<16xf32>
      %parallel_loop3A_873 = arith.index_cast %parallel_loop3A_780 : i32 to index
      %parallel_loop3A_874 = tpu.vector_load %arg11[%parallel_loop3A_873] {strides = array<i32>} : memref<200xf32, #tpu.memory_space<vmem>>, vector<16xf32>,
      tpu.vector_store %arg11[%parallel_loop3A_873], %parallel_loop3A_872 {strides = array<i32>} : memref<200xf32, #tpu.memory_space<vmem>>, vector<16xf32>,
    } {sc.loop_unroll_factor = 2 : i64, sc.parallel_access}
    %broadcast_in_dim3A_707 = arith.constant 0.000000e+00 : f32
    %broadcast_in_dim3A_708 = vector.broadcast %broadcast_in_dim3A_707 : f32 to vector<16xf32>
    %get3A_709 = arith.constant 184 : index
    %get3A_710 = tpu.vector_load %arg10[%get3A_709] {strides = array<i32>} : memref<3200xf32, #tpu.memory_space<vmem>>, vector<16xf32>,
    %add3A_711 = arith.addf %broadcast_in_dim3A_708, %get3A_710 : vector<16xf32>
    %get3A_712 = arith.constant 384 : index
    %get3A_713 = tpu.vector_load %arg10[%get3A_712] {strides = array<i32>} : memref<3200xf32, #tpu.memory_space<vmem>>, vector<16xf32>,
    %add3A_714 = arith.addf %add3A_711, %get3A_713 : vector<16xf32>
    %get3A_715 = arith.constant 584 : index
    %get3A_716 = tpu.vector_load %arg10[%get3A_715] {strides = array<i32>} : memref<3200xf32, #tpu.memory_space<vmem>>, vector<16xf32>,
    %add3A_717 = arith.addf %add3A_714, %get3A_716 : vector<16xf32>
    %get3A_718 = arith.constant 784 : index
    %get3A_719 = tpu.vector_load %arg10[%get3A_718] {strides = array<i32>} : memref<3200xf32, #tpu.memory_space<vmem>>, vector<16xf32>,
    %add3A_720 = arith.addf %add3A_717, %get3A_719 : vector<16xf32>
    %get3A_721 = arith.constant 984 : index
    %get3A_722 = tpu.vector_load %arg10[%get3A_721] {strides = array<i32>} : memref<3200xf32, #tpu.memory_space<vmem>>, vector<16xf32>,
    %add3A_723 = arith.addf %add3A_720, %get3A_722 : vector<16xf32>
    %get3A_724 = arith.constant 1184 : index
    %get3A_725 = tpu.vector_load %arg10[%get3A_724] {strides = array<i32>} : memref<3200xf32, #tpu.memory_space<vmem>>, vector<16xf32>,
    %add3A_726 = arith.addf %add3A_723, %get3A_725 : vector<16xf32>
    %get3A_727 = arith.constant 1384 : index
    %get3A_728 = tpu.vector_load %arg10[%get3A_727] {strides = array<i32>} : memref<3200xf32, #tpu.memory_space<vmem>>, vector<16xf32>,
    %add3A_729 = arith.addf %add3A_726, %get3A_728 : vector<16xf32>
    %get3A_730 = arith.constant 1584 : index
    %get3A_731 = tpu.vector_load %arg10[%get3A_730] {strides = array<i32>} : memref<3200xf32, #tpu.memory_space<vmem>>, vector<16xf32>,
    %add3A_732 = arith.addf %add3A_729, %get3A_731 : vector<16xf32>
    %get3A_733 = arith.constant 1784 : index
    %get3A_734 = tpu.vector_load %arg10[%get3A_733] {strides = array<i32>} : memref<3200xf32, #tpu.memory_space<vmem>>, vector<16xf32>,
    %add3A_735 = arith.addf %add3A_732, %get3A_734 : vector<16xf32>
    %get3A_736 = arith.constant 1984 : index
    %get3A_737 = tpu.vector_load %arg10[%get3A_736] {strides = array<i32>} : memref<3200xf32, #tpu.memory_space<vmem>>, vector<16xf32>,
    %add3A_738 = arith.addf %add3A_735, %get3A_737 : vector<16xf32>
    %get3A_739 = arith.constant 2184 : index
    %get3A_740 = tpu.vector_load %arg10[%get3A_739] {strides = array<i32>} : memref<3200xf32, #tpu.memory_space<vmem>>, vector<16xf32>,
    %add3A_741 = arith.addf %add3A_738, %get3A_740 : vector<16xf32>
    %get3A_742 = arith.constant 2384 : index
    %get3A_743 = tpu.vector_load %arg10[%get3A_742] {strides = array<i32>} : memref<3200xf32, #tpu.memory_space<vmem>>, vector<16xf32>,
    %add3A_744 = arith.addf %add3A_741, %get3A_743 : vector<16xf32>
    %get3A_745 = arith.constant 2584 : index
    %get3A_746 = tpu.vector_load %arg10[%get3A_745] {strides = array<i32>} : memref<3200xf32, #tpu.memory_space<vmem>>, vector<16xf32>,
    %add3A_747 = arith.addf %add3A_744, %get3A_746 : vector<16xf32>
    %get3A_748 = arith.constant 2784 : index
    %get3A_749 = tpu.vector_load %arg10[%get3A_748] {strides = array<i32>} : memref<3200xf32, #tpu.memory_space<vmem>>, vector<16xf32>,
    %add3A_750 = arith.addf %add3A_747, %get3A_749 : vector<16xf32>
    %get3A_751 = arith.constant 2984 : index
    %get3A_752 = tpu.vector_load %arg10[%get3A_751] {strides = array<i32>} : memref<3200xf32, #tpu.memory_space<vmem>>, vector<16xf32>,
    %add3A_753 = arith.addf %add3A_750, %get3A_752 : vector<16xf32>
    %get3A_754 = arith.constant 3184 : index
    %get3A_755 = tpu.vector_load %arg10[%get3A_754] {strides = array<i32>} : memref<3200xf32, #tpu.memory_space<vmem>>, vector<16xf32>,
    %add3A_756 = arith.addf %add3A_753, %get3A_755 : vector<16xf32>
    %neg3A_757 = arith.constant 0.000000e+00 : f32
    %neg3A_758 = vector.broadcast %neg3A_757 : f32 to vector<16xf32>
    %neg3A_759 = arith.subf %neg3A_758, %add3A_756 : vector<16xf32>
    %exp3A_760 = math.exp %neg3A_759 : vector<16xf32>
    %add3A_761 = arith.constant 1.000000e+00 : f32
    %add3A_762 = vector.broadcast %add3A_761 : f32 to vector<16xf32>
    %add3A_763 = arith.addf %add3A_762, %exp3A_760 : vector<16xf32>
    %div3A_764 = arith.constant 1.000000e+00 : f32
    %div3A_765 = vector.broadcast %div3A_764 : f32 to vector<16xf32>
    %div3A_766 = arith.divf %div3A_765, %add3A_763 : vector<16xf32>
    %swap3A_767 = arith.constant 184 : index
    %swap3A_768 = tpu.vector_load %arg11[%swap3A_767] {strides = array<i32>} : memref<200xf32, #tpu.memory_space<vmem>>, vector<16xf32>,
    tpu.vector_store %arg11[%swap3A_767], %div3A_766 {strides = array<i32>} : memref<200xf32, #tpu.memory_space<vmem>>, vector<16xf32>,
    %add3A_769 = arith.constant 156800 : i32
    %add3A_770 = arith.addi %mul3A_4, %add3A_769 : i32
    %mul3A_771 = arith.constant 200 : i32
    %mul3A_772 = arith.muli %arg1, %mul3A_771 : i32
    %add3A_773 = arith.addi %add3A_770, %mul3A_772 : i32
    %dma_start3A_774 = tpu.memref_slice %arg5[%add3A_773] : memref<320000xf32, #tpu.memory_space<hbm>> -> memref<200xf32, #tpu.memory_space<hbm>>
    %dma_start3A_775 = tpu.memref_slice %arg5[%add3A_773] : memref<320000xf32, #tpu.memory_space<hbm>> -> memref<200xf32, #tpu.memory_space<hbm>>
    tpu.enqueue_dma source(%arg11 : memref<200xf32, #tpu.memory_space<vmem>>) target(%dma_start3A_775 : memref<200xf32, #tpu.memory_space<hbm>>) target_semaphore(%arg16 : memref<!tpu.dma_semaphore, #tpu.memory_space<semaphore_mem>>)
    %dma_wait3A_776 = tpu.memref_slice %arg5[%add3A_773] : memref<320000xf32, #tpu.memory_space<hbm>> -> memref<200xf32, #tpu.memory_space<hbm>>
    %dma_wait3A_777 = tpu.memref_slice %arg5[%add3A_773] : memref<320000xf32, #tpu.memory_space<hbm>> -> memref<200xf32, #tpu.memory_space<hbm>>
    tpu.wait_dma2 semaphore(%arg16 : memref<!tpu.dma_semaphore, #tpu.memory_space<semaphore_mem>>) src(%arg11 : memref<200xf32, #tpu.memory_space<vmem>>) dst(%dma_wait3A_777 : memref<200xf32, #tpu.memory_space<hbm>>)
    return
  }
}

</mosaic_0001>

<sc_bundles>
// kernel: _predict.3.cloned.1.call-start
scs
__scs_entry_jumppad:
0x0: {  	(pc) =	sbr.rel $0x88, $3  }
0x1: {  	(tag) =	ssettag $0x0;
	lr =	simm.s32 $0x1  }
0x2: {  	[smem:$0x3F9E] =	sst lr;
	_ =	strace $0xD0000000  }
0x3: {  	_ = 	snop  }
0x4: {  	_ = 	snop  }
0x5: {  	_ = 	snop  }
0x6: {  	_ = 	snop  }
0x7: {  	_ = 	snop  }
__scs_overlays_trampoline_lowered:
0x8: {  	[smem:$0x3FAD] =	sst s0  }
0x9: {  	[smem:$0x3FAE] =	sst s1  }
0xa: {  	[smem:$0x3FAF] =	sst s2  }
0xb: {  	[smem:$0x3FB0] =	sst s3  }
0xc: {  	[smem:$0x3FB1] =	sst s4  }
0xd: {  	[smem:$0x3FB2] =	sst s5  }
0xe: {  	[smem:$0x3FB3] =	sst s6  }
0xf: {  	[smem:$0x3FB4] =	sst s7  }
0x10: {  	[smem:$0x3FB5] =	sst s8  }
0x11: {  	[smem:$0x3FB6] =	sst s9;
	s0 =	simm.s32 @!p0 $0x0  }
0x12: {  	s1 =	sld [smem:$0x3F9C];
	s0 =	simm.s32 @p0 $0x1  }
0x13: {  	[smem:$0x3FB7] =	sst s0;
	s0 =	simm.s32 @!p1 $0x0  }
0x14: {  	s2 =	sld [smem:$0x3F9B];
	s0 =	simm.s32 @p1 $0x1  }
0x15: {  	[smem:$0x3FB8] =	sst s0;
	s0 =	simm.s32 @!p2 $0x0  }
0x16: {  	s3 =	sld [smem:$0x3FDB];
	s0 =	simm.s32 @p2 $0x1  }
0x17: {  	s4 =	simm.s32 $0x1BF5;
	[smem:$0x3FBA] =	sst s0  }
0x18: {  	s0 =	sld [smem:$0x3F9D];
	_ =	swait.ge [sflag:s4], $0x0  }
0x19: {  	s7 =	sld [smem:$0x3F9E]  }
0x1a: {  	s8 =	sadd.s32 $0xFFFFE003, lr  }
0x1b: {  	s9 =	sadd.s32 $0xFFFFFEF7, lr;
	s5 =	simm.s32 $0xFFFFFFFF;
	p2 =	slt.u32 s8, $0xFFFFF086  }
0x1c: {  	p1 =	slt.u32 s9, $0xF7A;
	s5 =	simm.s32 @!p2 $0x0  }
0x1d: {  	s5 =	simm.s32 @p1 $0x1;
	p0 =	seq.s32 s7, s2  }
0x1e: {  	s7 =	smul.u32 @!p0 $0xF7A, s2;
	p2 =	seq.s32 @!p0 s5, $0x0  }
0x1f: {  	s9 =	smul.u32 $0xF7A, s1;
	s8 =	simm.s32 @!p0 $0x1BF5;
	p2 =	por !p2, p0  }
0x20: {  	[sflag:s8] =	ssyncset.s32 @!p0 $0xFFFFF086;
	s6 =	sadd.s32 @!p0 s3, s7;
	s7 =	simm.s32 @!p0 $0x108  }
0x21: {  	s3 =	sadd.s32 s3, s9;
	s6 =	sadd.s32 @!p0 $0x88, s6;
	s7 =	simm.s32 @p2 $0x1082  }
0x22: {  	[simem:s7], [sflag:s8] =	dma.local @!p0 [hbm:s6], $0xF7A  }
0x23: {  	s9 =	sor.u32 $0xD0000000, s2;
	s6 =	simm.s32 $0x108;
	_ =	swait.ge @!p0 [sflag:s8], $0x0  }
0x24: {  	s3 =	sadd.s32 $0x88, s3;
	s6 =	simm.s32 @!p1 $0x1082;
	[sflag:s4] =	ssyncset.s32 $0xFFFFF086  }
0x25: {  	[simem:s6], [sflag:s4] =	dma.local [hbm:s3], $0xF7A  }
0x26: {  	[smem:$0x3F9E] =	sst s1;
	(tag) =	ssettag s2;
	_ =	strace s9  }
0x27: {  	s1 =	sld [smem:$0x3FAE]  }
0x28: {  	s2 =	sld [smem:$0x3FAF]  }
0x29: {  	s4 =	sld [smem:$0x3FB1]  }
0x2a: {  	p0 =	seq.s32 s5, $0x0;
	s5 =	sld [smem:$0x3FB2]  }
0x2b: {  	s6 =	sld [smem:$0x3FB3]  }
0x2c: {  	s7 =	sld [smem:$0x3FB4]  }
0x2d: {  	s3 =	simm.s32 $0x108;
	s8 =	sld [smem:$0x3FB5]  }
0x2e: {  	s3 =	simm.s32 @!p0 $0x1082;
	s9 =	sld [smem:$0x3FB6]  }
0x2f: {  	lr =	sadd.s32 s0, s3;
	s0 =	sld [smem:$0x3FAD]  }
0x30: {  	s3 =	sld [smem:$0x3FB0]  }
0x31: {  	[smem:$0x3FB9] =	sst s10  }
0x32: {  	s10 =	sld [smem:$0x3FB7];
	_ =	sdelay $0x3  }
0x33: {  	p0 =	seq.s32 s10, $0x1;
	s10 =	sld [smem:$0x3FB9];
	_ =	sdelay $0x3  }
0x34: {  	[smem:$0x3FB9] =	sst s10  }
0x35: {  	s10 =	sld [smem:$0x3FB8];
	_ =	sdelay $0x3  }
0x36: {  	p1 =	seq.s32 s10, $0x1;
	s10 =	sld [smem:$0x3FB9];
	_ =	sdelay $0x3  }
0x37: {  	[smem:$0x3FB9] =	sst s10  }
0x38: {  	s10 =	sld [smem:$0x3FBA]  }
0x39: {  	_ = 	snop;
	(pc) =	sbr.ind lr, $3  }
0x3a: {  	_ = 	snop  }
0x3b: {  	_ = 	snop  }
0x3c: {  	p2 =	seq.s32 s10, $0x1;
	s10 =	sld [smem:$0x3FB9]  }
0x3d: {  	_ =	shalt  }
0x3e: {  	_ =	shalt  }
0x3f: {  	_ =	shalt  }
0x40: {  	_ =	shalt  }
0x41: {  	_ =	shalt  }
0x42: {  	_ =	shalt  }
0x43: {  	_ =	shalt  }
0x44: {  	_ =	shalt  }
0x45: {  	_ =	shalt  }
0x46: {  	_ =	shalt  }
0x47: {  	_ =	shalt  }
0x48: {  	_ =	shalt  }
0x49: {  	_ =	shalt  }
0x4a: {  	_ =	shalt  }
0x4b: {  	_ =	shalt  }
0x4c: {  	_ =	shalt  }
0x4d: {  	_ =	shalt  }
0x4e: {  	_ =	shalt  }
0x4f: {  	_ =	shalt  }
0x50: {  	_ =	shalt  }
0x51: {  	_ =	shalt  }
0x52: {  	_ =	shalt  }
0x53: {  	_ =	shalt  }
0x54: {  	_ =	shalt  }
0x55: {  	_ =	shalt  }
0x56: {  	_ =	shalt  }
0x57: {  	_ =	shalt  }
0x58: {  	_ =	shalt  }
0x59: {  	_ =	shalt  }
0x5a: {  	_ =	shalt  }
0x5b: {  	_ =	shalt  }
0x5c: {  	_ =	shalt  }
0x5d: {  	_ =	shalt  }
0x5e: {  	_ =	shalt  }
0x5f: {  	_ =	shalt  }
0x60: {  	_ =	shalt  }
0x61: {  	_ =	shalt  }
0x62: {  	_ =	shalt  }
0x63: {  	_ =	shalt  }
0x64: {  	_ =	shalt  }
0x65: {  	_ =	shalt  }
0x66: {  	_ =	shalt  }
0x67: {  	_ =	shalt  }
0x68: {  	_ =	shalt  }
0x69: {  	_ =	shalt  }
0x6a: {  	_ =	shalt  }
0x6b: {  	_ =	shalt  }
0x6c: {  	_ =	shalt  }
0x6d: {  	_ =	shalt  }
0x6e: {  	_ =	shalt  }
0x6f: {  	_ =	shalt  }
0x70: {  	_ =	shalt  }
0x71: {  	_ =	shalt  }
0x72: {  	_ =	shalt  }
0x73: {  	_ =	shalt  }
0x74: {  	_ =	shalt  }
0x75: {  	_ =	shalt  }
0x76: {  	_ =	shalt  }
0x77: {  	_ =	shalt  }
0x78: {  	_ =	shalt  }
0x79: {  	_ =	shalt  }
0x7a: {  	_ =	shalt  }
0x7b: {  	_ =	shalt  }
0x7c: {  	_ =	shalt  }
0x7d: {  	_ =	shalt  }
0x7e: {  	_ =	shalt  }
0x7f: {  	_ =	shalt  }
0x80: {  	_ =	shalt  }
0x81: {  	_ =	shalt  }
0x82: {  	_ =	shalt  }
0x83: {  	_ =	shalt  }
0x84: {  	_ =	shalt  }
0x85: {  	_ =	shalt  }
0x86: {  	_ =	shalt  }
0x87: {  	_ =	shalt  }
.Lfunc_end0:
.L_simem_size_0:
called_computation_lowered:
.L_overlay_start_0:
0x88: {  	s2 =	sld [smem:$0x3FD9]  }
0x89: {  	s3 =	sld [smem:$0x3FFE];
	_ =	sdelay $0x1  }
0x8a: {  	s1 =	srdreg.scid  }
0x8b: {  	s0 =	sand.u32 $0x1, s1  }
0x8c: {  	s18 =	sshll.u32 s0, $0xA;
	s2 =	sadd.s32 s3, s2  }
0x8d: {  	s2 =	sadd.s32 s2, s18  }
0x8e: {  	[smem:$0x3FC5] =	sst s2  }
0x8f: {  	_ = 	snop  }
0x90: {  	s2 =	sld [smem:$0x3FC9]  }
0x91: {  	s19 =	sld [smem:$0x3FC8]  }
0x92: {  	s4 =	sld [smem:$0x3FC7]  }
0x93: {  	s5 =	sld [smem:$0x3FD0];
	(tm) =	ssettm $0x1  }
0x94: {  	s6 =	sld [smem:$0x3FFB];
	_ =	sdelay $0x3  }
0x95: {  	_ =	strace s6  }
0x96: {  	s6 =	sld [smem:$0x3FFC];
	_ =	sdelay $0x3  }
0x97: {  	_ =	strace s6  }
0x98: {  	s6 =	sld [smem:$0x3FFD];
	_ =	sdelay $0x3  }
0x99: {  	_ =	strace s6  }
0x9a: {  	_ =	strace $0x8FFFFFFF  }
0x9b: {  	s20 =	sld [smem:$0x3FDB];
	_ =	sdelay $0x1  }
0x9c: {  	s7 =	simm.s32 $_scs_section_size  }
0x9d: {  	s8 =	simm.s32 $_size__tile_overlayer_lowered;
	s9 =	simm.s32 $_tile_overlayer_lowered  }
0x9e: {  	s23 =	simm.s32 $0x1BFF;
	s22 =	sshll.u32 s9, $0x1;
	s6 =	sadd.s32 s7, s20  }
0x9f: {  	s10 =	simm.s32 $0x0;
	s21 =	sshll.u32 s8, $0x1;
	s8 =	sadd.s32 s22, s6  }
0xa0: {  	[timem:s10], [sflag:s23] =	dma.local [hbm:s8], s21  }
0xa1: {  	_ =	swait.ge [sflag:s23], s21  }
0xa2: {  	s7 =	ssub.s32 $0x0, s21;
	[sflag:s23] =	ssyncset.done $0x0  }
0xa3: {  	[sflag:s23] =	ssyncadd.s32 s7;
	_ =	sdelay $0x1  }
0xa4: {  	s24 =	simm.s32 $0x1B8B  }
0xa5: {  	_ =	swait.ge [sflag:s24], $0x1  }
0xa6: {  	[sflag:s24] =	ssyncset.done $0x0  }
0xa7: {  	s25 =	simm.s32 $0x1B8E;
	[sflag:s24] =	ssyncadd.s32 $0xFFFFFFFF  }
0xa8: {  	s26 =	simm.s32 $execute0_lowered;
	[smem:$0x3FD2] =	sst s25  }
0xa9: {  	s7 =	sshll.u32 s26, $0x1;
	_ =	strace $0x80000046;
	[dreg:$0x1] =	wrdreg $0xFFFFFFFF  }
0xaa: {  	s28 =	simm.s32 $_size_execute0_lowered;
	s6 =	sadd.s32 s6, s7;
	[dreg:$0x0] =	wrdreg $0x0  }
0xab: {  	s7 =	sshll.u32 s28, $0x1;
	[dreg:$0x2] =	wrdreg s6  }
0xac: {  	[dreg:$0x3] =	wrdreg s7  }
0xad: {  	[dreg:$0x4] =	wrdreg $0xC0  }
0xae: {  	_ =	task [dreg:s10], $0x5FFFF  }
0xaf: {  	[dreg:$0x1] =	wrdreg $0xFFFFFFFF  }
0xb0: {  	[dreg:$0x0] =	wrdreg $0x60  }
0xb1: {  	[dreg:$0x2] =	wrdreg s2  }
0xb2: {  	[dreg:$0x3] =	wrdreg s19  }
0xb3: {  	[dreg:$0x4] =	wrdreg s4  }
0xb4: {  	[dreg:$0x5] =	wrdreg s5  }
0xb5: {  	[dreg:$0x6] =	wrdreg $0xE8800  }
0xb6: {  	[dreg:$0x7] =	wrdreg $0x9  }
0xb7: {  	_ =	task.clear_ibuf [dreg:s10], $0x8FFFF;
	_ =	strace $0x90000046  }
0xb8: {  	s29 =	simm.s32 $0x9;
	_ =	strace $0x80000048  }
0xb9: {  	_ =	swait.ge [sflag:s29], $0x1  }
0xba: {  	[sflag:s29] =	ssyncadd.s32 $0xFFFFFFFF  }
0xbb: {  	_ =	strace $0x90000048  }
0xbc: {  	_ =	sfence  }
0xbd: {  	s30 =	sld [smem:$0x0];
	_ =	sdelay $0x2  }
0xbe: {  	s31 =	sshll.u32 s1, $0xD;
	s1 =	sshrl.u32 s1, $0x2  }
0xbf: {  	s3 =	sand.u32 $0x4000, s31;
	s1 =	sadd.s32 s1, s30  }
0xc0: {  	s0 =	sor.u32 s3, s0;
	s1 =	sshll.u32 s1, $0x11  }
0xc1: {  	s0 =	sor.u32 s1, s0  }
0xc2: {  	s0 =	sadd.s32 $0x8F2B, s0  }
0xc3: {  	[sflag:s0] =	ssyncadd.remote.s32 $0x1  }
0xc4: {  	_ =	sfence.sel $0xFFFF  }
0xc5: {  	[dreg:$0x0] =	wrdreg $0xFFFFFFFF;
	(pc) =	sbr.abs _section_cstart, $3  }
0xc6: {  	[dreg:$0x1] =	wrdreg $0xFFFFFFFF  }
0xc7: {  	_ =	task.clear_ibuf [dreg:s10], $0x2FFFF;
	_ =	strace $0x9FFFFFFF  }
0xc8: {  	(tm) =	ssettm $0x7FFFFFFF  }
0xc9: {  	_ =	shalt  }
tec
execute0_lowered:
.L_overlay_start_1:
0x0: {  	(tag) =	ssettag $0x1  }
0x1: {  	s0 =	rddreg [dreg:$0x0]  }
0x2: {  	s8 =	rddreg [dreg:$0x1]  }
0x3: {  	s9 =	rddreg [dreg:$0x2]  }
0x4: {  	s11 =	rddreg [dreg:$0x3]  }
0x5: {  	s1 =	rddreg [dreg:$0x4];
	s7 =	stileid.u32  }
0x6: {  	s2 =	srdreg.scid;
	s4 =	smul.u32 $0x1388, s7  }
0x7: {  	s5 =	simm.s32 $0x0;
	s2 =	sand.u32 $0x1, s2;
	s19 =	smul.u32 $0xC8, s7  }
0x8: {  	[smem:$0x7FF] =	sst s5;
	s3 =	ssub.s32 $0x2, s2;
	s2 =	smul.u32 $0x27100, s2  }
0x9: {  	s7 =	smul.u32 $0x3200, s7;
	_ =	strace $0x80000047;
	s0 =	sadd.s32 s0, s4  }
0xa: {  	s6 =	sshrl.u32 s3, $0x1;
	[dreg:$0x6] =	wrdreg s0;
	s12 =	sadd.s32 $0x1900, s2  }
0xb: {  	s17 =	sshrl.u32 s2, $0x3;
	s13 =	sadd.s32 $0x2580, s2;
	[dreg:$0xf] =	wrdreg s12  }
0xc: {  	s26 =	sshrl.u32 s7, $0x2;
	s10 =	sadd.s32 s8, s17;
	[dreg:$0x11] =	wrdreg s13  }
0xd: {  	s18 =	sadd.s32 $0xC80, s2;
	s0 =	sadd.s32 s9, s17;
	[dreg:$0x7] =	wrdreg s10  }
0xe: {  	s3 =	ssub.s32 s3, s6;
	s14 =	sadd.s32 s19, s18;
	[dreg:$0x8] =	wrdreg s0  }
0xf: {  	s20 =	sshrl.u32 s18, $0x3;
	s12 =	sadd.s32 s2, s19;
	[dreg:$0x12] =	wrdreg s14  }
0x10: {  	s15 =	sadd.s32 $0x26480, s2;
	s21 =	sadd.s32 s8, s20;
	[dreg:$0x10] =	wrdreg s12  }
0x11: {  	s16 =	sshrl.u32 s15, $0x3;
	s0 =	sadd.s32 s9, s20;
	[dreg:$0x9] =	wrdreg s21  }
0x12: {  	s7 =	sadd.s32 s26, s1;
	s18 =	sadd.s32 s8, s16;
	[dreg:$0xa] =	wrdreg s0  }
0x13: {  	s10 =	sadd.s32 s19, s1;
	s1 =	sadd.s32 s9, s16;
	[dreg:$0x13] =	wrdreg s18  }
0x14: {  	s20 =	smax.u32 s3, $0x1;
	[dreg:$0x14] =	wrdreg s1  }
0x15: {  	s22 =	sadd.s32 $0xC80, s10;
	[dreg:$0x17] =	wrdreg s20  }
0x16: {  	s23 =	sadd.s32 $0x1900, s10;
	[dreg:$0xb] =	wrdreg s22  }
0x17: {  	s24 =	sadd.s32 $0x2580, s10;
	[dreg:$0xc] =	wrdreg s23  }
0x18: {  	s25 =	sadd.s32 $0x3200, s10;
	[dreg:$0xd] =	wrdreg s24  }
0x19: {  	s21 =	sadd.s32 $0x3E80, s10;
	[dreg:$0xe] =	wrdreg s25  }
0x1a: {  	s26 =	sadd.s32 $0x7D00, s10;
	[dreg:$0x18] =	wrdreg s21  }
0x1b: {  	s1 =	sadd.s32 $0x8980, s10;
	[dreg:$0x1d] =	wrdreg s26  }
0x1c: {  	s3 =	sadd.s32 $0xA280, s10;
	[dreg:$0x1e] =	wrdreg s1  }
0x1d: {  	s4 =	sadd.s32 $0xAF00, s10;
	[smem:$0x7EA] =	sst s3  }
0x1e: {  	s6 =	sadd.s32 $0xBB80, s10;
	[smem:$0x7EB] =	sst s4  }
0x1f: {  	s8 =	sadd.s32 $0xC800, s10;
	[smem:$0x7EC] =	sst s6  }
0x20: {  	s9 =	sadd.s32 $0xD480, s10;
	[smem:$0x7ED] =	sst s8  }
0x21: {  	s17 =	sshrl.u32 s12, $0x3;
	s12 =	sadd.s32 $0xED80, s10;
	[smem:$0x7EE] =	sst s9  }
0x22: {  	s13 =	sadd.s32 $0xFA00, s10;
	[smem:$0x7F0] =	sst s12  }
0x23: {  	s14 =	sadd.s32 $0x10680, s10;
	[smem:$0x7F1] =	sst s13  }
0x24: {  	s0 =	sadd.s32 s19, s15;
	s15 =	sadd.s32 $0x11300, s10;
	[smem:$0x7F2] =	sst s14  }
0x25: {  	s16 =	sadd.s32 $0x11F80, s10;
	[smem:$0x7F3] =	sst s15  }
0x26: {  	s2 =	sadd.s32 s11, s17;
	s17 =	sadd.s32 $0x12C00, s10;
	[smem:$0x7F4] =	sst s16  }
0x27: {  	s28 =	simm.s32 $0xCF48;
	s18 =	sadd.s32 $0x13880, s10;
	[smem:$0x7F5] =	sst s17  }
0x28: {  	s29 =	simm.s32 $0xD010;
	s20 =	sadd.s32 $0x15180, s10;
	[smem:$0x7F6] =	sst s18  }
0x29: {  	s30 =	simm.s32 $0xD0D8;
	s19 =	sadd.s32 $0x4B00, s2;
	[smem:$0x7F8] =	sst s20  }
0x2a: {  	s31 =	simm.s32 $0xD1A0;
	s22 =	sadd.s32 $0x4B00, s10;
	[dreg:$0x15] =	wrdreg s19  }
0x2b: {  	s0 =	sshrl.u32 s0, $0x3;
	s23 =	sadd.s32 $0x5780, s10;
	[dreg:$0x19] =	wrdreg s22  }
0x2c: {  	s24 =	sadd.s32 $0x6400, s10;
	s25 =	sadd.s32 $0x7080, s10;
	[dreg:$0x1a] =	wrdreg s23  }
0x2d: {  	s2 =	sadd.s32 $0x9600, s10;
	s21 =	sadd.s32 $0x15E00, s10;
	[dreg:$0x1b] =	wrdreg s24  }
0x2e: {  	s26 =	smov.u32 s7;
	s17 =	simm.s32 $0x1;
	[dreg:$0x1c] =	wrdreg s25  }
0x2f: {  	s3 =	simm.s32 $0xD330;
	s6 =	simm.s32 $0xD3F8;
	[dreg:$0x1f] =	wrdreg s2  }
0x30: {  	s8 =	simm.s32 $0xD588;
	s0 =	sadd.s32 s11, s0;
	[smem:$0x7F9] =	sst s21  }
0x31: {  	s9 =	simm.s32 $0xD650;
	s11 =	sadd.s32 $0xE100, s10;
	[dreg:$0x16] =	wrdreg s0  }
0x32: {  	s4 =	simm.s32 $0x2;
	s19 =	sadd.s32 $0x14500, s10;
	[smem:$0x7EF] =	sst s11  }
0x33: {  	s1 =	simm.s32 $0xDB00;
	s22 =	sadd.s32 $0x16A80, s10;
	[smem:$0x7F7] =	sst s19  }
0x34: {  	s16 =	simm.s32 $0xE780;
	s23 =	sadd.s32 $0x17700, s10;
	[smem:$0x7FA] =	sst s22  }
0x35: {  	s13 =	simm.s32 $0x0;
	s24 =	sadd.s32 $0x18380, s10;
	[smem:$0x7FB] =	sst s23  }
0x36: {  	s25 =	sadd.s32 $0xC800, s7;
	s7 =	simm.s32 $0xD4C0;
	[smem:$0x7FC] =	sst s24  }
0x37: {  	s21 =	simm.s32 $0xD7E0;
	s2 =	simm.s32 $0x4;
	[smem:$0x7FD] =	sst s25  }
0x38: {  	s0 =	simm.s32 $0xD268;
	s11 =	simm.s32 $0xD718;
	s22 =	simm.s32 $0xD8A8  }
0x39: {  	s23 =	simm.s32 $0xD970;
	s24 =	simm.s32 $0xDA38;
	s25 =	simm.s32 $0x3  }
.LBB2_1:
0x3a: {  	[smem:$0x7E9] =	sst s13  }
0x3b: {  	s12 =	rddreg [dreg:$0x6];
	s14 =	simm.s32 $0x5  }
0x3c: {  	[tilespmem:s5], [sflag:$0x5] =	stream.linear.gather [hbm4b:s12+s5], $0x9C40, $0x38;
	[tilespmem:$0x10180] =	vst v63  }
0x3d: {  	_ =	swait.ge [sflag:s14], $0x9C40  }
0x3e: {  	[sflag:s14] =	ssyncset.done $0x0  }
0x3f: {  	s18 =	simm.s32 $0x9C80;
	s15 =	rddreg [dreg:$0x7];
	[sflag:s14] =	ssyncadd.s32 $0xFFFF63C0  }
0x40: {  	[tilespmem:s18], [sflag:$0x1] =	stream.linear.gather [hbm4b:s15+s5], $0xC80, $0x38;
	[tilespmem:$0x10180] =	vst v63  }
0x41: {  	s20 =	simm.s32 $0xB580;
	s19 =	rddreg [dreg:$0x8]  }
0x42: {  	[tilespmem:s20], [sflag:$0x1] =	stream.linear.gather [hbm4b:s19+s5], $0xC80, $0x38;
	[tilespmem:$0x10180] =	vst v63  }
0x43: {  	_ =	swait.ge [sflag:s17], $0xC80  }
0x44: {  	[sflag:s17] =	ssyncset.done $0x0  }
0x45: {  	[sflag:s17] =	ssyncadd.s32 $0xFFFFF380  }
0x46: {  	_ =	swait.ge [sflag:s17], $0xC80  }
0x47: {  	[sflag:s17] =	ssyncset.done $0x0  }
0x48: {  	s15 =	simm.s32 $0xA900;
	s14 =	rddreg [dreg:$0x9];
	[sflag:s17] =	ssyncadd.s32 $0xFFFFF380  }
0x49: {  	[tilespmem:s15], [sflag:$0x2] =	stream.linear.gather [hbm4b:s14+s5], $0xC80, $0x38;
	[tilespmem:$0x10180] =	vst v63  }
0x4a: {  	s19 =	simm.s32 $0xC200;
	s20 =	simm.s32 $0x9CC0;
	s18 =	rddreg [dreg:$0xa]  }
0x4b: {  	[tilespmem:s19], [sflag:$0x2] =	stream.linear.gather [hbm4b:s18+s5], $0xC80, $0x38;
	[tilespmem:$0x10180] =	vst v63  }
0x4c: {  	s19 =	simm.s32 $0xB5C0;
	v0 =	vld [tilespmem:s20+$0x30]  }
0x4d: {  	v1 =	vld [tilespmem:s19+$0x30]  }
0x4e: {  	v3 =	vld [tilespmem:s19+$0xFFFFFFC0]  }
0x4f: {  	v4 =	vld [tilespmem:s20+$0xFFFFFFD0]  }
0x50: {  	v6 =	vld [tilespmem:s19+$0xFFFFFFD0]  }
0x51: {  	v8 =	vld [tilespmem:s20+$0xFFFFFFE0]  }
0x52: {  	v9 =	vld [tilespmem:s19+$0xFFFFFFE0]  }
0x53: {  	v10 =	vld [tilespmem:s20+$0xFFFFFFF0]  }
0x54: {  	v12 =	vld [tilespmem:s19+$0xFFFFFFF0]  }
0x55: {  	v13 =	vld [tilespmem:s20+$0x0]  }
0x56: {  	v23 =	vld [tilespmem:s19+$0x0]  }
0x57: {  	v24 =	vld [tilespmem:s20+$0x10]  }
0x58: {  	v27 =	vld [tilespmem:s19+$0x10]  }
0x59: {  	v28 =	vld [tilespmem:s20+$0x20]  }
0x5a: {  	v35 =	vld [tilespmem:s19+$0x20]  }
0x5b: {  	v37 =	vld [tilespmem:s20+$0xFFFFFFC0]  }
0x5c: {  	v5 =	vld.idx.msk [tilespmem:v0+s5+$0x0], $0xffff  }
0x5d: {  	v11 =	vld.idx.msk [tilespmem:v1+s5+$0x0], $0xffff  }
0x5e: {  	v39 =	vld.idx.msk [tilespmem:v3+s5+$0x0], $0xffff  }
0x5f: {  	v40 =	vld.idx.msk [tilespmem:v4+s5+$0x0], $0xffff  }
0x60: {  	v42 =	vld.idx.msk [tilespmem:v6+s5+$0x0], $0xffff  }
0x61: {  	v2 =	vadd.s32 $0x2710, v0;
	v45 =	vld.idx.msk [tilespmem:v8+s5+$0x0], $0xffff  }
0x62: {  	v7 =	vadd.s32 $0x2710, v1;
	v60 =	vld.idx.msk [tilespmem:v9+s5+$0x0], $0xffff  }
0x63: {  	v14 =	vadd.s32 $0x4E20, v0;
	v61 =	vld.idx.msk [tilespmem:v10+s5+$0x0], $0xffff  }
0x64: {  	v29 =	vadd.s32 $0x2710, v3;
	v48 =	vld.idx.msk [tilespmem:v12+s5+$0x0], $0xffff  }
0x65: {  	v30 =	vadd.s32 $0x2710, v4;
	v50 =	vld.idx.msk [tilespmem:v37+s5+$0x0], $0xffff  }
0x66: {  	v32 =	vadd.s32 $0x2710, v6;
	v21 =	vld.idx.msk [tilespmem:v2+s5+$0x0], $0xffff  }
0x67: {  	v16 =	vadd.s32 $0x4E20, v4;
	v22 =	vld.idx.msk [tilespmem:v7+s5+$0x0], $0xffff  }
0x68: {  	v19 =	vadd.s32 $0x4E20, v3;
	v17 =	vadd.s32 $0x4E20, v6;
	v25 =	vld.idx.msk [tilespmem:v14+s5+$0x0], $0xffff  }
0x69: {  	v34 =	vadd.s32 $0x2710, v8;
	v18 =	vadd.s32 $0x4E20, v8;
	v36 =	vadd.s32 $0x2710, v9;
	v29 =	vld.idx.msk [tilespmem:v29+s5+$0x0], $0xffff  }
0x6a: {  	v15 =	vadd.s32 $0x4E20, v9;
	v38 =	vadd.s32 $0x2710, v10;
	v41 =	vadd.s32 $0x2710, v12;
	v30 =	vld.idx.msk [tilespmem:v30+s5+$0x0], $0xffff  }
0x6b: {  	v20 =	vadd.s32 $0x4E20, v12;
	v43 =	vadd.s32 $0x2710, v13;
	v0 =	vadd.s32 $0x7530, v0;
	v32 =	vld.idx.msk [tilespmem:v32+s5+$0x0], $0xffff  }
0x6c: {  	v46 =	vadd.s32 $0x2710, v23;
	v47 =	vadd.s32 $0x4E20, v23;
	v2 =	vadd.s32 $0x4E20, v1;
	v16 =	vld.idx.msk [tilespmem:v16+s5+$0x0], $0xffff  }
0x6d: {  	v49 =	vadd.s32 $0x2710, v24;
	v51 =	vadd.s32 $0x4E20, v24;
	v7 =	vadd.s32 $0x7530, v1;
	v17 =	vld.idx.msk [tilespmem:v17+s5+$0x0], $0xffff  }
0x6e: {  	v52 =	vadd.s32 $0x4E20, v27;
	v54 =	vadd.s32 $0x2710, v28;
	v55 =	vadd.s32 $0x4E20, v28;
	v18 =	vld.idx.msk [tilespmem:v18+s5+$0x0], $0xffff  }
0x6f: {  	v56 =	vadd.s32 $0x4E20, v37;
	v58 =	vadd.s32 $0x4E20, v35;
	v1 =	vadd.s32 $0x7530, v3;
	v15 =	vld.idx.msk [tilespmem:v15+s5+$0x0], $0xffff  }
0x70: {  	v14 =	vadd.s32 $0x4E20, v10;
	v3 =	vadd.s32 $0x7530, v9;
	v31 =	vld.idx.msk [tilespmem:v0+s5+$0x0], $0xffff;
	v11 =	vmul.bf16 v11, v5  }
0x71: {  	v5 =	vadd.s32 $0x7530, v8;
	v0 =	vadd.s32 $0x7530, v10;
	v40 =	vmul.bf16 v42, v40;
	v26 =	vld.idx.msk [tilespmem:v2+s5+$0x0], $0xffff  }
0x72: {  	v39 =	vmul.bf16 v39, v50;
	v33 =	vld.idx.msk [tilespmem:v7+s5+$0x0], $0xffff;
	v2 =	vadd.s32 $0x7530, v4;
	v7 =	vadd.s32 $0x7530, v6  }
0x73: {  	v38 =	vld.idx.msk [tilespmem:v38+s5+$0x0], $0xffff;
	v4 =	vunpack.i.l.bf16.f32 v11;
	v8 =	vunpack.i.u.bf16.f32 v11;
	v11 =	vmul.bf16 v22, v21  }
0x74: {  	v19 =	vld.idx.msk [tilespmem:v19+s5+$0x0], $0xffff;
	v22 =	vadd.s32 $0x4E20, v13;
	v6 =	vadd.s32 $0x7530, v13;
	v21 =	vmul.bf16 v60, v45  }
0x75: {  	v20 =	vld.idx.msk [tilespmem:v20+s5+$0x0], $0xffff;
	v62 =	vunpack.i.l.bf16.f32 v40;
	v30 =	vmul.bf16 v32, v30;
	v16 =	vmul.bf16 v17, v16  }
0x76: {  	v50 =	vld.idx.msk [tilespmem:v49+s5+$0x0], $0xffff;
	v15 =	vmul.bf16 v15, v18;
	v44 =	vadd.f32 $0.0e+00, v4;
	v4 =	vadd.s32 $0x7530, v12  }
0x77: {  	v14 =	vld.idx.msk [tilespmem:v14+s5+$0x0], $0xffff;
	v63 =	vadd.f32 $0.0e+00, v62;
	v10 =	vunpack.i.l.bf16.f32 v11;
	v11 =	vunpack.i.u.bf16.f32 v11  }
0x78: {  	v17 =	vld.idx.msk [tilespmem:v52+s5+$0x0], $0xffff;
	v59 =	vunpack.i.u.bf16.f32 v21;
	v21 =	vunpack.i.l.bf16.f32 v21;
	v52 =	vunpack.i.u.bf16.f32 v15  }
0x79: {  	v9 =	vadd.f32 v44, v8;
	v8 =	vadd.s32 $0x7530, v23;
	v23 =	vld.idx.msk [tilespmem:v23+s5+$0x0], $0xffff;
	v44 =	vmul.bf16 v48, v61  }
0x7a: {  	v21 =	vadd.f32 $0.0e+00, v21;
	v61 =	vunpack.i.l.bf16.f32 v39;
	v39 =	vunpack.i.u.bf16.f32 v39;
	v48 =	vld.idx.msk [tilespmem:v46+s5+$0x0], $0xffff  }
0x7b: {  	v46 =	vld.idx.msk [tilespmem:v51+s5+$0x0], $0xffff;
	v62 =	vadd.f32 $0.0e+00, v61;
	v10 =	vadd.f32 v10, v9;
	v12 =	vmul.bf16 v26, v25  }
0x7c: {  	v25 =	vld.idx.msk [tilespmem:v13+s5+$0x0], $0xffff;
	v9 =	vadd.s32 $0x7530, v24;
	v13 =	vadd.s32 $0x2710, v37;
	v26 =	vadd.s32 $0x2710, v27  }
0x7d: {  	v61 =	vld.idx.msk [tilespmem:v56+s5+$0x0], $0xffff;
	v31 =	vmul.bf16 v33, v31;
	v60 =	vunpack.i.u.bf16.f32 v44;
	v44 =	vunpack.i.l.bf16.f32 v44  }
0x7e: {  	v24 =	vld.idx.msk [tilespmem:v24+s5+$0x0], $0xffff;
	v37 =	vadd.s32 $0x7530, v37;
	v21 =	vadd.f32 v21, v59;
	v44 =	vadd.f32 $0.0e+00, v44  }
0x7f: {  	v33 =	vld.idx.msk [tilespmem:v28+s5+$0x0], $0xffff;
	v14 =	vmul.bf16 v20, v14;
	v39 =	vadd.f32 v62, v39;
	v11 =	vadd.f32 v10, v11  }
0x80: {  	v59 =	vld.idx.msk [tilespmem:v54+s5+$0x0], $0xffff;
	v62 =	vunpack.i.u.bf16.f32 v30;
	v30 =	vunpack.i.l.bf16.f32 v30;
	v53 =	vunpack.i.l.bf16.f32 v12  }
0x81: {  	v10 =	vadd.s32 $0x7530, v27;
	v27 =	vld.idx.msk [tilespmem:v27+s5+$0x0], $0xffff;
	v12 =	vunpack.i.u.bf16.f32 v12;
	v53 =	vadd.f32 v53, v11  }
0x82: {  	v57 =	vunpack.i.l.bf16.f32 v31;
	v31 =	vunpack.i.u.bf16.f32 v31;
	v54 =	vunpack.i.u.bf16.f32 v14;
	v42 =	vld.idx.msk [tilespmem:v13+s5+$0x0], $0xffff  }
0x83: {  	v17 =	vmul.bf16 v17, v46;
	v23 =	vmul.bf16 v23, v25;
	v25 =	vld.idx.msk [tilespmem:v41+s5+$0x0], $0xffff;
	v12 =	vadd.f32 v53, v12  }
0x84: {  	v14 =	vunpack.i.l.bf16.f32 v14;
	v11 =	vadd.s32 $0x7530, v28;
	v28 =	vadd.s32 $0x2710, v35;
	v26 =	vld.idx.msk [tilespmem:v26+s5+$0x0], $0xffff  }
0x85: {  	v18 =	vld.idx.msk [tilespmem:v58+s5+$0x0], $0xffff;
	v19 =	vmul.bf16 v19, v61;
	v58 =	vunpack.i.u.bf16.f32 v17;
	v13 =	vadd.f32 v57, v12  }
0x86: {  	v17 =	vunpack.i.l.bf16.f32 v17;
	v53 =	vld.idx.msk [tilespmem:v35+s5+$0x0], $0xffff;
	v24 =	vmul.bf16 v27, v24;
	v12 =	vadd.s32 $0x7530, v35  }
0x87: {  	v57 =	vunpack.i.u.bf16.f32 v40;
	v35 =	vld.idx.msk [tilespmem:v36+s5+$0x0], $0xffff;
	v36 =	vadd.f32 v44, v60;
	v13 =	vadd.f32 v13, v31  }
0x88: {  	v34 =	vld.idx.msk [tilespmem:v34+s5+$0x0], $0xffff;
	v31 =	vadd.f32 v63, v57;
	v63 =	vunpack.i.u.bf16.f32 v23;
	v29 =	vmul.bf16 v29, v42  }
0x89: {  	v49 =	vld.idx.msk [tilespmem:v55+s5+$0x0], $0xffff;
	v23 =	vunpack.i.l.bf16.f32 v23;
	v25 =	vmul.bf16 v25, v38;
	v26 =	vmul.bf16 v26, v50  }
0x8a: {  	v40 =	vld.idx.msk [tilespmem:v43+s5+$0x0], $0xffff;
	v50 =	vunpack.i.l.bf16.f32 v16;
	v16 =	vunpack.i.u.bf16.f32 v16;
	v23 =	vadd.f32 $0.0e+00, v23  }
0x8b: {  	v22 =	vld.idx.msk [tilespmem:v22+s5+$0x0], $0xffff;
	v33 =	vmul.bf16 v53, v33;
	v53 =	vunpack.i.u.bf16.f32 v24;
	v24 =	vunpack.i.l.bf16.f32 v24  }
0x8c: {  	v28 =	vld.idx.msk [tilespmem:v28+s5+$0x0], $0xffff;
	v24 =	vadd.f32 $0.0e+00, v24;
	v60 =	vunpack.i.l.bf16.f32 v29;
	v29 =	vunpack.i.u.bf16.f32 v29  }
0x8d: {  	v44 =	vld.idx.msk [tilespmem:v47+s5+$0x0], $0xffff;
	v30 =	vadd.f32 v30, v31;
	v43 =	vunpack.i.l.bf16.f32 v26;
	v26 =	vunpack.i.u.bf16.f32 v26  }
0x8e: {  	v57 =	vunpack.i.l.bf16.f32 v33;
	v33 =	vunpack.i.u.bf16.f32 v33;
	v23 =	vadd.f32 v23, v63  }
0x8f: {  	v2 =	vld.idx.msk [tilespmem:v2+s5+$0x0], $0xffff;
	v39 =	vadd.f32 v60, v39;
	v34 =	vmul.bf16 v35, v34;
	v27 =	vmul.bf16 v48, v40  }
0x90: {  	v7 =	vld.idx.msk [tilespmem:v7+s5+$0x0], $0xffff;
	v48 =	vunpack.i.u.bf16.f32 v19;
	v19 =	vunpack.i.l.bf16.f32 v19;
	v42 =	vadd.f32 $0.0e+00, v57  }
0x91: {  	v24 =	vadd.f32 v24, v53;
	v30 =	vadd.f32 v30, v62;
	v28 =	vmul.bf16 v28, v59;
	v53 =	vld.idx.msk [tilespmem:v1+s5+$0x0], $0xffff  }
0x92: {  	v1 =	vunpack.i.l.bf16.f32 v15;
	v15 =	vmul.bf16 v44, v22;
	v57 =	vld.idx.msk [tilespmem:v3+s5+$0x0], $0xffff;
	v3 =	vmul.bf16 v18, v49  }
0x93: {  	v63 =	vunpack.i.l.bf16.f32 v34;
	v29 =	vadd.f32 v39, v29;
	v39 =	vunpack.i.u.bf16.f32 v25  }
0x94: {  	v25 =	vunpack.i.l.bf16.f32 v25;
	v33 =	vadd.f32 v42, v33;
	v21 =	vadd.f32 v63, v21  }
0x95: {  	v25 =	vadd.f32 v25, v36;
	v42 =	vunpack.i.u.bf16.f32 v27;
	v27 =	vunpack.i.l.bf16.f32 v27  }
0x96: {  	v62 =	vmul.bf16 v7, v2;
	v24 =	vadd.f32 v43, v24;
	v23 =	vadd.f32 v27, v23  }
0x97: {  	v34 =	vunpack.i.u.bf16.f32 v34;
	v19 =	vadd.f32 v19, v29;
	v29 =	vadd.f32 v50, v30  }
0x98: {  	v51 =	vld.idx.msk [tilespmem:v37+s5+$0x0], $0xffff;
	v45 =	vunpack.i.u.bf16.f32 v28;
	v21 =	vadd.f32 v21, v34;
	v25 =	vadd.f32 v25, v39  }
0x99: {  	v28 =	vunpack.i.l.bf16.f32 v28;
	v24 =	vadd.f32 v24, v26;
	v23 =	vadd.f32 v23, v42  }
0x9a: {  	v56 =	vunpack.i.l.bf16.f32 v15;
	v47 =	vadd.f32 v28, v33;
	v19 =	vadd.f32 v19, v48  }
0x9b: {  	v5 =	vld.idx.msk [tilespmem:v5+s5+$0x0], $0xffff;
	v15 =	vunpack.i.u.bf16.f32 v15;
	v16 =	vadd.f32 v29, v16;
	v23 =	vadd.f32 v56, v23  }
0x9c: {  	v18 =	vld.idx.msk [tilespmem:v0+s5+$0x0], $0xffff;
	v60 =	vunpack.i.l.bf16.f32 v3;
	v26 =	vadd.f32 v47, v45;
	v1 =	vadd.f32 v1, v21  }
0x9d: {  	v59 =	vld.idx.msk [tilespmem:v4+s5+$0x0], $0xffff;
	v55 =	vadd.f32 v14, v25;
	v0 =	vadd.f32 v23, v15;
	v15 =	vmul.bf16 v53, v51  }
0x9e: {  	v4 =	vadd.f32 v17, v24;
	v17 =	vunpack.i.u.bf16.f32 v3;
	v3 =	vld.idx.msk [tilespmem:v6+s5+$0x0], $0xffff;
	v14 =	vadd.f32 v1, v52  }
0x9f: {  	v6 =	vld.idx.msk [tilespmem:v8+s5+$0x0], $0xffff;
	v1 =	vadd.f32 v55, v54;
	v22 =	vadd.f32 v60, v26;
	v61 =	vunpack.i.l.bf16.f32 v15  }
0xa0: {  	s18 =	simm.s32 $0xCEC0;
	v2 =	vadd.f32 v4, v58;
	v4 =	vld.idx.msk [tilespmem:v9+s5+$0x0], $0xffff;
	v9 =	vunpack.i.l.bf16.f32 v62;
	v19 =	vadd.f32 v61, v19  }
0xa1: {  	[tilespmem:s18+$0x30] =	vst v13;
	v7 =	vld.idx.msk [tilespmem:v10+s5+$0x0], $0xffff;
	v8 =	vadd.f32 v22, v17;
	v17 =	vmul.bf16 v57, v5;
	v63 =	vunpack.i.u.bf16.f32 v15  }
0xa2: {  	v13 =	vmul.bf16 v59, v18;
	v16 =	vadd.f32 v9, v16;
	v9 =	vld.idx.msk [tilespmem:v12+s5+$0x0], $0xffff;
	v10 =	vadd.f32 v19, v63  }
0xa3: {  	s13 =	simm.s32 $0x9D40;
	s12 =	simm.s32 $0x0;
	v5 =	vld.idx.msk [tilespmem:v11+s5+$0x0], $0xffff;
	v15 =	vunpack.i.u.bf16.f32 v62;
	v11 =	vunpack.i.u.bf16.f32 v17;
	v17 =	vunpack.i.l.bf16.f32 v17  }
.LBB2_2:
0xa4: {  	v12 =	vld [tilespmem:s13+$0x30];
	[tilespmem:s18+$0xFFFFFFC0] =	vst v10;
	v10 =	vadd.f32 v16, v15;
	v14 =	vadd.f32 v17, v14;
	s19 =	sadd.s32 $0x80, s19  }
0xa5: {  	s12 =	sadd.s32 $0x8, s12;
	v3 =	vmul.bf16 v6, v3;
	v20 =	vld [tilespmem:s19+$0x30];
	v15 =	vunpack.i.u.bf16.f32 v13;
	v13 =	vunpack.i.l.bf16.f32 v13  }
0xa6: {  	p0 =	slt.u32 s12, $0xC0;
	v23 =	vld [tilespmem:s19+$0xFFFFFFC0];
	[tilespmem:s18+$0xFFFFFFD0] =	vst v10;
	v6 =	vadd.f32 v14, v11;
	v1 =	vadd.f32 v13, v1  }
0xa7: {  	v11 =	vunpack.i.u.bf16.f32 v3;
	v3 =	vunpack.i.l.bf16.f32 v3;
	v4 =	vmul.bf16 v7, v4;
	v10 =	vld [tilespmem:s13+$0xFFFFFFD0]  }
0xa8: {  	v0 =	vadd.f32 v3, v0;
	v25 =	vld [tilespmem:s19+$0xFFFFFFD0];
	[tilespmem:s18+$0xFFFFFFE0] =	vst v6;
	v1 =	vadd.f32 v1, v15  }
0xa9: {  	v24 =	vunpack.i.u.bf16.f32 v4;
	v3 =	vunpack.i.l.bf16.f32 v4;
	v6 =	vmul.bf16 v9, v5;
	v26 =	vld [tilespmem:s13+$0xFFFFFFE0]  }
0xaa: {  	v0 =	vadd.f32 v0, v11;
	v11 =	vadd.f32 v3, v2;
	v37 =	vld [tilespmem:s19+$0xFFFFFFE0];
	[tilespmem:s18+$0xFFFFFFF0] =	vst v1  }
0xab: {  	v2 =	vadd.s32 $0x2710, v12;
	v28 =	vadd.s32 $0x2710, v23;
	v13 =	vadd.s32 $0x4E20, v23;
	v38 =	vld [tilespmem:s13+$0xFFFFFFF0]  }
0xac: {  	v9 =	vadd.s32 $0x2710, v20;
	v27 =	vadd.s32 $0x2710, v10;
	v14 =	vadd.s32 $0x4E20, v10;
	v7 =	vld.idx.msk [tilespmem:v12+s5+$0x0], $0xffff;
	[tilespmem:s18+$0x0] =	vst v0  }
0xad: {  	v0 =	vadd.s32 $0x7530, v23;
	v31 =	vadd.s32 $0x2710, v25;
	v15 =	vadd.s32 $0x4E20, v25;
	v19 =	vld.idx.msk [tilespmem:v20+s5+$0x0], $0xffff  }
0xae: {  	v1 =	vadd.s32 $0x7530, v10;
	v29 =	vadd.s32 $0x2710, v26;
	v16 =	vadd.s32 $0x4E20, v26;
	v39 =	vld [tilespmem:s19+$0xFFFFFFF0]  }
0xaf: {  	v21 =	vadd.s32 $0x4E20, v12;
	v32 =	vadd.s32 $0x2710, v37;
	v17 =	vadd.s32 $0x4E20, v37;
	v40 =	vld [tilespmem:s13+$0x0]  }
0xb0: {  	v35 =	vadd.s32 $0x4E20, v20;
	v30 =	vadd.s32 $0x2710, v38;
	v18 =	vadd.s32 $0x4E20, v38;
	v22 =	vld.idx.msk [tilespmem:v2+s5+$0x0], $0xffff  }
0xb1: {  	v5 =	vadd.s32 $0x7530, v25;
	v4 =	vadd.s32 $0x7530, v26;
	v3 =	vadd.s32 $0x7530, v37;
	v9 =	vld.idx.msk [tilespmem:v9+s5+$0x0], $0xffff  }
0xb2: {  	v42 =	vunpack.i.u.bf16.f32 v6;
	v36 =	vunpack.i.l.bf16.f32 v6;
	v2 =	vadd.s32 $0x7530, v38;
	v41 =	vld [tilespmem:s19+$0x0]  }
0xb3: {  	v12 =	vadd.s32 $0x7530, v12;
	v44 =	vmul.bf16 v19, v7;
	v33 =	vadd.s32 $0x2710, v39;
	v43 =	vld [tilespmem:s13+$0x10]  }
0xb4: {  	v46 =	vadd.s32 $0x7530, v20;
	v19 =	vadd.s32 $0x4E20, v39;
	v34 =	vadd.s32 $0x2710, v40;
	v45 =	vld.idx.msk [tilespmem:v21+s5+$0x0], $0xffff  }
0xb5: {  	v6 =	vadd.s32 $0x7530, v39;
	v20 =	vadd.s32 $0x4E20, v40;
	v21 =	vunpack.i.l.bf16.f32 v44;
	v47 =	vld.idx.msk [tilespmem:v35+s5+$0x0], $0xffff  }
0xb6: {  	v50 =	vadd.f32 v36, v8;
	v7 =	vadd.s32 $0x7530, v40;
	v49 =	vadd.f32 $0.0e+00, v21;
	v48 =	vld [tilespmem:s19+$0x10]  }
0xb7: {  	v8 =	vunpack.i.u.bf16.f32 v44;
	v44 =	vmul.bf16 v9, v22;
	v35 =	vadd.s32 $0x2710, v41;
	v51 =	vld [tilespmem:s13+$0x20]  }
0xb8: {  	v21 =	vadd.s32 $0x4E20, v41;
	v49 =	vadd.f32 v49, v8;
	v36 =	vadd.s32 $0x2710, v43;
	v12 =	vld.idx.msk [tilespmem:v12+s5+$0x0], $0xffff  }
0xb9: {  	v8 =	vadd.s32 $0x7530, v41;
	v22 =	vadd.s32 $0x4E20, v43;
	v52 =	vunpack.i.l.bf16.f32 v44;
	v46 =	vld.idx.msk [tilespmem:v46+s5+$0x0], $0xffff  }
0xba: {  	v11 =	vadd.f32 v11, v24;
	v9 =	vadd.s32 $0x7530, v43;
	v49 =	vadd.f32 v52, v49;
	v53 =	vld [tilespmem:s19+$0x20]  }
0xbb: {  	v24 =	vunpack.i.u.bf16.f32 v44;
	v44 =	vmul.bf16 v47, v45;
	v52 =	vld [tilespmem:s13+$0xFFFFFFC0];
	v54 =	vadd.s32 $0x2710, v48  }
0xbc: {  	v49 =	vadd.f32 v49, v24;
	v45 =	vld.idx.msk [tilespmem:v23+s5+$0x0], $0xffff;
	v23 =	vadd.s32 $0x4E20, v48;
	v47 =	vadd.s32 $0x2710, v51;
	[tilespmem:s18+$0x10] =	vst v11  }
0xbd: {  	v24 =	vadd.s32 $0x4E20, v51;
	v56 =	vunpack.i.l.bf16.f32 v44;
	v55 =	vld.idx.msk [tilespmem:v10+s5+$0x0], $0xffff;
	v10 =	vadd.s32 $0x7530, v48  }
0xbe: {  	v42 =	vadd.f32 v50, v42;
	v11 =	vadd.s32 $0x7530, v51;
	v57 =	vld.idx.msk [tilespmem:v25+s5+$0x0], $0xffff;
	v25 =	vadd.f32 v56, v49  }
0xbf: {  	v49 =	vld.idx.msk [tilespmem:v26+s5+$0x0], $0xffff;
	v50 =	vadd.s32 $0x2710, v53;
	v26 =	vunpack.i.u.bf16.f32 v44;
	v44 =	vmul.bf16 v46, v12  }
0xc0: {  	v46 =	vadd.s32 $0x2710, v52;
	v56 =	vadd.s32 $0x4E20, v52;
	v37 =	vld.idx.msk [tilespmem:v37+s5+$0x0], $0xffff;
	v58 =	vadd.f32 v25, v26;
	[tilespmem:s18+$0x20] =	vst v42  }
0xc1: {  	v25 =	vadd.s32 $0x7530, v52;
	v26 =	vadd.s32 $0x4E20, v53;
	v38 =	vld.idx.msk [tilespmem:v38+s5+$0x0], $0xffff;
	v42 =	vunpack.i.l.bf16.f32 v44  }
0xc2: {  	v12 =	vadd.s32 $0x7530, v53;
	v39 =	vld.idx.msk [tilespmem:v39+s5+$0x0], $0xffff;
	v42 =	vadd.f32 v42, v58  }
0xc3: {  	v44 =	vunpack.i.u.bf16.f32 v44;
	v52 =	vld.idx.msk [tilespmem:v52+s5+$0x0], $0xffff  }
0xc4: {  	v55 =	vmul.bf16 v57, v55;
	v40 =	vld.idx.msk [tilespmem:v40+s5+$0x0], $0xffff;
	v42 =	vadd.f32 v42, v44  }
0xc5: {  	s18 =	sadd.s32 $0x80, s18;
	v41 =	vld.idx.msk [tilespmem:v41+s5+$0x0], $0xffff  }
0xc6: {  	v44 =	vunpack.i.u.bf16.f32 v55;
	v55 =	vunpack.i.l.bf16.f32 v55;
	v37 =	vmul.bf16 v37, v49;
	v43 =	vld.idx.msk [tilespmem:v43+s5+$0x0], $0xffff;
	[tilespmem:s18+$0x30] =	vst v42  }
0xc7: {  	v42 =	vadd.f32 $0.0e+00, v55;
	v48 =	vld.idx.msk [tilespmem:v48+s5+$0x0], $0xffff  }
0xc8: {  	v49 =	vunpack.i.u.bf16.f32 v37;
	v37 =	vunpack.i.l.bf16.f32 v37;
	v38 =	vmul.bf16 v39, v38;
	v39 =	vld.idx.msk [tilespmem:v51+s5+$0x0], $0xffff  }
0xc9: {  	v45 =	vmul.bf16 v45, v52;
	v42 =	vadd.f32 v42, v44;
	v37 =	vadd.f32 $0.0e+00, v37;
	v44 =	vld.idx.msk [tilespmem:v53+s5+$0x0], $0xffff  }
0xca: {  	v51 =	vunpack.i.u.bf16.f32 v38;
	v38 =	vunpack.i.l.bf16.f32 v38;
	v46 =	vld.idx.msk [tilespmem:v46+s5+$0x0], $0xffff  }
0xcb: {  	v52 =	vunpack.i.l.bf16.f32 v45;
	v38 =	vadd.f32 $0.0e+00, v38;
	v40 =	vmul.bf16 v41, v40;
	v28 =	vld.idx.msk [tilespmem:v28+s5+$0x0], $0xffff  }
0xcc: {  	v41 =	vunpack.i.u.bf16.f32 v45;
	v37 =	vadd.f32 v37, v49;
	v45 =	vadd.f32 $0.0e+00, v52;
	v27 =	vld.idx.msk [tilespmem:v27+s5+$0x0], $0xffff  }
0xcd: {  	v49 =	vunpack.i.u.bf16.f32 v40;
	v40 =	vunpack.i.l.bf16.f32 v40;
	v43 =	vmul.bf16 v48, v43;
	v31 =	vld.idx.msk [tilespmem:v31+s5+$0x0], $0xffff  }
0xce: {  	v41 =	vadd.f32 v45, v41;
	v40 =	vadd.f32 $0.0e+00, v40;
	v29 =	vld.idx.msk [tilespmem:v29+s5+$0x0], $0xffff  }
0xcf: {  	v45 =	vunpack.i.u.bf16.f32 v43;
	v43 =	vunpack.i.l.bf16.f32 v43;
	v39 =	vmul.bf16 v44, v39;
	v32 =	vld.idx.msk [tilespmem:v32+s5+$0x0], $0xffff  }
0xd0: {  	v38 =	vadd.f32 v38, v51;
	v43 =	vadd.f32 $0.0e+00, v43;
	v30 =	vld.idx.msk [tilespmem:v30+s5+$0x0], $0xffff  }
0xd1: {  	v28 =	vmul.bf16 v28, v46;
	v44 =	vunpack.i.u.bf16.f32 v39;
	v39 =	vunpack.i.l.bf16.f32 v39;
	v33 =	vld.idx.msk [tilespmem:v33+s5+$0x0], $0xffff  }
0xd2: {  	v40 =	vadd.f32 v40, v49;
	v39 =	vadd.f32 $0.0e+00, v39;
	v34 =	vld.idx.msk [tilespmem:v34+s5+$0x0], $0xffff  }
0xd3: {  	v46 =	vunpack.i.l.bf16.f32 v28;
	v27 =	vmul.bf16 v31, v27;
	v31 =	vld.idx.msk [tilespmem:v35+s5+$0x0], $0xffff;
	v35 =	vadd.f32 v43, v45  }
0xd4: {  	v28 =	vunpack.i.u.bf16.f32 v28;
	v41 =	vadd.f32 v46, v41;
	v39 =	vadd.f32 v39, v44;
	v36 =	vld.idx.msk [tilespmem:v36+s5+$0x0], $0xffff  }
0xd5: {  	v43 =	vunpack.i.u.bf16.f32 v27;
	v27 =	vunpack.i.l.bf16.f32 v27;
	v29 =	vmul.bf16 v32, v29;
	v32 =	vld.idx.msk [tilespmem:v54+s5+$0x0], $0xffff  }
0xd6: {  	v28 =	vadd.f32 v41, v28;
	v27 =	vadd.f32 v27, v42;
	v41 =	vld.idx.msk [tilespmem:v47+s5+$0x0], $0xffff  }
0xd7: {  	v42 =	vunpack.i.u.bf16.f32 v29;
	v29 =	vunpack.i.l.bf16.f32 v29;
	v30 =	vmul.bf16 v33, v30;
	v33 =	vld.idx.msk [tilespmem:v50+s5+$0x0], $0xffff  }
0xd8: {  	v27 =	vadd.f32 v27, v43;
	v29 =	vadd.f32 v29, v37;
	v44 =	vld.idx.msk [tilespmem:v56+s5+$0x0], $0xffff  }
0xd9: {  	v37 =	vunpack.i.u.bf16.f32 v30;
	v30 =	vunpack.i.l.bf16.f32 v30;
	v31 =	vmul.bf16 v31, v34;
	v13 =	vld.idx.msk [tilespmem:v13+s5+$0x0], $0xffff  }
0xda: {  	v29 =	vadd.f32 v29, v42;
	v30 =	vadd.f32 v30, v38;
	v14 =	vld.idx.msk [tilespmem:v14+s5+$0x0], $0xffff  }
0xdb: {  	v34 =	vunpack.i.u.bf16.f32 v31;
	v31 =	vunpack.i.l.bf16.f32 v31;
	v32 =	vmul.bf16 v32, v36;
	v15 =	vld.idx.msk [tilespmem:v15+s5+$0x0], $0xffff  }
0xdc: {  	v30 =	vadd.f32 v30, v37;
	v31 =	vadd.f32 v31, v40;
	v16 =	vld.idx.msk [tilespmem:v16+s5+$0x0], $0xffff  }
0xdd: {  	v36 =	vunpack.i.u.bf16.f32 v32;
	v32 =	vunpack.i.l.bf16.f32 v32;
	v33 =	vmul.bf16 v33, v41;
	v17 =	vld.idx.msk [tilespmem:v17+s5+$0x0], $0xffff  }
0xde: {  	v31 =	vadd.f32 v31, v34;
	v32 =	vadd.f32 v32, v35;
	v18 =	vld.idx.msk [tilespmem:v18+s5+$0x0], $0xffff  }
0xdf: {  	v13 =	vmul.bf16 v13, v44;
	v34 =	vunpack.i.u.bf16.f32 v33;
	v33 =	vunpack.i.l.bf16.f32 v33;
	v19 =	vld.idx.msk [tilespmem:v19+s5+$0x0], $0xffff  }
0xe0: {  	v32 =	vadd.f32 v32, v36;
	v33 =	vadd.f32 v33, v39;
	v20 =	vld.idx.msk [tilespmem:v20+s5+$0x0], $0xffff  }
0xe1: {  	v35 =	vunpack.i.u.bf16.f32 v13;
	v13 =	vunpack.i.l.bf16.f32 v13;
	v14 =	vmul.bf16 v15, v14;
	v15 =	vld.idx.msk [tilespmem:v21+s5+$0x0], $0xffff  }
0xe2: {  	v13 =	vadd.f32 v13, v28;
	v21 =	vld.idx.msk [tilespmem:v22+s5+$0x0], $0xffff;
	v22 =	vadd.f32 v33, v34  }
0xe3: {  	v28 =	vunpack.i.u.bf16.f32 v14;
	v14 =	vunpack.i.l.bf16.f32 v14;
	v16 =	vmul.bf16 v17, v16;
	v17 =	vld.idx.msk [tilespmem:v23+s5+$0x0], $0xffff  }
0xe4: {  	v13 =	vadd.f32 v13, v35;
	v14 =	vadd.f32 v14, v27;
	v23 =	vld.idx.msk [tilespmem:v24+s5+$0x0], $0xffff  }
0xe5: {  	v24 =	vunpack.i.u.bf16.f32 v16;
	v16 =	vunpack.i.l.bf16.f32 v16;
	v18 =	vmul.bf16 v19, v18;
	v19 =	vld.idx.msk [tilespmem:v26+s5+$0x0], $0xffff  }
0xe6: {  	v26 =	vadd.f32 v14, v28;
	v14 =	vadd.f32 v16, v29;
	v25 =	vld.idx.msk [tilespmem:v25+s5+$0x0], $0xffff  }
0xe7: {  	v15 =	vmul.bf16 v15, v20;
	v16 =	vld.idx.msk [tilespmem:v0+s5+$0x0], $0xffff;
	v0 =	vunpack.i.u.bf16.f32 v18;
	v18 =	vunpack.i.l.bf16.f32 v18  }
0xe8: {  	v14 =	vadd.f32 v14, v24;
	v20 =	vld.idx.msk [tilespmem:v1+s5+$0x0], $0xffff;
	v1 =	vadd.f32 v18, v30  }
0xe9: {  	v18 =	vunpack.i.u.bf16.f32 v15;
	v15 =	vunpack.i.l.bf16.f32 v15;
	v17 =	vmul.bf16 v17, v21;
	v5 =	vld.idx.msk [tilespmem:v5+s5+$0x0], $0xffff  }
0xea: {  	v21 =	vld.idx.msk [tilespmem:v4+s5+$0x0], $0xffff;
	v1 =	vadd.f32 v1, v0;
	v0 =	vadd.f32 v15, v31  }
0xeb: {  	v4 =	vunpack.i.u.bf16.f32 v17;
	v15 =	vmul.bf16 v19, v23;
	v24 =	vld.idx.msk [tilespmem:v3+s5+$0x0], $0xffff;
	v3 =	vunpack.i.l.bf16.f32 v17  }
0xec: {  	v19 =	vld.idx.msk [tilespmem:v2+s5+$0x0], $0xffff;
	v0 =	vadd.f32 v0, v18;
	v2 =	vadd.f32 v3, v32  }
0xed: {  	v16 =	vmul.bf16 v16, v25;
	v17 =	vunpack.i.u.bf16.f32 v15;
	v18 =	vld.idx.msk [tilespmem:v6+s5+$0x0], $0xffff;
	v6 =	vunpack.i.l.bf16.f32 v15  }
0xee: {  	v3 =	vld.idx.msk [tilespmem:v7+s5+$0x0], $0xffff;
	v2 =	vadd.f32 v2, v4;
	v7 =	vadd.f32 v6, v22  }
.Ltmp0:
0xef: {  	v22 =	vunpack.i.u.bf16.f32 v16;
	v4 =	vunpack.i.l.bf16.f32 v16;
	v5 =	vmul.bf16 v5, v20;
	v6 =	vld.idx.msk [tilespmem:v8+s5+$0x0], $0xffff;
	(pc) =	sbr.rel @p0 .LBB2_2-.Ltmp0, $4  }
0xf0: {  	v13 =	vadd.f32 v4, v13;
	v4 =	vld.idx.msk [tilespmem:v9+s5+$0x0], $0xffff;
	v8 =	vadd.f32 v7, v17  }
0xf1: {  	v15 =	vunpack.i.u.bf16.f32 v5;
	v5 =	vunpack.i.l.bf16.f32 v5;
	v9 =	vmul.bf16 v24, v21;
	v7 =	vld.idx.msk [tilespmem:v10+s5+$0x0], $0xffff  }
0xf2: {  	v10 =	vadd.f32 v13, v22;
	v16 =	vadd.f32 v5, v26;
	v5 =	vld.idx.msk [tilespmem:v11+s5+$0x0], $0xffff  }
0xf3: {  	s13 =	sadd.s32 $0x80, s13;
	v11 =	vunpack.i.u.bf16.f32 v9;
	v17 =	vunpack.i.l.bf16.f32 v9;
	v13 =	vmul.bf16 v18, v19;
	v9 =	vld.idx.msk [tilespmem:v12+s5+$0x0], $0xffff  }
0xf4: {  	_ = 	snop  }
0xf5: {  	v12 =	vadd.f32 v17, v14  }
0xf6: {  	v55 =	vadd.f32 v16, v15;
	v3 =	vmul.bf16 v6, v3;
	v56 =	vunpack.i.u.bf16.f32 v13  }
0xf7: {  	v57 =	vunpack.i.l.bf16.f32 v13;
	v11 =	vadd.f32 v12, v11;
	v4 =	vmul.bf16 v7, v4  }
0xf8: {  	v1 =	vadd.f32 v57, v1;
	v58 =	vunpack.i.l.bf16.f32 v3;
	v5 =	vmul.bf16 v9, v5  }
0xf9: {  	[tilespmem:s18+$0xFFFFFFC0] =	vst v10;
	v3 =	vunpack.i.u.bf16.f32 v3;
	v0 =	vadd.f32 v58, v0;
	v59 =	vunpack.i.l.bf16.f32 v4  }
0xfa: {  	[tilespmem:s18+$0xFFFFFFD0] =	vst v55;
	v1 =	vadd.f32 v1, v56;
	v2 =	vadd.f32 v59, v2;
	v60 =	vunpack.i.l.bf16.f32 v5  }
0xfb: {  	[tilespmem:s18+$0xFFFFFFE0] =	vst v11;
	v4 =	vunpack.i.u.bf16.f32 v4;
	v0 =	vadd.f32 v0, v3;
	v61 =	vadd.f32 v60, v8  }
0xfc: {  	[tilespmem:s18+$0xFFFFFFF0] =	vst v1;
	v62 =	vunpack.i.u.bf16.f32 v5;
	v2 =	vadd.f32 v2, v4  }
0xfd: {  	[tilespmem:s18+$0x0] =	vst v0;
	v63 =	vadd.f32 v61, v62  }
0xfe: {  	[tilespmem:s18+$0x10] =	vst v2  }
0xff: {  	s12 =	simm.s32 $0xCE80;
	[tilespmem:s18+$0x20] =	vst v63  }
0x100: {  	[spmem:s10] =	stream.linear.scatter [tilespmem:s12], [sflag:$0x3], $0xC8, $0x38;
	[tilespmem:$0x10180] =	vst v63  }
0x101: {  	s18 =	rddreg [dreg:$0xb]  }
0x102: {  	s19 =	rddreg [dreg:$0xc]  }
0x103: {  	[spmem:s18] =	stream.linear.scatter [tilespmem:s28], [sflag:$0x3], $0xC8, $0x38;
	[tilespmem:$0x10180] =	vst v63  }
0x104: {  	s20 =	rddreg [dreg:$0xd]  }
0x105: {  	[spmem:s19] =	stream.linear.scatter [tilespmem:s29], [sflag:$0x3], $0xC8, $0x38;
	[tilespmem:$0x10180] =	vst v63  }
0x106: {  	s13 =	rddreg [dreg:$0xe]  }
0x107: {  	[spmem:s20] =	stream.linear.scatter [tilespmem:s30], [sflag:$0x3], $0xC8, $0x38;
	[tilespmem:$0x10180] =	vst v63  }
0x108: {  	s14 =	rddreg [dreg:$0x18]  }
0x109: {  	[spmem:s13] =	stream.linear.scatter [tilespmem:s31], [sflag:$0x3], $0xC8, $0x38;
	[tilespmem:$0x10180] =	vst v63  }
0x10a: {  	s15 =	rddreg [dreg:$0x19]  }
0x10b: {  	[spmem:s14] =	stream.linear.scatter [tilespmem:s0], [sflag:$0x3], $0xC8, $0x38;
	[tilespmem:$0x10180] =	vst v63  }
0x10c: {  	s18 =	rddreg [dreg:$0x1a]  }
0x10d: {  	[spmem:s15] =	stream.linear.scatter [tilespmem:s3], [sflag:$0x3], $0xC8, $0x38;
	[tilespmem:$0x10180] =	vst v63  }
0x10e: {  	s19 =	rddreg [dreg:$0x1b]  }
0x10f: {  	[spmem:s18] =	stream.linear.scatter [tilespmem:s6], [sflag:$0x3], $0xC8, $0x38;
	[tilespmem:$0x10180] =	vst v63  }
0x110: {  	s20 =	rddreg [dreg:$0x1c]  }
0x111: {  	[spmem:s19] =	stream.linear.scatter [tilespmem:s7], [sflag:$0x3], $0xC8, $0x38;
	[tilespmem:$0x10180] =	vst v63  }
0x112: {  	s13 =	rddreg [dreg:$0x1d]  }
0x113: {  	[spmem:s20] =	stream.linear.scatter [tilespmem:s8], [sflag:$0x3], $0xC8, $0x38;
	[tilespmem:$0x10180] =	vst v63  }
0x114: {  	s14 =	rddreg [dreg:$0x1e]  }
0x115: {  	[spmem:s13] =	stream.linear.scatter [tilespmem:s9], [sflag:$0x3], $0xC8, $0x38;
	[tilespmem:$0x10180] =	vst v63  }
0x116: {  	s15 =	rddreg [dreg:$0x1f]  }
0x117: {  	[spmem:s14] =	stream.linear.scatter [tilespmem:s11], [sflag:$0x3], $0xC8, $0x38;
	[tilespmem:$0x10180] =	vst v63  }
0x118: {  	s18 =	sld [smem:$0x7EA]  }
0x119: {  	[spmem:s15] =	stream.linear.scatter [tilespmem:s21], [sflag:$0x3], $0xC8, $0x38;
	[tilespmem:$0x10180] =	vst v63  }
0x11a: {  	s19 =	sld [smem:$0x7EB]  }
0x11b: {  	[spmem:s18] =	stream.linear.scatter [tilespmem:s22], [sflag:$0x3], $0xC8, $0x38;
	[tilespmem:$0x10180] =	vst v63  }
0x11c: {  	s20 =	sld [smem:$0x7EC]  }
0x11d: {  	[spmem:s19] =	stream.linear.scatter [tilespmem:s23], [sflag:$0x3], $0xC8, $0x38;
	[tilespmem:$0x10180] =	vst v63  }
0x11e: {  	_ = 	snop  }
0x11f: {  	[spmem:s20] =	stream.linear.scatter [tilespmem:s24], [sflag:$0x3], $0xC8, $0x38;
	[tilespmem:$0x10180] =	vst v63  }
0x120: {  	_ =	swait.ge [sflag:s25], $0xC8  }
0x121: {  	[sflag:s25] =	ssyncset.done $0x0  }
0x122: {  	[sflag:s25] =	ssyncadd.s32 $0xFFFFFF38  }
0x123: {  	_ =	swait.ge [sflag:s25], $0xC8  }
0x124: {  	[sflag:s25] =	ssyncset.done $0x0  }
0x125: {  	[sflag:s25] =	ssyncadd.s32 $0xFFFFFF38  }
0x126: {  	_ =	swait.ge [sflag:s25], $0xC8  }
0x127: {  	[sflag:s25] =	ssyncset.done $0x0  }
0x128: {  	[sflag:s25] =	ssyncadd.s32 $0xFFFFFF38  }
0x129: {  	_ =	swait.ge [sflag:s25], $0xC8  }
0x12a: {  	[sflag:s25] =	ssyncset.done $0x0  }
0x12b: {  	[sflag:s25] =	ssyncadd.s32 $0xFFFFFF38  }
0x12c: {  	_ =	swait.ge [sflag:s25], $0xC8  }
0x12d: {  	[sflag:s25] =	ssyncset.done $0x0  }
0x12e: {  	[sflag:s25] =	ssyncadd.s32 $0xFFFFFF38  }
0x12f: {  	_ =	swait.ge [sflag:s25], $0xC8  }
0x130: {  	[sflag:s25] =	ssyncset.done $0x0  }
0x131: {  	[sflag:s25] =	ssyncadd.s32 $0xFFFFFF38  }
0x132: {  	_ =	swait.ge [sflag:s25], $0xC8  }
0x133: {  	[sflag:s25] =	ssyncset.done $0x0  }
0x134: {  	[sflag:s25] =	ssyncadd.s32 $0xFFFFFF38  }
0x135: {  	_ =	swait.ge [sflag:s25], $0xC8  }
0x136: {  	[sflag:s25] =	ssyncset.done $0x0  }
0x137: {  	[sflag:s25] =	ssyncadd.s32 $0xFFFFFF38  }
0x138: {  	_ =	swait.ge [sflag:s25], $0xC8  }
0x139: {  	[sflag:s25] =	ssyncset.done $0x0  }
0x13a: {  	[sflag:s25] =	ssyncadd.s32 $0xFFFFFF38  }
0x13b: {  	_ =	swait.ge [sflag:s25], $0xC8  }
0x13c: {  	[sflag:s25] =	ssyncset.done $0x0  }
0x13d: {  	[sflag:s25] =	ssyncadd.s32 $0xFFFFFF38  }
0x13e: {  	_ =	swait.ge [sflag:s25], $0xC8  }
0x13f: {  	[sflag:s25] =	ssyncset.done $0x0  }
0x140: {  	[sflag:s25] =	ssyncadd.s32 $0xFFFFFF38  }
0x141: {  	_ =	swait.ge [sflag:s25], $0xC8  }
0x142: {  	[sflag:s25] =	ssyncset.done $0x0  }
0x143: {  	[sflag:s25] =	ssyncadd.s32 $0xFFFFFF38  }
0x144: {  	_ =	swait.ge [sflag:s25], $0xC8  }
0x145: {  	[sflag:s25] =	ssyncset.done $0x0  }
0x146: {  	[sflag:s25] =	ssyncadd.s32 $0xFFFFFF38  }
0x147: {  	_ =	swait.ge [sflag:s25], $0xC8  }
0x148: {  	[sflag:s25] =	ssyncset.done $0x0  }
0x149: {  	[sflag:s25] =	ssyncadd.s32 $0xFFFFFF38  }
0x14a: {  	_ =	swait.ge [sflag:s25], $0xC8  }
0x14b: {  	[sflag:s25] =	ssyncset.done $0x0  }
0x14c: {  	[sflag:s25] =	ssyncadd.s32 $0xFFFFFF38  }
0x14d: {  	_ =	swait.ge [sflag:s25], $0xC8  }
0x14e: {  	[sflag:s25] =	ssyncset.done $0x0  }
0x14f: {  	[sflag:s25] =	ssyncadd.s32 $0xFFFFFF38  }
0x150: {  	s19 =	simm.s32 $0x0;
	[bflag:$0x0] =	sbarrier.arrive $0xFFFF  }
.LBB2_4:
0x151: {  	_ =	swait.ge [sflag:s4], $0xC80  }
0x152: {  	[sflag:s4] =	ssyncset.done $0x0  }
0x153: {  	[sflag:s4] =	ssyncadd.s32 $0xFFFFF380  }
0x154: {  	s20 =	smul.u32 $0x1900, s19;
	_ =	swait.ge [sflag:s4], $0xC80  }
0x155: {  	s12 =	rddreg [dreg:$0xf];
	[sflag:s4] =	ssyncset.done $0x0  }
0x156: {  	s12 =	sadd.s32 s20, s12;
	[sflag:s4] =	ssyncadd.s32 $0xFFFFF380  }
0x157: {  	s12 =	sshrl.u32 s12, $0x3;
	s13 =	rddreg [dreg:$0x1]  }
0x158: {  	s14 =	simm.s32 $0x9C80;
	s18 =	rddreg [dreg:$0x2];
	s13 =	sadd.s32 s13, s12  }
0x159: {  	[tilespmem:s14], [sflag:$0x1] =	stream.linear.gather [hbm4b:s13+s5], $0xC80, $0x38;
	[tilespmem:$0x10180] =	vst v63  }
0x15a: {  	s12 =	sadd.s32 s18, s12;
	s14 =	simm.s32 $0xB580  }
0x15b: {  	[tilespmem:s14], [sflag:$0x1] =	stream.linear.gather [hbm4b:s12+s5], $0xC80, $0x38;
	[tilespmem:$0x10180] =	vst v63  }
0x15c: {  	s15 =	simm.s32 $0xA970  }
0x15d: {  	[tilespmem:s1], [sflag:$0x4] =	stream.linear.gather [spmem:s26], $0xC80, $0x38;
	[tilespmem:$0x10180] =	vst v63  }
0x15e: {  	s18 =	simm.s32 $0xC270;
	v0 =	vld [tilespmem:s15+$0x0]  }
0x15f: {  	v1 =	vld [tilespmem:s18+$0x0]  }
0x160: {  	v3 =	vld [tilespmem:s18+$0xFFFFFF90]  }
0x161: {  	v4 =	vld [tilespmem:s15+$0xFFFFFFA0]  }
0x162: {  	v6 =	vld [tilespmem:s18+$0xFFFFFFA0]  }
0x163: {  	v8 =	vld [tilespmem:s15+$0xFFFFFFB0]  }
0x164: {  	v9 =	vld [tilespmem:s18+$0xFFFFFFB0]  }
0x165: {  	v10 =	vld [tilespmem:s15+$0xFFFFFFC0]  }
0x166: {  	v12 =	vld [tilespmem:s18+$0xFFFFFFC0]  }
0x167: {  	v13 =	vld [tilespmem:s15+$0xFFFFFFD0]  }
0x168: {  	v23 =	vld [tilespmem:s18+$0xFFFFFFD0]  }
0x169: {  	v24 =	vld [tilespmem:s15+$0xFFFFFFE0]  }
0x16a: {  	v27 =	vld [tilespmem:s18+$0xFFFFFFE0]  }
0x16b: {  	v28 =	vld [tilespmem:s15+$0xFFFFFFF0]  }
0x16c: {  	v35 =	vld [tilespmem:s18+$0xFFFFFFF0]  }
0x16d: {  	v37 =	vld [tilespmem:s15+$0xFFFFFF90]  }
0x16e: {  	v5 =	vld.idx.msk [tilespmem:v0+s5+$0x0], $0xffff  }
0x16f: {  	v11 =	vld.idx.msk [tilespmem:v1+s5+$0x0], $0xffff  }
0x170: {  	v39 =	vld.idx.msk [tilespmem:v3+s5+$0x0], $0xffff  }
0x171: {  	v40 =	vld.idx.msk [tilespmem:v4+s5+$0x0], $0xffff  }
0x172: {  	v42 =	vld.idx.msk [tilespmem:v6+s5+$0x0], $0xffff  }
0x173: {  	v2 =	vadd.s32 $0x2710, v0;
	v45 =	vld.idx.msk [tilespmem:v8+s5+$0x0], $0xffff  }
0x174: {  	v7 =	vadd.s32 $0x2710, v1;
	v60 =	vld.idx.msk [tilespmem:v9+s5+$0x0], $0xffff  }
0x175: {  	v14 =	vadd.s32 $0x4E20, v0;
	v61 =	vld.idx.msk [tilespmem:v10+s5+$0x0], $0xffff  }
0x176: {  	v29 =	vadd.s32 $0x2710, v3;
	v48 =	vld.idx.msk [tilespmem:v12+s5+$0x0], $0xffff  }
0x177: {  	v30 =	vadd.s32 $0x2710, v4;
	v50 =	vld.idx.msk [tilespmem:v37+s5+$0x0], $0xffff  }
0x178: {  	v32 =	vadd.s32 $0x2710, v6;
	v21 =	vld.idx.msk [tilespmem:v2+s5+$0x0], $0xffff  }
0x179: {  	v16 =	vadd.s32 $0x4E20, v4;
	v22 =	vld.idx.msk [tilespmem:v7+s5+$0x0], $0xffff  }
0x17a: {  	v19 =	vadd.s32 $0x4E20, v3;
	v17 =	vadd.s32 $0x4E20, v6;
	v25 =	vld.idx.msk [tilespmem:v14+s5+$0x0], $0xffff  }
0x17b: {  	v34 =	vadd.s32 $0x2710, v8;
	v18 =	vadd.s32 $0x4E20, v8;
	v36 =	vadd.s32 $0x2710, v9;
	v29 =	vld.idx.msk [tilespmem:v29+s5+$0x0], $0xffff  }
0x17c: {  	v15 =	vadd.s32 $0x4E20, v9;
	v38 =	vadd.s32 $0x2710, v10;
	v41 =	vadd.s32 $0x2710, v12;
	v30 =	vld.idx.msk [tilespmem:v30+s5+$0x0], $0xffff  }
0x17d: {  	v20 =	vadd.s32 $0x4E20, v12;
	v43 =	vadd.s32 $0x2710, v13;
	v0 =	vadd.s32 $0x7530, v0;
	v32 =	vld.idx.msk [tilespmem:v32+s5+$0x0], $0xffff  }
0x17e: {  	v46 =	vadd.s32 $0x2710, v23;
	v47 =	vadd.s32 $0x4E20, v23;
	v2 =	vadd.s32 $0x4E20, v1;
	v16 =	vld.idx.msk [tilespmem:v16+s5+$0x0], $0xffff  }
0x17f: {  	v49 =	vadd.s32 $0x2710, v24;
	v51 =	vadd.s32 $0x4E20, v24;
	v7 =	vadd.s32 $0x7530, v1;
	v17 =	vld.idx.msk [tilespmem:v17+s5+$0x0], $0xffff  }
0x180: {  	v52 =	vadd.s32 $0x4E20, v27;
	v54 =	vadd.s32 $0x2710, v28;
	v55 =	vadd.s32 $0x4E20, v28;
	v18 =	vld.idx.msk [tilespmem:v18+s5+$0x0], $0xffff  }
0x181: {  	v56 =	vadd.s32 $0x4E20, v37;
	v58 =	vadd.s32 $0x4E20, v35;
	v1 =	vadd.s32 $0x7530, v3;
	v15 =	vld.idx.msk [tilespmem:v15+s5+$0x0], $0xffff  }
0x182: {  	v14 =	vadd.s32 $0x4E20, v10;
	v3 =	vadd.s32 $0x7530, v9;
	v31 =	vld.idx.msk [tilespmem:v0+s5+$0x0], $0xffff;
	v11 =	vmul.bf16 v11, v5  }
0x183: {  	v5 =	vadd.s32 $0x7530, v8;
	v0 =	vadd.s32 $0x7530, v10;
	v40 =	vmul.bf16 v42, v40;
	v26 =	vld.idx.msk [tilespmem:v2+s5+$0x0], $0xffff  }
0x184: {  	v39 =	vmul.bf16 v39, v50;
	v33 =	vld.idx.msk [tilespmem:v7+s5+$0x0], $0xffff;
	v2 =	vadd.s32 $0x7530, v4;
	v7 =	vadd.s32 $0x7530, v6  }
0x185: {  	v38 =	vld.idx.msk [tilespmem:v38+s5+$0x0], $0xffff;
	v4 =	vunpack.i.l.bf16.f32 v11;
	v8 =	vunpack.i.u.bf16.f32 v11;
	v11 =	vmul.bf16 v22, v21  }
0x186: {  	v19 =	vld.idx.msk [tilespmem:v19+s5+$0x0], $0xffff;
	v22 =	vadd.s32 $0x4E20, v13;
	v6 =	vadd.s32 $0x7530, v13;
	v21 =	vmul.bf16 v60, v45  }
0x187: {  	v20 =	vld.idx.msk [tilespmem:v20+s5+$0x0], $0xffff;
	v62 =	vunpack.i.l.bf16.f32 v40;
	v30 =	vmul.bf16 v32, v30;
	v16 =	vmul.bf16 v17, v16  }
0x188: {  	v50 =	vld.idx.msk [tilespmem:v49+s5+$0x0], $0xffff;
	v15 =	vmul.bf16 v15, v18;
	v44 =	vadd.f32 $0.0e+00, v4;
	v4 =	vadd.s32 $0x7530, v12  }
0x189: {  	v14 =	vld.idx.msk [tilespmem:v14+s5+$0x0], $0xffff;
	v63 =	vadd.f32 $0.0e+00, v62;
	v10 =	vunpack.i.l.bf16.f32 v11;
	v11 =	vunpack.i.u.bf16.f32 v11  }
0x18a: {  	v17 =	vld.idx.msk [tilespmem:v52+s5+$0x0], $0xffff;
	v59 =	vunpack.i.u.bf16.f32 v21;
	v21 =	vunpack.i.l.bf16.f32 v21;
	v52 =	vunpack.i.u.bf16.f32 v15  }
0x18b: {  	v9 =	vadd.f32 v44, v8;
	v8 =	vadd.s32 $0x7530, v23;
	v23 =	vld.idx.msk [tilespmem:v23+s5+$0x0], $0xffff;
	v44 =	vmul.bf16 v48, v61  }
0x18c: {  	v21 =	vadd.f32 $0.0e+00, v21;
	v61 =	vunpack.i.l.bf16.f32 v39;
	v39 =	vunpack.i.u.bf16.f32 v39;
	v48 =	vld.idx.msk [tilespmem:v46+s5+$0x0], $0xffff  }
0x18d: {  	v46 =	vld.idx.msk [tilespmem:v51+s5+$0x0], $0xffff;
	v62 =	vadd.f32 $0.0e+00, v61;
	v10 =	vadd.f32 v10, v9;
	v12 =	vmul.bf16 v26, v25  }
0x18e: {  	v25 =	vld.idx.msk [tilespmem:v13+s5+$0x0], $0xffff;
	v9 =	vadd.s32 $0x7530, v24;
	v13 =	vadd.s32 $0x2710, v37;
	v26 =	vadd.s32 $0x2710, v27  }
0x18f: {  	v61 =	vld.idx.msk [tilespmem:v56+s5+$0x0], $0xffff;
	v31 =	vmul.bf16 v33, v31;
	v60 =	vunpack.i.u.bf16.f32 v44;
	v44 =	vunpack.i.l.bf16.f32 v44  }
0x190: {  	v24 =	vld.idx.msk [tilespmem:v24+s5+$0x0], $0xffff;
	v37 =	vadd.s32 $0x7530, v37;
	v21 =	vadd.f32 v21, v59;
	v44 =	vadd.f32 $0.0e+00, v44  }
0x191: {  	v33 =	vld.idx.msk [tilespmem:v28+s5+$0x0], $0xffff;
	v14 =	vmul.bf16 v20, v14;
	v39 =	vadd.f32 v62, v39;
	v11 =	vadd.f32 v10, v11  }
0x192: {  	v59 =	vld.idx.msk [tilespmem:v54+s5+$0x0], $0xffff;
	v62 =	vunpack.i.u.bf16.f32 v30;
	v30 =	vunpack.i.l.bf16.f32 v30;
	v53 =	vunpack.i.l.bf16.f32 v12  }
0x193: {  	v10 =	vadd.s32 $0x7530, v27;
	v27 =	vld.idx.msk [tilespmem:v27+s5+$0x0], $0xffff;
	v12 =	vunpack.i.u.bf16.f32 v12;
	v53 =	vadd.f32 v53, v11  }
0x194: {  	v57 =	vunpack.i.l.bf16.f32 v31;
	v31 =	vunpack.i.u.bf16.f32 v31;
	v54 =	vunpack.i.u.bf16.f32 v14;
	v42 =	vld.idx.msk [tilespmem:v13+s5+$0x0], $0xffff  }
0x195: {  	v17 =	vmul.bf16 v17, v46;
	v23 =	vmul.bf16 v23, v25;
	v25 =	vld.idx.msk [tilespmem:v41+s5+$0x0], $0xffff;
	v12 =	vadd.f32 v53, v12  }
0x196: {  	v14 =	vunpack.i.l.bf16.f32 v14;
	v11 =	vadd.s32 $0x7530, v28;
	v28 =	vadd.s32 $0x2710, v35;
	v26 =	vld.idx.msk [tilespmem:v26+s5+$0x0], $0xffff  }
0x197: {  	v18 =	vld.idx.msk [tilespmem:v58+s5+$0x0], $0xffff;
	v19 =	vmul.bf16 v19, v61;
	v58 =	vunpack.i.u.bf16.f32 v17;
	v13 =	vadd.f32 v57, v12  }
0x198: {  	v17 =	vunpack.i.l.bf16.f32 v17;
	v53 =	vld.idx.msk [tilespmem:v35+s5+$0x0], $0xffff;
	v24 =	vmul.bf16 v27, v24;
	v12 =	vadd.s32 $0x7530, v35  }
0x199: {  	v57 =	vunpack.i.u.bf16.f32 v40;
	v35 =	vld.idx.msk [tilespmem:v36+s5+$0x0], $0xffff;
	v36 =	vadd.f32 v44, v60;
	v13 =	vadd.f32 v13, v31  }
0x19a: {  	v34 =	vld.idx.msk [tilespmem:v34+s5+$0x0], $0xffff;
	v31 =	vadd.f32 v63, v57;
	v63 =	vunpack.i.u.bf16.f32 v23;
	v29 =	vmul.bf16 v29, v42  }
0x19b: {  	v49 =	vld.idx.msk [tilespmem:v55+s5+$0x0], $0xffff;
	v23 =	vunpack.i.l.bf16.f32 v23;
	v25 =	vmul.bf16 v25, v38;
	v26 =	vmul.bf16 v26, v50  }
0x19c: {  	v40 =	vld.idx.msk [tilespmem:v43+s5+$0x0], $0xffff;
	v50 =	vunpack.i.l.bf16.f32 v16;
	v16 =	vunpack.i.u.bf16.f32 v16;
	v23 =	vadd.f32 $0.0e+00, v23  }
0x19d: {  	v22 =	vld.idx.msk [tilespmem:v22+s5+$0x0], $0xffff;
	v33 =	vmul.bf16 v53, v33;
	v53 =	vunpack.i.u.bf16.f32 v24;
	v24 =	vunpack.i.l.bf16.f32 v24  }
0x19e: {  	v28 =	vld.idx.msk [tilespmem:v28+s5+$0x0], $0xffff;
	v24 =	vadd.f32 $0.0e+00, v24;
	v60 =	vunpack.i.l.bf16.f32 v29;
	v29 =	vunpack.i.u.bf16.f32 v29  }
0x19f: {  	v44 =	vld.idx.msk [tilespmem:v47+s5+$0x0], $0xffff;
	v30 =	vadd.f32 v30, v31;
	v43 =	vunpack.i.l.bf16.f32 v26;
	v26 =	vunpack.i.u.bf16.f32 v26  }
0x1a0: {  	v57 =	vunpack.i.l.bf16.f32 v33;
	v33 =	vunpack.i.u.bf16.f32 v33;
	v23 =	vadd.f32 v23, v63  }
0x1a1: {  	v2 =	vld.idx.msk [tilespmem:v2+s5+$0x0], $0xffff;
	v39 =	vadd.f32 v60, v39;
	v34 =	vmul.bf16 v35, v34;
	v27 =	vmul.bf16 v48, v40  }
0x1a2: {  	v7 =	vld.idx.msk [tilespmem:v7+s5+$0x0], $0xffff;
	v48 =	vunpack.i.u.bf16.f32 v19;
	v19 =	vunpack.i.l.bf16.f32 v19;
	v42 =	vadd.f32 $0.0e+00, v57  }
0x1a3: {  	v24 =	vadd.f32 v24, v53;
	v30 =	vadd.f32 v30, v62;
	v28 =	vmul.bf16 v28, v59;
	v53 =	vld.idx.msk [tilespmem:v1+s5+$0x0], $0xffff  }
0x1a4: {  	v1 =	vunpack.i.l.bf16.f32 v15;
	v15 =	vmul.bf16 v44, v22;
	v57 =	vld.idx.msk [tilespmem:v3+s5+$0x0], $0xffff;
	v3 =	vmul.bf16 v18, v49  }
0x1a5: {  	v63 =	vunpack.i.l.bf16.f32 v34;
	v29 =	vadd.f32 v39, v29;
	v39 =	vunpack.i.u.bf16.f32 v25  }
0x1a6: {  	v25 =	vunpack.i.l.bf16.f32 v25;
	v33 =	vadd.f32 v42, v33;
	v21 =	vadd.f32 v63, v21  }
0x1a7: {  	v25 =	vadd.f32 v25, v36;
	v42 =	vunpack.i.u.bf16.f32 v27;
	v27 =	vunpack.i.l.bf16.f32 v27  }
0x1a8: {  	v62 =	vmul.bf16 v7, v2;
	v24 =	vadd.f32 v43, v24;
	v23 =	vadd.f32 v27, v23  }
0x1a9: {  	v34 =	vunpack.i.u.bf16.f32 v34;
	v19 =	vadd.f32 v19, v29;
	v29 =	vadd.f32 v50, v30  }
0x1aa: {  	v51 =	vld.idx.msk [tilespmem:v37+s5+$0x0], $0xffff;
	v45 =	vunpack.i.u.bf16.f32 v28;
	v21 =	vadd.f32 v21, v34;
	v25 =	vadd.f32 v25, v39  }
0x1ab: {  	v28 =	vunpack.i.l.bf16.f32 v28;
	v24 =	vadd.f32 v24, v26;
	v23 =	vadd.f32 v23, v42  }
0x1ac: {  	v56 =	vunpack.i.l.bf16.f32 v15;
	v47 =	vadd.f32 v28, v33;
	v19 =	vadd.f32 v19, v48  }
0x1ad: {  	v5 =	vld.idx.msk [tilespmem:v5+s5+$0x0], $0xffff;
	v15 =	vunpack.i.u.bf16.f32 v15;
	v16 =	vadd.f32 v29, v16;
	v23 =	vadd.f32 v56, v23  }
0x1ae: {  	v18 =	vld.idx.msk [tilespmem:v0+s5+$0x0], $0xffff;
	v60 =	vunpack.i.l.bf16.f32 v3;
	v26 =	vadd.f32 v47, v45;
	v1 =	vadd.f32 v1, v21  }
0x1af: {  	v59 =	vld.idx.msk [tilespmem:v4+s5+$0x0], $0xffff;
	v55 =	vadd.f32 v14, v25;
	v0 =	vadd.f32 v23, v15;
	v15 =	vmul.bf16 v53, v51  }
0x1b0: {  	v4 =	vadd.f32 v17, v24;
	v17 =	vunpack.i.u.bf16.f32 v3;
	v3 =	vld.idx.msk [tilespmem:v6+s5+$0x0], $0xffff;
	v14 =	vadd.f32 v1, v52  }
0x1b1: {  	v6 =	vld.idx.msk [tilespmem:v8+s5+$0x0], $0xffff;
	v1 =	vadd.f32 v55, v54;
	v22 =	vadd.f32 v60, v26;
	v61 =	vunpack.i.l.bf16.f32 v15  }
0x1b2: {  	s12 =	simm.s32 $0xCEC0;
	v2 =	vadd.f32 v4, v58;
	v4 =	vld.idx.msk [tilespmem:v9+s5+$0x0], $0xffff;
	v9 =	vunpack.i.l.bf16.f32 v62;
	v19 =	vadd.f32 v61, v19  }
0x1b3: {  	[tilespmem:s12+$0x30] =	vst v13;
	v7 =	vld.idx.msk [tilespmem:v10+s5+$0x0], $0xffff;
	v8 =	vadd.f32 v22, v17;
	v17 =	vmul.bf16 v57, v5;
	v63 =	vunpack.i.u.bf16.f32 v15  }
0x1b4: {  	v13 =	vmul.bf16 v59, v18;
	v16 =	vadd.f32 v9, v16;
	v9 =	vld.idx.msk [tilespmem:v12+s5+$0x0], $0xffff;
	v10 =	vadd.f32 v19, v63  }
0x1b5: {  	s13 =	simm.s32 $0x0;
	s14 =	simm.s32 $0xA9F0;
	v5 =	vld.idx.msk [tilespmem:v11+s5+$0x0], $0xffff;
	v15 =	vunpack.i.u.bf16.f32 v62;
	v11 =	vunpack.i.u.bf16.f32 v17;
	v17 =	vunpack.i.l.bf16.f32 v17  }
.LBB2_5:
0x1b6: {  	v12 =	vld [tilespmem:s14+$0x0];
	[tilespmem:s12+$0xFFFFFFC0] =	vst v10;
	v10 =	vadd.f32 v16, v15;
	v14 =	vadd.f32 v17, v14;
	s18 =	sadd.s32 $0x80, s18  }
0x1b7: {  	s13 =	sadd.s32 $0x8, s13;
	v3 =	vmul.bf16 v6, v3;
	v20 =	vld [tilespmem:s18+$0x0];
	v15 =	vunpack.i.u.bf16.f32 v13;
	v13 =	vunpack.i.l.bf16.f32 v13  }
0x1b8: {  	p0 =	slt.u32 s13, $0xC0;
	v23 =	vld [tilespmem:s18+$0xFFFFFF90];
	[tilespmem:s12+$0xFFFFFFD0] =	vst v10;
	v6 =	vadd.f32 v14, v11;
	v1 =	vadd.f32 v13, v1  }
0x1b9: {  	v11 =	vunpack.i.u.bf16.f32 v3;
	v3 =	vunpack.i.l.bf16.f32 v3;
	v4 =	vmul.bf16 v7, v4;
	v10 =	vld [tilespmem:s14+$0xFFFFFFA0]  }
0x1ba: {  	v0 =	vadd.f32 v3, v0;
	v25 =	vld [tilespmem:s18+$0xFFFFFFA0];
	[tilespmem:s12+$0xFFFFFFE0] =	vst v6;
	v1 =	vadd.f32 v1, v15  }
0x1bb: {  	v24 =	vunpack.i.u.bf16.f32 v4;
	v3 =	vunpack.i.l.bf16.f32 v4;
	v6 =	vmul.bf16 v9, v5;
	v26 =	vld [tilespmem:s14+$0xFFFFFFB0]  }
0x1bc: {  	v0 =	vadd.f32 v0, v11;
	v11 =	vadd.f32 v3, v2;
	v37 =	vld [tilespmem:s18+$0xFFFFFFB0];
	[tilespmem:s12+$0xFFFFFFF0] =	vst v1  }
0x1bd: {  	v2 =	vadd.s32 $0x2710, v12;
	v28 =	vadd.s32 $0x2710, v23;
	v13 =	vadd.s32 $0x4E20, v23;
	v38 =	vld [tilespmem:s14+$0xFFFFFFC0]  }
0x1be: {  	v9 =	vadd.s32 $0x2710, v20;
	v27 =	vadd.s32 $0x2710, v10;
	v14 =	vadd.s32 $0x4E20, v10;
	v7 =	vld.idx.msk [tilespmem:v12+s5+$0x0], $0xffff;
	[tilespmem:s12+$0x0] =	vst v0  }
0x1bf: {  	v0 =	vadd.s32 $0x7530, v23;
	v31 =	vadd.s32 $0x2710, v25;
	v15 =	vadd.s32 $0x4E20, v25;
	v19 =	vld.idx.msk [tilespmem:v20+s5+$0x0], $0xffff  }
0x1c0: {  	v1 =	vadd.s32 $0x7530, v10;
	v29 =	vadd.s32 $0x2710, v26;
	v16 =	vadd.s32 $0x4E20, v26;
	v39 =	vld [tilespmem:s18+$0xFFFFFFC0]  }
0x1c1: {  	v21 =	vadd.s32 $0x4E20, v12;
	v32 =	vadd.s32 $0x2710, v37;
	v17 =	vadd.s32 $0x4E20, v37;
	v40 =	vld [tilespmem:s14+$0xFFFFFFD0]  }
0x1c2: {  	v35 =	vadd.s32 $0x4E20, v20;
	v30 =	vadd.s32 $0x2710, v38;
	v18 =	vadd.s32 $0x4E20, v38;
	v22 =	vld.idx.msk [tilespmem:v2+s5+$0x0], $0xffff  }
0x1c3: {  	v5 =	vadd.s32 $0x7530, v25;
	v4 =	vadd.s32 $0x7530, v26;
	v3 =	vadd.s32 $0x7530, v37;
	v9 =	vld.idx.msk [tilespmem:v9+s5+$0x0], $0xffff  }
0x1c4: {  	v42 =	vunpack.i.u.bf16.f32 v6;
	v36 =	vunpack.i.l.bf16.f32 v6;
	v2 =	vadd.s32 $0x7530, v38;
	v41 =	vld [tilespmem:s18+$0xFFFFFFD0]  }
0x1c5: {  	v12 =	vadd.s32 $0x7530, v12;
	v44 =	vmul.bf16 v19, v7;
	v33 =	vadd.s32 $0x2710, v39;
	v43 =	vld [tilespmem:s14+$0xFFFFFFE0]  }
0x1c6: {  	v46 =	vadd.s32 $0x7530, v20;
	v19 =	vadd.s32 $0x4E20, v39;
	v34 =	vadd.s32 $0x2710, v40;
	v45 =	vld.idx.msk [tilespmem:v21+s5+$0x0], $0xffff  }
0x1c7: {  	v6 =	vadd.s32 $0x7530, v39;
	v20 =	vadd.s32 $0x4E20, v40;
	v21 =	vunpack.i.l.bf16.f32 v44;
	v47 =	vld.idx.msk [tilespmem:v35+s5+$0x0], $0xffff  }
0x1c8: {  	v50 =	vadd.f32 v36, v8;
	v7 =	vadd.s32 $0x7530, v40;
	v49 =	vadd.f32 $0.0e+00, v21;
	v48 =	vld [tilespmem:s18+$0xFFFFFFE0]  }
0x1c9: {  	v8 =	vunpack.i.u.bf16.f32 v44;
	v44 =	vmul.bf16 v9, v22;
	v35 =	vadd.s32 $0x2710, v41;
	v51 =	vld [tilespmem:s14+$0xFFFFFFF0]  }
0x1ca: {  	v21 =	vadd.s32 $0x4E20, v41;
	v49 =	vadd.f32 v49, v8;
	v36 =	vadd.s32 $0x2710, v43;
	v12 =	vld.idx.msk [tilespmem:v12+s5+$0x0], $0xffff  }
0x1cb: {  	v8 =	vadd.s32 $0x7530, v41;
	v22 =	vadd.s32 $0x4E20, v43;
	v52 =	vunpack.i.l.bf16.f32 v44;
	v46 =	vld.idx.msk [tilespmem:v46+s5+$0x0], $0xffff  }
0x1cc: {  	v11 =	vadd.f32 v11, v24;
	v9 =	vadd.s32 $0x7530, v43;
	v49 =	vadd.f32 v52, v49;
	v53 =	vld [tilespmem:s18+$0xFFFFFFF0]  }
0x1cd: {  	v24 =	vunpack.i.u.bf16.f32 v44;
	v44 =	vmul.bf16 v47, v45;
	v52 =	vld [tilespmem:s14+$0xFFFFFF90];
	v54 =	vadd.s32 $0x2710, v48  }
0x1ce: {  	v49 =	vadd.f32 v49, v24;
	v45 =	vld.idx.msk [tilespmem:v23+s5+$0x0], $0xffff;
	v23 =	vadd.s32 $0x4E20, v48;
	v47 =	vadd.s32 $0x2710, v51;
	[tilespmem:s12+$0x10] =	vst v11  }
0x1cf: {  	v24 =	vadd.s32 $0x4E20, v51;
	v56 =	vunpack.i.l.bf16.f32 v44;
	v55 =	vld.idx.msk [tilespmem:v10+s5+$0x0], $0xffff;
	v10 =	vadd.s32 $0x7530, v48  }
0x1d0: {  	v42 =	vadd.f32 v50, v42;
	v11 =	vadd.s32 $0x7530, v51;
	v57 =	vld.idx.msk [tilespmem:v25+s5+$0x0], $0xffff;
	v25 =	vadd.f32 v56, v49  }
0x1d1: {  	v49 =	vld.idx.msk [tilespmem:v26+s5+$0x0], $0xffff;
	v50 =	vadd.s32 $0x2710, v53;
	v26 =	vunpack.i.u.bf16.f32 v44;
	v44 =	vmul.bf16 v46, v12  }
0x1d2: {  	v46 =	vadd.s32 $0x2710, v52;
	v56 =	vadd.s32 $0x4E20, v52;
	v37 =	vld.idx.msk [tilespmem:v37+s5+$0x0], $0xffff;
	v58 =	vadd.f32 v25, v26;
	[tilespmem:s12+$0x20] =	vst v42  }
0x1d3: {  	v25 =	vadd.s32 $0x7530, v52;
	v26 =	vadd.s32 $0x4E20, v53;
	v38 =	vld.idx.msk [tilespmem:v38+s5+$0x0], $0xffff;
	v42 =	vunpack.i.l.bf16.f32 v44  }
0x1d4: {  	v12 =	vadd.s32 $0x7530, v53;
	v39 =	vld.idx.msk [tilespmem:v39+s5+$0x0], $0xffff;
	v42 =	vadd.f32 v42, v58  }
0x1d5: {  	v44 =	vunpack.i.u.bf16.f32 v44;
	v52 =	vld.idx.msk [tilespmem:v52+s5+$0x0], $0xffff  }
0x1d6: {  	v55 =	vmul.bf16 v57, v55;
	v40 =	vld.idx.msk [tilespmem:v40+s5+$0x0], $0xffff;
	v42 =	vadd.f32 v42, v44  }
0x1d7: {  	s12 =	sadd.s32 $0x80, s12;
	v41 =	vld.idx.msk [tilespmem:v41+s5+$0x0], $0xffff  }
0x1d8: {  	v44 =	vunpack.i.u.bf16.f32 v55;
	v55 =	vunpack.i.l.bf16.f32 v55;
	v37 =	vmul.bf16 v37, v49;
	v43 =	vld.idx.msk [tilespmem:v43+s5+$0x0], $0xffff;
	[tilespmem:s12+$0x30] =	vst v42  }
0x1d9: {  	v42 =	vadd.f32 $0.0e+00, v55;
	v48 =	vld.idx.msk [tilespmem:v48+s5+$0x0], $0xffff  }
0x1da: {  	v49 =	vunpack.i.u.bf16.f32 v37;
	v37 =	vunpack.i.l.bf16.f32 v37;
	v38 =	vmul.bf16 v39, v38;
	v39 =	vld.idx.msk [tilespmem:v51+s5+$0x0], $0xffff  }
0x1db: {  	v45 =	vmul.bf16 v45, v52;
	v42 =	vadd.f32 v42, v44;
	v37 =	vadd.f32 $0.0e+00, v37;
	v44 =	vld.idx.msk [tilespmem:v53+s5+$0x0], $0xffff  }
0x1dc: {  	v51 =	vunpack.i.u.bf16.f32 v38;
	v38 =	vunpack.i.l.bf16.f32 v38;
	v46 =	vld.idx.msk [tilespmem:v46+s5+$0x0], $0xffff  }
0x1dd: {  	v52 =	vunpack.i.l.bf16.f32 v45;
	v38 =	vadd.f32 $0.0e+00, v38;
	v40 =	vmul.bf16 v41, v40;
	v28 =	vld.idx.msk [tilespmem:v28+s5+$0x0], $0xffff  }
0x1de: {  	v41 =	vunpack.i.u.bf16.f32 v45;
	v37 =	vadd.f32 v37, v49;
	v45 =	vadd.f32 $0.0e+00, v52;
	v27 =	vld.idx.msk [tilespmem:v27+s5+$0x0], $0xffff  }
0x1df: {  	v49 =	vunpack.i.u.bf16.f32 v40;
	v40 =	vunpack.i.l.bf16.f32 v40;
	v43 =	vmul.bf16 v48, v43;
	v31 =	vld.idx.msk [tilespmem:v31+s5+$0x0], $0xffff  }
0x1e0: {  	v41 =	vadd.f32 v45, v41;
	v40 =	vadd.f32 $0.0e+00, v40;
	v29 =	vld.idx.msk [tilespmem:v29+s5+$0x0], $0xffff  }
0x1e1: {  	v45 =	vunpack.i.u.bf16.f32 v43;
	v43 =	vunpack.i.l.bf16.f32 v43;
	v39 =	vmul.bf16 v44, v39;
	v32 =	vld.idx.msk [tilespmem:v32+s5+$0x0], $0xffff  }
0x1e2: {  	v38 =	vadd.f32 v38, v51;
	v43 =	vadd.f32 $0.0e+00, v43;
	v30 =	vld.idx.msk [tilespmem:v30+s5+$0x0], $0xffff  }
0x1e3: {  	v28 =	vmul.bf16 v28, v46;
	v44 =	vunpack.i.u.bf16.f32 v39;
	v39 =	vunpack.i.l.bf16.f32 v39;
	v33 =	vld.idx.msk [tilespmem:v33+s5+$0x0], $0xffff  }
0x1e4: {  	v40 =	vadd.f32 v40, v49;
	v39 =	vadd.f32 $0.0e+00, v39;
	v34 =	vld.idx.msk [tilespmem:v34+s5+$0x0], $0xffff  }
0x1e5: {  	v46 =	vunpack.i.l.bf16.f32 v28;
	v27 =	vmul.bf16 v31, v27;
	v31 =	vld.idx.msk [tilespmem:v35+s5+$0x0], $0xffff;
	v35 =	vadd.f32 v43, v45  }
0x1e6: {  	v28 =	vunpack.i.u.bf16.f32 v28;
	v41 =	vadd.f32 v46, v41;
	v39 =	vadd.f32 v39, v44;
	v36 =	vld.idx.msk [tilespmem:v36+s5+$0x0], $0xffff  }
0x1e7: {  	v43 =	vunpack.i.u.bf16.f32 v27;
	v27 =	vunpack.i.l.bf16.f32 v27;
	v29 =	vmul.bf16 v32, v29;
	v32 =	vld.idx.msk [tilespmem:v54+s5+$0x0], $0xffff  }
0x1e8: {  	v28 =	vadd.f32 v41, v28;
	v27 =	vadd.f32 v27, v42;
	v41 =	vld.idx.msk [tilespmem:v47+s5+$0x0], $0xffff  }
0x1e9: {  	v42 =	vunpack.i.u.bf16.f32 v29;
	v29 =	vunpack.i.l.bf16.f32 v29;
	v30 =	vmul.bf16 v33, v30;
	v33 =	vld.idx.msk [tilespmem:v50+s5+$0x0], $0xffff  }
0x1ea: {  	v27 =	vadd.f32 v27, v43;
	v29 =	vadd.f32 v29, v37;
	v44 =	vld.idx.msk [tilespmem:v56+s5+$0x0], $0xffff  }
0x1eb: {  	v37 =	vunpack.i.u.bf16.f32 v30;
	v30 =	vunpack.i.l.bf16.f32 v30;
	v31 =	vmul.bf16 v31, v34;
	v13 =	vld.idx.msk [tilespmem:v13+s5+$0x0], $0xffff  }
0x1ec: {  	v29 =	vadd.f32 v29, v42;
	v30 =	vadd.f32 v30, v38;
	v14 =	vld.idx.msk [tilespmem:v14+s5+$0x0], $0xffff  }
0x1ed: {  	v34 =	vunpack.i.u.bf16.f32 v31;
	v31 =	vunpack.i.l.bf16.f32 v31;
	v32 =	vmul.bf16 v32, v36;
	v15 =	vld.idx.msk [tilespmem:v15+s5+$0x0], $0xffff  }
0x1ee: {  	v30 =	vadd.f32 v30, v37;
	v31 =	vadd.f32 v31, v40;
	v16 =	vld.idx.msk [tilespmem:v16+s5+$0x0], $0xffff  }
0x1ef: {  	v36 =	vunpack.i.u.bf16.f32 v32;
	v32 =	vunpack.i.l.bf16.f32 v32;
	v33 =	vmul.bf16 v33, v41;
	v17 =	vld.idx.msk [tilespmem:v17+s5+$0x0], $0xffff  }
0x1f0: {  	v31 =	vadd.f32 v31, v34;
	v32 =	vadd.f32 v32, v35;
	v18 =	vld.idx.msk [tilespmem:v18+s5+$0x0], $0xffff  }
0x1f1: {  	v13 =	vmul.bf16 v13, v44;
	v34 =	vunpack.i.u.bf16.f32 v33;
	v33 =	vunpack.i.l.bf16.f32 v33;
	v19 =	vld.idx.msk [tilespmem:v19+s5+$0x0], $0xffff  }
0x1f2: {  	v32 =	vadd.f32 v32, v36;
	v33 =	vadd.f32 v33, v39;
	v20 =	vld.idx.msk [tilespmem:v20+s5+$0x0], $0xffff  }
0x1f3: {  	v35 =	vunpack.i.u.bf16.f32 v13;
	v13 =	vunpack.i.l.bf16.f32 v13;
	v14 =	vmul.bf16 v15, v14;
	v15 =	vld.idx.msk [tilespmem:v21+s5+$0x0], $0xffff  }
0x1f4: {  	v13 =	vadd.f32 v13, v28;
	v21 =	vld.idx.msk [tilespmem:v22+s5+$0x0], $0xffff;
	v22 =	vadd.f32 v33, v34  }
0x1f5: {  	v28 =	vunpack.i.u.bf16.f32 v14;
	v14 =	vunpack.i.l.bf16.f32 v14;
	v16 =	vmul.bf16 v17, v16;
	v17 =	vld.idx.msk [tilespmem:v23+s5+$0x0], $0xffff  }
0x1f6: {  	v13 =	vadd.f32 v13, v35;
	v14 =	vadd.f32 v14, v27;
	v23 =	vld.idx.msk [tilespmem:v24+s5+$0x0], $0xffff  }
0x1f7: {  	v24 =	vunpack.i.u.bf16.f32 v16;
	v16 =	vunpack.i.l.bf16.f32 v16;
	v18 =	vmul.bf16 v19, v18;
	v19 =	vld.idx.msk [tilespmem:v26+s5+$0x0], $0xffff  }
0x1f8: {  	v26 =	vadd.f32 v14, v28;
	v14 =	vadd.f32 v16, v29;
	v25 =	vld.idx.msk [tilespmem:v25+s5+$0x0], $0xffff  }
0x1f9: {  	v15 =	vmul.bf16 v15, v20;
	v16 =	vld.idx.msk [tilespmem:v0+s5+$0x0], $0xffff;
	v0 =	vunpack.i.u.bf16.f32 v18;
	v18 =	vunpack.i.l.bf16.f32 v18  }
0x1fa: {  	v14 =	vadd.f32 v14, v24;
	v20 =	vld.idx.msk [tilespmem:v1+s5+$0x0], $0xffff;
	v1 =	vadd.f32 v18, v30  }
0x1fb: {  	v18 =	vunpack.i.u.bf16.f32 v15;
	v15 =	vunpack.i.l.bf16.f32 v15;
	v17 =	vmul.bf16 v17, v21;
	v5 =	vld.idx.msk [tilespmem:v5+s5+$0x0], $0xffff  }
0x1fc: {  	v21 =	vld.idx.msk [tilespmem:v4+s5+$0x0], $0xffff;
	v1 =	vadd.f32 v1, v0;
	v0 =	vadd.f32 v15, v31  }
0x1fd: {  	v4 =	vunpack.i.u.bf16.f32 v17;
	v15 =	vmul.bf16 v19, v23;
	v24 =	vld.idx.msk [tilespmem:v3+s5+$0x0], $0xffff;
	v3 =	vunpack.i.l.bf16.f32 v17  }
0x1fe: {  	v19 =	vld.idx.msk [tilespmem:v2+s5+$0x0], $0xffff;
	v0 =	vadd.f32 v0, v18;
	v2 =	vadd.f32 v3, v32  }
0x1ff: {  	v16 =	vmul.bf16 v16, v25;
	v17 =	vunpack.i.u.bf16.f32 v15;
	v18 =	vld.idx.msk [tilespmem:v6+s5+$0x0], $0xffff;
	v6 =	vunpack.i.l.bf16.f32 v15  }
0x200: {  	v3 =	vld.idx.msk [tilespmem:v7+s5+$0x0], $0xffff;
	v2 =	vadd.f32 v2, v4;
	v7 =	vadd.f32 v6, v22  }
.Ltmp1:
0x201: {  	v22 =	vunpack.i.u.bf16.f32 v16;
	v4 =	vunpack.i.l.bf16.f32 v16;
	v5 =	vmul.bf16 v5, v20;
	v6 =	vld.idx.msk [tilespmem:v8+s5+$0x0], $0xffff;
	(pc) =	sbr.rel @p0 .LBB2_5-.Ltmp1, $4  }
0x202: {  	v13 =	vadd.f32 v4, v13;
	v4 =	vld.idx.msk [tilespmem:v9+s5+$0x0], $0xffff;
	v8 =	vadd.f32 v7, v17  }
0x203: {  	v15 =	vunpack.i.u.bf16.f32 v5;
	v5 =	vunpack.i.l.bf16.f32 v5;
	v9 =	vmul.bf16 v24, v21;
	v7 =	vld.idx.msk [tilespmem:v10+s5+$0x0], $0xffff  }
0x204: {  	v10 =	vadd.f32 v13, v22;
	v16 =	vadd.f32 v5, v26;
	v5 =	vld.idx.msk [tilespmem:v11+s5+$0x0], $0xffff  }
0x205: {  	s14 =	sadd.s32 $0x80, s14;
	v11 =	vunpack.i.u.bf16.f32 v9;
	v17 =	vunpack.i.l.bf16.f32 v9;
	v13 =	vmul.bf16 v18, v19;
	v9 =	vld.idx.msk [tilespmem:v12+s5+$0x0], $0xffff  }
0x206: {  	_ = 	snop  }
0x207: {  	v12 =	vadd.f32 v17, v14  }
0x208: {  	v59 =	vadd.f32 v16, v15;
	v3 =	vmul.bf16 v6, v3;
	v60 =	vunpack.i.u.bf16.f32 v13  }
0x209: {  	v6 =	vunpack.i.l.bf16.f32 v13;
	v11 =	vadd.f32 v12, v11;
	v4 =	vmul.bf16 v7, v4  }
0x20a: {  	v1 =	vadd.f32 v6, v1;
	v6 =	vunpack.i.l.bf16.f32 v3;
	v5 =	vmul.bf16 v9, v5  }
0x20b: {  	[tilespmem:s12+$0xFFFFFFC0] =	vst v10;
	v3 =	vunpack.i.u.bf16.f32 v3;
	v0 =	vadd.f32 v6, v0;
	v6 =	vunpack.i.l.bf16.f32 v4  }
0x20c: {  	[tilespmem:s12+$0xFFFFFFD0] =	vst v59;
	v1 =	vadd.f32 v1, v60;
	v2 =	vadd.f32 v6, v2;
	v6 =	vunpack.i.l.bf16.f32 v5  }
0x20d: {  	[tilespmem:s12+$0xFFFFFFE0] =	vst v11;
	v4 =	vunpack.i.u.bf16.f32 v4;
	v0 =	vadd.f32 v0, v3;
	v3 =	vadd.f32 v6, v8  }
0x20e: {  	[tilespmem:s12+$0xFFFFFFF0] =	vst v1;
	v1 =	vunpack.i.u.bf16.f32 v5;
	v2 =	vadd.f32 v2, v4  }
0x20f: {  	[tilespmem:s12+$0x0] =	vst v0;
	v0 =	vadd.f32 v3, v1  }
0x210: {  	[tilespmem:s12+$0x10] =	vst v2  }
0x211: {  	[tilespmem:s12+$0x20] =	vst v0  }
0x212: {  	s12 =	sld [smem:$0x7ED];
	_ =	sdelay $0x1  }
0x213: {  	s13 =	simm.s32 $0xCE80  }
0x214: {  	[spmem:s12] =	stream.linear.scatter [tilespmem:s13], [sflag:$0x3], $0xC8, $0x38;
	[tilespmem:$0x10180] =	vst v63  }
0x215: {  	s13 =	sld [smem:$0x7EE];
	_ =	sdelay $0x1  }
0x216: {  	s14 =	sld [smem:$0x7EF]  }
0x217: {  	[spmem:s13] =	stream.linear.scatter [tilespmem:s28], [sflag:$0x3], $0xC8, $0x38;
	[tilespmem:$0x10180] =	vst v63  }
0x218: {  	s15 =	sld [smem:$0x7F0]  }
0x219: {  	[spmem:s14] =	stream.linear.scatter [tilespmem:s29], [sflag:$0x3], $0xC8, $0x38;
	[tilespmem:$0x10180] =	vst v63  }
0x21a: {  	s18 =	sld [smem:$0x7F1]  }
0x21b: {  	[spmem:s15] =	stream.linear.scatter [tilespmem:s30], [sflag:$0x3], $0xC8, $0x38;
	[tilespmem:$0x10180] =	vst v63  }
0x21c: {  	s13 =	sld [smem:$0x7F2]  }
0x21d: {  	[spmem:s18] =	stream.linear.scatter [tilespmem:s31], [sflag:$0x3], $0xC8, $0x38;
	[tilespmem:$0x10180] =	vst v63  }
0x21e: {  	s14 =	sld [smem:$0x7F3]  }
0x21f: {  	[spmem:s13] =	stream.linear.scatter [tilespmem:s0], [sflag:$0x3], $0xC8, $0x38;
	[tilespmem:$0x10180] =	vst v63  }
0x220: {  	s15 =	sld [smem:$0x7F4]  }
0x221: {  	[spmem:s14] =	stream.linear.scatter [tilespmem:s3], [sflag:$0x3], $0xC8, $0x38;
	[tilespmem:$0x10180] =	vst v63  }
0x222: {  	s18 =	sld [smem:$0x7F5]  }
0x223: {  	[spmem:s15] =	stream.linear.scatter [tilespmem:s6], [sflag:$0x3], $0xC8, $0x38;
	[tilespmem:$0x10180] =	vst v63  }
0x224: {  	s13 =	sld [smem:$0x7F6]  }
0x225: {  	[spmem:s18] =	stream.linear.scatter [tilespmem:s7], [sflag:$0x3], $0xC8, $0x38;
	[tilespmem:$0x10180] =	vst v63  }
0x226: {  	s14 =	sld [smem:$0x7F7]  }
0x227: {  	[spmem:s13] =	stream.linear.scatter [tilespmem:s8], [sflag:$0x3], $0xC8, $0x38;
	[tilespmem:$0x10180] =	vst v63  }
0x228: {  	s15 =	sld [smem:$0x7F8]  }
0x229: {  	[spmem:s14] =	stream.linear.scatter [tilespmem:s9], [sflag:$0x3], $0xC8, $0x38;
	[tilespmem:$0x10180] =	vst v63  }
0x22a: {  	s18 =	sld [smem:$0x7F9]  }
0x22b: {  	[spmem:s15] =	stream.linear.scatter [tilespmem:s11], [sflag:$0x3], $0xC8, $0x38;
	[tilespmem:$0x10180] =	vst v63  }
0x22c: {  	s13 =	sld [smem:$0x7FA]  }
0x22d: {  	[spmem:s18] =	stream.linear.scatter [tilespmem:s21], [sflag:$0x3], $0xC8, $0x38;
	[tilespmem:$0x10180] =	vst v63  }
0x22e: {  	s14 =	sld [smem:$0x7FB]  }
0x22f: {  	[spmem:s13] =	stream.linear.scatter [tilespmem:s22], [sflag:$0x3], $0xC8, $0x38;
	[tilespmem:$0x10180] =	vst v63  }
0x230: {  	s15 =	sld [smem:$0x7FC]  }
0x231: {  	[spmem:s14] =	stream.linear.scatter [tilespmem:s23], [sflag:$0x3], $0xC8, $0x38;
	[tilespmem:$0x10180] =	vst v63  }
0x232: {  	_ = 	snop  }
0x233: {  	[spmem:s15] =	stream.linear.scatter [tilespmem:s24], [sflag:$0x3], $0xC8, $0x38;
	[tilespmem:$0x10180] =	vst v63  }
0x234: {  	_ =	swait.ge [sflag:s2], $0xC80  }
0x235: {  	[sflag:s2] =	ssyncset.done $0x0  }
0x236: {  	s18 =	simm.s32 $0xE140;
	[sflag:s2] =	ssyncadd.s32 $0xFFFFF380  }
0x237: {  	v0 =	vld [tilespmem:s18+$0xFFFFF9D0]  }
0x238: {  	v1 =	vld [tilespmem:s18+$0xFFFFF9C0]  }
0x239: {  	v2 =	vld [tilespmem:s18+$0xFFFFFA98]  }
0x23a: {  	v3 =	vld [tilespmem:s18+$0xFFFFFA88]  }
0x23b: {  	v4 =	vld [tilespmem:s18+$0xFFFFFB60]  }
0x23c: {  	v5 =	vld [tilespmem:s18+$0xFFFFFB50]  }
0x23d: {  	v6 =	vld [tilespmem:s18+$0xFFFFFC28];
	v0 =	vadd.f32 $0.0e+00, v0  }
0x23e: {  	v7 =	vld [tilespmem:s18+$0xFFFFFC18];
	v1 =	vadd.f32 $0.0e+00, v1  }
0x23f: {  	v0 =	vadd.f32 v2, v0;
	v2 =	vld [tilespmem:s18+$0xFFFFFCF0]  }
0x240: {  	v1 =	vadd.f32 v3, v1;
	v3 =	vld [tilespmem:s18+$0xFFFFFCE0]  }
0x241: {  	v0 =	vadd.f32 v4, v0;
	v4 =	vld [tilespmem:s18+$0xFFFFFDB8]  }
0x242: {  	v1 =	vadd.f32 v5, v1;
	v5 =	vld [tilespmem:s18+$0xFFFFFDA8]  }
0x243: {  	v0 =	vadd.f32 v6, v0;
	v6 =	vld [tilespmem:s18+$0xFFFFFE80]  }
0x244: {  	v1 =	vadd.f32 v7, v1;
	v7 =	vld [tilespmem:s18+$0xFFFFFE70]  }
0x245: {  	v0 =	vadd.f32 v2, v0;
	v2 =	vld [tilespmem:s18+$0xFFFFFF48]  }
0x246: {  	v1 =	vadd.f32 v3, v1;
	v3 =	vld [tilespmem:s18+$0xFFFFFF38]  }
0x247: {  	v0 =	vadd.f32 v4, v0;
	v4 =	vld [tilespmem:s18+$0x10]  }
0x248: {  	v1 =	vadd.f32 v5, v1;
	v5 =	vld [tilespmem:s18+$0x0]  }
0x249: {  	v0 =	vadd.f32 v6, v0;
	v6 =	vld [tilespmem:s18+$0xD8]  }
0x24a: {  	v1 =	vadd.f32 v7, v1;
	v7 =	vld [tilespmem:s18+$0xC8]  }
0x24b: {  	v0 =	vadd.f32 v2, v0;
	v2 =	vld [tilespmem:s18+$0x1A0]  }
0x24c: {  	v1 =	vadd.f32 v3, v1;
	v3 =	vld [tilespmem:s18+$0x190]  }
0x24d: {  	v0 =	vadd.f32 v4, v0;
	v4 =	vld [tilespmem:s18+$0x268]  }
0x24e: {  	v1 =	vadd.f32 v5, v1;
	v5 =	vld [tilespmem:s18+$0x258]  }
0x24f: {  	v0 =	vadd.f32 v6, v0;
	v6 =	vld [tilespmem:s18+$0x330]  }
0x250: {  	v1 =	vadd.f32 v7, v1;
	v7 =	vld [tilespmem:s18+$0x320]  }
0x251: {  	s14 =	simm.s32 $0x0;
	v0 =	vadd.f32 v2, v0;
	v2 =	vld [tilespmem:s18+$0x3F8]  }
0x252: {  	s13 =	sand.u32 $0xE0, s14;
	v1 =	vadd.f32 v3, v1;
	v3 =	vld [tilespmem:s18+$0x3E8]  }
0x253: {  	v0 =	vadd.f32 v4, v0;
	v4 =	vld [tilespmem:s13+$0xE600]  }
0x254: {  	v1 =	vadd.f32 v5, v1;
	v5 =	vld [tilespmem:s18+$0x4B0]  }
0x255: {  	v0 =	vadd.f32 v6, v0;
	v6 =	vld [tilespmem:s18+$0x588]  }
0x256: {  	v1 =	vadd.f32 v7, v1;
	v7 =	vld [tilespmem:s18+$0x578];
	s18 =	simm.s32 $0xE160  }
0x257: {  	v0 =	vadd.f32 v2, v0;
	v2 =	vld [tilespmem:s18+$0xFFFFF9D0]  }
0x258: {  	v1 =	vadd.f32 v3, v1;
	v3 =	vld [tilespmem:s18+$0xFFFFF9C0]  }
0x259: {  	v0 =	vadd.f32 v4, v0;
	v4 =	vld [tilespmem:s18+$0xFFFFFA98]  }
0x25a: {  	v1 =	vadd.f32 v5, v1;
	v5 =	vld [tilespmem:s18+$0xFFFFFA88]  }
0x25b: {  	v0 =	vadd.f32 v6, v0;
	v6 =	vld [tilespmem:s18+$0xFFFFFB60]  }
0x25c: {  	v1 =	vadd.f32 v7, v1;
	v7 =	vld [tilespmem:s18+$0xFFFFFB50];
	v2 =	vadd.f32 $0.0e+00, v2  }
0x25d: {  	v8 =	vld [tilespmem:s18+$0xFFFFFC28];
	v3 =	vadd.f32 $0.0e+00, v3;
	v0 =	vsub.f32 $0.0e+00, v0  }
0x25e: {  	v61 =	vld [tilespmem:s18+$0xFFFFFC18];
	v1 =	vsub.f32 $0.0e+00, v1;
	v2 =	vadd.f32 v4, v2  }
0x25f: {  	v3 =	vadd.f32 v5, v3;
	v4 =	vld [tilespmem:s18+$0xFFFFFCF0];
	v0 =	vmul.f32 $1.442695020e+00, v0  }
0x260: {  	v5 =	vld [tilespmem:s18+$0xFFFFFCE0];
	v1 =	vmul.f32 $1.442695020e+00, v1;
	v2 =	vadd.f32 v6, v2  }
0x261: {  	(erf) = vpow2.f32 v0;
	v0 =	vadd.f32 v7, v3;
	v3 =	vld [tilespmem:s18+$0xFFFFFDB8]  }
0x262: {  	(erf) = vpow2.f32 v1;
	v1 =	vld [tilespmem:s18+$0xFFFFFDA8];
	v2 =	vadd.f32 v8, v2  }
0x263: {  	v6 =	vld [tilespmem:s18+$0xFFFFFE80];
	v0 =	vadd.f32 v61, v0  }
0x264: {  	v7 =	vld [tilespmem:s18+$0xFFFFFE70];
	v2 =	vadd.f32 v4, v2  }
0x265: {  	v4 =	vld [tilespmem:s18+$0xFFFFFF48];
	v0 =	vadd.f32 v5, v0  }
0x266: {  	v5 =	vld [tilespmem:s18+$0xFFFFFF38];
	v2 =	vadd.f32 v3, v2  }
0x267: {  	v3 =	vld [tilespmem:s18+$0x0];
	v0 =	vadd.f32 v1, v0  }
0x268: {  	v1 =	vld [tilespmem:s18+$0x10];
	v2 =	vadd.f32 v6, v2  }
0x269: {  	v8 =	vld [tilespmem:s18+$0xC8];
	v0 =	vadd.f32 v7, v0  }
0x26a: {  	v6 =	vld [tilespmem:s18+$0xD8];
	v7 =	vpop (erf);
	v2 =	vadd.f32 v4, v2  }
0x26b: {  	v62 =	vld [tilespmem:s18+$0x1A0];
	v4 =	vadd.f32 $1.000000000e+00, v7;
	v7 =	vpop (erf);
	v0 =	vadd.f32 v5, v0  }
0x26c: {  	v5 =	vld [tilespmem:s18+$0x190];
	v7 =	vadd.f32 $1.000000000e+00, v7  }
0x26d: {  	v1 =	vadd.f32 v1, v2;
	v2 =	vld [tilespmem:s18+$0x268];
	(erf) = vrcp.f32 v4;
	v0 =	vadd.f32 v3, v0  }
0x26e: {  	v3 =	vld [tilespmem:s18+$0x258];
	(erf) = vrcp.f32 v7  }
0x26f: {  	v1 =	vadd.f32 v6, v1;
	v0 =	vadd.f32 v8, v0  }
0x270: {  	v4 =	vld [tilespmem:s18+$0x330]  }
0x271: {  	v6 =	vld [tilespmem:s18+$0x320];
	v1 =	vadd.f32 v62, v1;
	v5 =	vadd.f32 v5, v0  }
0x272: {  	s13 =	simm.s32 $0x20;
	v7 =	vld [tilespmem:s18+$0x3F8]  }
0x273: {  	s15 =	sand.u32 $0xE0, s13;
	v0 =	vld [tilespmem:s18+$0x3E8];
	v8 =	vadd.f32 v2, v1;
	v5 =	vadd.f32 v3, v5  }
0x274: {  	v1 =	vld [tilespmem:s15+$0xE600]  }
0x275: {  	v2 =	vld [tilespmem:s18+$0x4B0];
	v8 =	vadd.f32 v4, v8  }
0x276: {  	s12 =	simm.s32 $0xE790;
	v3 =	vld [tilespmem:s18+$0x588];
	v6 =	vadd.f32 v6, v5;
	v63 =	vpop (erf)  }
0x277: {  	s14 =	simm.s32 $0x2;
	v4 =	vld [tilespmem:s18+$0x578];
	s18 =	simm.s32 $0xE180;
	v7 =	vadd.f32 v7, v8;
	[tilespmem:s12+$0x0] =	vst v63;
	v5 =	vpop (erf)  }
.LBB2_7:
0x278: {  	v8 =	vld [tilespmem:s18+$0xFFFFF9D0];
	s14 =	sadd.s32 $0x2, s14;
	v0 =	vadd.f32 v0, v6;
	[tilespmem:s12+$0xFFFFFFF0] =	vst v5  }
0x279: {  	v5 =	vld [tilespmem:s18+$0xFFFFF9C0];
	p0 =	slt.u32 s14, $0xA;
	v1 =	vadd.f32 v1, v7  }
0x27a: {  	v6 =	vld [tilespmem:s18+$0xFFFFFA98];
	v0 =	vadd.f32 v2, v0  }
0x27b: {  	v2 =	vld [tilespmem:s18+$0xFFFFFA88];
	v1 =	vadd.f32 v3, v1  }
0x27c: {  	v3 =	vld [tilespmem:s18+$0xFFFFFB60];
	v0 =	vadd.f32 v4, v0  }
0x27d: {  	v4 =	vld [tilespmem:s18+$0xFFFFFB50];
	v7 =	vadd.f32 $0.0e+00, v8;
	v1 =	vsub.f32 $0.0e+00, v1  }
0x27e: {  	v5 =	vadd.f32 $0.0e+00, v5;
	v8 =	vld [tilespmem:s18+$0xFFFFFC28];
	v0 =	vsub.f32 $0.0e+00, v0  }
0x27f: {  	v9 =	vld [tilespmem:s18+$0xFFFFFC18];
	v6 =	vadd.f32 v6, v7;
	v1 =	vmul.f32 $1.442695020e+00, v1  }
0x280: {  	v2 =	vadd.f32 v2, v5;
	v5 =	vld [tilespmem:s18+$0xFFFFFCF0];
	v0 =	vmul.f32 $1.442695020e+00, v0  }
0x281: {  	v7 =	vld [tilespmem:s18+$0xFFFFFCE0];
	v3 =	vadd.f32 v3, v6;
	(erf) = vpow2.f32 v1  }
0x282: {  	v1 =	vadd.f32 v4, v2;
	v2 =	vld [tilespmem:s18+$0xFFFFFDB8];
	(erf) = vpow2.f32 v0  }
0x283: {  	v0 =	vld [tilespmem:s18+$0xFFFFFDA8];
	v3 =	vadd.f32 v8, v3  }
0x284: {  	v1 =	vadd.f32 v9, v1;
	v4 =	vld [tilespmem:s18+$0xFFFFFE80]  }
0x285: {  	v6 =	vld [tilespmem:s18+$0xFFFFFE70];
	v3 =	vadd.f32 v5, v3  }
0x286: {  	v1 =	vadd.f32 v7, v1;
	v5 =	vld [tilespmem:s18+$0xFFFFFF48]  }
0x287: {  	v7 =	vld [tilespmem:s18+$0xFFFFFF38];
	v2 =	vadd.f32 v2, v3  }
0x288: {  	v0 =	vadd.f32 v0, v1;
	v1 =	vld [tilespmem:s18+$0x10]  }
0x289: {  	v3 =	vld [tilespmem:s18+$0x0];
	v2 =	vadd.f32 v4, v2  }
0x28a: {  	v0 =	vadd.f32 v6, v0;
	v4 =	vld [tilespmem:s18+$0xD8];
	v6 =	vpop (erf)  }
0x28b: {  	v8 =	vld [tilespmem:s18+$0xC8];
	v2 =	vadd.f32 v5, v2;
	v5 =	vadd.f32 $1.000000000e+00, v6;
	v6 =	vpop (erf)  }
0x28c: {  	v0 =	vadd.f32 v7, v0;
	v7 =	vld [tilespmem:s18+$0x1A0];
	v6 =	vadd.f32 $1.000000000e+00, v6  }
0x28d: {  	v9 =	vld [tilespmem:s18+$0x190];
	v1 =	vadd.f32 v1, v2;
	(erf) = vrcp.f32 v5  }
0x28e: {  	v0 =	vadd.f32 v3, v0;
	v2 =	vld [tilespmem:s18+$0x268];
	(erf) = vrcp.f32 v6  }
0x28f: {  	v3 =	vld [tilespmem:s18+$0x258];
	v1 =	vadd.f32 v4, v1  }
0x290: {  	v0 =	vadd.f32 v8, v0;
	v4 =	vld [tilespmem:s18+$0x330]  }
0x291: {  	v5 =	vld [tilespmem:s18+$0x320];
	v1 =	vadd.f32 v7, v1  }
0x292: {  	s13 =	sadd.s32 $0x20, s13;
	v6 =	vadd.f32 v9, v0;
	v7 =	vld [tilespmem:s18+$0x3F8]  }
.Ltmp2:
0x293: {  	s15 =	sand.u32 $0xE0, s13;
	v0 =	vld [tilespmem:s18+$0x3E8];
	v8 =	vadd.f32 v2, v1;
	(pc) =	sbr.rel @p0 .LBB2_7-.Ltmp2, $4  }
0x294: {  	v3 =	vadd.f32 v3, v6;
	v1 =	vld [tilespmem:s15+$0xE600]  }
0x295: {  	v2 =	vld [tilespmem:s18+$0x4B0];
	v8 =	vadd.f32 v4, v8  }
0x296: {  	s12 =	sadd.s32 $0x20, s12;
	v6 =	vadd.f32 v5, v3;
	v3 =	vld [tilespmem:s18+$0x588];
	v5 =	vpop (erf)  }
0x297: {  	v4 =	vld [tilespmem:s18+$0x578];
	v7 =	vadd.f32 v7, v8;
	s18 =	sadd.s32 $0x20, s18;
	[tilespmem:s12+$0x0] =	vst v5;
	v5 =	vpop (erf)  }
0x298: {  	v0 =	vadd.f32 v0, v6  }
0x299: {  	v1 =	vadd.f32 v1, v7  }
0x29a: {  	v0 =	vadd.f32 v2, v0  }
0x29b: {  	v1 =	vadd.f32 v3, v1  }
0x29c: {  	v0 =	vadd.f32 v4, v0  }
0x29d: {  	v1 =	vsub.f32 $0.0e+00, v1  }
0x29e: {  	v0 =	vsub.f32 $0.0e+00, v0  }
0x29f: {  	v1 =	vmul.f32 $1.442695020e+00, v1  }
0x2a0: {  	v0 =	vmul.f32 $1.442695020e+00, v0  }
0x2a1: {  	(erf) = vpow2.f32 v1  }
0x2a2: {  	(erf) = vpow2.f32 v0;
	_ =	sdelay $0x7  }
0x2a3: {  	v0 =	vpop (erf)  }
0x2a4: {  	v0 =	vadd.f32 $1.000000000e+00, v0;
	v1 =	vpop (erf)  }
0x2a5: {  	v1 =	vadd.f32 $1.000000000e+00, v1  }
0x2a6: {  	(erf) = vrcp.f32 v0  }
0x2a7: {  	(erf) = vrcp.f32 v1;
	_ =	sdelay $0x7  }
0x2a8: {  	[tilespmem:s12+$0xFFFFFFF0] =	vst v5;
	s18 =	sadd.s32 $0x20, s12;
	v0 =	vpop (erf)  }
0x2a9: {  	[tilespmem:s18+$0x0] =	vst v0;
	v0 =	vpop (erf)  }
0x2aa: {  	[tilespmem:s18+$0xFFFFFFF0] =	vst v0  }
0x2ab: {  	v0 =	vld [tilespmem:$0xDBB8];
	_ =	sdelay $0x1  }
0x2ac: {  	v1 =	vld [tilespmem:$0xDC80];
	_ =	sdelay $0x1  }
0x2ad: {  	v2 =	vld [tilespmem:$0xDD48]  }
0x2ae: {  	v0 =	vadd.f32 $0.0e+00, v0  }
0x2af: {  	v3 =	vld [tilespmem:$0xDE10]  }
0x2b0: {  	v0 =	vadd.f32 v1, v0  }
0x2b1: {  	v1 =	vld [tilespmem:$0xDED8]  }
0x2b2: {  	v0 =	vadd.f32 v2, v0  }
0x2b3: {  	v2 =	vld [tilespmem:$0xDFA0]  }
0x2b4: {  	v0 =	vadd.f32 v3, v0  }
0x2b5: {  	v3 =	vld [tilespmem:$0xE068]  }
0x2b6: {  	v0 =	vadd.f32 v1, v0  }
0x2b7: {  	v1 =	vld [tilespmem:$0xE130]  }
0x2b8: {  	v0 =	vadd.f32 v2, v0  }
0x2b9: {  	v2 =	vld [tilespmem:$0xE1F8]  }
0x2ba: {  	v0 =	vadd.f32 v3, v0  }
0x2bb: {  	v3 =	vld [tilespmem:$0xE2C0]  }
0x2bc: {  	v0 =	vadd.f32 v1, v0  }
0x2bd: {  	v1 =	vld [tilespmem:$0xE388]  }
0x2be: {  	v0 =	vadd.f32 v2, v0  }
0x2bf: {  	v2 =	vld [tilespmem:$0xE450]  }
0x2c0: {  	v0 =	vadd.f32 v3, v0  }
0x2c1: {  	v3 =	vld [tilespmem:$0xE518]  }
0x2c2: {  	v0 =	vadd.f32 v1, v0  }
0x2c3: {  	v1 =	vld [tilespmem:$0xE5E0]  }
0x2c4: {  	v0 =	vadd.f32 v2, v0  }
0x2c5: {  	v2 =	vld [tilespmem:$0xE6A8]  }
0x2c6: {  	v0 =	vadd.f32 v3, v0  }
0x2c7: {  	v3 =	vld [tilespmem:$0xE770]  }
0x2c8: {  	v0 =	vadd.f32 v1, v0;
	_ =	sdelay $0x1  }
0x2c9: {  	v0 =	vadd.f32 v2, v0;
	_ =	sdelay $0x1  }
0x2ca: {  	v0 =	vadd.f32 v3, v0;
	_ =	sdelay $0x1  }
0x2cb: {  	v0 =	vsub.f32 $0.0e+00, v0;
	_ =	sdelay $0x1  }
0x2cc: {  	v0 =	vmul.f32 $1.442695020e+00, v0;
	_ =	sdelay $0x1  }
0x2cd: {  	(erf) = vpow2.f32 v0;
	_ =	sdelay $0x8  }
0x2ce: {  	v0 =	vpop (erf)  }
0x2cf: {  	v0 =	vadd.f32 $1.000000000e+00, v0;
	_ =	sdelay $0x1  }
0x2d0: {  	(erf) = vrcp.f32 v0;
	_ =	sdelay $0x6  }
0x2d1: {  	s12 =	rddreg [dreg:$0x10]  }
0x2d2: {  	s12 =	sadd.s32 s20, s12  }
0x2d3: {  	s13 =	rddreg [dreg:$0x3];
	s12 =	sshrl.u32 s12, $0x3;
	v0 =	vpop (erf)  }
0x2d4: {  	s12 =	sadd.s32 s13, s12;
	[tilespmem:$0xE838] =	vst v0  }
0x2d5: {  	[hbm4b:s12+s5] =	stream.linear.scatter [tilespmem:s16], [sflag:$0x4], $0xC8, $0x38;
	[tilespmem:$0x10180] =	vst v63  }
0x2d6: {  	_ =	swait.ge [sflag:s25], $0xC8  }
0x2d7: {  	[sflag:s25] =	ssyncset.done $0x0  }
0x2d8: {  	[sflag:s25] =	ssyncadd.s32 $0xFFFFFF38  }
0x2d9: {  	_ =	swait.ge [sflag:s25], $0xC8  }
0x2da: {  	[sflag:s25] =	ssyncset.done $0x0  }
0x2db: {  	[sflag:s25] =	ssyncadd.s32 $0xFFFFFF38  }
0x2dc: {  	_ =	swait.ge [sflag:s25], $0xC8  }
0x2dd: {  	[sflag:s25] =	ssyncset.done $0x0  }
0x2de: {  	[sflag:s25] =	ssyncadd.s32 $0xFFFFFF38  }
0x2df: {  	_ =	swait.ge [sflag:s25], $0xC8  }
0x2e0: {  	[sflag:s25] =	ssyncset.done $0x0  }
0x2e1: {  	[sflag:s25] =	ssyncadd.s32 $0xFFFFFF38  }
0x2e2: {  	_ =	swait.ge [sflag:s25], $0xC8  }
0x2e3: {  	[sflag:s25] =	ssyncset.done $0x0  }
0x2e4: {  	[sflag:s25] =	ssyncadd.s32 $0xFFFFFF38  }
0x2e5: {  	_ =	swait.ge [sflag:s25], $0xC8  }
0x2e6: {  	[sflag:s25] =	ssyncset.done $0x0  }
0x2e7: {  	[sflag:s25] =	ssyncadd.s32 $0xFFFFFF38  }
0x2e8: {  	_ =	swait.ge [sflag:s25], $0xC8  }
0x2e9: {  	[sflag:s25] =	ssyncset.done $0x0  }
0x2ea: {  	[sflag:s25] =	ssyncadd.s32 $0xFFFFFF38  }
0x2eb: {  	_ =	swait.ge [sflag:s25], $0xC8  }
0x2ec: {  	[sflag:s25] =	ssyncset.done $0x0  }
0x2ed: {  	[sflag:s25] =	ssyncadd.s32 $0xFFFFFF38  }
0x2ee: {  	_ =	swait.ge [sflag:s25], $0xC8  }
0x2ef: {  	[sflag:s25] =	ssyncset.done $0x0  }
0x2f0: {  	[sflag:s25] =	ssyncadd.s32 $0xFFFFFF38  }
0x2f1: {  	_ =	swait.ge [sflag:s25], $0xC8  }
0x2f2: {  	[sflag:s25] =	ssyncset.done $0x0  }
0x2f3: {  	[sflag:s25] =	ssyncadd.s32 $0xFFFFFF38  }
0x2f4: {  	_ =	swait.ge [sflag:s25], $0xC8  }
0x2f5: {  	[sflag:s25] =	ssyncset.done $0x0  }
0x2f6: {  	[sflag:s25] =	ssyncadd.s32 $0xFFFFFF38  }
0x2f7: {  	_ =	swait.ge [sflag:s25], $0xC8  }
0x2f8: {  	[sflag:s25] =	ssyncset.done $0x0  }
0x2f9: {  	[sflag:s25] =	ssyncadd.s32 $0xFFFFFF38  }
0x2fa: {  	_ =	swait.ge [sflag:s25], $0xC8  }
0x2fb: {  	[sflag:s25] =	ssyncset.done $0x0  }
0x2fc: {  	[sflag:s25] =	ssyncadd.s32 $0xFFFFFF38  }
0x2fd: {  	_ =	swait.ge [sflag:s25], $0xC8  }
0x2fe: {  	[sflag:s25] =	ssyncset.done $0x0  }
0x2ff: {  	[sflag:s25] =	ssyncadd.s32 $0xFFFFFF38  }
0x300: {  	_ =	swait.ge [sflag:s25], $0xC8  }
0x301: {  	[sflag:s25] =	ssyncset.done $0x0  }
0x302: {  	[sflag:s25] =	ssyncadd.s32 $0xFFFFFF38  }
0x303: {  	_ =	swait.ge [sflag:s25], $0xC8  }
0x304: {  	[sflag:s25] =	ssyncset.done $0x0  }
0x305: {  	[sflag:s25] =	ssyncadd.s32 $0xFFFFFF38  }
0x306: {  	_ =	swait.ge [sflag:s2], $0xC8  }
0x307: {  	[sflag:s2] =	ssyncset.done $0x0  }
0x308: {  	[sflag:s2] =	ssyncadd.s32 $0xFFFFFF38  }
0x309: {  	[bflag:$0x0] =	sbarrier.arrive $0xFFFF  }
0x30a: {  	_ =	swait.ge [sflag:s17], $0xC80  }
0x30b: {  	[sflag:s17] =	ssyncset.done $0x0  }
0x30c: {  	[sflag:s17] =	ssyncadd.s32 $0xFFFFF380  }
0x30d: {  	_ =	swait.ge [sflag:s17], $0xC80  }
0x30e: {  	s13 =	rddreg [dreg:$0x11];
	[sflag:s17] =	ssyncset.done $0x0  }
0x30f: {  	s12 =	sadd.s32 s20, s13;
	[sflag:s17] =	ssyncadd.s32 $0xFFFFF380  }
0x310: {  	s12 =	sshrl.u32 s12, $0x3;
	s14 =	rddreg [dreg:$0x1]  }
0x311: {  	s15 =	rddreg [dreg:$0x2];
	s13 =	sadd.s32 s14, s12;
	s14 =	simm.s32 $0xA900  }
0x312: {  	[tilespmem:s14], [sflag:$0x2] =	stream.linear.gather [hbm4b:s13+s5], $0xC80, $0x38;
	[tilespmem:$0x10180] =	vst v63  }
0x313: {  	s18 =	simm.s32 $0xC200;
	s12 =	sadd.s32 s15, s12;
	s14 =	sld [smem:$0x7FD]  }
0x314: {  	[tilespmem:s18], [sflag:$0x2] =	stream.linear.gather [hbm4b:s12+s5], $0xC80, $0x38;
	[tilespmem:$0x10180] =	vst v63  }
0x315: {  	s15 =	simm.s32 $0x9CC0  }
0x316: {  	[tilespmem:s1], [sflag:$0x4] =	stream.linear.gather [spmem:s14], $0xC80, $0x38;
	[tilespmem:$0x10180] =	vst v63  }
0x317: {  	s18 =	simm.s32 $0xB5C0;
	v0 =	vld [tilespmem:s15+$0x30]  }
0x318: {  	v1 =	vld [tilespmem:s18+$0x30]  }
0x319: {  	v3 =	vld [tilespmem:s18+$0xFFFFFFC0]  }
0x31a: {  	v4 =	vld [tilespmem:s15+$0xFFFFFFD0]  }
0x31b: {  	v6 =	vld [tilespmem:s18+$0xFFFFFFD0]  }
0x31c: {  	v8 =	vld [tilespmem:s15+$0xFFFFFFE0]  }
0x31d: {  	v9 =	vld [tilespmem:s18+$0xFFFFFFE0]  }
0x31e: {  	v10 =	vld [tilespmem:s15+$0xFFFFFFF0]  }
0x31f: {  	v12 =	vld [tilespmem:s18+$0xFFFFFFF0]  }
0x320: {  	v13 =	vld [tilespmem:s15+$0x0]  }
0x321: {  	v23 =	vld [tilespmem:s18+$0x0]  }
0x322: {  	v24 =	vld [tilespmem:s15+$0x10]  }
0x323: {  	v27 =	vld [tilespmem:s18+$0x10]  }
0x324: {  	v28 =	vld [tilespmem:s15+$0x20]  }
0x325: {  	v35 =	vld [tilespmem:s18+$0x20]  }
0x326: {  	v37 =	vld [tilespmem:s15+$0xFFFFFFC0]  }
0x327: {  	v5 =	vld.idx.msk [tilespmem:v0+s5+$0x0], $0xffff  }
0x328: {  	v11 =	vld.idx.msk [tilespmem:v1+s5+$0x0], $0xffff  }
0x329: {  	v39 =	vld.idx.msk [tilespmem:v3+s5+$0x0], $0xffff  }
0x32a: {  	v40 =	vld.idx.msk [tilespmem:v4+s5+$0x0], $0xffff  }
0x32b: {  	v42 =	vld.idx.msk [tilespmem:v6+s5+$0x0], $0xffff  }
0x32c: {  	v2 =	vadd.s32 $0x2710, v0;
	v45 =	vld.idx.msk [tilespmem:v8+s5+$0x0], $0xffff  }
0x32d: {  	v7 =	vadd.s32 $0x2710, v1;
	v60 =	vld.idx.msk [tilespmem:v9+s5+$0x0], $0xffff  }
0x32e: {  	v14 =	vadd.s32 $0x4E20, v0;
	v61 =	vld.idx.msk [tilespmem:v10+s5+$0x0], $0xffff  }
0x32f: {  	v29 =	vadd.s32 $0x2710, v3;
	v48 =	vld.idx.msk [tilespmem:v12+s5+$0x0], $0xffff  }
0x330: {  	v30 =	vadd.s32 $0x2710, v4;
	v50 =	vld.idx.msk [tilespmem:v37+s5+$0x0], $0xffff  }
0x331: {  	v32 =	vadd.s32 $0x2710, v6;
	v21 =	vld.idx.msk [tilespmem:v2+s5+$0x0], $0xffff  }
0x332: {  	v16 =	vadd.s32 $0x4E20, v4;
	v22 =	vld.idx.msk [tilespmem:v7+s5+$0x0], $0xffff  }
0x333: {  	v19 =	vadd.s32 $0x4E20, v3;
	v17 =	vadd.s32 $0x4E20, v6;
	v25 =	vld.idx.msk [tilespmem:v14+s5+$0x0], $0xffff  }
0x334: {  	v34 =	vadd.s32 $0x2710, v8;
	v18 =	vadd.s32 $0x4E20, v8;
	v36 =	vadd.s32 $0x2710, v9;
	v29 =	vld.idx.msk [tilespmem:v29+s5+$0x0], $0xffff  }
0x335: {  	v15 =	vadd.s32 $0x4E20, v9;
	v38 =	vadd.s32 $0x2710, v10;
	v41 =	vadd.s32 $0x2710, v12;
	v30 =	vld.idx.msk [tilespmem:v30+s5+$0x0], $0xffff  }
0x336: {  	v20 =	vadd.s32 $0x4E20, v12;
	v43 =	vadd.s32 $0x2710, v13;
	v0 =	vadd.s32 $0x7530, v0;
	v32 =	vld.idx.msk [tilespmem:v32+s5+$0x0], $0xffff  }
0x337: {  	v46 =	vadd.s32 $0x2710, v23;
	v47 =	vadd.s32 $0x4E20, v23;
	v2 =	vadd.s32 $0x4E20, v1;
	v16 =	vld.idx.msk [tilespmem:v16+s5+$0x0], $0xffff  }
0x338: {  	v49 =	vadd.s32 $0x2710, v24;
	v51 =	vadd.s32 $0x4E20, v24;
	v7 =	vadd.s32 $0x7530, v1;
	v17 =	vld.idx.msk [tilespmem:v17+s5+$0x0], $0xffff  }
0x339: {  	v52 =	vadd.s32 $0x4E20, v27;
	v54 =	vadd.s32 $0x2710, v28;
	v55 =	vadd.s32 $0x4E20, v28;
	v18 =	vld.idx.msk [tilespmem:v18+s5+$0x0], $0xffff  }
0x33a: {  	v56 =	vadd.s32 $0x4E20, v37;
	v58 =	vadd.s32 $0x4E20, v35;
	v1 =	vadd.s32 $0x7530, v3;
	v15 =	vld.idx.msk [tilespmem:v15+s5+$0x0], $0xffff  }
0x33b: {  	v14 =	vadd.s32 $0x4E20, v10;
	v3 =	vadd.s32 $0x7530, v9;
	v31 =	vld.idx.msk [tilespmem:v0+s5+$0x0], $0xffff;
	v11 =	vmul.bf16 v11, v5  }
0x33c: {  	v5 =	vadd.s32 $0x7530, v8;
	v0 =	vadd.s32 $0x7530, v10;
	v40 =	vmul.bf16 v42, v40;
	v26 =	vld.idx.msk [tilespmem:v2+s5+$0x0], $0xffff  }
0x33d: {  	v39 =	vmul.bf16 v39, v50;
	v33 =	vld.idx.msk [tilespmem:v7+s5+$0x0], $0xffff;
	v2 =	vadd.s32 $0x7530, v4;
	v7 =	vadd.s32 $0x7530, v6  }
0x33e: {  	v38 =	vld.idx.msk [tilespmem:v38+s5+$0x0], $0xffff;
	v4 =	vunpack.i.l.bf16.f32 v11;
	v8 =	vunpack.i.u.bf16.f32 v11;
	v11 =	vmul.bf16 v22, v21  }
0x33f: {  	v19 =	vld.idx.msk [tilespmem:v19+s5+$0x0], $0xffff;
	v22 =	vadd.s32 $0x4E20, v13;
	v6 =	vadd.s32 $0x7530, v13;
	v21 =	vmul.bf16 v60, v45  }
0x340: {  	v20 =	vld.idx.msk [tilespmem:v20+s5+$0x0], $0xffff;
	v62 =	vunpack.i.l.bf16.f32 v40;
	v30 =	vmul.bf16 v32, v30;
	v16 =	vmul.bf16 v17, v16  }
0x341: {  	v50 =	vld.idx.msk [tilespmem:v49+s5+$0x0], $0xffff;
	v15 =	vmul.bf16 v15, v18;
	v44 =	vadd.f32 $0.0e+00, v4;
	v4 =	vadd.s32 $0x7530, v12  }
0x342: {  	v14 =	vld.idx.msk [tilespmem:v14+s5+$0x0], $0xffff;
	v63 =	vadd.f32 $0.0e+00, v62;
	v10 =	vunpack.i.l.bf16.f32 v11;
	v11 =	vunpack.i.u.bf16.f32 v11  }
0x343: {  	v17 =	vld.idx.msk [tilespmem:v52+s5+$0x0], $0xffff;
	v59 =	vunpack.i.u.bf16.f32 v21;
	v21 =	vunpack.i.l.bf16.f32 v21;
	v52 =	vunpack.i.u.bf16.f32 v15  }
0x344: {  	v9 =	vadd.f32 v44, v8;
	v8 =	vadd.s32 $0x7530, v23;
	v23 =	vld.idx.msk [tilespmem:v23+s5+$0x0], $0xffff;
	v44 =	vmul.bf16 v48, v61  }
0x345: {  	v21 =	vadd.f32 $0.0e+00, v21;
	v61 =	vunpack.i.l.bf16.f32 v39;
	v39 =	vunpack.i.u.bf16.f32 v39;
	v48 =	vld.idx.msk [tilespmem:v46+s5+$0x0], $0xffff  }
0x346: {  	v46 =	vld.idx.msk [tilespmem:v51+s5+$0x0], $0xffff;
	v62 =	vadd.f32 $0.0e+00, v61;
	v10 =	vadd.f32 v10, v9;
	v12 =	vmul.bf16 v26, v25  }
0x347: {  	v25 =	vld.idx.msk [tilespmem:v13+s5+$0x0], $0xffff;
	v9 =	vadd.s32 $0x7530, v24;
	v13 =	vadd.s32 $0x2710, v37;
	v26 =	vadd.s32 $0x2710, v27  }
0x348: {  	v61 =	vld.idx.msk [tilespmem:v56+s5+$0x0], $0xffff;
	v31 =	vmul.bf16 v33, v31;
	v60 =	vunpack.i.u.bf16.f32 v44;
	v44 =	vunpack.i.l.bf16.f32 v44  }
0x349: {  	v24 =	vld.idx.msk [tilespmem:v24+s5+$0x0], $0xffff;
	v37 =	vadd.s32 $0x7530, v37;
	v21 =	vadd.f32 v21, v59;
	v44 =	vadd.f32 $0.0e+00, v44  }
0x34a: {  	v33 =	vld.idx.msk [tilespmem:v28+s5+$0x0], $0xffff;
	v14 =	vmul.bf16 v20, v14;
	v39 =	vadd.f32 v62, v39;
	v11 =	vadd.f32 v10, v11  }
0x34b: {  	v59 =	vld.idx.msk [tilespmem:v54+s5+$0x0], $0xffff;
	v62 =	vunpack.i.u.bf16.f32 v30;
	v30 =	vunpack.i.l.bf16.f32 v30;
	v53 =	vunpack.i.l.bf16.f32 v12  }
0x34c: {  	v10 =	vadd.s32 $0x7530, v27;
	v27 =	vld.idx.msk [tilespmem:v27+s5+$0x0], $0xffff;
	v12 =	vunpack.i.u.bf16.f32 v12;
	v53 =	vadd.f32 v53, v11  }
0x34d: {  	v57 =	vunpack.i.l.bf16.f32 v31;
	v31 =	vunpack.i.u.bf16.f32 v31;
	v54 =	vunpack.i.u.bf16.f32 v14;
	v42 =	vld.idx.msk [tilespmem:v13+s5+$0x0], $0xffff  }
0x34e: {  	v17 =	vmul.bf16 v17, v46;
	v23 =	vmul.bf16 v23, v25;
	v25 =	vld.idx.msk [tilespmem:v41+s5+$0x0], $0xffff;
	v12 =	vadd.f32 v53, v12  }
0x34f: {  	v14 =	vunpack.i.l.bf16.f32 v14;
	v11 =	vadd.s32 $0x7530, v28;
	v28 =	vadd.s32 $0x2710, v35;
	v26 =	vld.idx.msk [tilespmem:v26+s5+$0x0], $0xffff  }
0x350: {  	v18 =	vld.idx.msk [tilespmem:v58+s5+$0x0], $0xffff;
	v19 =	vmul.bf16 v19, v61;
	v58 =	vunpack.i.u.bf16.f32 v17;
	v13 =	vadd.f32 v57, v12  }
0x351: {  	v17 =	vunpack.i.l.bf16.f32 v17;
	v53 =	vld.idx.msk [tilespmem:v35+s5+$0x0], $0xffff;
	v24 =	vmul.bf16 v27, v24;
	v12 =	vadd.s32 $0x7530, v35  }
0x352: {  	v57 =	vunpack.i.u.bf16.f32 v40;
	v35 =	vld.idx.msk [tilespmem:v36+s5+$0x0], $0xffff;
	v36 =	vadd.f32 v44, v60;
	v13 =	vadd.f32 v13, v31  }
0x353: {  	v34 =	vld.idx.msk [tilespmem:v34+s5+$0x0], $0xffff;
	v31 =	vadd.f32 v63, v57;
	v63 =	vunpack.i.u.bf16.f32 v23;
	v29 =	vmul.bf16 v29, v42  }
0x354: {  	v49 =	vld.idx.msk [tilespmem:v55+s5+$0x0], $0xffff;
	v23 =	vunpack.i.l.bf16.f32 v23;
	v25 =	vmul.bf16 v25, v38;
	v26 =	vmul.bf16 v26, v50  }
0x355: {  	v40 =	vld.idx.msk [tilespmem:v43+s5+$0x0], $0xffff;
	v50 =	vunpack.i.l.bf16.f32 v16;
	v16 =	vunpack.i.u.bf16.f32 v16;
	v23 =	vadd.f32 $0.0e+00, v23  }
0x356: {  	v22 =	vld.idx.msk [tilespmem:v22+s5+$0x0], $0xffff;
	v33 =	vmul.bf16 v53, v33;
	v53 =	vunpack.i.u.bf16.f32 v24;
	v24 =	vunpack.i.l.bf16.f32 v24  }
0x357: {  	v28 =	vld.idx.msk [tilespmem:v28+s5+$0x0], $0xffff;
	v24 =	vadd.f32 $0.0e+00, v24;
	v60 =	vunpack.i.l.bf16.f32 v29;
	v29 =	vunpack.i.u.bf16.f32 v29  }
0x358: {  	v44 =	vld.idx.msk [tilespmem:v47+s5+$0x0], $0xffff;
	v30 =	vadd.f32 v30, v31;
	v43 =	vunpack.i.l.bf16.f32 v26;
	v26 =	vunpack.i.u.bf16.f32 v26  }
0x359: {  	v57 =	vunpack.i.l.bf16.f32 v33;
	v33 =	vunpack.i.u.bf16.f32 v33;
	v23 =	vadd.f32 v23, v63  }
0x35a: {  	v2 =	vld.idx.msk [tilespmem:v2+s5+$0x0], $0xffff;
	v39 =	vadd.f32 v60, v39;
	v34 =	vmul.bf16 v35, v34;
	v27 =	vmul.bf16 v48, v40  }
0x35b: {  	v7 =	vld.idx.msk [tilespmem:v7+s5+$0x0], $0xffff;
	v48 =	vunpack.i.u.bf16.f32 v19;
	v19 =	vunpack.i.l.bf16.f32 v19;
	v42 =	vadd.f32 $0.0e+00, v57  }
0x35c: {  	v24 =	vadd.f32 v24, v53;
	v30 =	vadd.f32 v30, v62;
	v28 =	vmul.bf16 v28, v59;
	v53 =	vld.idx.msk [tilespmem:v1+s5+$0x0], $0xffff  }
0x35d: {  	v1 =	vunpack.i.l.bf16.f32 v15;
	v15 =	vmul.bf16 v44, v22;
	v57 =	vld.idx.msk [tilespmem:v3+s5+$0x0], $0xffff;
	v3 =	vmul.bf16 v18, v49  }
0x35e: {  	v63 =	vunpack.i.l.bf16.f32 v34;
	v29 =	vadd.f32 v39, v29;
	v39 =	vunpack.i.u.bf16.f32 v25  }
0x35f: {  	v25 =	vunpack.i.l.bf16.f32 v25;
	v33 =	vadd.f32 v42, v33;
	v21 =	vadd.f32 v63, v21  }
0x360: {  	v25 =	vadd.f32 v25, v36;
	v42 =	vunpack.i.u.bf16.f32 v27;
	v27 =	vunpack.i.l.bf16.f32 v27  }
0x361: {  	v62 =	vmul.bf16 v7, v2;
	v24 =	vadd.f32 v43, v24;
	v23 =	vadd.f32 v27, v23  }
0x362: {  	v34 =	vunpack.i.u.bf16.f32 v34;
	v19 =	vadd.f32 v19, v29;
	v29 =	vadd.f32 v50, v30  }
0x363: {  	v51 =	vld.idx.msk [tilespmem:v37+s5+$0x0], $0xffff;
	v45 =	vunpack.i.u.bf16.f32 v28;
	v21 =	vadd.f32 v21, v34;
	v25 =	vadd.f32 v25, v39  }
0x364: {  	v28 =	vunpack.i.l.bf16.f32 v28;
	v24 =	vadd.f32 v24, v26;
	v23 =	vadd.f32 v23, v42  }
0x365: {  	v56 =	vunpack.i.l.bf16.f32 v15;
	v47 =	vadd.f32 v28, v33;
	v19 =	vadd.f32 v19, v48  }
0x366: {  	v5 =	vld.idx.msk [tilespmem:v5+s5+$0x0], $0xffff;
	v15 =	vunpack.i.u.bf16.f32 v15;
	v16 =	vadd.f32 v29, v16;
	v23 =	vadd.f32 v56, v23  }
0x367: {  	v18 =	vld.idx.msk [tilespmem:v0+s5+$0x0], $0xffff;
	v60 =	vunpack.i.l.bf16.f32 v3;
	v26 =	vadd.f32 v47, v45;
	v1 =	vadd.f32 v1, v21  }
0x368: {  	v59 =	vld.idx.msk [tilespmem:v4+s5+$0x0], $0xffff;
	v55 =	vadd.f32 v14, v25;
	v0 =	vadd.f32 v23, v15;
	v15 =	vmul.bf16 v53, v51  }
0x369: {  	v4 =	vadd.f32 v17, v24;
	v17 =	vunpack.i.u.bf16.f32 v3;
	v3 =	vld.idx.msk [tilespmem:v6+s5+$0x0], $0xffff;
	v14 =	vadd.f32 v1, v52  }
0x36a: {  	v6 =	vld.idx.msk [tilespmem:v8+s5+$0x0], $0xffff;
	v1 =	vadd.f32 v55, v54;
	v22 =	vadd.f32 v60, v26;
	v61 =	vunpack.i.l.bf16.f32 v15  }
0x36b: {  	s12 =	simm.s32 $0xCEC0;
	v2 =	vadd.f32 v4, v58;
	v4 =	vld.idx.msk [tilespmem:v9+s5+$0x0], $0xffff;
	v9 =	vunpack.i.l.bf16.f32 v62;
	v19 =	vadd.f32 v61, v19  }
0x36c: {  	[tilespmem:s12+$0x30] =	vst v13;
	v7 =	vld.idx.msk [tilespmem:v10+s5+$0x0], $0xffff;
	v8 =	vadd.f32 v22, v17;
	v17 =	vmul.bf16 v57, v5;
	v63 =	vunpack.i.u.bf16.f32 v15  }
0x36d: {  	v13 =	vmul.bf16 v59, v18;
	v16 =	vadd.f32 v9, v16;
	v9 =	vld.idx.msk [tilespmem:v12+s5+$0x0], $0xffff;
	v10 =	vadd.f32 v19, v63  }
0x36e: {  	s13 =	simm.s32 $0x0;
	s14 =	simm.s32 $0x9D40;
	v5 =	vld.idx.msk [tilespmem:v11+s5+$0x0], $0xffff;
	v15 =	vunpack.i.u.bf16.f32 v62;
	v11 =	vunpack.i.u.bf16.f32 v17;
	v17 =	vunpack.i.l.bf16.f32 v17  }
.LBB2_9:
0x36f: {  	v12 =	vld [tilespmem:s14+$0x30];
	[tilespmem:s12+$0xFFFFFFC0] =	vst v10;
	v10 =	vadd.f32 v16, v15;
	v14 =	vadd.f32 v17, v14;
	s18 =	sadd.s32 $0x80, s18  }
0x370: {  	s13 =	sadd.s32 $0x8, s13;
	v3 =	vmul.bf16 v6, v3;
	v20 =	vld [tilespmem:s18+$0x30];
	v15 =	vunpack.i.u.bf16.f32 v13;
	v13 =	vunpack.i.l.bf16.f32 v13  }
0x371: {  	p0 =	slt.u32 s13, $0xC0;
	v23 =	vld [tilespmem:s18+$0xFFFFFFC0];
	[tilespmem:s12+$0xFFFFFFD0] =	vst v10;
	v6 =	vadd.f32 v14, v11;
	v1 =	vadd.f32 v13, v1  }
0x372: {  	v11 =	vunpack.i.u.bf16.f32 v3;
	v3 =	vunpack.i.l.bf16.f32 v3;
	v4 =	vmul.bf16 v7, v4;
	v10 =	vld [tilespmem:s14+$0xFFFFFFD0]  }
0x373: {  	v0 =	vadd.f32 v3, v0;
	v25 =	vld [tilespmem:s18+$0xFFFFFFD0];
	[tilespmem:s12+$0xFFFFFFE0] =	vst v6;
	v1 =	vadd.f32 v1, v15  }
0x374: {  	v24 =	vunpack.i.u.bf16.f32 v4;
	v3 =	vunpack.i.l.bf16.f32 v4;
	v6 =	vmul.bf16 v9, v5;
	v26 =	vld [tilespmem:s14+$0xFFFFFFE0]  }
0x375: {  	v0 =	vadd.f32 v0, v11;
	v11 =	vadd.f32 v3, v2;
	v37 =	vld [tilespmem:s18+$0xFFFFFFE0];
	[tilespmem:s12+$0xFFFFFFF0] =	vst v1  }
0x376: {  	v2 =	vadd.s32 $0x2710, v12;
	v28 =	vadd.s32 $0x2710, v23;
	v13 =	vadd.s32 $0x4E20, v23;
	v38 =	vld [tilespmem:s14+$0xFFFFFFF0]  }
0x377: {  	v9 =	vadd.s32 $0x2710, v20;
	v27 =	vadd.s32 $0x2710, v10;
	v14 =	vadd.s32 $0x4E20, v10;
	v7 =	vld.idx.msk [tilespmem:v12+s5+$0x0], $0xffff;
	[tilespmem:s12+$0x0] =	vst v0  }
0x378: {  	v0 =	vadd.s32 $0x7530, v23;
	v31 =	vadd.s32 $0x2710, v25;
	v15 =	vadd.s32 $0x4E20, v25;
	v19 =	vld.idx.msk [tilespmem:v20+s5+$0x0], $0xffff  }
0x379: {  	v1 =	vadd.s32 $0x7530, v10;
	v29 =	vadd.s32 $0x2710, v26;
	v16 =	vadd.s32 $0x4E20, v26;
	v39 =	vld [tilespmem:s18+$0xFFFFFFF0]  }
0x37a: {  	v21 =	vadd.s32 $0x4E20, v12;
	v32 =	vadd.s32 $0x2710, v37;
	v17 =	vadd.s32 $0x4E20, v37;
	v40 =	vld [tilespmem:s14+$0x0]  }
0x37b: {  	v35 =	vadd.s32 $0x4E20, v20;
	v30 =	vadd.s32 $0x2710, v38;
	v18 =	vadd.s32 $0x4E20, v38;
	v22 =	vld.idx.msk [tilespmem:v2+s5+$0x0], $0xffff  }
0x37c: {  	v5 =	vadd.s32 $0x7530, v25;
	v4 =	vadd.s32 $0x7530, v26;
	v3 =	vadd.s32 $0x7530, v37;
	v9 =	vld.idx.msk [tilespmem:v9+s5+$0x0], $0xffff  }
0x37d: {  	v42 =	vunpack.i.u.bf16.f32 v6;
	v36 =	vunpack.i.l.bf16.f32 v6;
	v2 =	vadd.s32 $0x7530, v38;
	v41 =	vld [tilespmem:s18+$0x0]  }
0x37e: {  	v12 =	vadd.s32 $0x7530, v12;
	v44 =	vmul.bf16 v19, v7;
	v33 =	vadd.s32 $0x2710, v39;
	v43 =	vld [tilespmem:s14+$0x10]  }
0x37f: {  	v46 =	vadd.s32 $0x7530, v20;
	v19 =	vadd.s32 $0x4E20, v39;
	v34 =	vadd.s32 $0x2710, v40;
	v45 =	vld.idx.msk [tilespmem:v21+s5+$0x0], $0xffff  }
0x380: {  	v6 =	vadd.s32 $0x7530, v39;
	v20 =	vadd.s32 $0x4E20, v40;
	v21 =	vunpack.i.l.bf16.f32 v44;
	v47 =	vld.idx.msk [tilespmem:v35+s5+$0x0], $0xffff  }
0x381: {  	v50 =	vadd.f32 v36, v8;
	v7 =	vadd.s32 $0x7530, v40;
	v49 =	vadd.f32 $0.0e+00, v21;
	v48 =	vld [tilespmem:s18+$0x10]  }
0x382: {  	v8 =	vunpack.i.u.bf16.f32 v44;
	v44 =	vmul.bf16 v9, v22;
	v35 =	vadd.s32 $0x2710, v41;
	v51 =	vld [tilespmem:s14+$0x20]  }
0x383: {  	v21 =	vadd.s32 $0x4E20, v41;
	v49 =	vadd.f32 v49, v8;
	v36 =	vadd.s32 $0x2710, v43;
	v12 =	vld.idx.msk [tilespmem:v12+s5+$0x0], $0xffff  }
0x384: {  	v8 =	vadd.s32 $0x7530, v41;
	v22 =	vadd.s32 $0x4E20, v43;
	v52 =	vunpack.i.l.bf16.f32 v44;
	v46 =	vld.idx.msk [tilespmem:v46+s5+$0x0], $0xffff  }
0x385: {  	v11 =	vadd.f32 v11, v24;
	v9 =	vadd.s32 $0x7530, v43;
	v49 =	vadd.f32 v52, v49;
	v53 =	vld [tilespmem:s18+$0x20]  }
0x386: {  	v24 =	vunpack.i.u.bf16.f32 v44;
	v44 =	vmul.bf16 v47, v45;
	v52 =	vld [tilespmem:s14+$0xFFFFFFC0];
	v54 =	vadd.s32 $0x2710, v48  }
0x387: {  	v49 =	vadd.f32 v49, v24;
	v45 =	vld.idx.msk [tilespmem:v23+s5+$0x0], $0xffff;
	v23 =	vadd.s32 $0x4E20, v48;
	v47 =	vadd.s32 $0x2710, v51;
	[tilespmem:s12+$0x10] =	vst v11  }
0x388: {  	v24 =	vadd.s32 $0x4E20, v51;
	v56 =	vunpack.i.l.bf16.f32 v44;
	v55 =	vld.idx.msk [tilespmem:v10+s5+$0x0], $0xffff;
	v10 =	vadd.s32 $0x7530, v48  }
0x389: {  	v42 =	vadd.f32 v50, v42;
	v11 =	vadd.s32 $0x7530, v51;
	v57 =	vld.idx.msk [tilespmem:v25+s5+$0x0], $0xffff;
	v25 =	vadd.f32 v56, v49  }
0x38a: {  	v49 =	vld.idx.msk [tilespmem:v26+s5+$0x0], $0xffff;
	v50 =	vadd.s32 $0x2710, v53;
	v26 =	vunpack.i.u.bf16.f32 v44;
	v44 =	vmul.bf16 v46, v12  }
0x38b: {  	v46 =	vadd.s32 $0x2710, v52;
	v56 =	vadd.s32 $0x4E20, v52;
	v37 =	vld.idx.msk [tilespmem:v37+s5+$0x0], $0xffff;
	v58 =	vadd.f32 v25, v26;
	[tilespmem:s12+$0x20] =	vst v42  }
0x38c: {  	v25 =	vadd.s32 $0x7530, v52;
	v26 =	vadd.s32 $0x4E20, v53;
	v38 =	vld.idx.msk [tilespmem:v38+s5+$0x0], $0xffff;
	v42 =	vunpack.i.l.bf16.f32 v44  }
0x38d: {  	v12 =	vadd.s32 $0x7530, v53;
	v39 =	vld.idx.msk [tilespmem:v39+s5+$0x0], $0xffff;
	v42 =	vadd.f32 v42, v58  }
0x38e: {  	v44 =	vunpack.i.u.bf16.f32 v44;
	v52 =	vld.idx.msk [tilespmem:v52+s5+$0x0], $0xffff  }
0x38f: {  	v55 =	vmul.bf16 v57, v55;
	v40 =	vld.idx.msk [tilespmem:v40+s5+$0x0], $0xffff;
	v42 =	vadd.f32 v42, v44  }
0x390: {  	s12 =	sadd.s32 $0x80, s12;
	v41 =	vld.idx.msk [tilespmem:v41+s5+$0x0], $0xffff  }
0x391: {  	v44 =	vunpack.i.u.bf16.f32 v55;
	v55 =	vunpack.i.l.bf16.f32 v55;
	v37 =	vmul.bf16 v37, v49;
	v43 =	vld.idx.msk [tilespmem:v43+s5+$0x0], $0xffff;
	[tilespmem:s12+$0x30] =	vst v42  }
0x392: {  	v42 =	vadd.f32 $0.0e+00, v55;
	v48 =	vld.idx.msk [tilespmem:v48+s5+$0x0], $0xffff  }
0x393: {  	v49 =	vunpack.i.u.bf16.f32 v37;
	v37 =	vunpack.i.l.bf16.f32 v37;
	v38 =	vmul.bf16 v39, v38;
	v39 =	vld.idx.msk [tilespmem:v51+s5+$0x0], $0xffff  }
0x394: {  	v45 =	vmul.bf16 v45, v52;
	v42 =	vadd.f32 v42, v44;
	v37 =	vadd.f32 $0.0e+00, v37;
	v44 =	vld.idx.msk [tilespmem:v53+s5+$0x0], $0xffff  }
0x395: {  	v51 =	vunpack.i.u.bf16.f32 v38;
	v38 =	vunpack.i.l.bf16.f32 v38;
	v46 =	vld.idx.msk [tilespmem:v46+s5+$0x0], $0xffff  }
0x396: {  	v52 =	vunpack.i.l.bf16.f32 v45;
	v38 =	vadd.f32 $0.0e+00, v38;
	v40 =	vmul.bf16 v41, v40;
	v28 =	vld.idx.msk [tilespmem:v28+s5+$0x0], $0xffff  }
0x397: {  	v41 =	vunpack.i.u.bf16.f32 v45;
	v37 =	vadd.f32 v37, v49;
	v45 =	vadd.f32 $0.0e+00, v52;
	v27 =	vld.idx.msk [tilespmem:v27+s5+$0x0], $0xffff  }
0x398: {  	v49 =	vunpack.i.u.bf16.f32 v40;
	v40 =	vunpack.i.l.bf16.f32 v40;
	v43 =	vmul.bf16 v48, v43;
	v31 =	vld.idx.msk [tilespmem:v31+s5+$0x0], $0xffff  }
0x399: {  	v41 =	vadd.f32 v45, v41;
	v40 =	vadd.f32 $0.0e+00, v40;
	v29 =	vld.idx.msk [tilespmem:v29+s5+$0x0], $0xffff  }
0x39a: {  	v45 =	vunpack.i.u.bf16.f32 v43;
	v43 =	vunpack.i.l.bf16.f32 v43;
	v39 =	vmul.bf16 v44, v39;
	v32 =	vld.idx.msk [tilespmem:v32+s5+$0x0], $0xffff  }
0x39b: {  	v38 =	vadd.f32 v38, v51;
	v43 =	vadd.f32 $0.0e+00, v43;
	v30 =	vld.idx.msk [tilespmem:v30+s5+$0x0], $0xffff  }
0x39c: {  	v28 =	vmul.bf16 v28, v46;
	v44 =	vunpack.i.u.bf16.f32 v39;
	v39 =	vunpack.i.l.bf16.f32 v39;
	v33 =	vld.idx.msk [tilespmem:v33+s5+$0x0], $0xffff  }
0x39d: {  	v40 =	vadd.f32 v40, v49;
	v39 =	vadd.f32 $0.0e+00, v39;
	v34 =	vld.idx.msk [tilespmem:v34+s5+$0x0], $0xffff  }
0x39e: {  	v46 =	vunpack.i.l.bf16.f32 v28;
	v27 =	vmul.bf16 v31, v27;
	v31 =	vld.idx.msk [tilespmem:v35+s5+$0x0], $0xffff;
	v35 =	vadd.f32 v43, v45  }
0x39f: {  	v28 =	vunpack.i.u.bf16.f32 v28;
	v41 =	vadd.f32 v46, v41;
	v39 =	vadd.f32 v39, v44;
	v36 =	vld.idx.msk [tilespmem:v36+s5+$0x0], $0xffff  }
0x3a0: {  	v43 =	vunpack.i.u.bf16.f32 v27;
	v27 =	vunpack.i.l.bf16.f32 v27;
	v29 =	vmul.bf16 v32, v29;
	v32 =	vld.idx.msk [tilespmem:v54+s5+$0x0], $0xffff  }
0x3a1: {  	v28 =	vadd.f32 v41, v28;
	v27 =	vadd.f32 v27, v42;
	v41 =	vld.idx.msk [tilespmem:v47+s5+$0x0], $0xffff  }
0x3a2: {  	v42 =	vunpack.i.u.bf16.f32 v29;
	v29 =	vunpack.i.l.bf16.f32 v29;
	v30 =	vmul.bf16 v33, v30;
	v33 =	vld.idx.msk [tilespmem:v50+s5+$0x0], $0xffff  }
0x3a3: {  	v27 =	vadd.f32 v27, v43;
	v29 =	vadd.f32 v29, v37;
	v44 =	vld.idx.msk [tilespmem:v56+s5+$0x0], $0xffff  }
0x3a4: {  	v37 =	vunpack.i.u.bf16.f32 v30;
	v30 =	vunpack.i.l.bf16.f32 v30;
	v31 =	vmul.bf16 v31, v34;
	v13 =	vld.idx.msk [tilespmem:v13+s5+$0x0], $0xffff  }
0x3a5: {  	v29 =	vadd.f32 v29, v42;
	v30 =	vadd.f32 v30, v38;
	v14 =	vld.idx.msk [tilespmem:v14+s5+$0x0], $0xffff  }
0x3a6: {  	v34 =	vunpack.i.u.bf16.f32 v31;
	v31 =	vunpack.i.l.bf16.f32 v31;
	v32 =	vmul.bf16 v32, v36;
	v15 =	vld.idx.msk [tilespmem:v15+s5+$0x0], $0xffff  }
0x3a7: {  	v30 =	vadd.f32 v30, v37;
	v31 =	vadd.f32 v31, v40;
	v16 =	vld.idx.msk [tilespmem:v16+s5+$0x0], $0xffff  }
0x3a8: {  	v36 =	vunpack.i.u.bf16.f32 v32;
	v32 =	vunpack.i.l.bf16.f32 v32;
	v33 =	vmul.bf16 v33, v41;
	v17 =	vld.idx.msk [tilespmem:v17+s5+$0x0], $0xffff  }
0x3a9: {  	v31 =	vadd.f32 v31, v34;
	v32 =	vadd.f32 v32, v35;
	v18 =	vld.idx.msk [tilespmem:v18+s5+$0x0], $0xffff  }
0x3aa: {  	v13 =	vmul.bf16 v13, v44;
	v34 =	vunpack.i.u.bf16.f32 v33;
	v33 =	vunpack.i.l.bf16.f32 v33;
	v19 =	vld.idx.msk [tilespmem:v19+s5+$0x0], $0xffff  }
0x3ab: {  	v32 =	vadd.f32 v32, v36;
	v33 =	vadd.f32 v33, v39;
	v20 =	vld.idx.msk [tilespmem:v20+s5+$0x0], $0xffff  }
0x3ac: {  	v35 =	vunpack.i.u.bf16.f32 v13;
	v13 =	vunpack.i.l.bf16.f32 v13;
	v14 =	vmul.bf16 v15, v14;
	v15 =	vld.idx.msk [tilespmem:v21+s5+$0x0], $0xffff  }
0x3ad: {  	v13 =	vadd.f32 v13, v28;
	v21 =	vld.idx.msk [tilespmem:v22+s5+$0x0], $0xffff;
	v22 =	vadd.f32 v33, v34  }
0x3ae: {  	v28 =	vunpack.i.u.bf16.f32 v14;
	v14 =	vunpack.i.l.bf16.f32 v14;
	v16 =	vmul.bf16 v17, v16;
	v17 =	vld.idx.msk [tilespmem:v23+s5+$0x0], $0xffff  }
0x3af: {  	v13 =	vadd.f32 v13, v35;
	v14 =	vadd.f32 v14, v27;
	v23 =	vld.idx.msk [tilespmem:v24+s5+$0x0], $0xffff  }
0x3b0: {  	v24 =	vunpack.i.u.bf16.f32 v16;
	v16 =	vunpack.i.l.bf16.f32 v16;
	v18 =	vmul.bf16 v19, v18;
	v19 =	vld.idx.msk [tilespmem:v26+s5+$0x0], $0xffff  }
0x3b1: {  	v26 =	vadd.f32 v14, v28;
	v14 =	vadd.f32 v16, v29;
	v25 =	vld.idx.msk [tilespmem:v25+s5+$0x0], $0xffff  }
0x3b2: {  	v15 =	vmul.bf16 v15, v20;
	v16 =	vld.idx.msk [tilespmem:v0+s5+$0x0], $0xffff;
	v0 =	vunpack.i.u.bf16.f32 v18;
	v18 =	vunpack.i.l.bf16.f32 v18  }
0x3b3: {  	v14 =	vadd.f32 v14, v24;
	v20 =	vld.idx.msk [tilespmem:v1+s5+$0x0], $0xffff;
	v1 =	vadd.f32 v18, v30  }
0x3b4: {  	v18 =	vunpack.i.u.bf16.f32 v15;
	v15 =	vunpack.i.l.bf16.f32 v15;
	v17 =	vmul.bf16 v17, v21;
	v5 =	vld.idx.msk [tilespmem:v5+s5+$0x0], $0xffff  }
0x3b5: {  	v21 =	vld.idx.msk [tilespmem:v4+s5+$0x0], $0xffff;
	v1 =	vadd.f32 v1, v0;
	v0 =	vadd.f32 v15, v31  }
0x3b6: {  	v4 =	vunpack.i.u.bf16.f32 v17;
	v15 =	vmul.bf16 v19, v23;
	v24 =	vld.idx.msk [tilespmem:v3+s5+$0x0], $0xffff;
	v3 =	vunpack.i.l.bf16.f32 v17  }
0x3b7: {  	v19 =	vld.idx.msk [tilespmem:v2+s5+$0x0], $0xffff;
	v0 =	vadd.f32 v0, v18;
	v2 =	vadd.f32 v3, v32  }
0x3b8: {  	v16 =	vmul.bf16 v16, v25;
	v17 =	vunpack.i.u.bf16.f32 v15;
	v18 =	vld.idx.msk [tilespmem:v6+s5+$0x0], $0xffff;
	v6 =	vunpack.i.l.bf16.f32 v15  }
0x3b9: {  	v3 =	vld.idx.msk [tilespmem:v7+s5+$0x0], $0xffff;
	v2 =	vadd.f32 v2, v4;
	v7 =	vadd.f32 v6, v22  }
.Ltmp3:
0x3ba: {  	v22 =	vunpack.i.u.bf16.f32 v16;
	v4 =	vunpack.i.l.bf16.f32 v16;
	v5 =	vmul.bf16 v5, v20;
	v6 =	vld.idx.msk [tilespmem:v8+s5+$0x0], $0xffff;
	(pc) =	sbr.rel @p0 .LBB2_9-.Ltmp3, $4  }
0x3bb: {  	v13 =	vadd.f32 v4, v13;
	v4 =	vld.idx.msk [tilespmem:v9+s5+$0x0], $0xffff;
	v8 =	vadd.f32 v7, v17  }
0x3bc: {  	v15 =	vunpack.i.u.bf16.f32 v5;
	v5 =	vunpack.i.l.bf16.f32 v5;
	v9 =	vmul.bf16 v24, v21;
	v7 =	vld.idx.msk [tilespmem:v10+s5+$0x0], $0xffff  }
0x3bd: {  	v10 =	vadd.f32 v13, v22;
	v16 =	vadd.f32 v5, v26;
	v5 =	vld.idx.msk [tilespmem:v11+s5+$0x0], $0xffff  }
0x3be: {  	s14 =	sadd.s32 $0x80, s14;
	v11 =	vunpack.i.u.bf16.f32 v9;
	v17 =	vunpack.i.l.bf16.f32 v9;
	v13 =	vmul.bf16 v18, v19;
	v9 =	vld.idx.msk [tilespmem:v12+s5+$0x0], $0xffff  }
0x3bf: {  	_ = 	snop  }
0x3c0: {  	v12 =	vadd.f32 v17, v14  }
0x3c1: {  	v59 =	vadd.f32 v16, v15;
	v3 =	vmul.bf16 v6, v3;
	v60 =	vunpack.i.u.bf16.f32 v13  }
0x3c2: {  	v6 =	vunpack.i.l.bf16.f32 v13;
	v11 =	vadd.f32 v12, v11;
	v4 =	vmul.bf16 v7, v4  }
0x3c3: {  	v1 =	vadd.f32 v6, v1;
	v6 =	vunpack.i.l.bf16.f32 v3;
	v5 =	vmul.bf16 v9, v5  }
0x3c4: {  	[tilespmem:s12+$0xFFFFFFC0] =	vst v10;
	v3 =	vunpack.i.u.bf16.f32 v3;
	v0 =	vadd.f32 v6, v0;
	v6 =	vunpack.i.l.bf16.f32 v4  }
0x3c5: {  	[tilespmem:s12+$0xFFFFFFD0] =	vst v59;
	v1 =	vadd.f32 v1, v60;
	v2 =	vadd.f32 v6, v2;
	v6 =	vunpack.i.l.bf16.f32 v5  }
0x3c6: {  	[tilespmem:s12+$0xFFFFFFE0] =	vst v11;
	v4 =	vunpack.i.u.bf16.f32 v4;
	v0 =	vadd.f32 v0, v3;
	v3 =	vadd.f32 v6, v8  }
0x3c7: {  	[tilespmem:s12+$0xFFFFFFF0] =	vst v1;
	v1 =	vunpack.i.u.bf16.f32 v5;
	v2 =	vadd.f32 v2, v4  }
0x3c8: {  	[tilespmem:s12+$0x0] =	vst v0;
	v0 =	vadd.f32 v3, v1  }
0x3c9: {  	[tilespmem:s12+$0x10] =	vst v2  }
0x3ca: {  	s14 =	simm.s32 $0xCE80;
	[tilespmem:s12+$0x20] =	vst v0  }
0x3cb: {  	[spmem:s10] =	stream.linear.scatter [tilespmem:s14], [sflag:$0x3], $0xC8, $0x38;
	[tilespmem:$0x10180] =	vst v63  }
0x3cc: {  	s15 =	rddreg [dreg:$0xb]  }
0x3cd: {  	s18 =	rddreg [dreg:$0xc]  }
0x3ce: {  	[spmem:s15] =	stream.linear.scatter [tilespmem:s28], [sflag:$0x3], $0xC8, $0x38;
	[tilespmem:$0x10180] =	vst v63  }
0x3cf: {  	s13 =	rddreg [dreg:$0xd]  }
0x3d0: {  	[spmem:s18] =	stream.linear.scatter [tilespmem:s29], [sflag:$0x3], $0xC8, $0x38;
	[tilespmem:$0x10180] =	vst v63  }
0x3d1: {  	s14 =	rddreg [dreg:$0xe]  }
0x3d2: {  	[spmem:s13] =	stream.linear.scatter [tilespmem:s30], [sflag:$0x3], $0xC8, $0x38;
	[tilespmem:$0x10180] =	vst v63  }
0x3d3: {  	s15 =	rddreg [dreg:$0x18]  }
0x3d4: {  	[spmem:s14] =	stream.linear.scatter [tilespmem:s31], [sflag:$0x3], $0xC8, $0x38;
	[tilespmem:$0x10180] =	vst v63  }
0x3d5: {  	s18 =	rddreg [dreg:$0x19]  }
0x3d6: {  	[spmem:s15] =	stream.linear.scatter [tilespmem:s0], [sflag:$0x3], $0xC8, $0x38;
	[tilespmem:$0x10180] =	vst v63  }
0x3d7: {  	s13 =	rddreg [dreg:$0x1a]  }
0x3d8: {  	[spmem:s18] =	stream.linear.scatter [tilespmem:s3], [sflag:$0x3], $0xC8, $0x38;
	[tilespmem:$0x10180] =	vst v63  }
0x3d9: {  	s14 =	rddreg [dreg:$0x1b]  }
0x3da: {  	[spmem:s13] =	stream.linear.scatter [tilespmem:s6], [sflag:$0x3], $0xC8, $0x38;
	[tilespmem:$0x10180] =	vst v63  }
0x3db: {  	s15 =	rddreg [dreg:$0x1c]  }
0x3dc: {  	[spmem:s14] =	stream.linear.scatter [tilespmem:s7], [sflag:$0x3], $0xC8, $0x38;
	[tilespmem:$0x10180] =	vst v63  }
0x3dd: {  	s18 =	rddreg [dreg:$0x1d]  }
0x3de: {  	[spmem:s15] =	stream.linear.scatter [tilespmem:s8], [sflag:$0x3], $0xC8, $0x38;
	[tilespmem:$0x10180] =	vst v63  }
0x3df: {  	s13 =	rddreg [dreg:$0x1e]  }
0x3e0: {  	[spmem:s18] =	stream.linear.scatter [tilespmem:s9], [sflag:$0x3], $0xC8, $0x38;
	[tilespmem:$0x10180] =	vst v63  }
0x3e1: {  	s14 =	rddreg [dreg:$0x1f]  }
0x3e2: {  	[spmem:s13] =	stream.linear.scatter [tilespmem:s11], [sflag:$0x3], $0xC8, $0x38;
	[tilespmem:$0x10180] =	vst v63  }
0x3e3: {  	s15 =	sld [smem:$0x7EA]  }
0x3e4: {  	[spmem:s14] =	stream.linear.scatter [tilespmem:s21], [sflag:$0x3], $0xC8, $0x38;
	[tilespmem:$0x10180] =	vst v63  }
0x3e5: {  	s18 =	sld [smem:$0x7EB]  }
0x3e6: {  	[spmem:s15] =	stream.linear.scatter [tilespmem:s22], [sflag:$0x3], $0xC8, $0x38;
	[tilespmem:$0x10180] =	vst v63  }
0x3e7: {  	s13 =	sld [smem:$0x7EC]  }
0x3e8: {  	[spmem:s18] =	stream.linear.scatter [tilespmem:s23], [sflag:$0x3], $0xC8, $0x38;
	[tilespmem:$0x10180] =	vst v63  }
0x3e9: {  	_ = 	snop  }
0x3ea: {  	[spmem:s13] =	stream.linear.scatter [tilespmem:s24], [sflag:$0x3], $0xC8, $0x38;
	[tilespmem:$0x10180] =	vst v63  }
0x3eb: {  	_ =	swait.ge [sflag:s2], $0xC80  }
0x3ec: {  	[sflag:s2] =	ssyncset.done $0x0  }
0x3ed: {  	s14 =	simm.s32 $0xE140;
	[sflag:s2] =	ssyncadd.s32 $0xFFFFF380  }
0x3ee: {  	v0 =	vld [tilespmem:s14+$0xFFFFF9D0]  }
0x3ef: {  	v1 =	vld [tilespmem:s14+$0xFFFFF9C0]  }
0x3f0: {  	v2 =	vld [tilespmem:s14+$0xFFFFFA98]  }
0x3f1: {  	v3 =	vld [tilespmem:s14+$0xFFFFFA88]  }
0x3f2: {  	v4 =	vld [tilespmem:s14+$0xFFFFFB60]  }
0x3f3: {  	v5 =	vld [tilespmem:s14+$0xFFFFFB50]  }
0x3f4: {  	v6 =	vld [tilespmem:s14+$0xFFFFFC28];
	v0 =	vadd.f32 $0.0e+00, v0  }
0x3f5: {  	v7 =	vld [tilespmem:s14+$0xFFFFFC18];
	v1 =	vadd.f32 $0.0e+00, v1  }
0x3f6: {  	v0 =	vadd.f32 v2, v0;
	v2 =	vld [tilespmem:s14+$0xFFFFFCF0]  }
0x3f7: {  	v1 =	vadd.f32 v3, v1;
	v3 =	vld [tilespmem:s14+$0xFFFFFCE0]  }
0x3f8: {  	v0 =	vadd.f32 v4, v0;
	v4 =	vld [tilespmem:s14+$0xFFFFFDB8]  }
0x3f9: {  	v1 =	vadd.f32 v5, v1;
	v5 =	vld [tilespmem:s14+$0xFFFFFDA8]  }
0x3fa: {  	v0 =	vadd.f32 v6, v0;
	v6 =	vld [tilespmem:s14+$0xFFFFFE80]  }
0x3fb: {  	v1 =	vadd.f32 v7, v1;
	v7 =	vld [tilespmem:s14+$0xFFFFFE70]  }
0x3fc: {  	v0 =	vadd.f32 v2, v0;
	v2 =	vld [tilespmem:s14+$0xFFFFFF48]  }
0x3fd: {  	v1 =	vadd.f32 v3, v1;
	v3 =	vld [tilespmem:s14+$0xFFFFFF38]  }
0x3fe: {  	v0 =	vadd.f32 v4, v0;
	v4 =	vld [tilespmem:s14+$0x10]  }
0x3ff: {  	v1 =	vadd.f32 v5, v1;
	v5 =	vld [tilespmem:s14+$0x0]  }
0x400: {  	v0 =	vadd.f32 v6, v0;
	v6 =	vld [tilespmem:s14+$0xD8]  }
0x401: {  	v1 =	vadd.f32 v7, v1;
	v7 =	vld [tilespmem:s14+$0xC8]  }
0x402: {  	v0 =	vadd.f32 v2, v0;
	v2 =	vld [tilespmem:s14+$0x1A0]  }
0x403: {  	v1 =	vadd.f32 v3, v1;
	v3 =	vld [tilespmem:s14+$0x190]  }
0x404: {  	v0 =	vadd.f32 v4, v0;
	v4 =	vld [tilespmem:s14+$0x268]  }
0x405: {  	v1 =	vadd.f32 v5, v1;
	v5 =	vld [tilespmem:s14+$0x258]  }
0x406: {  	v0 =	vadd.f32 v6, v0;
	v6 =	vld [tilespmem:s14+$0x330]  }
0x407: {  	v1 =	vadd.f32 v7, v1;
	v7 =	vld [tilespmem:s14+$0x320]  }
0x408: {  	s13 =	simm.s32 $0x0;
	v0 =	vadd.f32 v2, v0;
	v2 =	vld [tilespmem:s14+$0x3F8]  }
0x409: {  	s13 =	sand.u32 $0xE0, s13;
	v1 =	vadd.f32 v3, v1;
	v3 =	vld [tilespmem:s14+$0x3E8]  }
0x40a: {  	v0 =	vadd.f32 v4, v0;
	v4 =	vld [tilespmem:s13+$0xE600]  }
0x40b: {  	v1 =	vadd.f32 v5, v1;
	v5 =	vld [tilespmem:s14+$0x4B0]  }
0x40c: {  	v0 =	vadd.f32 v6, v0;
	v6 =	vld [tilespmem:s14+$0x588]  }
0x40d: {  	s18 =	simm.s32 $0xE160;
	v1 =	vadd.f32 v7, v1;
	v7 =	vld [tilespmem:s14+$0x578]  }
0x40e: {  	v0 =	vadd.f32 v2, v0;
	v2 =	vld [tilespmem:s18+$0xFFFFF9D0]  }
0x40f: {  	v1 =	vadd.f32 v3, v1;
	v3 =	vld [tilespmem:s18+$0xFFFFF9C0]  }
0x410: {  	v0 =	vadd.f32 v4, v0;
	v4 =	vld [tilespmem:s18+$0xFFFFFA98]  }
0x411: {  	v1 =	vadd.f32 v5, v1;
	v5 =	vld [tilespmem:s18+$0xFFFFFA88]  }
0x412: {  	v0 =	vadd.f32 v6, v0;
	v6 =	vld [tilespmem:s18+$0xFFFFFB60]  }
0x413: {  	v1 =	vadd.f32 v7, v1;
	v7 =	vld [tilespmem:s18+$0xFFFFFB50];
	v2 =	vadd.f32 $0.0e+00, v2  }
0x414: {  	v8 =	vld [tilespmem:s18+$0xFFFFFC28];
	v3 =	vadd.f32 $0.0e+00, v3;
	v0 =	vsub.f32 $0.0e+00, v0  }
0x415: {  	v61 =	vld [tilespmem:s18+$0xFFFFFC18];
	v1 =	vsub.f32 $0.0e+00, v1;
	v2 =	vadd.f32 v4, v2  }
0x416: {  	v3 =	vadd.f32 v5, v3;
	v4 =	vld [tilespmem:s18+$0xFFFFFCF0];
	v0 =	vmul.f32 $1.442695020e+00, v0  }
0x417: {  	v5 =	vld [tilespmem:s18+$0xFFFFFCE0];
	v1 =	vmul.f32 $1.442695020e+00, v1;
	v2 =	vadd.f32 v6, v2  }
0x418: {  	(erf) = vpow2.f32 v0;
	v0 =	vadd.f32 v7, v3;
	v3 =	vld [tilespmem:s18+$0xFFFFFDB8]  }
0x419: {  	(erf) = vpow2.f32 v1;
	v1 =	vld [tilespmem:s18+$0xFFFFFDA8];
	v2 =	vadd.f32 v8, v2  }
0x41a: {  	v6 =	vld [tilespmem:s18+$0xFFFFFE80];
	v0 =	vadd.f32 v61, v0  }
0x41b: {  	v7 =	vld [tilespmem:s18+$0xFFFFFE70];
	v2 =	vadd.f32 v4, v2  }
0x41c: {  	v4 =	vld [tilespmem:s18+$0xFFFFFF48];
	v0 =	vadd.f32 v5, v0  }
0x41d: {  	v5 =	vld [tilespmem:s18+$0xFFFFFF38];
	v2 =	vadd.f32 v3, v2  }
0x41e: {  	v3 =	vld [tilespmem:s18+$0x0];
	v0 =	vadd.f32 v1, v0  }
0x41f: {  	v1 =	vld [tilespmem:s18+$0x10];
	v2 =	vadd.f32 v6, v2  }
0x420: {  	v8 =	vld [tilespmem:s18+$0xC8];
	v0 =	vadd.f32 v7, v0  }
0x421: {  	v6 =	vld [tilespmem:s18+$0xD8];
	v7 =	vpop (erf);
	v2 =	vadd.f32 v4, v2  }
0x422: {  	v62 =	vld [tilespmem:s18+$0x1A0];
	v4 =	vadd.f32 $1.000000000e+00, v7;
	v7 =	vpop (erf);
	v0 =	vadd.f32 v5, v0  }
0x423: {  	v5 =	vld [tilespmem:s18+$0x190];
	v7 =	vadd.f32 $1.000000000e+00, v7  }
0x424: {  	v1 =	vadd.f32 v1, v2;
	v2 =	vld [tilespmem:s18+$0x268];
	(erf) = vrcp.f32 v4;
	v0 =	vadd.f32 v3, v0  }
0x425: {  	v3 =	vld [tilespmem:s18+$0x258];
	(erf) = vrcp.f32 v7  }
0x426: {  	v1 =	vadd.f32 v6, v1;
	v0 =	vadd.f32 v8, v0  }
0x427: {  	v4 =	vld [tilespmem:s18+$0x330]  }
0x428: {  	v6 =	vld [tilespmem:s18+$0x320];
	v1 =	vadd.f32 v62, v1;
	v5 =	vadd.f32 v5, v0  }
0x429: {  	s13 =	simm.s32 $0x20;
	v7 =	vld [tilespmem:s18+$0x3F8]  }
0x42a: {  	s15 =	sand.u32 $0xE0, s13;
	v0 =	vld [tilespmem:s18+$0x3E8];
	v8 =	vadd.f32 v2, v1;
	v5 =	vadd.f32 v3, v5  }
0x42b: {  	v1 =	vld [tilespmem:s15+$0xE600]  }
0x42c: {  	v2 =	vld [tilespmem:s18+$0x4B0];
	v8 =	vadd.f32 v4, v8  }
0x42d: {  	s12 =	simm.s32 $0xE790;
	v3 =	vld [tilespmem:s18+$0x588];
	v6 =	vadd.f32 v6, v5;
	v63 =	vpop (erf)  }
0x42e: {  	s14 =	simm.s32 $0x2;
	v4 =	vld [tilespmem:s18+$0x578];
	s18 =	simm.s32 $0xE180;
	v7 =	vadd.f32 v7, v8;
	[tilespmem:s12+$0x0] =	vst v63;
	v5 =	vpop (erf)  }
.LBB2_11:
0x42f: {  	v8 =	vld [tilespmem:s18+$0xFFFFF9D0];
	s14 =	sadd.s32 $0x2, s14;
	v0 =	vadd.f32 v0, v6;
	[tilespmem:s12+$0xFFFFFFF0] =	vst v5  }
0x430: {  	v5 =	vld [tilespmem:s18+$0xFFFFF9C0];
	p0 =	slt.u32 s14, $0xA;
	v1 =	vadd.f32 v1, v7  }
0x431: {  	v6 =	vld [tilespmem:s18+$0xFFFFFA98];
	v0 =	vadd.f32 v2, v0  }
0x432: {  	v2 =	vld [tilespmem:s18+$0xFFFFFA88];
	v1 =	vadd.f32 v3, v1  }
0x433: {  	v3 =	vld [tilespmem:s18+$0xFFFFFB60];
	v0 =	vadd.f32 v4, v0  }
0x434: {  	v4 =	vld [tilespmem:s18+$0xFFFFFB50];
	v7 =	vadd.f32 $0.0e+00, v8;
	v1 =	vsub.f32 $0.0e+00, v1  }
0x435: {  	v5 =	vadd.f32 $0.0e+00, v5;
	v8 =	vld [tilespmem:s18+$0xFFFFFC28];
	v0 =	vsub.f32 $0.0e+00, v0  }
0x436: {  	v9 =	vld [tilespmem:s18+$0xFFFFFC18];
	v6 =	vadd.f32 v6, v7;
	v1 =	vmul.f32 $1.442695020e+00, v1  }
0x437: {  	v2 =	vadd.f32 v2, v5;
	v5 =	vld [tilespmem:s18+$0xFFFFFCF0];
	v0 =	vmul.f32 $1.442695020e+00, v0  }
0x438: {  	v7 =	vld [tilespmem:s18+$0xFFFFFCE0];
	v3 =	vadd.f32 v3, v6;
	(erf) = vpow2.f32 v1  }
0x439: {  	v1 =	vadd.f32 v4, v2;
	v2 =	vld [tilespmem:s18+$0xFFFFFDB8];
	(erf) = vpow2.f32 v0  }
0x43a: {  	v0 =	vld [tilespmem:s18+$0xFFFFFDA8];
	v3 =	vadd.f32 v8, v3  }
0x43b: {  	v1 =	vadd.f32 v9, v1;
	v4 =	vld [tilespmem:s18+$0xFFFFFE80]  }
0x43c: {  	v6 =	vld [tilespmem:s18+$0xFFFFFE70];
	v3 =	vadd.f32 v5, v3  }
0x43d: {  	v1 =	vadd.f32 v7, v1;
	v5 =	vld [tilespmem:s18+$0xFFFFFF48]  }
0x43e: {  	v7 =	vld [tilespmem:s18+$0xFFFFFF38];
	v2 =	vadd.f32 v2, v3  }
0x43f: {  	v0 =	vadd.f32 v0, v1;
	v1 =	vld [tilespmem:s18+$0x10]  }
0x440: {  	v3 =	vld [tilespmem:s18+$0x0];
	v2 =	vadd.f32 v4, v2  }
0x441: {  	v0 =	vadd.f32 v6, v0;
	v4 =	vld [tilespmem:s18+$0xD8];
	v6 =	vpop (erf)  }
0x442: {  	v8 =	vld [tilespmem:s18+$0xC8];
	v2 =	vadd.f32 v5, v2;
	v5 =	vadd.f32 $1.000000000e+00, v6;
	v6 =	vpop (erf)  }
0x443: {  	v0 =	vadd.f32 v7, v0;
	v7 =	vld [tilespmem:s18+$0x1A0];
	v6 =	vadd.f32 $1.000000000e+00, v6  }
0x444: {  	v9 =	vld [tilespmem:s18+$0x190];
	v1 =	vadd.f32 v1, v2;
	(erf) = vrcp.f32 v5  }
0x445: {  	v0 =	vadd.f32 v3, v0;
	v2 =	vld [tilespmem:s18+$0x268];
	(erf) = vrcp.f32 v6  }
0x446: {  	v3 =	vld [tilespmem:s18+$0x258];
	v1 =	vadd.f32 v4, v1  }
0x447: {  	v0 =	vadd.f32 v8, v0;
	v4 =	vld [tilespmem:s18+$0x330]  }
0x448: {  	v5 =	vld [tilespmem:s18+$0x320];
	v1 =	vadd.f32 v7, v1  }
0x449: {  	s13 =	sadd.s32 $0x20, s13;
	v6 =	vadd.f32 v9, v0;
	v7 =	vld [tilespmem:s18+$0x3F8]  }
.Ltmp4:
0x44a: {  	s15 =	sand.u32 $0xE0, s13;
	v0 =	vld [tilespmem:s18+$0x3E8];
	v8 =	vadd.f32 v2, v1;
	(pc) =	sbr.rel @p0 .LBB2_11-.Ltmp4, $4  }
0x44b: {  	v3 =	vadd.f32 v3, v6;
	v1 =	vld [tilespmem:s15+$0xE600]  }
0x44c: {  	v2 =	vld [tilespmem:s18+$0x4B0];
	v8 =	vadd.f32 v4, v8  }
0x44d: {  	s12 =	sadd.s32 $0x20, s12;
	v6 =	vadd.f32 v5, v3;
	v3 =	vld [tilespmem:s18+$0x588];
	v5 =	vpop (erf)  }
0x44e: {  	v4 =	vld [tilespmem:s18+$0x578];
	v7 =	vadd.f32 v7, v8;
	s18 =	sadd.s32 $0x20, s18;
	[tilespmem:s12+$0x0] =	vst v5;
	v5 =	vpop (erf)  }
0x44f: {  	v0 =	vadd.f32 v0, v6  }
0x450: {  	v1 =	vadd.f32 v1, v7  }
0x451: {  	v0 =	vadd.f32 v2, v0  }
0x452: {  	v1 =	vadd.f32 v3, v1  }
0x453: {  	v0 =	vadd.f32 v4, v0  }
0x454: {  	v1 =	vsub.f32 $0.0e+00, v1  }
0x455: {  	v0 =	vsub.f32 $0.0e+00, v0  }
0x456: {  	v1 =	vmul.f32 $1.442695020e+00, v1  }
0x457: {  	v0 =	vmul.f32 $1.442695020e+00, v0  }
0x458: {  	(erf) = vpow2.f32 v1  }
0x459: {  	(erf) = vpow2.f32 v0;
	_ =	sdelay $0x7  }
0x45a: {  	v46 =	vpop (erf)  }
0x45b: {  	v0 =	vadd.f32 $1.000000000e+00, v46;
	v47 =	vpop (erf)  }
0x45c: {  	v1 =	vadd.f32 $1.000000000e+00, v47  }
0x45d: {  	(erf) = vrcp.f32 v0  }
0x45e: {  	(erf) = vrcp.f32 v1;
	_ =	sdelay $0x7  }
0x45f: {  	[tilespmem:s12+$0xFFFFFFF0] =	vst v5;
	s18 =	sadd.s32 $0x20, s12;
	v0 =	vpop (erf)  }
0x460: {  	[tilespmem:s18+$0x0] =	vst v0;
	v48 =	vpop (erf)  }
0x461: {  	[tilespmem:s18+$0xFFFFFFF0] =	vst v48  }
0x462: {  	v0 =	vld [tilespmem:$0xDBB8];
	_ =	sdelay $0x1  }
0x463: {  	v49 =	vld [tilespmem:$0xDC80];
	_ =	sdelay $0x1  }
0x464: {  	v50 =	vld [tilespmem:$0xDD48]  }
0x465: {  	v0 =	vadd.f32 $0.0e+00, v0  }
0x466: {  	v51 =	vld [tilespmem:$0xDE10]  }
0x467: {  	v0 =	vadd.f32 v49, v0  }
0x468: {  	v52 =	vld [tilespmem:$0xDED8]  }
0x469: {  	v0 =	vadd.f32 v50, v0  }
0x46a: {  	v53 =	vld [tilespmem:$0xDFA0]  }
0x46b: {  	v0 =	vadd.f32 v51, v0  }
0x46c: {  	v54 =	vld [tilespmem:$0xE068]  }
0x46d: {  	v0 =	vadd.f32 v52, v0  }
0x46e: {  	v55 =	vld [tilespmem:$0xE130]  }
0x46f: {  	v0 =	vadd.f32 v53, v0  }
0x470: {  	v56 =	vld [tilespmem:$0xE1F8]  }
0x471: {  	v0 =	vadd.f32 v54, v0  }
0x472: {  	v57 =	vld [tilespmem:$0xE2C0]  }
0x473: {  	v0 =	vadd.f32 v55, v0  }
0x474: {  	v58 =	vld [tilespmem:$0xE388]  }
0x475: {  	v0 =	vadd.f32 v56, v0  }
0x476: {  	v59 =	vld [tilespmem:$0xE450]  }
0x477: {  	v0 =	vadd.f32 v57, v0  }
0x478: {  	v60 =	vld [tilespmem:$0xE518]  }
0x479: {  	v0 =	vadd.f32 v58, v0  }
0x47a: {  	v61 =	vld [tilespmem:$0xE5E0]  }
0x47b: {  	v0 =	vadd.f32 v59, v0  }
0x47c: {  	v62 =	vld [tilespmem:$0xE6A8]  }
0x47d: {  	v0 =	vadd.f32 v60, v0  }
0x47e: {  	v63 =	vld [tilespmem:$0xE770]  }
0x47f: {  	v0 =	vadd.f32 v61, v0;
	_ =	sdelay $0x1  }
0x480: {  	v0 =	vadd.f32 v62, v0;
	_ =	sdelay $0x1  }
0x481: {  	v0 =	vadd.f32 v63, v0;
	_ =	sdelay $0x1  }
0x482: {  	v0 =	vsub.f32 $0.0e+00, v0;
	_ =	sdelay $0x1  }
0x483: {  	v0 =	vmul.f32 $1.442695020e+00, v0;
	_ =	sdelay $0x1  }
0x484: {  	(erf) = vpow2.f32 v0;
	_ =	sdelay $0x8  }
0x485: {  	v0 =	vpop (erf)  }
0x486: {  	v0 =	vadd.f32 $1.000000000e+00, v0;
	_ =	sdelay $0x1  }
0x487: {  	(erf) = vrcp.f32 v0;
	_ =	sdelay $0x6  }
0x488: {  	s12 =	rddreg [dreg:$0x12]  }
0x489: {  	s12 =	sadd.s32 s20, s12  }
0x48a: {  	s13 =	rddreg [dreg:$0x3];
	s12 =	sshrl.u32 s12, $0x3;
	v0 =	vpop (erf)  }
0x48b: {  	s12 =	sadd.s32 s13, s12;
	[tilespmem:$0xE838] =	vst v0  }
0x48c: {  	[hbm4b:s12+s5] =	stream.linear.scatter [tilespmem:s16], [sflag:$0x4], $0xC8, $0x38;
	[tilespmem:$0x10180] =	vst v63  }
0x48d: {  	_ =	swait.ge [sflag:s25], $0xC8  }
0x48e: {  	[sflag:s25] =	ssyncset.done $0x0  }
0x48f: {  	[sflag:s25] =	ssyncadd.s32 $0xFFFFFF38  }
0x490: {  	_ =	swait.ge [sflag:s25], $0xC8  }
0x491: {  	[sflag:s25] =	ssyncset.done $0x0  }
0x492: {  	[sflag:s25] =	ssyncadd.s32 $0xFFFFFF38  }
0x493: {  	_ =	swait.ge [sflag:s25], $0xC8  }
0x494: {  	[sflag:s25] =	ssyncset.done $0x0  }
0x495: {  	[sflag:s25] =	ssyncadd.s32 $0xFFFFFF38  }
0x496: {  	_ =	swait.ge [sflag:s25], $0xC8  }
0x497: {  	[sflag:s25] =	ssyncset.done $0x0  }
0x498: {  	[sflag:s25] =	ssyncadd.s32 $0xFFFFFF38  }
0x499: {  	_ =	swait.ge [sflag:s25], $0xC8  }
0x49a: {  	[sflag:s25] =	ssyncset.done $0x0  }
0x49b: {  	[sflag:s25] =	ssyncadd.s32 $0xFFFFFF38  }
0x49c: {  	_ =	swait.ge [sflag:s25], $0xC8  }
0x49d: {  	[sflag:s25] =	ssyncset.done $0x0  }
0x49e: {  	[sflag:s25] =	ssyncadd.s32 $0xFFFFFF38  }
0x49f: {  	_ =	swait.ge [sflag:s25], $0xC8  }
0x4a0: {  	[sflag:s25] =	ssyncset.done $0x0  }
0x4a1: {  	[sflag:s25] =	ssyncadd.s32 $0xFFFFFF38  }
0x4a2: {  	_ =	swait.ge [sflag:s25], $0xC8  }
0x4a3: {  	[sflag:s25] =	ssyncset.done $0x0  }
0x4a4: {  	[sflag:s25] =	ssyncadd.s32 $0xFFFFFF38  }
0x4a5: {  	_ =	swait.ge [sflag:s25], $0xC8  }
0x4a6: {  	[sflag:s25] =	ssyncset.done $0x0  }
0x4a7: {  	[sflag:s25] =	ssyncadd.s32 $0xFFFFFF38  }
0x4a8: {  	_ =	swait.ge [sflag:s25], $0xC8  }
0x4a9: {  	[sflag:s25] =	ssyncset.done $0x0  }
0x4aa: {  	[sflag:s25] =	ssyncadd.s32 $0xFFFFFF38  }
0x4ab: {  	_ =	swait.ge [sflag:s25], $0xC8  }
0x4ac: {  	[sflag:s25] =	ssyncset.done $0x0  }
0x4ad: {  	[sflag:s25] =	ssyncadd.s32 $0xFFFFFF38  }
0x4ae: {  	_ =	swait.ge [sflag:s25], $0xC8  }
0x4af: {  	[sflag:s25] =	ssyncset.done $0x0  }
0x4b0: {  	[sflag:s25] =	ssyncadd.s32 $0xFFFFFF38  }
0x4b1: {  	_ =	swait.ge [sflag:s25], $0xC8  }
0x4b2: {  	[sflag:s25] =	ssyncset.done $0x0  }
0x4b3: {  	[sflag:s25] =	ssyncadd.s32 $0xFFFFFF38  }
0x4b4: {  	_ =	swait.ge [sflag:s25], $0xC8  }
0x4b5: {  	[sflag:s25] =	ssyncset.done $0x0  }
0x4b6: {  	[sflag:s25] =	ssyncadd.s32 $0xFFFFFF38  }
0x4b7: {  	_ =	swait.ge [sflag:s25], $0xC8  }
0x4b8: {  	[sflag:s25] =	ssyncset.done $0x0  }
0x4b9: {  	[sflag:s25] =	ssyncadd.s32 $0xFFFFFF38  }
0x4ba: {  	_ =	swait.ge [sflag:s25], $0xC8  }
0x4bb: {  	s19 =	sadd.s32 $0x1, s19;
	[sflag:s25] =	ssyncset.done $0x0  }
0x4bc: {  	p0 =	sne.s32 s19, $0x18;
	[sflag:s25] =	ssyncadd.s32 $0xFFFFFF38  }
.Ltmp5:
0x4bd: {  	_ =	swait.ge [sflag:s2], $0xC8;
	(pc) =	sbr.rel @p0 .LBB2_4-.Ltmp5, $3  }
0x4be: {  	[sflag:s2] =	ssyncset.done $0x0  }
0x4bf: {  	[sflag:s2] =	ssyncadd.s32 $0xFFFFFF38  }
0x4c0: {  	[bflag:$0x0] =	sbarrier.arrive $0xFFFF;
	_ =	sdelay $0x1  }
0x4c1: {  	_ =	swait.ge [sflag:s4], $0xC80  }
0x4c2: {  	[sflag:s4] =	ssyncset.done $0x0  }
0x4c3: {  	[sflag:s4] =	ssyncadd.s32 $0xFFFFF380  }
0x4c4: {  	_ =	swait.ge [sflag:s4], $0xC80  }
0x4c5: {  	[sflag:s4] =	ssyncset.done $0x0  }
0x4c6: {  	s13 =	simm.s32 $0x9C80;
	s12 =	rddreg [dreg:$0x13];
	[sflag:s4] =	ssyncadd.s32 $0xFFFFF380  }
0x4c7: {  	[tilespmem:s13], [sflag:$0x1] =	stream.linear.gather [hbm4b:s12+s5], $0xC80, $0x38;
	[tilespmem:$0x10180] =	vst v63  }
0x4c8: {  	s19 =	simm.s32 $0xB580;
	s18 =	rddreg [dreg:$0x14]  }
0x4c9: {  	[tilespmem:s19], [sflag:$0x1] =	stream.linear.gather [hbm4b:s18+s5], $0xC80, $0x38;
	[tilespmem:$0x10180] =	vst v63  }
0x4ca: {  	s20 =	simm.s32 $0xA970  }
0x4cb: {  	[tilespmem:s1], [sflag:$0x4] =	stream.linear.gather [spmem:s26], $0xC80, $0x38;
	[tilespmem:$0x10180] =	vst v63  }
0x4cc: {  	s18 =	simm.s32 $0xC270;
	v0 =	vld [tilespmem:s20+$0x0]  }
0x4cd: {  	v1 =	vld [tilespmem:s18+$0x0]  }
0x4ce: {  	v3 =	vld [tilespmem:s18+$0xFFFFFF90]  }
0x4cf: {  	v4 =	vld [tilespmem:s20+$0xFFFFFFA0]  }
0x4d0: {  	v6 =	vld [tilespmem:s18+$0xFFFFFFA0]  }
0x4d1: {  	v8 =	vld [tilespmem:s20+$0xFFFFFFB0]  }
0x4d2: {  	v9 =	vld [tilespmem:s18+$0xFFFFFFB0]  }
0x4d3: {  	v10 =	vld [tilespmem:s20+$0xFFFFFFC0]  }
0x4d4: {  	v12 =	vld [tilespmem:s18+$0xFFFFFFC0]  }
0x4d5: {  	v13 =	vld [tilespmem:s20+$0xFFFFFFD0]  }
0x4d6: {  	v23 =	vld [tilespmem:s18+$0xFFFFFFD0]  }
0x4d7: {  	v24 =	vld [tilespmem:s20+$0xFFFFFFE0]  }
0x4d8: {  	v27 =	vld [tilespmem:s18+$0xFFFFFFE0]  }
0x4d9: {  	v28 =	vld [tilespmem:s20+$0xFFFFFFF0]  }
0x4da: {  	v35 =	vld [tilespmem:s18+$0xFFFFFFF0]  }
0x4db: {  	v37 =	vld [tilespmem:s20+$0xFFFFFF90]  }
0x4dc: {  	v5 =	vld.idx.msk [tilespmem:v0+s5+$0x0], $0xffff  }
0x4dd: {  	v11 =	vld.idx.msk [tilespmem:v1+s5+$0x0], $0xffff  }
0x4de: {  	v39 =	vld.idx.msk [tilespmem:v3+s5+$0x0], $0xffff  }
0x4df: {  	v40 =	vld.idx.msk [tilespmem:v4+s5+$0x0], $0xffff  }
0x4e0: {  	v42 =	vld.idx.msk [tilespmem:v6+s5+$0x0], $0xffff  }
0x4e1: {  	v2 =	vadd.s32 $0x2710, v0;
	v45 =	vld.idx.msk [tilespmem:v8+s5+$0x0], $0xffff  }
0x4e2: {  	v7 =	vadd.s32 $0x2710, v1;
	v60 =	vld.idx.msk [tilespmem:v9+s5+$0x0], $0xffff  }
0x4e3: {  	v14 =	vadd.s32 $0x4E20, v0;
	v61 =	vld.idx.msk [tilespmem:v10+s5+$0x0], $0xffff  }
0x4e4: {  	v29 =	vadd.s32 $0x2710, v3;
	v48 =	vld.idx.msk [tilespmem:v12+s5+$0x0], $0xffff  }
0x4e5: {  	v30 =	vadd.s32 $0x2710, v4;
	v50 =	vld.idx.msk [tilespmem:v37+s5+$0x0], $0xffff  }
0x4e6: {  	v32 =	vadd.s32 $0x2710, v6;
	v21 =	vld.idx.msk [tilespmem:v2+s5+$0x0], $0xffff  }
0x4e7: {  	v16 =	vadd.s32 $0x4E20, v4;
	v22 =	vld.idx.msk [tilespmem:v7+s5+$0x0], $0xffff  }
0x4e8: {  	v19 =	vadd.s32 $0x4E20, v3;
	v17 =	vadd.s32 $0x4E20, v6;
	v25 =	vld.idx.msk [tilespmem:v14+s5+$0x0], $0xffff  }
0x4e9: {  	v34 =	vadd.s32 $0x2710, v8;
	v18 =	vadd.s32 $0x4E20, v8;
	v36 =	vadd.s32 $0x2710, v9;
	v29 =	vld.idx.msk [tilespmem:v29+s5+$0x0], $0xffff  }
0x4ea: {  	v15 =	vadd.s32 $0x4E20, v9;
	v38 =	vadd.s32 $0x2710, v10;
	v41 =	vadd.s32 $0x2710, v12;
	v30 =	vld.idx.msk [tilespmem:v30+s5+$0x0], $0xffff  }
0x4eb: {  	v20 =	vadd.s32 $0x4E20, v12;
	v43 =	vadd.s32 $0x2710, v13;
	v0 =	vadd.s32 $0x7530, v0;
	v32 =	vld.idx.msk [tilespmem:v32+s5+$0x0], $0xffff  }
0x4ec: {  	v46 =	vadd.s32 $0x2710, v23;
	v47 =	vadd.s32 $0x4E20, v23;
	v2 =	vadd.s32 $0x4E20, v1;
	v16 =	vld.idx.msk [tilespmem:v16+s5+$0x0], $0xffff  }
0x4ed: {  	v49 =	vadd.s32 $0x2710, v24;
	v51 =	vadd.s32 $0x4E20, v24;
	v7 =	vadd.s32 $0x7530, v1;
	v17 =	vld.idx.msk [tilespmem:v17+s5+$0x0], $0xffff  }
0x4ee: {  	v52 =	vadd.s32 $0x4E20, v27;
	v54 =	vadd.s32 $0x2710, v28;
	v55 =	vadd.s32 $0x4E20, v28;
	v18 =	vld.idx.msk [tilespmem:v18+s5+$0x0], $0xffff  }
0x4ef: {  	v56 =	vadd.s32 $0x4E20, v37;
	v58 =	vadd.s32 $0x4E20, v35;
	v1 =	vadd.s32 $0x7530, v3;
	v15 =	vld.idx.msk [tilespmem:v15+s5+$0x0], $0xffff  }
0x4f0: {  	v14 =	vadd.s32 $0x4E20, v10;
	v3 =	vadd.s32 $0x7530, v9;
	v31 =	vld.idx.msk [tilespmem:v0+s5+$0x0], $0xffff;
	v11 =	vmul.bf16 v11, v5  }
0x4f1: {  	v5 =	vadd.s32 $0x7530, v8;
	v0 =	vadd.s32 $0x7530, v10;
	v40 =	vmul.bf16 v42, v40;
	v26 =	vld.idx.msk [tilespmem:v2+s5+$0x0], $0xffff  }
0x4f2: {  	v39 =	vmul.bf16 v39, v50;
	v33 =	vld.idx.msk [tilespmem:v7+s5+$0x0], $0xffff;
	v2 =	vadd.s32 $0x7530, v4;
	v7 =	vadd.s32 $0x7530, v6  }
0x4f3: {  	v38 =	vld.idx.msk [tilespmem:v38+s5+$0x0], $0xffff;
	v4 =	vunpack.i.l.bf16.f32 v11;
	v8 =	vunpack.i.u.bf16.f32 v11;
	v11 =	vmul.bf16 v22, v21  }
0x4f4: {  	v19 =	vld.idx.msk [tilespmem:v19+s5+$0x0], $0xffff;
	v22 =	vadd.s32 $0x4E20, v13;
	v6 =	vadd.s32 $0x7530, v13;
	v21 =	vmul.bf16 v60, v45  }
0x4f5: {  	v20 =	vld.idx.msk [tilespmem:v20+s5+$0x0], $0xffff;
	v62 =	vunpack.i.l.bf16.f32 v40;
	v30 =	vmul.bf16 v32, v30;
	v16 =	vmul.bf16 v17, v16  }
0x4f6: {  	v50 =	vld.idx.msk [tilespmem:v49+s5+$0x0], $0xffff;
	v15 =	vmul.bf16 v15, v18;
	v44 =	vadd.f32 $0.0e+00, v4;
	v4 =	vadd.s32 $0x7530, v12  }
0x4f7: {  	v14 =	vld.idx.msk [tilespmem:v14+s5+$0x0], $0xffff;
	v63 =	vadd.f32 $0.0e+00, v62;
	v10 =	vunpack.i.l.bf16.f32 v11;
	v11 =	vunpack.i.u.bf16.f32 v11  }
0x4f8: {  	v17 =	vld.idx.msk [tilespmem:v52+s5+$0x0], $0xffff;
	v59 =	vunpack.i.u.bf16.f32 v21;
	v21 =	vunpack.i.l.bf16.f32 v21;
	v52 =	vunpack.i.u.bf16.f32 v15  }
0x4f9: {  	v9 =	vadd.f32 v44, v8;
	v8 =	vadd.s32 $0x7530, v23;
	v23 =	vld.idx.msk [tilespmem:v23+s5+$0x0], $0xffff;
	v44 =	vmul.bf16 v48, v61  }
0x4fa: {  	v21 =	vadd.f32 $0.0e+00, v21;
	v61 =	vunpack.i.l.bf16.f32 v39;
	v39 =	vunpack.i.u.bf16.f32 v39;
	v48 =	vld.idx.msk [tilespmem:v46+s5+$0x0], $0xffff  }
0x4fb: {  	v46 =	vld.idx.msk [tilespmem:v51+s5+$0x0], $0xffff;
	v62 =	vadd.f32 $0.0e+00, v61;
	v10 =	vadd.f32 v10, v9;
	v12 =	vmul.bf16 v26, v25  }
0x4fc: {  	v25 =	vld.idx.msk [tilespmem:v13+s5+$0x0], $0xffff;
	v9 =	vadd.s32 $0x7530, v24;
	v13 =	vadd.s32 $0x2710, v37;
	v26 =	vadd.s32 $0x2710, v27  }
0x4fd: {  	v61 =	vld.idx.msk [tilespmem:v56+s5+$0x0], $0xffff;
	v31 =	vmul.bf16 v33, v31;
	v60 =	vunpack.i.u.bf16.f32 v44;
	v44 =	vunpack.i.l.bf16.f32 v44  }
0x4fe: {  	v24 =	vld.idx.msk [tilespmem:v24+s5+$0x0], $0xffff;
	v37 =	vadd.s32 $0x7530, v37;
	v21 =	vadd.f32 v21, v59;
	v44 =	vadd.f32 $0.0e+00, v44  }
0x4ff: {  	v33 =	vld.idx.msk [tilespmem:v28+s5+$0x0], $0xffff;
	v14 =	vmul.bf16 v20, v14;
	v39 =	vadd.f32 v62, v39;
	v11 =	vadd.f32 v10, v11  }
0x500: {  	v59 =	vld.idx.msk [tilespmem:v54+s5+$0x0], $0xffff;
	v62 =	vunpack.i.u.bf16.f32 v30;
	v30 =	vunpack.i.l.bf16.f32 v30;
	v53 =	vunpack.i.l.bf16.f32 v12  }
0x501: {  	v10 =	vadd.s32 $0x7530, v27;
	v27 =	vld.idx.msk [tilespmem:v27+s5+$0x0], $0xffff;
	v12 =	vunpack.i.u.bf16.f32 v12;
	v53 =	vadd.f32 v53, v11  }
0x502: {  	v57 =	vunpack.i.l.bf16.f32 v31;
	v31 =	vunpack.i.u.bf16.f32 v31;
	v54 =	vunpack.i.u.bf16.f32 v14;
	v42 =	vld.idx.msk [tilespmem:v13+s5+$0x0], $0xffff  }
0x503: {  	v17 =	vmul.bf16 v17, v46;
	v23 =	vmul.bf16 v23, v25;
	v25 =	vld.idx.msk [tilespmem:v41+s5+$0x0], $0xffff;
	v12 =	vadd.f32 v53, v12  }
0x504: {  	v14 =	vunpack.i.l.bf16.f32 v14;
	v11 =	vadd.s32 $0x7530, v28;
	v28 =	vadd.s32 $0x2710, v35;
	v26 =	vld.idx.msk [tilespmem:v26+s5+$0x0], $0xffff  }
0x505: {  	v18 =	vld.idx.msk [tilespmem:v58+s5+$0x0], $0xffff;
	v19 =	vmul.bf16 v19, v61;
	v58 =	vunpack.i.u.bf16.f32 v17;
	v13 =	vadd.f32 v57, v12  }
0x506: {  	v17 =	vunpack.i.l.bf16.f32 v17;
	v53 =	vld.idx.msk [tilespmem:v35+s5+$0x0], $0xffff;
	v24 =	vmul.bf16 v27, v24;
	v12 =	vadd.s32 $0x7530, v35  }
0x507: {  	v57 =	vunpack.i.u.bf16.f32 v40;
	v35 =	vld.idx.msk [tilespmem:v36+s5+$0x0], $0xffff;
	v36 =	vadd.f32 v44, v60;
	v13 =	vadd.f32 v13, v31  }
0x508: {  	v34 =	vld.idx.msk [tilespmem:v34+s5+$0x0], $0xffff;
	v31 =	vadd.f32 v63, v57;
	v63 =	vunpack.i.u.bf16.f32 v23;
	v29 =	vmul.bf16 v29, v42  }
0x509: {  	v49 =	vld.idx.msk [tilespmem:v55+s5+$0x0], $0xffff;
	v23 =	vunpack.i.l.bf16.f32 v23;
	v25 =	vmul.bf16 v25, v38;
	v26 =	vmul.bf16 v26, v50  }
0x50a: {  	v40 =	vld.idx.msk [tilespmem:v43+s5+$0x0], $0xffff;
	v50 =	vunpack.i.l.bf16.f32 v16;
	v16 =	vunpack.i.u.bf16.f32 v16;
	v23 =	vadd.f32 $0.0e+00, v23  }
0x50b: {  	v22 =	vld.idx.msk [tilespmem:v22+s5+$0x0], $0xffff;
	v33 =	vmul.bf16 v53, v33;
	v53 =	vunpack.i.u.bf16.f32 v24;
	v24 =	vunpack.i.l.bf16.f32 v24  }
0x50c: {  	v28 =	vld.idx.msk [tilespmem:v28+s5+$0x0], $0xffff;
	v24 =	vadd.f32 $0.0e+00, v24;
	v60 =	vunpack.i.l.bf16.f32 v29;
	v29 =	vunpack.i.u.bf16.f32 v29  }
0x50d: {  	v44 =	vld.idx.msk [tilespmem:v47+s5+$0x0], $0xffff;
	v30 =	vadd.f32 v30, v31;
	v43 =	vunpack.i.l.bf16.f32 v26;
	v26 =	vunpack.i.u.bf16.f32 v26  }
0x50e: {  	v57 =	vunpack.i.l.bf16.f32 v33;
	v33 =	vunpack.i.u.bf16.f32 v33;
	v23 =	vadd.f32 v23, v63  }
0x50f: {  	v2 =	vld.idx.msk [tilespmem:v2+s5+$0x0], $0xffff;
	v39 =	vadd.f32 v60, v39;
	v34 =	vmul.bf16 v35, v34;
	v27 =	vmul.bf16 v48, v40  }
0x510: {  	v7 =	vld.idx.msk [tilespmem:v7+s5+$0x0], $0xffff;
	v48 =	vunpack.i.u.bf16.f32 v19;
	v19 =	vunpack.i.l.bf16.f32 v19;
	v42 =	vadd.f32 $0.0e+00, v57  }
0x511: {  	v24 =	vadd.f32 v24, v53;
	v30 =	vadd.f32 v30, v62;
	v28 =	vmul.bf16 v28, v59;
	v53 =	vld.idx.msk [tilespmem:v1+s5+$0x0], $0xffff  }
0x512: {  	v1 =	vunpack.i.l.bf16.f32 v15;
	v15 =	vmul.bf16 v44, v22;
	v57 =	vld.idx.msk [tilespmem:v3+s5+$0x0], $0xffff;
	v3 =	vmul.bf16 v18, v49  }
0x513: {  	v63 =	vunpack.i.l.bf16.f32 v34;
	v29 =	vadd.f32 v39, v29;
	v39 =	vunpack.i.u.bf16.f32 v25  }
0x514: {  	v25 =	vunpack.i.l.bf16.f32 v25;
	v33 =	vadd.f32 v42, v33;
	v21 =	vadd.f32 v63, v21  }
0x515: {  	v25 =	vadd.f32 v25, v36;
	v42 =	vunpack.i.u.bf16.f32 v27;
	v27 =	vunpack.i.l.bf16.f32 v27  }
0x516: {  	v62 =	vmul.bf16 v7, v2;
	v24 =	vadd.f32 v43, v24;
	v23 =	vadd.f32 v27, v23  }
0x517: {  	v34 =	vunpack.i.u.bf16.f32 v34;
	v19 =	vadd.f32 v19, v29;
	v29 =	vadd.f32 v50, v30  }
0x518: {  	v51 =	vld.idx.msk [tilespmem:v37+s5+$0x0], $0xffff;
	v45 =	vunpack.i.u.bf16.f32 v28;
	v21 =	vadd.f32 v21, v34;
	v25 =	vadd.f32 v25, v39  }
0x519: {  	v28 =	vunpack.i.l.bf16.f32 v28;
	v24 =	vadd.f32 v24, v26;
	v23 =	vadd.f32 v23, v42  }
0x51a: {  	v56 =	vunpack.i.l.bf16.f32 v15;
	v47 =	vadd.f32 v28, v33;
	v19 =	vadd.f32 v19, v48  }
0x51b: {  	v5 =	vld.idx.msk [tilespmem:v5+s5+$0x0], $0xffff;
	v15 =	vunpack.i.u.bf16.f32 v15;
	v16 =	vadd.f32 v29, v16;
	v23 =	vadd.f32 v56, v23  }
0x51c: {  	v18 =	vld.idx.msk [tilespmem:v0+s5+$0x0], $0xffff;
	v60 =	vunpack.i.l.bf16.f32 v3;
	v26 =	vadd.f32 v47, v45;
	v1 =	vadd.f32 v1, v21  }
0x51d: {  	v59 =	vld.idx.msk [tilespmem:v4+s5+$0x0], $0xffff;
	v55 =	vadd.f32 v14, v25;
	v0 =	vadd.f32 v23, v15;
	v15 =	vmul.bf16 v53, v51  }
0x51e: {  	v4 =	vadd.f32 v17, v24;
	v17 =	vunpack.i.u.bf16.f32 v3;
	v3 =	vld.idx.msk [tilespmem:v6+s5+$0x0], $0xffff;
	v14 =	vadd.f32 v1, v52  }
0x51f: {  	v6 =	vld.idx.msk [tilespmem:v8+s5+$0x0], $0xffff;
	v1 =	vadd.f32 v55, v54;
	v22 =	vadd.f32 v60, v26;
	v61 =	vunpack.i.l.bf16.f32 v15  }
0x520: {  	s12 =	simm.s32 $0xCEC0;
	v2 =	vadd.f32 v4, v58;
	v4 =	vld.idx.msk [tilespmem:v9+s5+$0x0], $0xffff;
	v9 =	vunpack.i.l.bf16.f32 v62;
	v19 =	vadd.f32 v61, v19  }
0x521: {  	[tilespmem:s12+$0x30] =	vst v13;
	v7 =	vld.idx.msk [tilespmem:v10+s5+$0x0], $0xffff;
	v8 =	vadd.f32 v22, v17;
	v17 =	vmul.bf16 v57, v5;
	v63 =	vunpack.i.u.bf16.f32 v15  }
0x522: {  	v13 =	vmul.bf16 v59, v18;
	v16 =	vadd.f32 v9, v16;
	v9 =	vld.idx.msk [tilespmem:v12+s5+$0x0], $0xffff;
	v10 =	vadd.f32 v19, v63  }
0x523: {  	s14 =	simm.s32 $0xA9F0;
	s13 =	simm.s32 $0x0;
	v5 =	vld.idx.msk [tilespmem:v11+s5+$0x0], $0xffff;
	v15 =	vunpack.i.u.bf16.f32 v62;
	v11 =	vunpack.i.u.bf16.f32 v17;
	v17 =	vunpack.i.l.bf16.f32 v17  }
.LBB2_14:
0x524: {  	v12 =	vld [tilespmem:s14+$0x0];
	[tilespmem:s12+$0xFFFFFFC0] =	vst v10;
	v10 =	vadd.f32 v16, v15;
	v14 =	vadd.f32 v17, v14;
	s18 =	sadd.s32 $0x80, s18  }
0x525: {  	s13 =	sadd.s32 $0x8, s13;
	v3 =	vmul.bf16 v6, v3;
	v20 =	vld [tilespmem:s18+$0x0];
	v15 =	vunpack.i.u.bf16.f32 v13;
	v13 =	vunpack.i.l.bf16.f32 v13  }
0x526: {  	p0 =	slt.u32 s13, $0xC0;
	v23 =	vld [tilespmem:s18+$0xFFFFFF90];
	[tilespmem:s12+$0xFFFFFFD0] =	vst v10;
	v6 =	vadd.f32 v14, v11;
	v1 =	vadd.f32 v13, v1  }
0x527: {  	v11 =	vunpack.i.u.bf16.f32 v3;
	v3 =	vunpack.i.l.bf16.f32 v3;
	v4 =	vmul.bf16 v7, v4;
	v10 =	vld [tilespmem:s14+$0xFFFFFFA0]  }
0x528: {  	v0 =	vadd.f32 v3, v0;
	v25 =	vld [tilespmem:s18+$0xFFFFFFA0];
	[tilespmem:s12+$0xFFFFFFE0] =	vst v6;
	v1 =	vadd.f32 v1, v15  }
0x529: {  	v24 =	vunpack.i.u.bf16.f32 v4;
	v3 =	vunpack.i.l.bf16.f32 v4;
	v6 =	vmul.bf16 v9, v5;
	v26 =	vld [tilespmem:s14+$0xFFFFFFB0]  }
0x52a: {  	v0 =	vadd.f32 v0, v11;
	v11 =	vadd.f32 v3, v2;
	v37 =	vld [tilespmem:s18+$0xFFFFFFB0];
	[tilespmem:s12+$0xFFFFFFF0] =	vst v1  }
0x52b: {  	v2 =	vadd.s32 $0x2710, v12;
	v28 =	vadd.s32 $0x2710, v23;
	v13 =	vadd.s32 $0x4E20, v23;
	v38 =	vld [tilespmem:s14+$0xFFFFFFC0]  }
0x52c: {  	v9 =	vadd.s32 $0x2710, v20;
	v27 =	vadd.s32 $0x2710, v10;
	v14 =	vadd.s32 $0x4E20, v10;
	v7 =	vld.idx.msk [tilespmem:v12+s5+$0x0], $0xffff;
	[tilespmem:s12+$0x0] =	vst v0  }
0x52d: {  	v0 =	vadd.s32 $0x7530, v23;
	v31 =	vadd.s32 $0x2710, v25;
	v15 =	vadd.s32 $0x4E20, v25;
	v19 =	vld.idx.msk [tilespmem:v20+s5+$0x0], $0xffff  }
0x52e: {  	v1 =	vadd.s32 $0x7530, v10;
	v29 =	vadd.s32 $0x2710, v26;
	v16 =	vadd.s32 $0x4E20, v26;
	v39 =	vld [tilespmem:s18+$0xFFFFFFC0]  }
0x52f: {  	v21 =	vadd.s32 $0x4E20, v12;
	v32 =	vadd.s32 $0x2710, v37;
	v17 =	vadd.s32 $0x4E20, v37;
	v40 =	vld [tilespmem:s14+$0xFFFFFFD0]  }
0x530: {  	v35 =	vadd.s32 $0x4E20, v20;
	v30 =	vadd.s32 $0x2710, v38;
	v18 =	vadd.s32 $0x4E20, v38;
	v22 =	vld.idx.msk [tilespmem:v2+s5+$0x0], $0xffff  }
0x531: {  	v5 =	vadd.s32 $0x7530, v25;
	v4 =	vadd.s32 $0x7530, v26;
	v3 =	vadd.s32 $0x7530, v37;
	v9 =	vld.idx.msk [tilespmem:v9+s5+$0x0], $0xffff  }
0x532: {  	v42 =	vunpack.i.u.bf16.f32 v6;
	v36 =	vunpack.i.l.bf16.f32 v6;
	v2 =	vadd.s32 $0x7530, v38;
	v41 =	vld [tilespmem:s18+$0xFFFFFFD0]  }
0x533: {  	v12 =	vadd.s32 $0x7530, v12;
	v44 =	vmul.bf16 v19, v7;
	v33 =	vadd.s32 $0x2710, v39;
	v43 =	vld [tilespmem:s14+$0xFFFFFFE0]  }
0x534: {  	v46 =	vadd.s32 $0x7530, v20;
	v19 =	vadd.s32 $0x4E20, v39;
	v34 =	vadd.s32 $0x2710, v40;
	v45 =	vld.idx.msk [tilespmem:v21+s5+$0x0], $0xffff  }
0x535: {  	v6 =	vadd.s32 $0x7530, v39;
	v20 =	vadd.s32 $0x4E20, v40;
	v21 =	vunpack.i.l.bf16.f32 v44;
	v47 =	vld.idx.msk [tilespmem:v35+s5+$0x0], $0xffff  }
0x536: {  	v50 =	vadd.f32 v36, v8;
	v7 =	vadd.s32 $0x7530, v40;
	v49 =	vadd.f32 $0.0e+00, v21;
	v48 =	vld [tilespmem:s18+$0xFFFFFFE0]  }
0x537: {  	v8 =	vunpack.i.u.bf16.f32 v44;
	v44 =	vmul.bf16 v9, v22;
	v35 =	vadd.s32 $0x2710, v41;
	v51 =	vld [tilespmem:s14+$0xFFFFFFF0]  }
0x538: {  	v21 =	vadd.s32 $0x4E20, v41;
	v49 =	vadd.f32 v49, v8;
	v36 =	vadd.s32 $0x2710, v43;
	v12 =	vld.idx.msk [tilespmem:v12+s5+$0x0], $0xffff  }
0x539: {  	v8 =	vadd.s32 $0x7530, v41;
	v22 =	vadd.s32 $0x4E20, v43;
	v52 =	vunpack.i.l.bf16.f32 v44;
	v46 =	vld.idx.msk [tilespmem:v46+s5+$0x0], $0xffff  }
0x53a: {  	v11 =	vadd.f32 v11, v24;
	v9 =	vadd.s32 $0x7530, v43;
	v49 =	vadd.f32 v52, v49;
	v53 =	vld [tilespmem:s18+$0xFFFFFFF0]  }
0x53b: {  	v24 =	vunpack.i.u.bf16.f32 v44;
	v44 =	vmul.bf16 v47, v45;
	v52 =	vld [tilespmem:s14+$0xFFFFFF90];
	v54 =	vadd.s32 $0x2710, v48  }
0x53c: {  	v49 =	vadd.f32 v49, v24;
	v45 =	vld.idx.msk [tilespmem:v23+s5+$0x0], $0xffff;
	v23 =	vadd.s32 $0x4E20, v48;
	v47 =	vadd.s32 $0x2710, v51;
	[tilespmem:s12+$0x10] =	vst v11  }
0x53d: {  	v24 =	vadd.s32 $0x4E20, v51;
	v56 =	vunpack.i.l.bf16.f32 v44;
	v55 =	vld.idx.msk [tilespmem:v10+s5+$0x0], $0xffff;
	v10 =	vadd.s32 $0x7530, v48  }
0x53e: {  	v42 =	vadd.f32 v50, v42;
	v11 =	vadd.s32 $0x7530, v51;
	v57 =	vld.idx.msk [tilespmem:v25+s5+$0x0], $0xffff;
	v25 =	vadd.f32 v56, v49  }
0x53f: {  	v49 =	vld.idx.msk [tilespmem:v26+s5+$0x0], $0xffff;
	v50 =	vadd.s32 $0x2710, v53;
	v26 =	vunpack.i.u.bf16.f32 v44;
	v44 =	vmul.bf16 v46, v12  }
0x540: {  	v46 =	vadd.s32 $0x2710, v52;
	v56 =	vadd.s32 $0x4E20, v52;
	v37 =	vld.idx.msk [tilespmem:v37+s5+$0x0], $0xffff;
	v58 =	vadd.f32 v25, v26;
	[tilespmem:s12+$0x20] =	vst v42  }
0x541: {  	v25 =	vadd.s32 $0x7530, v52;
	v26 =	vadd.s32 $0x4E20, v53;
	v38 =	vld.idx.msk [tilespmem:v38+s5+$0x0], $0xffff;
	v42 =	vunpack.i.l.bf16.f32 v44  }
0x542: {  	v12 =	vadd.s32 $0x7530, v53;
	v39 =	vld.idx.msk [tilespmem:v39+s5+$0x0], $0xffff;
	v42 =	vadd.f32 v42, v58  }
0x543: {  	v44 =	vunpack.i.u.bf16.f32 v44;
	v52 =	vld.idx.msk [tilespmem:v52+s5+$0x0], $0xffff  }
0x544: {  	v55 =	vmul.bf16 v57, v55;
	v40 =	vld.idx.msk [tilespmem:v40+s5+$0x0], $0xffff;
	v42 =	vadd.f32 v42, v44  }
0x545: {  	s12 =	sadd.s32 $0x80, s12;
	v41 =	vld.idx.msk [tilespmem:v41+s5+$0x0], $0xffff  }
0x546: {  	v44 =	vunpack.i.u.bf16.f32 v55;
	v55 =	vunpack.i.l.bf16.f32 v55;
	v37 =	vmul.bf16 v37, v49;
	v43 =	vld.idx.msk [tilespmem:v43+s5+$0x0], $0xffff;
	[tilespmem:s12+$0x30] =	vst v42  }
0x547: {  	v42 =	vadd.f32 $0.0e+00, v55;
	v48 =	vld.idx.msk [tilespmem:v48+s5+$0x0], $0xffff  }
0x548: {  	v49 =	vunpack.i.u.bf16.f32 v37;
	v37 =	vunpack.i.l.bf16.f32 v37;
	v38 =	vmul.bf16 v39, v38;
	v39 =	vld.idx.msk [tilespmem:v51+s5+$0x0], $0xffff  }
0x549: {  	v45 =	vmul.bf16 v45, v52;
	v42 =	vadd.f32 v42, v44;
	v37 =	vadd.f32 $0.0e+00, v37;
	v44 =	vld.idx.msk [tilespmem:v53+s5+$0x0], $0xffff  }
0x54a: {  	v51 =	vunpack.i.u.bf16.f32 v38;
	v38 =	vunpack.i.l.bf16.f32 v38;
	v46 =	vld.idx.msk [tilespmem:v46+s5+$0x0], $0xffff  }
0x54b: {  	v52 =	vunpack.i.l.bf16.f32 v45;
	v38 =	vadd.f32 $0.0e+00, v38;
	v40 =	vmul.bf16 v41, v40;
	v28 =	vld.idx.msk [tilespmem:v28+s5+$0x0], $0xffff  }
0x54c: {  	v41 =	vunpack.i.u.bf16.f32 v45;
	v37 =	vadd.f32 v37, v49;
	v45 =	vadd.f32 $0.0e+00, v52;
	v27 =	vld.idx.msk [tilespmem:v27+s5+$0x0], $0xffff  }
0x54d: {  	v49 =	vunpack.i.u.bf16.f32 v40;
	v40 =	vunpack.i.l.bf16.f32 v40;
	v43 =	vmul.bf16 v48, v43;
	v31 =	vld.idx.msk [tilespmem:v31+s5+$0x0], $0xffff  }
0x54e: {  	v41 =	vadd.f32 v45, v41;
	v40 =	vadd.f32 $0.0e+00, v40;
	v29 =	vld.idx.msk [tilespmem:v29+s5+$0x0], $0xffff  }
0x54f: {  	v45 =	vunpack.i.u.bf16.f32 v43;
	v43 =	vunpack.i.l.bf16.f32 v43;
	v39 =	vmul.bf16 v44, v39;
	v32 =	vld.idx.msk [tilespmem:v32+s5+$0x0], $0xffff  }
0x550: {  	v38 =	vadd.f32 v38, v51;
	v43 =	vadd.f32 $0.0e+00, v43;
	v30 =	vld.idx.msk [tilespmem:v30+s5+$0x0], $0xffff  }
0x551: {  	v28 =	vmul.bf16 v28, v46;
	v44 =	vunpack.i.u.bf16.f32 v39;
	v39 =	vunpack.i.l.bf16.f32 v39;
	v33 =	vld.idx.msk [tilespmem:v33+s5+$0x0], $0xffff  }
0x552: {  	v40 =	vadd.f32 v40, v49;
	v39 =	vadd.f32 $0.0e+00, v39;
	v34 =	vld.idx.msk [tilespmem:v34+s5+$0x0], $0xffff  }
0x553: {  	v46 =	vunpack.i.l.bf16.f32 v28;
	v27 =	vmul.bf16 v31, v27;
	v31 =	vld.idx.msk [tilespmem:v35+s5+$0x0], $0xffff;
	v35 =	vadd.f32 v43, v45  }
0x554: {  	v28 =	vunpack.i.u.bf16.f32 v28;
	v41 =	vadd.f32 v46, v41;
	v39 =	vadd.f32 v39, v44;
	v36 =	vld.idx.msk [tilespmem:v36+s5+$0x0], $0xffff  }
0x555: {  	v43 =	vunpack.i.u.bf16.f32 v27;
	v27 =	vunpack.i.l.bf16.f32 v27;
	v29 =	vmul.bf16 v32, v29;
	v32 =	vld.idx.msk [tilespmem:v54+s5+$0x0], $0xffff  }
0x556: {  	v28 =	vadd.f32 v41, v28;
	v27 =	vadd.f32 v27, v42;
	v41 =	vld.idx.msk [tilespmem:v47+s5+$0x0], $0xffff  }
0x557: {  	v42 =	vunpack.i.u.bf16.f32 v29;
	v29 =	vunpack.i.l.bf16.f32 v29;
	v30 =	vmul.bf16 v33, v30;
	v33 =	vld.idx.msk [tilespmem:v50+s5+$0x0], $0xffff  }
0x558: {  	v27 =	vadd.f32 v27, v43;
	v29 =	vadd.f32 v29, v37;
	v44 =	vld.idx.msk [tilespmem:v56+s5+$0x0], $0xffff  }
0x559: {  	v37 =	vunpack.i.u.bf16.f32 v30;
	v30 =	vunpack.i.l.bf16.f32 v30;
	v31 =	vmul.bf16 v31, v34;
	v13 =	vld.idx.msk [tilespmem:v13+s5+$0x0], $0xffff  }
0x55a: {  	v29 =	vadd.f32 v29, v42;
	v30 =	vadd.f32 v30, v38;
	v14 =	vld.idx.msk [tilespmem:v14+s5+$0x0], $0xffff  }
0x55b: {  	v34 =	vunpack.i.u.bf16.f32 v31;
	v31 =	vunpack.i.l.bf16.f32 v31;
	v32 =	vmul.bf16 v32, v36;
	v15 =	vld.idx.msk [tilespmem:v15+s5+$0x0], $0xffff  }
0x55c: {  	v30 =	vadd.f32 v30, v37;
	v31 =	vadd.f32 v31, v40;
	v16 =	vld.idx.msk [tilespmem:v16+s5+$0x0], $0xffff  }
0x55d: {  	v36 =	vunpack.i.u.bf16.f32 v32;
	v32 =	vunpack.i.l.bf16.f32 v32;
	v33 =	vmul.bf16 v33, v41;
	v17 =	vld.idx.msk [tilespmem:v17+s5+$0x0], $0xffff  }
0x55e: {  	v31 =	vadd.f32 v31, v34;
	v32 =	vadd.f32 v32, v35;
	v18 =	vld.idx.msk [tilespmem:v18+s5+$0x0], $0xffff  }
0x55f: {  	v13 =	vmul.bf16 v13, v44;
	v34 =	vunpack.i.u.bf16.f32 v33;
	v33 =	vunpack.i.l.bf16.f32 v33;
	v19 =	vld.idx.msk [tilespmem:v19+s5+$0x0], $0xffff  }
0x560: {  	v32 =	vadd.f32 v32, v36;
	v33 =	vadd.f32 v33, v39;
	v20 =	vld.idx.msk [tilespmem:v20+s5+$0x0], $0xffff  }
0x561: {  	v35 =	vunpack.i.u.bf16.f32 v13;
	v13 =	vunpack.i.l.bf16.f32 v13;
	v14 =	vmul.bf16 v15, v14;
	v15 =	vld.idx.msk [tilespmem:v21+s5+$0x0], $0xffff  }
0x562: {  	v13 =	vadd.f32 v13, v28;
	v21 =	vld.idx.msk [tilespmem:v22+s5+$0x0], $0xffff;
	v22 =	vadd.f32 v33, v34  }
0x563: {  	v28 =	vunpack.i.u.bf16.f32 v14;
	v14 =	vunpack.i.l.bf16.f32 v14;
	v16 =	vmul.bf16 v17, v16;
	v17 =	vld.idx.msk [tilespmem:v23+s5+$0x0], $0xffff  }
0x564: {  	v13 =	vadd.f32 v13, v35;
	v14 =	vadd.f32 v14, v27;
	v23 =	vld.idx.msk [tilespmem:v24+s5+$0x0], $0xffff  }
0x565: {  	v24 =	vunpack.i.u.bf16.f32 v16;
	v16 =	vunpack.i.l.bf16.f32 v16;
	v18 =	vmul.bf16 v19, v18;
	v19 =	vld.idx.msk [tilespmem:v26+s5+$0x0], $0xffff  }
0x566: {  	v26 =	vadd.f32 v14, v28;
	v14 =	vadd.f32 v16, v29;
	v25 =	vld.idx.msk [tilespmem:v25+s5+$0x0], $0xffff  }
0x567: {  	v15 =	vmul.bf16 v15, v20;
	v16 =	vld.idx.msk [tilespmem:v0+s5+$0x0], $0xffff;
	v0 =	vunpack.i.u.bf16.f32 v18;
	v18 =	vunpack.i.l.bf16.f32 v18  }
0x568: {  	v14 =	vadd.f32 v14, v24;
	v20 =	vld.idx.msk [tilespmem:v1+s5+$0x0], $0xffff;
	v1 =	vadd.f32 v18, v30  }
0x569: {  	v18 =	vunpack.i.u.bf16.f32 v15;
	v15 =	vunpack.i.l.bf16.f32 v15;
	v17 =	vmul.bf16 v17, v21;
	v5 =	vld.idx.msk [tilespmem:v5+s5+$0x0], $0xffff  }
0x56a: {  	v21 =	vld.idx.msk [tilespmem:v4+s5+$0x0], $0xffff;
	v1 =	vadd.f32 v1, v0;
	v0 =	vadd.f32 v15, v31  }
0x56b: {  	v4 =	vunpack.i.u.bf16.f32 v17;
	v15 =	vmul.bf16 v19, v23;
	v24 =	vld.idx.msk [tilespmem:v3+s5+$0x0], $0xffff;
	v3 =	vunpack.i.l.bf16.f32 v17  }
0x56c: {  	v19 =	vld.idx.msk [tilespmem:v2+s5+$0x0], $0xffff;
	v0 =	vadd.f32 v0, v18;
	v2 =	vadd.f32 v3, v32  }
0x56d: {  	v16 =	vmul.bf16 v16, v25;
	v17 =	vunpack.i.u.bf16.f32 v15;
	v18 =	vld.idx.msk [tilespmem:v6+s5+$0x0], $0xffff;
	v6 =	vunpack.i.l.bf16.f32 v15  }
0x56e: {  	v3 =	vld.idx.msk [tilespmem:v7+s5+$0x0], $0xffff;
	v2 =	vadd.f32 v2, v4;
	v7 =	vadd.f32 v6, v22  }
.Ltmp6:
0x56f: {  	v22 =	vunpack.i.u.bf16.f32 v16;
	v4 =	vunpack.i.l.bf16.f32 v16;
	v5 =	vmul.bf16 v5, v20;
	v6 =	vld.idx.msk [tilespmem:v8+s5+$0x0], $0xffff;
	(pc) =	sbr.rel @p0 .LBB2_14-.Ltmp6, $4  }
0x570: {  	v13 =	vadd.f32 v4, v13;
	v4 =	vld.idx.msk [tilespmem:v9+s5+$0x0], $0xffff;
	v8 =	vadd.f32 v7, v17  }
0x571: {  	v15 =	vunpack.i.u.bf16.f32 v5;
	v5 =	vunpack.i.l.bf16.f32 v5;
	v9 =	vmul.bf16 v24, v21;
	v7 =	vld.idx.msk [tilespmem:v10+s5+$0x0], $0xffff  }
0x572: {  	v10 =	vadd.f32 v13, v22;
	v16 =	vadd.f32 v5, v26;
	v5 =	vld.idx.msk [tilespmem:v11+s5+$0x0], $0xffff  }
0x573: {  	s14 =	sadd.s32 $0x80, s14;
	v11 =	vunpack.i.u.bf16.f32 v9;
	v17 =	vunpack.i.l.bf16.f32 v9;
	v13 =	vmul.bf16 v18, v19;
	v9 =	vld.idx.msk [tilespmem:v12+s5+$0x0], $0xffff  }
0x574: {  	_ = 	snop  }
0x575: {  	v12 =	vadd.f32 v17, v14  }
0x576: {  	v59 =	vadd.f32 v16, v15;
	v3 =	vmul.bf16 v6, v3;
	v60 =	vunpack.i.u.bf16.f32 v13  }
0x577: {  	v6 =	vunpack.i.l.bf16.f32 v13;
	v11 =	vadd.f32 v12, v11;
	v4 =	vmul.bf16 v7, v4  }
0x578: {  	v1 =	vadd.f32 v6, v1;
	v6 =	vunpack.i.l.bf16.f32 v3;
	v5 =	vmul.bf16 v9, v5  }
0x579: {  	[tilespmem:s12+$0xFFFFFFC0] =	vst v10;
	v3 =	vunpack.i.u.bf16.f32 v3;
	v0 =	vadd.f32 v6, v0;
	v6 =	vunpack.i.l.bf16.f32 v4  }
0x57a: {  	[tilespmem:s12+$0xFFFFFFD0] =	vst v59;
	v1 =	vadd.f32 v1, v60;
	v2 =	vadd.f32 v6, v2;
	v6 =	vunpack.i.l.bf16.f32 v5  }
0x57b: {  	[tilespmem:s12+$0xFFFFFFE0] =	vst v11;
	v4 =	vunpack.i.u.bf16.f32 v4;
	v0 =	vadd.f32 v0, v3;
	v3 =	vadd.f32 v6, v8  }
0x57c: {  	[tilespmem:s12+$0xFFFFFFF0] =	vst v1;
	v1 =	vunpack.i.u.bf16.f32 v5;
	v2 =	vadd.f32 v2, v4  }
0x57d: {  	[tilespmem:s12+$0x0] =	vst v0;
	v0 =	vadd.f32 v3, v1  }
0x57e: {  	[tilespmem:s12+$0x10] =	vst v2  }
0x57f: {  	[tilespmem:s12+$0x20] =	vst v0  }
0x580: {  	s12 =	sld [smem:$0x7ED];
	_ =	sdelay $0x1  }
0x581: {  	s13 =	simm.s32 $0xCE80  }
0x582: {  	[spmem:s12] =	stream.linear.scatter [tilespmem:s13], [sflag:$0x3], $0xC8, $0x38;
	[tilespmem:$0x10180] =	vst v63  }
0x583: {  	s13 =	sld [smem:$0x7EE];
	_ =	sdelay $0x1  }
0x584: {  	s14 =	sld [smem:$0x7EF]  }
0x585: {  	[spmem:s13] =	stream.linear.scatter [tilespmem:s28], [sflag:$0x3], $0xC8, $0x38;
	[tilespmem:$0x10180] =	vst v63  }
0x586: {  	s15 =	sld [smem:$0x7F0]  }
0x587: {  	[spmem:s14] =	stream.linear.scatter [tilespmem:s29], [sflag:$0x3], $0xC8, $0x38;
	[tilespmem:$0x10180] =	vst v63  }
0x588: {  	s18 =	sld [smem:$0x7F1]  }
0x589: {  	[spmem:s15] =	stream.linear.scatter [tilespmem:s30], [sflag:$0x3], $0xC8, $0x38;
	[tilespmem:$0x10180] =	vst v63  }
0x58a: {  	s19 =	sld [smem:$0x7F2]  }
0x58b: {  	[spmem:s18] =	stream.linear.scatter [tilespmem:s31], [sflag:$0x3], $0xC8, $0x38;
	[tilespmem:$0x10180] =	vst v63  }
0x58c: {  	s20 =	sld [smem:$0x7F3]  }
0x58d: {  	[spmem:s19] =	stream.linear.scatter [tilespmem:s0], [sflag:$0x3], $0xC8, $0x38;
	[tilespmem:$0x10180] =	vst v63  }
0x58e: {  	s13 =	sld [smem:$0x7F4]  }
0x58f: {  	[spmem:s20] =	stream.linear.scatter [tilespmem:s3], [sflag:$0x3], $0xC8, $0x38;
	[tilespmem:$0x10180] =	vst v63  }
0x590: {  	s14 =	sld [smem:$0x7F5]  }
0x591: {  	[spmem:s13] =	stream.linear.scatter [tilespmem:s6], [sflag:$0x3], $0xC8, $0x38;
	[tilespmem:$0x10180] =	vst v63  }
0x592: {  	s15 =	sld [smem:$0x7F6]  }
0x593: {  	[spmem:s14] =	stream.linear.scatter [tilespmem:s7], [sflag:$0x3], $0xC8, $0x38;
	[tilespmem:$0x10180] =	vst v63  }
0x594: {  	s18 =	sld [smem:$0x7F7]  }
0x595: {  	[spmem:s15] =	stream.linear.scatter [tilespmem:s8], [sflag:$0x3], $0xC8, $0x38;
	[tilespmem:$0x10180] =	vst v63  }
0x596: {  	s19 =	sld [smem:$0x7F8]  }
0x597: {  	[spmem:s18] =	stream.linear.scatter [tilespmem:s9], [sflag:$0x3], $0xC8, $0x38;
	[tilespmem:$0x10180] =	vst v63  }
0x598: {  	s20 =	sld [smem:$0x7F9]  }
0x599: {  	[spmem:s19] =	stream.linear.scatter [tilespmem:s11], [sflag:$0x3], $0xC8, $0x38;
	[tilespmem:$0x10180] =	vst v63  }
0x59a: {  	s13 =	sld [smem:$0x7FA]  }
0x59b: {  	[spmem:s20] =	stream.linear.scatter [tilespmem:s21], [sflag:$0x3], $0xC8, $0x38;
	[tilespmem:$0x10180] =	vst v63  }
0x59c: {  	s14 =	sld [smem:$0x7FB]  }
0x59d: {  	[spmem:s13] =	stream.linear.scatter [tilespmem:s22], [sflag:$0x3], $0xC8, $0x38;
	[tilespmem:$0x10180] =	vst v63  }
0x59e: {  	s15 =	sld [smem:$0x7FC]  }
0x59f: {  	[spmem:s14] =	stream.linear.scatter [tilespmem:s23], [sflag:$0x3], $0xC8, $0x38;
	[tilespmem:$0x10180] =	vst v63  }
0x5a0: {  	_ = 	snop  }
0x5a1: {  	[spmem:s15] =	stream.linear.scatter [tilespmem:s24], [sflag:$0x3], $0xC8, $0x38;
	[tilespmem:$0x10180] =	vst v63  }
0x5a2: {  	_ =	swait.ge [sflag:s2], $0xC80  }
0x5a3: {  	[sflag:s2] =	ssyncset.done $0x0  }
0x5a4: {  	s18 =	simm.s32 $0xE140;
	[sflag:s2] =	ssyncadd.s32 $0xFFFFF380  }
0x5a5: {  	v0 =	vld [tilespmem:s18+$0xFFFFF9D0]  }
0x5a6: {  	v1 =	vld [tilespmem:s18+$0xFFFFF9C0]  }
0x5a7: {  	v2 =	vld [tilespmem:s18+$0xFFFFFA98]  }
0x5a8: {  	v3 =	vld [tilespmem:s18+$0xFFFFFA88]  }
0x5a9: {  	v4 =	vld [tilespmem:s18+$0xFFFFFB60]  }
0x5aa: {  	v5 =	vld [tilespmem:s18+$0xFFFFFB50]  }
0x5ab: {  	v6 =	vld [tilespmem:s18+$0xFFFFFC28];
	v0 =	vadd.f32 $0.0e+00, v0  }
0x5ac: {  	v7 =	vld [tilespmem:s18+$0xFFFFFC18];
	v1 =	vadd.f32 $0.0e+00, v1  }
0x5ad: {  	v0 =	vadd.f32 v2, v0;
	v2 =	vld [tilespmem:s18+$0xFFFFFCF0]  }
0x5ae: {  	v1 =	vadd.f32 v3, v1;
	v3 =	vld [tilespmem:s18+$0xFFFFFCE0]  }
0x5af: {  	v0 =	vadd.f32 v4, v0;
	v4 =	vld [tilespmem:s18+$0xFFFFFDB8]  }
0x5b0: {  	v1 =	vadd.f32 v5, v1;
	v5 =	vld [tilespmem:s18+$0xFFFFFDA8]  }
0x5b1: {  	v0 =	vadd.f32 v6, v0;
	v6 =	vld [tilespmem:s18+$0xFFFFFE80]  }
0x5b2: {  	v1 =	vadd.f32 v7, v1;
	v7 =	vld [tilespmem:s18+$0xFFFFFE70]  }
0x5b3: {  	v0 =	vadd.f32 v2, v0;
	v2 =	vld [tilespmem:s18+$0xFFFFFF48]  }
0x5b4: {  	v1 =	vadd.f32 v3, v1;
	v3 =	vld [tilespmem:s18+$0xFFFFFF38]  }
0x5b5: {  	v0 =	vadd.f32 v4, v0;
	v4 =	vld [tilespmem:s18+$0x10]  }
0x5b6: {  	v1 =	vadd.f32 v5, v1;
	v5 =	vld [tilespmem:s18+$0x0]  }
0x5b7: {  	v0 =	vadd.f32 v6, v0;
	v6 =	vld [tilespmem:s18+$0xD8]  }
0x5b8: {  	v1 =	vadd.f32 v7, v1;
	v7 =	vld [tilespmem:s18+$0xC8]  }
0x5b9: {  	v0 =	vadd.f32 v2, v0;
	v2 =	vld [tilespmem:s18+$0x1A0]  }
0x5ba: {  	v1 =	vadd.f32 v3, v1;
	v3 =	vld [tilespmem:s18+$0x190]  }
0x5bb: {  	v0 =	vadd.f32 v4, v0;
	v4 =	vld [tilespmem:s18+$0x268]  }
0x5bc: {  	v1 =	vadd.f32 v5, v1;
	v5 =	vld [tilespmem:s18+$0x258]  }
0x5bd: {  	v0 =	vadd.f32 v6, v0;
	v6 =	vld [tilespmem:s18+$0x330]  }
0x5be: {  	v1 =	vadd.f32 v7, v1;
	v7 =	vld [tilespmem:s18+$0x320]  }
0x5bf: {  	s19 =	simm.s32 $0x0;
	v0 =	vadd.f32 v2, v0;
	v2 =	vld [tilespmem:s18+$0x3F8]  }
0x5c0: {  	s13 =	sand.u32 $0xE0, s19;
	v1 =	vadd.f32 v3, v1;
	v3 =	vld [tilespmem:s18+$0x3E8]  }
0x5c1: {  	v0 =	vadd.f32 v4, v0;
	v4 =	vld [tilespmem:s13+$0xE600]  }
0x5c2: {  	v1 =	vadd.f32 v5, v1;
	v5 =	vld [tilespmem:s18+$0x4B0]  }
0x5c3: {  	v0 =	vadd.f32 v6, v0;
	v6 =	vld [tilespmem:s18+$0x588]  }
0x5c4: {  	v1 =	vadd.f32 v7, v1;
	v7 =	vld [tilespmem:s18+$0x578];
	s18 =	simm.s32 $0xE160  }
0x5c5: {  	v0 =	vadd.f32 v2, v0;
	v2 =	vld [tilespmem:s18+$0xFFFFF9D0]  }
0x5c6: {  	v1 =	vadd.f32 v3, v1;
	v3 =	vld [tilespmem:s18+$0xFFFFF9C0]  }
0x5c7: {  	v0 =	vadd.f32 v4, v0;
	v4 =	vld [tilespmem:s18+$0xFFFFFA98]  }
0x5c8: {  	v1 =	vadd.f32 v5, v1;
	v5 =	vld [tilespmem:s18+$0xFFFFFA88]  }
0x5c9: {  	v0 =	vadd.f32 v6, v0;
	v6 =	vld [tilespmem:s18+$0xFFFFFB60]  }
0x5ca: {  	v1 =	vadd.f32 v7, v1;
	v7 =	vld [tilespmem:s18+$0xFFFFFB50];
	v2 =	vadd.f32 $0.0e+00, v2  }
0x5cb: {  	v8 =	vld [tilespmem:s18+$0xFFFFFC28];
	v3 =	vadd.f32 $0.0e+00, v3;
	v0 =	vsub.f32 $0.0e+00, v0  }
0x5cc: {  	v61 =	vld [tilespmem:s18+$0xFFFFFC18];
	v1 =	vsub.f32 $0.0e+00, v1;
	v2 =	vadd.f32 v4, v2  }
0x5cd: {  	v3 =	vadd.f32 v5, v3;
	v4 =	vld [tilespmem:s18+$0xFFFFFCF0];
	v0 =	vmul.f32 $1.442695020e+00, v0  }
0x5ce: {  	v5 =	vld [tilespmem:s18+$0xFFFFFCE0];
	v1 =	vmul.f32 $1.442695020e+00, v1;
	v2 =	vadd.f32 v6, v2  }
0x5cf: {  	(erf) = vpow2.f32 v0;
	v0 =	vadd.f32 v7, v3;
	v3 =	vld [tilespmem:s18+$0xFFFFFDB8]  }
0x5d0: {  	(erf) = vpow2.f32 v1;
	v1 =	vld [tilespmem:s18+$0xFFFFFDA8];
	v2 =	vadd.f32 v8, v2  }
0x5d1: {  	v6 =	vld [tilespmem:s18+$0xFFFFFE80];
	v0 =	vadd.f32 v61, v0  }
0x5d2: {  	v7 =	vld [tilespmem:s18+$0xFFFFFE70];
	v2 =	vadd.f32 v4, v2  }
0x5d3: {  	v4 =	vld [tilespmem:s18+$0xFFFFFF48];
	v0 =	vadd.f32 v5, v0  }
0x5d4: {  	v5 =	vld [tilespmem:s18+$0xFFFFFF38];
	v2 =	vadd.f32 v3, v2  }
0x5d5: {  	v3 =	vld [tilespmem:s18+$0x0];
	v0 =	vadd.f32 v1, v0  }
0x5d6: {  	v1 =	vld [tilespmem:s18+$0x10];
	v2 =	vadd.f32 v6, v2  }
0x5d7: {  	v8 =	vld [tilespmem:s18+$0xC8];
	v0 =	vadd.f32 v7, v0  }
0x5d8: {  	v6 =	vld [tilespmem:s18+$0xD8];
	v7 =	vpop (erf);
	v2 =	vadd.f32 v4, v2  }
0x5d9: {  	v62 =	vld [tilespmem:s18+$0x1A0];
	v4 =	vadd.f32 $1.000000000e+00, v7;
	v7 =	vpop (erf);
	v0 =	vadd.f32 v5, v0  }
0x5da: {  	v5 =	vld [tilespmem:s18+$0x190];
	v7 =	vadd.f32 $1.000000000e+00, v7  }
0x5db: {  	v1 =	vadd.f32 v1, v2;
	v2 =	vld [tilespmem:s18+$0x268];
	(erf) = vrcp.f32 v4;
	v0 =	vadd.f32 v3, v0  }
0x5dc: {  	v3 =	vld [tilespmem:s18+$0x258];
	(erf) = vrcp.f32 v7  }
0x5dd: {  	v1 =	vadd.f32 v6, v1;
	v0 =	vadd.f32 v8, v0  }
0x5de: {  	v4 =	vld [tilespmem:s18+$0x330]  }
0x5df: {  	v6 =	vld [tilespmem:s18+$0x320];
	v1 =	vadd.f32 v62, v1;
	v5 =	vadd.f32 v5, v0  }
0x5e0: {  	s13 =	simm.s32 $0x20;
	v7 =	vld [tilespmem:s18+$0x3F8]  }
0x5e1: {  	s20 =	sand.u32 $0xE0, s13;
	v0 =	vld [tilespmem:s18+$0x3E8];
	v8 =	vadd.f32 v2, v1;
	v5 =	vadd.f32 v3, v5  }
0x5e2: {  	v1 =	vld [tilespmem:s20+$0xE600]  }
0x5e3: {  	v2 =	vld [tilespmem:s18+$0x4B0];
	v8 =	vadd.f32 v4, v8  }
0x5e4: {  	s12 =	simm.s32 $0xE790;
	v3 =	vld [tilespmem:s18+$0x588];
	v6 =	vadd.f32 v6, v5;
	v63 =	vpop (erf)  }
0x5e5: {  	s14 =	simm.s32 $0x2;
	v4 =	vld [tilespmem:s18+$0x578];
	s18 =	simm.s32 $0xE180;
	v7 =	vadd.f32 v7, v8;
	[tilespmem:s12+$0x0] =	vst v63;
	v5 =	vpop (erf)  }
.LBB2_16:
0x5e6: {  	v8 =	vld [tilespmem:s18+$0xFFFFF9D0];
	s14 =	sadd.s32 $0x2, s14;
	v0 =	vadd.f32 v0, v6;
	[tilespmem:s12+$0xFFFFFFF0] =	vst v5  }
0x5e7: {  	v5 =	vld [tilespmem:s18+$0xFFFFF9C0];
	p0 =	slt.u32 s14, $0xA;
	v1 =	vadd.f32 v1, v7  }
0x5e8: {  	v6 =	vld [tilespmem:s18+$0xFFFFFA98];
	v0 =	vadd.f32 v2, v0  }
0x5e9: {  	v2 =	vld [tilespmem:s18+$0xFFFFFA88];
	v1 =	vadd.f32 v3, v1  }
0x5ea: {  	v3 =	vld [tilespmem:s18+$0xFFFFFB60];
	v0 =	vadd.f32 v4, v0  }
0x5eb: {  	v4 =	vld [tilespmem:s18+$0xFFFFFB50];
	v7 =	vadd.f32 $0.0e+00, v8;
	v1 =	vsub.f32 $0.0e+00, v1  }
0x5ec: {  	v5 =	vadd.f32 $0.0e+00, v5;
	v8 =	vld [tilespmem:s18+$0xFFFFFC28];
	v0 =	vsub.f32 $0.0e+00, v0  }
0x5ed: {  	v9 =	vld [tilespmem:s18+$0xFFFFFC18];
	v6 =	vadd.f32 v6, v7;
	v1 =	vmul.f32 $1.442695020e+00, v1  }
0x5ee: {  	v2 =	vadd.f32 v2, v5;
	v5 =	vld [tilespmem:s18+$0xFFFFFCF0];
	v0 =	vmul.f32 $1.442695020e+00, v0  }
0x5ef: {  	v7 =	vld [tilespmem:s18+$0xFFFFFCE0];
	v3 =	vadd.f32 v3, v6;
	(erf) = vpow2.f32 v1  }
0x5f0: {  	v1 =	vadd.f32 v4, v2;
	v2 =	vld [tilespmem:s18+$0xFFFFFDB8];
	(erf) = vpow2.f32 v0  }
0x5f1: {  	v0 =	vld [tilespmem:s18+$0xFFFFFDA8];
	v3 =	vadd.f32 v8, v3  }
0x5f2: {  	v1 =	vadd.f32 v9, v1;
	v4 =	vld [tilespmem:s18+$0xFFFFFE80]  }
0x5f3: {  	v6 =	vld [tilespmem:s18+$0xFFFFFE70];
	v3 =	vadd.f32 v5, v3  }
0x5f4: {  	v1 =	vadd.f32 v7, v1;
	v5 =	vld [tilespmem:s18+$0xFFFFFF48]  }
0x5f5: {  	v7 =	vld [tilespmem:s18+$0xFFFFFF38];
	v2 =	vadd.f32 v2, v3  }
0x5f6: {  	v0 =	vadd.f32 v0, v1;
	v1 =	vld [tilespmem:s18+$0x10]  }
0x5f7: {  	v3 =	vld [tilespmem:s18+$0x0];
	v2 =	vadd.f32 v4, v2  }
0x5f8: {  	v0 =	vadd.f32 v6, v0;
	v4 =	vld [tilespmem:s18+$0xD8];
	v6 =	vpop (erf)  }
0x5f9: {  	v8 =	vld [tilespmem:s18+$0xC8];
	v2 =	vadd.f32 v5, v2;
	v5 =	vadd.f32 $1.000000000e+00, v6;
	v6 =	vpop (erf)  }
0x5fa: {  	v0 =	vadd.f32 v7, v0;
	v7 =	vld [tilespmem:s18+$0x1A0];
	v6 =	vadd.f32 $1.000000000e+00, v6  }
0x5fb: {  	v9 =	vld [tilespmem:s18+$0x190];
	v1 =	vadd.f32 v1, v2;
	(erf) = vrcp.f32 v5  }
0x5fc: {  	v0 =	vadd.f32 v3, v0;
	v2 =	vld [tilespmem:s18+$0x268];
	(erf) = vrcp.f32 v6  }
0x5fd: {  	v3 =	vld [tilespmem:s18+$0x258];
	v1 =	vadd.f32 v4, v1  }
0x5fe: {  	v0 =	vadd.f32 v8, v0;
	v4 =	vld [tilespmem:s18+$0x330]  }
0x5ff: {  	v5 =	vld [tilespmem:s18+$0x320];
	v1 =	vadd.f32 v7, v1  }
0x600: {  	s13 =	sadd.s32 $0x20, s13;
	v6 =	vadd.f32 v9, v0;
	v7 =	vld [tilespmem:s18+$0x3F8]  }
.Ltmp7:
0x601: {  	s15 =	sand.u32 $0xE0, s13;
	v0 =	vld [tilespmem:s18+$0x3E8];
	v8 =	vadd.f32 v2, v1;
	(pc) =	sbr.rel @p0 .LBB2_16-.Ltmp7, $4  }
0x602: {  	v3 =	vadd.f32 v3, v6;
	v1 =	vld [tilespmem:s15+$0xE600]  }
0x603: {  	v2 =	vld [tilespmem:s18+$0x4B0];
	v8 =	vadd.f32 v4, v8  }
0x604: {  	s12 =	sadd.s32 $0x20, s12;
	v6 =	vadd.f32 v5, v3;
	v3 =	vld [tilespmem:s18+$0x588];
	v5 =	vpop (erf)  }
0x605: {  	v4 =	vld [tilespmem:s18+$0x578];
	v7 =	vadd.f32 v7, v8;
	s18 =	sadd.s32 $0x20, s18;
	[tilespmem:s12+$0x0] =	vst v5;
	v5 =	vpop (erf)  }
0x606: {  	v0 =	vadd.f32 v0, v6  }
0x607: {  	v1 =	vadd.f32 v1, v7  }
0x608: {  	v0 =	vadd.f32 v2, v0  }
0x609: {  	v1 =	vadd.f32 v3, v1  }
0x60a: {  	v0 =	vadd.f32 v4, v0  }
0x60b: {  	v1 =	vsub.f32 $0.0e+00, v1  }
0x60c: {  	v0 =	vsub.f32 $0.0e+00, v0  }
0x60d: {  	v1 =	vmul.f32 $1.442695020e+00, v1  }
0x60e: {  	v0 =	vmul.f32 $1.442695020e+00, v0  }
0x60f: {  	(erf) = vpow2.f32 v1  }
0x610: {  	(erf) = vpow2.f32 v0;
	_ =	sdelay $0x7  }
0x611: {  	v0 =	vpop (erf)  }
0x612: {  	v0 =	vadd.f32 $1.000000000e+00, v0;
	v1 =	vpop (erf)  }
0x613: {  	v1 =	vadd.f32 $1.000000000e+00, v1  }
0x614: {  	(erf) = vrcp.f32 v0  }
0x615: {  	(erf) = vrcp.f32 v1;
	_ =	sdelay $0x7  }
0x616: {  	[tilespmem:s12+$0xFFFFFFF0] =	vst v5;
	s14 =	sadd.s32 $0x20, s12;
	v0 =	vpop (erf)  }
0x617: {  	[tilespmem:s14+$0x0] =	vst v0;
	v0 =	vpop (erf)  }
0x618: {  	[tilespmem:s14+$0xFFFFFFF0] =	vst v0  }
0x619: {  	v0 =	vld [tilespmem:$0xDBB8];
	_ =	sdelay $0x1  }
0x61a: {  	v1 =	vld [tilespmem:$0xDC80];
	_ =	sdelay $0x1  }
0x61b: {  	v2 =	vld [tilespmem:$0xDD48]  }
0x61c: {  	v0 =	vadd.f32 $0.0e+00, v0  }
0x61d: {  	v3 =	vld [tilespmem:$0xDE10]  }
0x61e: {  	v0 =	vadd.f32 v1, v0  }
0x61f: {  	v1 =	vld [tilespmem:$0xDED8]  }
0x620: {  	v0 =	vadd.f32 v2, v0  }
0x621: {  	v2 =	vld [tilespmem:$0xDFA0]  }
0x622: {  	v0 =	vadd.f32 v3, v0  }
0x623: {  	v3 =	vld [tilespmem:$0xE068]  }
0x624: {  	v0 =	vadd.f32 v1, v0  }
0x625: {  	v1 =	vld [tilespmem:$0xE130]  }
0x626: {  	v0 =	vadd.f32 v2, v0  }
0x627: {  	v2 =	vld [tilespmem:$0xE1F8]  }
0x628: {  	v0 =	vadd.f32 v3, v0  }
0x629: {  	v3 =	vld [tilespmem:$0xE2C0]  }
0x62a: {  	v0 =	vadd.f32 v1, v0  }
0x62b: {  	v1 =	vld [tilespmem:$0xE388]  }
0x62c: {  	v0 =	vadd.f32 v2, v0  }
0x62d: {  	v2 =	vld [tilespmem:$0xE450]  }
0x62e: {  	v0 =	vadd.f32 v3, v0  }
0x62f: {  	v3 =	vld [tilespmem:$0xE518]  }
0x630: {  	v0 =	vadd.f32 v1, v0  }
0x631: {  	v1 =	vld [tilespmem:$0xE5E0]  }
0x632: {  	v0 =	vadd.f32 v2, v0  }
0x633: {  	v2 =	vld [tilespmem:$0xE6A8]  }
0x634: {  	v0 =	vadd.f32 v3, v0  }
0x635: {  	v3 =	vld [tilespmem:$0xE770]  }
0x636: {  	v0 =	vadd.f32 v1, v0;
	_ =	sdelay $0x1  }
0x637: {  	v0 =	vadd.f32 v2, v0;
	_ =	sdelay $0x1  }
0x638: {  	v0 =	vadd.f32 v3, v0;
	_ =	sdelay $0x1  }
0x639: {  	v0 =	vsub.f32 $0.0e+00, v0;
	_ =	sdelay $0x1  }
0x63a: {  	v0 =	vmul.f32 $1.442695020e+00, v0;
	_ =	sdelay $0x1  }
0x63b: {  	(erf) = vpow2.f32 v0;
	_ =	sdelay $0x8  }
0x63c: {  	v0 =	vpop (erf)  }
0x63d: {  	v0 =	vadd.f32 $1.000000000e+00, v0;
	_ =	sdelay $0x1  }
0x63e: {  	(erf) = vrcp.f32 v0;
	_ =	sdelay $0x8  }
0x63f: {  	v0 =	vpop (erf)  }
0x640: {  	s15 =	simm.s32 $0x0;
	s13 =	rddreg [dreg:$0x15];
	[tilespmem:$0xE838] =	vst v0  }
0x641: {  	[hbm4b:s13+s15] =	stream.linear.scatter [tilespmem:s16], [sflag:$0x4], $0xC8, $0x38;
	[tilespmem:$0x10180] =	vst v63  }
0x642: {  	_ =	swait.ge [sflag:s25], $0xC8  }
0x643: {  	[sflag:s25] =	ssyncset.done $0x0  }
0x644: {  	[sflag:s25] =	ssyncadd.s32 $0xFFFFFF38  }
0x645: {  	_ =	swait.ge [sflag:s25], $0xC8  }
0x646: {  	[sflag:s25] =	ssyncset.done $0x0  }
0x647: {  	[sflag:s25] =	ssyncadd.s32 $0xFFFFFF38  }
0x648: {  	_ =	swait.ge [sflag:s25], $0xC8  }
0x649: {  	[sflag:s25] =	ssyncset.done $0x0  }
0x64a: {  	[sflag:s25] =	ssyncadd.s32 $0xFFFFFF38  }
0x64b: {  	_ =	swait.ge [sflag:s25], $0xC8  }
0x64c: {  	[sflag:s25] =	ssyncset.done $0x0  }
0x64d: {  	[sflag:s25] =	ssyncadd.s32 $0xFFFFFF38  }
0x64e: {  	_ =	swait.ge [sflag:s25], $0xC8  }
0x64f: {  	[sflag:s25] =	ssyncset.done $0x0  }
0x650: {  	[sflag:s25] =	ssyncadd.s32 $0xFFFFFF38  }
0x651: {  	_ =	swait.ge [sflag:s25], $0xC8  }
0x652: {  	[sflag:s25] =	ssyncset.done $0x0  }
0x653: {  	[sflag:s25] =	ssyncadd.s32 $0xFFFFFF38  }
0x654: {  	_ =	swait.ge [sflag:s25], $0xC8  }
0x655: {  	[sflag:s25] =	ssyncset.done $0x0  }
0x656: {  	[sflag:s25] =	ssyncadd.s32 $0xFFFFFF38  }
0x657: {  	_ =	swait.ge [sflag:s25], $0xC8  }
0x658: {  	[sflag:s25] =	ssyncset.done $0x0  }
0x659: {  	[sflag:s25] =	ssyncadd.s32 $0xFFFFFF38  }
0x65a: {  	_ =	swait.ge [sflag:s25], $0xC8  }
0x65b: {  	[sflag:s25] =	ssyncset.done $0x0  }
0x65c: {  	[sflag:s25] =	ssyncadd.s32 $0xFFFFFF38  }
0x65d: {  	_ =	swait.ge [sflag:s25], $0xC8  }
0x65e: {  	[sflag:s25] =	ssyncset.done $0x0  }
0x65f: {  	[sflag:s25] =	ssyncadd.s32 $0xFFFFFF38  }
0x660: {  	_ =	swait.ge [sflag:s25], $0xC8  }
0x661: {  	[sflag:s25] =	ssyncset.done $0x0  }
0x662: {  	[sflag:s25] =	ssyncadd.s32 $0xFFFFFF38  }
0x663: {  	_ =	swait.ge [sflag:s25], $0xC8  }
0x664: {  	[sflag:s25] =	ssyncset.done $0x0  }
0x665: {  	[sflag:s25] =	ssyncadd.s32 $0xFFFFFF38  }
0x666: {  	_ =	swait.ge [sflag:s25], $0xC8  }
0x667: {  	[sflag:s25] =	ssyncset.done $0x0  }
0x668: {  	[sflag:s25] =	ssyncadd.s32 $0xFFFFFF38  }
0x669: {  	_ =	swait.ge [sflag:s25], $0xC8  }
0x66a: {  	[sflag:s25] =	ssyncset.done $0x0  }
0x66b: {  	[sflag:s25] =	ssyncadd.s32 $0xFFFFFF38  }
0x66c: {  	_ =	swait.ge [sflag:s25], $0xC8  }
0x66d: {  	[sflag:s25] =	ssyncset.done $0x0  }
0x66e: {  	[sflag:s25] =	ssyncadd.s32 $0xFFFFFF38  }
0x66f: {  	_ =	swait.ge [sflag:s25], $0xC8  }
0x670: {  	[sflag:s25] =	ssyncset.done $0x0  }
0x671: {  	[sflag:s25] =	ssyncadd.s32 $0xFFFFFF38  }
0x672: {  	_ =	swait.ge [sflag:s2], $0xC8  }
0x673: {  	[sflag:s2] =	ssyncset.done $0x0  }
0x674: {  	[sflag:s2] =	ssyncadd.s32 $0xFFFFFF38  }
0x675: {  	[bflag:$0x0] =	sbarrier.arrive $0xFFFF  }
0x676: {  	_ =	swait.ge [sflag:s17], $0xC80  }
0x677: {  	[sflag:s17] =	ssyncset.done $0x0  }
0x678: {  	[sflag:s17] =	ssyncadd.s32 $0xFFFFF380  }
0x679: {  	_ =	swait.ge [sflag:s17], $0xC80  }
0x67a: {  	s18 =	sld [smem:$0x7FD]  }
0x67b: {  	[sflag:s17] =	ssyncset.done $0x0  }
0x67c: {  	[sflag:s17] =	ssyncadd.s32 $0xFFFFF380  }
0x67d: {  	[tilespmem:s1], [sflag:$0x4] =	stream.linear.gather [spmem:s18], $0xC80, $0x38;
	[tilespmem:$0x10180] =	vst v63  }
0x67e: {  	_ =	swait.ge [sflag:s2], $0xC80  }
0x67f: {  	[sflag:s2] =	ssyncset.done $0x0  }
0x680: {  	s19 =	simm.s32 $0xE140;
	[sflag:s2] =	ssyncadd.s32 $0xFFFFF380  }
0x681: {  	v0 =	vld [tilespmem:s19+$0xFFFFF9D0]  }
0x682: {  	v1 =	vld [tilespmem:s19+$0xFFFFF9C0]  }
0x683: {  	v2 =	vld [tilespmem:s19+$0xFFFFFA98]  }
0x684: {  	v3 =	vld [tilespmem:s19+$0xFFFFFA88]  }
0x685: {  	v4 =	vld [tilespmem:s19+$0xFFFFFB60]  }
0x686: {  	v5 =	vld [tilespmem:s19+$0xFFFFFB50]  }
0x687: {  	v6 =	vld [tilespmem:s19+$0xFFFFFC28];
	v0 =	vadd.f32 $0.0e+00, v0  }
0x688: {  	v7 =	vld [tilespmem:s19+$0xFFFFFC18];
	v1 =	vadd.f32 $0.0e+00, v1  }
0x689: {  	v0 =	vadd.f32 v2, v0;
	v2 =	vld [tilespmem:s19+$0xFFFFFCF0]  }
0x68a: {  	v1 =	vadd.f32 v3, v1;
	v3 =	vld [tilespmem:s19+$0xFFFFFCE0]  }
0x68b: {  	v0 =	vadd.f32 v4, v0;
	v4 =	vld [tilespmem:s19+$0xFFFFFDB8]  }
0x68c: {  	v1 =	vadd.f32 v5, v1;
	v5 =	vld [tilespmem:s19+$0xFFFFFDA8]  }
0x68d: {  	v0 =	vadd.f32 v6, v0;
	v6 =	vld [tilespmem:s19+$0xFFFFFE80]  }
0x68e: {  	v1 =	vadd.f32 v7, v1;
	v7 =	vld [tilespmem:s19+$0xFFFFFE70]  }
0x68f: {  	v0 =	vadd.f32 v2, v0;
	v2 =	vld [tilespmem:s19+$0xFFFFFF48]  }
0x690: {  	v1 =	vadd.f32 v3, v1;
	v3 =	vld [tilespmem:s19+$0xFFFFFF38]  }
0x691: {  	v0 =	vadd.f32 v4, v0;
	v4 =	vld [tilespmem:s19+$0x10]  }
0x692: {  	v1 =	vadd.f32 v5, v1;
	v5 =	vld [tilespmem:s19+$0x0]  }
0x693: {  	v0 =	vadd.f32 v6, v0;
	v6 =	vld [tilespmem:s19+$0xD8]  }
0x694: {  	v1 =	vadd.f32 v7, v1;
	v7 =	vld [tilespmem:s19+$0xC8]  }
0x695: {  	v0 =	vadd.f32 v2, v0;
	v2 =	vld [tilespmem:s19+$0x1A0]  }
0x696: {  	v1 =	vadd.f32 v3, v1;
	v3 =	vld [tilespmem:s19+$0x190]  }
0x697: {  	v0 =	vadd.f32 v4, v0;
	v4 =	vld [tilespmem:s19+$0x268]  }
0x698: {  	v1 =	vadd.f32 v5, v1;
	v5 =	vld [tilespmem:s19+$0x258]  }
0x699: {  	v0 =	vadd.f32 v6, v0;
	v6 =	vld [tilespmem:s19+$0x330]  }
0x69a: {  	v1 =	vadd.f32 v7, v1;
	v7 =	vld [tilespmem:s19+$0x320]  }
0x69b: {  	v0 =	vadd.f32 v2, v0;
	v2 =	vld [tilespmem:s19+$0x3F8]  }
0x69c: {  	s12 =	sand.u32 $0xE0, s15;
	v1 =	vadd.f32 v3, v1;
	v3 =	vld [tilespmem:s19+$0x3E8]  }
0x69d: {  	v0 =	vadd.f32 v4, v0;
	v4 =	vld [tilespmem:s12+$0xE600]  }
0x69e: {  	v1 =	vadd.f32 v5, v1;
	v5 =	vld [tilespmem:s19+$0x4B0]  }
0x69f: {  	v0 =	vadd.f32 v6, v0;
	v6 =	vld [tilespmem:s19+$0x588]  }
0x6a0: {  	s18 =	simm.s32 $0xE160;
	v1 =	vadd.f32 v7, v1;
	v7 =	vld [tilespmem:s19+$0x578]  }
0x6a1: {  	v0 =	vadd.f32 v2, v0;
	v2 =	vld [tilespmem:s18+$0xFFFFF9D0]  }
0x6a2: {  	v1 =	vadd.f32 v3, v1;
	v3 =	vld [tilespmem:s18+$0xFFFFF9C0]  }
0x6a3: {  	v0 =	vadd.f32 v4, v0;
	v4 =	vld [tilespmem:s18+$0xFFFFFA98]  }
0x6a4: {  	v1 =	vadd.f32 v5, v1;
	v5 =	vld [tilespmem:s18+$0xFFFFFA88]  }
0x6a5: {  	v0 =	vadd.f32 v6, v0;
	v6 =	vld [tilespmem:s18+$0xFFFFFB60]  }
0x6a6: {  	v1 =	vadd.f32 v7, v1;
	v7 =	vld [tilespmem:s18+$0xFFFFFB50];
	v2 =	vadd.f32 $0.0e+00, v2  }
0x6a7: {  	v8 =	vld [tilespmem:s18+$0xFFFFFC28];
	v3 =	vadd.f32 $0.0e+00, v3;
	v0 =	vsub.f32 $0.0e+00, v0  }
0x6a8: {  	v9 =	vld [tilespmem:s18+$0xFFFFFC18];
	v1 =	vsub.f32 $0.0e+00, v1;
	v2 =	vadd.f32 v4, v2  }
0x6a9: {  	v3 =	vadd.f32 v5, v3;
	v4 =	vld [tilespmem:s18+$0xFFFFFCF0];
	v0 =	vmul.f32 $1.442695020e+00, v0  }
0x6aa: {  	v5 =	vld [tilespmem:s18+$0xFFFFFCE0];
	v1 =	vmul.f32 $1.442695020e+00, v1;
	v2 =	vadd.f32 v6, v2  }
0x6ab: {  	(erf) = vpow2.f32 v0;
	v0 =	vadd.f32 v7, v3;
	v3 =	vld [tilespmem:s18+$0xFFFFFDB8]  }
0x6ac: {  	(erf) = vpow2.f32 v1;
	v1 =	vld [tilespmem:s18+$0xFFFFFDA8];
	v2 =	vadd.f32 v8, v2  }
0x6ad: {  	v6 =	vld [tilespmem:s18+$0xFFFFFE80];
	v0 =	vadd.f32 v9, v0  }
0x6ae: {  	v7 =	vld [tilespmem:s18+$0xFFFFFE70];
	v2 =	vadd.f32 v4, v2  }
0x6af: {  	v4 =	vld [tilespmem:s18+$0xFFFFFF48];
	v0 =	vadd.f32 v5, v0  }
0x6b0: {  	v5 =	vld [tilespmem:s18+$0xFFFFFF38];
	v2 =	vadd.f32 v3, v2  }
0x6b1: {  	v3 =	vld [tilespmem:s18+$0x0];
	v0 =	vadd.f32 v1, v0  }
0x6b2: {  	v1 =	vld [tilespmem:s18+$0x10];
	v2 =	vadd.f32 v6, v2  }
0x6b3: {  	v8 =	vld [tilespmem:s18+$0xC8];
	v0 =	vadd.f32 v7, v0  }
0x6b4: {  	v6 =	vld [tilespmem:s18+$0xD8];
	v7 =	vpop (erf);
	v2 =	vadd.f32 v4, v2  }
0x6b5: {  	v62 =	vld [tilespmem:s18+$0x1A0];
	v4 =	vadd.f32 $1.000000000e+00, v7;
	v7 =	vpop (erf);
	v0 =	vadd.f32 v5, v0  }
0x6b6: {  	v5 =	vld [tilespmem:s18+$0x190];
	v7 =	vadd.f32 $1.000000000e+00, v7  }
0x6b7: {  	v1 =	vadd.f32 v1, v2;
	v2 =	vld [tilespmem:s18+$0x268];
	(erf) = vrcp.f32 v4;
	v0 =	vadd.f32 v3, v0  }
0x6b8: {  	v3 =	vld [tilespmem:s18+$0x258];
	(erf) = vrcp.f32 v7  }
0x6b9: {  	v1 =	vadd.f32 v6, v1;
	v0 =	vadd.f32 v8, v0  }
0x6ba: {  	v4 =	vld [tilespmem:s18+$0x330]  }
0x6bb: {  	v6 =	vld [tilespmem:s18+$0x320];
	v1 =	vadd.f32 v62, v1;
	v5 =	vadd.f32 v5, v0  }
0x6bc: {  	s13 =	simm.s32 $0x20;
	v7 =	vld [tilespmem:s18+$0x3F8]  }
0x6bd: {  	s20 =	sand.u32 $0xE0, s13;
	v0 =	vld [tilespmem:s18+$0x3E8];
	v8 =	vadd.f32 v2, v1;
	v5 =	vadd.f32 v3, v5  }
0x6be: {  	v1 =	vld [tilespmem:s20+$0xE600]  }
0x6bf: {  	v2 =	vld [tilespmem:s18+$0x4B0];
	v8 =	vadd.f32 v4, v8  }
0x6c0: {  	s12 =	simm.s32 $0xE790;
	v3 =	vld [tilespmem:s18+$0x588];
	v6 =	vadd.f32 v6, v5;
	v63 =	vpop (erf)  }
0x6c1: {  	s14 =	simm.s32 $0x2;
	v4 =	vld [tilespmem:s18+$0x578];
	s18 =	simm.s32 $0xE180;
	v7 =	vadd.f32 v7, v8;
	[tilespmem:s12+$0x0] =	vst v63;
	v5 =	vpop (erf)  }
.LBB2_18:
0x6c2: {  	v8 =	vld [tilespmem:s18+$0xFFFFF9D0];
	s14 =	sadd.s32 $0x2, s14;
	v0 =	vadd.f32 v0, v6;
	[tilespmem:s12+$0xFFFFFFF0] =	vst v5  }
0x6c3: {  	v5 =	vld [tilespmem:s18+$0xFFFFF9C0];
	p0 =	slt.u32 s14, $0xA;
	v1 =	vadd.f32 v1, v7  }
0x6c4: {  	v6 =	vld [tilespmem:s18+$0xFFFFFA98];
	v0 =	vadd.f32 v2, v0  }
0x6c5: {  	v2 =	vld [tilespmem:s18+$0xFFFFFA88];
	v1 =	vadd.f32 v3, v1  }
0x6c6: {  	v3 =	vld [tilespmem:s18+$0xFFFFFB60];
	v0 =	vadd.f32 v4, v0  }
0x6c7: {  	v4 =	vld [tilespmem:s18+$0xFFFFFB50];
	v7 =	vadd.f32 $0.0e+00, v8;
	v1 =	vsub.f32 $0.0e+00, v1  }
0x6c8: {  	v5 =	vadd.f32 $0.0e+00, v5;
	v8 =	vld [tilespmem:s18+$0xFFFFFC28];
	v0 =	vsub.f32 $0.0e+00, v0  }
0x6c9: {  	v9 =	vld [tilespmem:s18+$0xFFFFFC18];
	v6 =	vadd.f32 v6, v7;
	v1 =	vmul.f32 $1.442695020e+00, v1  }
0x6ca: {  	v2 =	vadd.f32 v2, v5;
	v5 =	vld [tilespmem:s18+$0xFFFFFCF0];
	v0 =	vmul.f32 $1.442695020e+00, v0  }
0x6cb: {  	v7 =	vld [tilespmem:s18+$0xFFFFFCE0];
	v3 =	vadd.f32 v3, v6;
	(erf) = vpow2.f32 v1  }
0x6cc: {  	v1 =	vadd.f32 v4, v2;
	v2 =	vld [tilespmem:s18+$0xFFFFFDB8];
	(erf) = vpow2.f32 v0  }
0x6cd: {  	v0 =	vld [tilespmem:s18+$0xFFFFFDA8];
	v3 =	vadd.f32 v8, v3  }
0x6ce: {  	v1 =	vadd.f32 v9, v1;
	v4 =	vld [tilespmem:s18+$0xFFFFFE80]  }
0x6cf: {  	v6 =	vld [tilespmem:s18+$0xFFFFFE70];
	v3 =	vadd.f32 v5, v3  }
0x6d0: {  	v1 =	vadd.f32 v7, v1;
	v5 =	vld [tilespmem:s18+$0xFFFFFF48]  }
0x6d1: {  	v7 =	vld [tilespmem:s18+$0xFFFFFF38];
	v2 =	vadd.f32 v2, v3  }
0x6d2: {  	v0 =	vadd.f32 v0, v1;
	v1 =	vld [tilespmem:s18+$0x10]  }
0x6d3: {  	v3 =	vld [tilespmem:s18+$0x0];
	v2 =	vadd.f32 v4, v2  }
0x6d4: {  	v0 =	vadd.f32 v6, v0;
	v4 =	vld [tilespmem:s18+$0xD8];
	v6 =	vpop (erf)  }
0x6d5: {  	v8 =	vld [tilespmem:s18+$0xC8];
	v2 =	vadd.f32 v5, v2;
	v5 =	vadd.f32 $1.000000000e+00, v6;
	v6 =	vpop (erf)  }
0x6d6: {  	v0 =	vadd.f32 v7, v0;
	v7 =	vld [tilespmem:s18+$0x1A0];
	v6 =	vadd.f32 $1.000000000e+00, v6  }
0x6d7: {  	v9 =	vld [tilespmem:s18+$0x190];
	v1 =	vadd.f32 v1, v2;
	(erf) = vrcp.f32 v5  }
0x6d8: {  	v0 =	vadd.f32 v3, v0;
	v2 =	vld [tilespmem:s18+$0x268];
	(erf) = vrcp.f32 v6  }
0x6d9: {  	v3 =	vld [tilespmem:s18+$0x258];
	v1 =	vadd.f32 v4, v1  }
0x6da: {  	v0 =	vadd.f32 v8, v0;
	v4 =	vld [tilespmem:s18+$0x330]  }
0x6db: {  	v5 =	vld [tilespmem:s18+$0x320];
	v1 =	vadd.f32 v7, v1  }
0x6dc: {  	s13 =	sadd.s32 $0x20, s13;
	v6 =	vadd.f32 v9, v0;
	v7 =	vld [tilespmem:s18+$0x3F8]  }
.Ltmp8:
0x6dd: {  	s15 =	sand.u32 $0xE0, s13;
	v0 =	vld [tilespmem:s18+$0x3E8];
	v8 =	vadd.f32 v2, v1;
	(pc) =	sbr.rel @p0 .LBB2_18-.Ltmp8, $4  }
0x6de: {  	v3 =	vadd.f32 v3, v6;
	v1 =	vld [tilespmem:s15+$0xE600]  }
0x6df: {  	v2 =	vld [tilespmem:s18+$0x4B0];
	v8 =	vadd.f32 v4, v8  }
0x6e0: {  	s12 =	sadd.s32 $0x20, s12;
	v6 =	vadd.f32 v5, v3;
	v3 =	vld [tilespmem:s18+$0x588];
	v5 =	vpop (erf)  }
0x6e1: {  	v4 =	vld [tilespmem:s18+$0x578];
	v7 =	vadd.f32 v7, v8;
	s18 =	sadd.s32 $0x20, s18;
	[tilespmem:s12+$0x0] =	vst v5;
	v5 =	vpop (erf)  }
0x6e2: {  	v0 =	vadd.f32 v0, v6  }
0x6e3: {  	v1 =	vadd.f32 v1, v7  }
0x6e4: {  	v0 =	vadd.f32 v2, v0  }
0x6e5: {  	v1 =	vadd.f32 v3, v1  }
0x6e6: {  	v0 =	vadd.f32 v4, v0  }
0x6e7: {  	v1 =	vsub.f32 $0.0e+00, v1  }
0x6e8: {  	v0 =	vsub.f32 $0.0e+00, v0  }
0x6e9: {  	v1 =	vmul.f32 $1.442695020e+00, v1  }
0x6ea: {  	v0 =	vmul.f32 $1.442695020e+00, v0  }
0x6eb: {  	(erf) = vpow2.f32 v1  }
0x6ec: {  	(erf) = vpow2.f32 v0;
	_ =	sdelay $0x7  }
0x6ed: {  	v46 =	vpop (erf)  }
0x6ee: {  	v0 =	vadd.f32 $1.000000000e+00, v46;
	v47 =	vpop (erf)  }
0x6ef: {  	v1 =	vadd.f32 $1.000000000e+00, v47  }
0x6f0: {  	(erf) = vrcp.f32 v0  }
0x6f1: {  	(erf) = vrcp.f32 v1;
	_ =	sdelay $0x7  }
0x6f2: {  	[tilespmem:s12+$0xFFFFFFF0] =	vst v5;
	s19 =	sadd.s32 $0x20, s12;
	v0 =	vpop (erf)  }
0x6f3: {  	[tilespmem:s19+$0x0] =	vst v0;
	v48 =	vpop (erf)  }
0x6f4: {  	[tilespmem:s19+$0xFFFFFFF0] =	vst v48  }
0x6f5: {  	v0 =	vld [tilespmem:$0xDBB8];
	_ =	sdelay $0x1  }
0x6f6: {  	v49 =	vld [tilespmem:$0xDC80];
	_ =	sdelay $0x1  }
0x6f7: {  	v50 =	vld [tilespmem:$0xDD48]  }
0x6f8: {  	v0 =	vadd.f32 $0.0e+00, v0  }
0x6f9: {  	v51 =	vld [tilespmem:$0xDE10]  }
0x6fa: {  	v0 =	vadd.f32 v49, v0  }
0x6fb: {  	v52 =	vld [tilespmem:$0xDED8]  }
0x6fc: {  	v0 =	vadd.f32 v50, v0  }
0x6fd: {  	v53 =	vld [tilespmem:$0xDFA0]  }
0x6fe: {  	v0 =	vadd.f32 v51, v0  }
0x6ff: {  	v54 =	vld [tilespmem:$0xE068]  }
0x700: {  	v0 =	vadd.f32 v52, v0  }
0x701: {  	v55 =	vld [tilespmem:$0xE130]  }
0x702: {  	v0 =	vadd.f32 v53, v0  }
0x703: {  	v56 =	vld [tilespmem:$0xE1F8]  }
0x704: {  	v0 =	vadd.f32 v54, v0  }
0x705: {  	v57 =	vld [tilespmem:$0xE2C0]  }
0x706: {  	v0 =	vadd.f32 v55, v0  }
0x707: {  	v58 =	vld [tilespmem:$0xE388]  }
0x708: {  	v0 =	vadd.f32 v56, v0  }
0x709: {  	v59 =	vld [tilespmem:$0xE450]  }
0x70a: {  	v0 =	vadd.f32 v57, v0  }
0x70b: {  	v60 =	vld [tilespmem:$0xE518]  }
0x70c: {  	v0 =	vadd.f32 v58, v0  }
0x70d: {  	v61 =	vld [tilespmem:$0xE5E0]  }
0x70e: {  	v0 =	vadd.f32 v59, v0  }
0x70f: {  	v62 =	vld [tilespmem:$0xE6A8]  }
0x710: {  	v0 =	vadd.f32 v60, v0  }
0x711: {  	v63 =	vld [tilespmem:$0xE770]  }
0x712: {  	v0 =	vadd.f32 v61, v0;
	_ =	sdelay $0x1  }
0x713: {  	v0 =	vadd.f32 v62, v0;
	_ =	sdelay $0x1  }
0x714: {  	v0 =	vadd.f32 v63, v0;
	_ =	sdelay $0x1  }
0x715: {  	v0 =	vsub.f32 $0.0e+00, v0;
	_ =	sdelay $0x1  }
0x716: {  	v0 =	vmul.f32 $1.442695020e+00, v0;
	_ =	sdelay $0x1  }
0x717: {  	(erf) = vpow2.f32 v0;
	_ =	sdelay $0x8  }
0x718: {  	v0 =	vpop (erf)  }
0x719: {  	v0 =	vadd.f32 $1.000000000e+00, v0;
	_ =	sdelay $0x1  }
0x71a: {  	(erf) = vrcp.f32 v0;
	_ =	sdelay $0x8  }
0x71b: {  	v0 =	vpop (erf)  }
0x71c: {  	s12 =	rddreg [dreg:$0x16];
	[tilespmem:$0xE838] =	vst v0  }
0x71d: {  	[hbm4b:s12+s5] =	stream.linear.scatter [tilespmem:s16], [sflag:$0x4], $0xC8, $0x38;
	[tilespmem:$0x10180] =	vst v63  }
0x71e: {  	_ =	swait.ge [sflag:s2], $0xC8  }
0x71f: {  	s13 =	sld [smem:$0x7E9];
	_ =	sdelay $0x2  }
0x720: {  	s20 =	rddreg [dreg:$0x17];
	s13 =	sadd.s32 $0x1, s13  }
0x721: {  	p0 =	sne.s32 s13, s20  }
.Ltmp9:
0x722: {  	_ = 	snop;
	(pc) =	sbr.rel @p0 .LBB2_1-.Ltmp9, $3  }
0x723: {  	_ =	sdelay $0x1  }
0x724: {  	[sflag:s2] =	ssyncset.done $0x0  }
0x725: {  	[sflag:s2] =	ssyncadd.s32 $0xFFFFFF38  }
0x726: {  	_ =	sfence.sel $0x180000  }
0x727: {  	[bflag:$0x0] =	sbarrier.arrive $0xFFFF  }
0x728: {  	_ =	strace $0x90000047  }
0x729: {  	s0 =	stileid.u32;
	[bflag:$0x2] =	sbarrier.arrive $0xFFFF  }
0x72a: {  	p0 =	sne.s32 s0, $0x0;
	s0 =	rddreg [dreg:$0x5]  }
0x72b: {  	s0 =	sadd.s32 @!p0 $0x100000, s0  }
0x72c: {  	[sflag:s0] =	ssyncadd.tile.s32 @!p0 $0x1;
	_ =	shalt  }
.Lfunc_end2:
_tile_overlayer_lowered:
.L_overlay_start_2:
0x72d: {  	(tag) =	ssettag $0x2  }
0x72e: {  	s0 =	rddreg [dreg:$0x0];
	s2 =	stileid.u32  }
0x72f: {  	s1 =	rddreg [dreg:$0x1];
	p0 =	sne.s32 s2, $0x0  }
0x730: {  	s3 =	rddreg [dreg:$0x2];
	[bflag:$0x3] =	sbarrier.arrive $0xFFFF;
	s2 =	simm.s32 @!p0 $0x1C05  }
0x731: {  	[timem:s3], [sflag:s2] =	dma.local @!p0 [hbm:s0], s1  }
0x732: {  	s0 =	simm.s32 @!p0 $0x5  }
0x733: {  	_ =	swait.ge @!p0 [sflag:s0], s1  }
0x734: {  	s1 =	ssub.s32 @!p0 $0x0, s1;
	[sflag:s0] =	ssyncset.done @!p0 $0x0  }
0x735: {  	[sflag:s0] =	ssyncadd.s32 @!p0 s1  }
0x736: {  	[bflag:$0x3] =	sbarrier.arrive $0xFFFF  }
0x737: {  	_ =	shalt  }

</sc_bundles>
